<compile_context>
chip_gen: v7x
topology: tpu7x:2x2x1
jax: 0.10.2.dev20260603
libtpu: 0.0.44.dev20260713+nightly
codegen_flags: <defaults>
</compile_context>

<pallas_src>
import functools

import jax
import jax.numpy as jnp
from jax import lax
from jax.experimental import pallas as pl
from jax.experimental.pallas import tpu as pltpu
from jax.experimental.pallas import tpu_sc as plsc

_B = 16384
_L = 200
_VOCAB = 7800
_DIM = 64

_NC = 2
_NS = 16
_NW = _NC * _NS
_LANES = 16
_ROWS_PER_W = _B // _NW
_GROUPS = _ROWS_PER_W // _LANES
_FULL = (_L // _LANES) * _LANES
_CHUNKS = list(range(0, _FULL, _LANES)) + [_L - _LANES]


def _scores_body(table_ref, w_ref, s_ref):
    s_ref[...] = jnp.dot(table_ref[...], w_ref[...].reshape(_DIM),
                         preferred_element_type=jnp.float32)


def _vocab_scores(embed_table, lin_w):
    return pl.pallas_call(
        _scores_body,
        out_shape=jax.ShapeDtypeStruct((_VOCAB,), jnp.float32),
    )(embed_table, lin_w)


def _sc_pool(x, length, scores, bias16):
    mesh = plsc.VectorSubcoreMesh(core_axis_name="c", subcore_axis_name="s")

    @functools.partial(
        pl.kernel,
        mesh=mesh,
        compiler_params=pltpu.CompilerParams(needs_layout_passes=False),
        out_type=jax.ShapeDtypeStruct((_B,), jnp.float32),
        scratch_types=[
            pltpu.VMEM((_VOCAB,), jnp.float32),
            pltpu.VMEM((2 * _LANES, _L), jnp.int32),
            pltpu.VMEM((_ROWS_PER_W,), jnp.float32),
            pltpu.VMEM((_LANES,), jnp.float32),
            pltpu.VMEM((_ROWS_PER_W,), jnp.float32),
            pltpu.SemaphoreType.DMA,
            pltpu.SemaphoreType.DMA,
        ],
    )
    def pool(x_hbm, len_hbm, s_hbm, b_hbm, out_hbm,
             s_v, xt, len_v, b_v, out_v, sem0, sem1):
        sems = (sem0, sem1)
        wid = lax.axis_index("s") * _NC + lax.axis_index("c")
        row0 = wid * _ROWS_PER_W
        lane = lax.iota(jnp.int32, _LANES)
        tail_keep = lane >= (_LANES - (_L - _FULL))
        zeros = jnp.zeros((_LANES,), jnp.float32)

        def issue(g, buf):
            pltpu.async_copy(
                x_hbm.at[pl.ds(row0 + g * _LANES, _LANES), :],
                xt.at[pl.ds(buf * _LANES, _LANES), :], sems[buf])

        issue(jnp.int32(0), 0)
        issue(jnp.int32(1), 1)
        pltpu.sync_copy(s_hbm, s_v)
        pltpu.sync_copy(len_hbm.at[pl.ds(row0, _ROWS_PER_W)], len_v)
        pltpu.sync_copy(b_hbm, b_v)

        last = lane == (_LANES - 1)

        def row_sum(r_local, r_global):
            acc0, acc1 = zeros, zeros
            for k, c in enumerate(_CHUNKS):
                xi = xt[r_local, pl.ds(c, _LANES)]
                sc = plsc.load_gather(s_v, [xi])
                if c == _CHUNKS[-1]:
                    sc = jnp.where(tail_keep, sc, zeros)
                if k % 2 == 0:
                    acc0 = acc0 + sc
                else:
                    acc1 = acc1 + sc
            cum = plsc.cumsum(acc0 + acc1)
            plsc.store_scatter(out_v, [jnp.full((_LANES,), r_global)], cum,
                               mask=last)

        def pair(i, carry):
            for buf in (0, 1):
                g = 2 * i + buf
                pltpu.make_async_copy(
                    x_hbm.at[pl.ds(0, _LANES), :],
                    xt.at[pl.ds(buf * _LANES, _LANES), :], sems[buf]).wait()

                for r in range(_LANES):
                    row_sum(buf * _LANES + r, g * _LANES + r)

                @pl.when(g + 2 < _GROUPS)
                def _prefetch():
                    issue(g + 2, buf)
            return carry

        lax.fori_loop(0, _GROUPS // 2, pair, 0)

        bias = b_v[...]

        def finish(k, carry):
            sl = pl.ds(k * _LANES, _LANES)
            t = out_v[sl] / len_v[sl] + bias
            out_v[sl] = 1.0 / (1.0 + jnp.exp(-t))
            return carry

        lax.fori_loop(0, _GROUPS, finish, 0)
        pltpu.sync_copy(out_v, out_hbm.at[pl.ds(row0, _ROWS_PER_W)])

    return pool(x, length, scores, bias16)


@jax.jit
def kernel(x, length, embed_table, lin_w, lin_b):
    scores = _vocab_scores(embed_table, lin_w)
    bias16 = jnp.broadcast_to(lin_b.astype(jnp.float32), (_LANES,))
    y = _sc_pool(x, length, scores, bias16)
    return y.reshape(_B, 1)

# --- scband reference (transcript-rebuilt; emitter-appended) ---
"""Pipeline reference for scband-average-pooling-16346645529027 (READ-ONLY COPY).

The authoritative reference and input builder live on the scoring server;
editing this copy changes nothing except your own understanding.
"""

import jax, jax.numpy as jnp
import numpy as np

B = 16384
L = 200
VOCAB = 7800
DIM = 64

def setup_inputs(seed: int = 0) -> dict:
    key = jax.random.key(seed)
    k1, k2, k3, k4 = jax.random.split(key, 4)
    x = jax.random.randint(k1, (B, L), 0, VOCAB, dtype=jnp.int32)
    length = jnp.ones((B,), dtype=jnp.float32)
    embed_table = jax.random.normal(k2, (VOCAB, DIM), dtype=jnp.float32)
    lin_w = jax.random.normal(k3, (1, DIM), dtype=jnp.float32) * 0.1
    lin_b = jnp.zeros((1,), dtype=jnp.float32)
    return {"x": x, "length": length, "embed_table": embed_table, "lin_w": lin_w, "lin_b": lin_b}

def reference(x, length, embed_table, lin_w, lin_b):
    # nn.EmbeddingBag(mode='sum'): gather rows then sum over bag dim
    emb = jnp.take(embed_table, x, axis=0)  # [B, L, DIM]
    pooled = emb.sum(axis=1)                # [B, DIM]
    N = pooled.shape[0]
    pooled = pooled / length.reshape(N, -1)
    y = pooled @ lin_w.T + lin_b            # [B, 1]
    return jax.nn.sigmoid(y)

if __name__ == "__main__":
    import jax
    _d = setup_inputs()
    print(jax.jit(kernel)(*tuple(_d.values())))

</pallas_src>

<mosaic_0001>
#map = affine_map<(d0, d1) -> (0, 0)>
#map1 = affine_map<(d0, d1) -> (0)>
module attributes {stable_mosaic.version = 14 : i64} {
  func.func @pool(%arg0: i32, %arg1: i32, %arg2: memref<16384x200xi32, #tpu.memory_space<hbm>>, %arg3: memref<16384xf32, #tpu.memory_space<hbm>>, %arg4: memref<7800xf32, #tpu.memory_space<hbm>>, %arg5: memref<16xf32, #tpu.memory_space<hbm>>, %arg6: memref<16384xf32, #tpu.memory_space<hbm>>, %arg7: memref<7800xf32, #tpu.memory_space<vmem>>, %arg8: memref<32x200xi32, #tpu.memory_space<vmem>>, %arg9: memref<512xf32, #tpu.memory_space<vmem>>, %arg10: memref<16xf32, #tpu.memory_space<vmem>>, %arg11: memref<512xf32, #tpu.memory_space<vmem>>, %arg12: memref<!tpu.dma_semaphore, #tpu.memory_space<semaphore_mem>>, %arg13: memref<!tpu.dma_semaphore, #tpu.memory_space<semaphore_mem>>) attributes {dimension_semantics = [#tpu.dimension_semantics<core_parallel>, #tpu.dimension_semantics<subcore_parallel>], iteration_bounds = array<i64: 2, 16>, scalar_prefetch = 0 : i64, scratch_operands = 7 : i64, tpu.core_type = #tpu.core_type<sc_vector_subcore>, window_params = [{transform_indices = #map}, {transform_indices = #map1}, {transform_indices = #map1}, {transform_indices = #map1}, {transform_indices = #map1}]} {
    %mul3A = arith.constant 2 : i32
    %mul3A_0 = arith.muli %arg1, %mul3A : i32
    %add3A = arith.addi %mul3A_0, %arg0 : i32
    %mul3A_1 = arith.constant 512 : i32
    %mul3A_2 = arith.muli %add3A, %mul3A_1 : i32
    %iota3A = tpu.iota {dimensions = array<i32: 0>} : vector<16xi32>
    %ge3A = arith.constant 8 : i32
    %ge3A_3 = vector.broadcast %ge3A : i32 to vector<16xi32>
    %ge3A_4 = arith.cmpi sge, %iota3A, %ge3A_3 : vector<16xi32>
    %broadcast_in_dim3A = arith.constant 0.000000e+00 : f32
    %broadcast_in_dim3A_5 = vector.broadcast %broadcast_in_dim3A : f32 to vector<16xf32>
    %mul3A_6 = arith.constant 0 : i32
    %mul3A_7 = arith.constant 16 : i32
    %mul3A_8 = arith.muli %mul3A_6, %mul3A_7 : i32
    %add3A_9 = arith.addi %mul3A_2, %mul3A_8 : i32
    %dma_start3A = arith.constant 0 : i32
    %dma_start3A_10 = arith.constant 0 : i32
    %dma_start3A_11 = tpu.memref_slice %arg8[%dma_start3A, %dma_start3A_10] : memref<32x200xi32, #tpu.memory_space<vmem>> -> memref<16x200xi32, #tpu.memory_space<vmem>>
    %dma_start3A_12 = arith.constant 0 : i32
    %dma_start3A_13 = tpu.memref_slice %arg2[%add3A_9, %dma_start3A_12] : memref<16384x200xi32, #tpu.memory_space<hbm>> -> memref<16x200xi32, #tpu.memory_space<hbm>>
    %dma_start3A_14 = arith.constant 0 : i32
    %dma_start3A_15 = arith.constant 0 : i32
    %dma_start3A_16 = tpu.memref_slice %arg8[%dma_start3A_14, %dma_start3A_15] : memref<32x200xi32, #tpu.memory_space<vmem>> -> memref<16x200xi32, #tpu.memory_space<vmem>>
    %dma_start3A_17 = arith.constant 0 : i32
    %dma_start3A_18 = tpu.memref_slice %arg2[%add3A_9, %dma_start3A_17] : memref<16384x200xi32, #tpu.memory_space<hbm>> -> memref<16x200xi32, #tpu.memory_space<hbm>>
    tpu.enqueue_dma source(%dma_start3A_18 : memref<16x200xi32, #tpu.memory_space<hbm>>) target(%dma_start3A_16 : memref<16x200xi32, #tpu.memory_space<vmem>>) target_semaphore(%arg12 : memref<!tpu.dma_semaphore, #tpu.memory_space<semaphore_mem>>)
    %mul3A_19 = arith.constant 1 : i32
    %mul3A_20 = arith.constant 16 : i32
    %mul3A_21 = arith.muli %mul3A_19, %mul3A_20 : i32
    %add3A_22 = arith.addi %mul3A_2, %mul3A_21 : i32
    %dma_start3A_23 = arith.constant 16 : i32
    %dma_start3A_24 = arith.constant 0 : i32
    %dma_start3A_25 = tpu.memref_slice %arg8[%dma_start3A_23, %dma_start3A_24] : memref<32x200xi32, #tpu.memory_space<vmem>> -> memref<16x200xi32, #tpu.memory_space<vmem>>
    %dma_start3A_26 = arith.constant 0 : i32
    %dma_start3A_27 = tpu.memref_slice %arg2[%add3A_22, %dma_start3A_26] : memref<16384x200xi32, #tpu.memory_space<hbm>> -> memref<16x200xi32, #tpu.memory_space<hbm>>
    %dma_start3A_28 = arith.constant 16 : i32
    %dma_start3A_29 = arith.constant 0 : i32
    %dma_start3A_30 = tpu.memref_slice %arg8[%dma_start3A_28, %dma_start3A_29] : memref<32x200xi32, #tpu.memory_space<vmem>> -> memref<16x200xi32, #tpu.memory_space<vmem>>
    %dma_start3A_31 = arith.constant 0 : i32
    %dma_start3A_32 = tpu.memref_slice %arg2[%add3A_22, %dma_start3A_31] : memref<16384x200xi32, #tpu.memory_space<hbm>> -> memref<16x200xi32, #tpu.memory_space<hbm>>
    tpu.enqueue_dma source(%dma_start3A_32 : memref<16x200xi32, #tpu.memory_space<hbm>>) target(%dma_start3A_30 : memref<16x200xi32, #tpu.memory_space<vmem>>) target_semaphore(%arg13 : memref<!tpu.dma_semaphore, #tpu.memory_space<semaphore_mem>>)
    "tpu.region"() ({
      %run_scoped3A = tpu.sem_alloc : memref<!tpu.dma_semaphore, #tpu.memory_space<semaphore_mem>>
      tpu.enqueue_dma source(%arg4 : memref<7800xf32, #tpu.memory_space<hbm>>) target(%arg7 : memref<7800xf32, #tpu.memory_space<vmem>>) target_semaphore(%run_scoped3A : memref<!tpu.dma_semaphore, #tpu.memory_space<semaphore_mem>>)
      tpu.wait_dma2 semaphore(%run_scoped3A : memref<!tpu.dma_semaphore, #tpu.memory_space<semaphore_mem>>) src(%arg4 : memref<7800xf32, #tpu.memory_space<hbm>>) dst(%arg7 : memref<7800xf32, #tpu.memory_space<vmem>>)
      tpu.yield
    }) : () -> ()
    "tpu.region"() ({
      %run_scoped3A = tpu.sem_alloc : memref<!tpu.dma_semaphore, #tpu.memory_space<semaphore_mem>>
      %dma_start3A_47 = tpu.memref_slice %arg3[%mul3A_2] : memref<16384xf32, #tpu.memory_space<hbm>> -> memref<512xf32, #tpu.memory_space<hbm>>
      %dma_start3A_48 = tpu.memref_slice %arg3[%mul3A_2] : memref<16384xf32, #tpu.memory_space<hbm>> -> memref<512xf32, #tpu.memory_space<hbm>>
      tpu.enqueue_dma source(%dma_start3A_48 : memref<512xf32, #tpu.memory_space<hbm>>) target(%arg9 : memref<512xf32, #tpu.memory_space<vmem>>) target_semaphore(%run_scoped3A : memref<!tpu.dma_semaphore, #tpu.memory_space<semaphore_mem>>)
      %dma_wait3A = tpu.memref_slice %arg3[%mul3A_2] : memref<16384xf32, #tpu.memory_space<hbm>> -> memref<512xf32, #tpu.memory_space<hbm>>
      %dma_wait3A_49 = tpu.memref_slice %arg3[%mul3A_2] : memref<16384xf32, #tpu.memory_space<hbm>> -> memref<512xf32, #tpu.memory_space<hbm>>
      tpu.wait_dma2 semaphore(%run_scoped3A : memref<!tpu.dma_semaphore, #tpu.memory_space<semaphore_mem>>) src(%dma_wait3A_49 : memref<512xf32, #tpu.memory_space<hbm>>) dst(%arg9 : memref<512xf32, #tpu.memory_space<vmem>>)
      tpu.yield
    }) : () -> ()
    "tpu.region"() ({
      %run_scoped3A = tpu.sem_alloc : memref<!tpu.dma_semaphore, #tpu.memory_space<semaphore_mem>>
      tpu.enqueue_dma source(%arg5 : memref<16xf32, #tpu.memory_space<hbm>>) target(%arg10 : memref<16xf32, #tpu.memory_space<vmem>>) target_semaphore(%run_scoped3A : memref<!tpu.dma_semaphore, #tpu.memory_space<semaphore_mem>>)
      tpu.wait_dma2 semaphore(%run_scoped3A : memref<!tpu.dma_semaphore, #tpu.memory_space<semaphore_mem>>) src(%arg5 : memref<16xf32, #tpu.memory_space<hbm>>) dst(%arg10 : memref<16xf32, #tpu.memory_space<vmem>>)
      tpu.yield
    }) : () -> ()
    %eq3A = arith.constant 15 : i32
    %eq3A_33 = vector.broadcast %eq3A : i32 to vector<16xi32>
    %eq3A_34 = arith.cmpi eq, %iota3A, %eq3A_33 : vector<16xi32>
    %scan3A = arith.constant 0 : i32
    %scan3A_35 = arith.constant 0 : i32
    %scan3A_36 = arith.constant 16 : i32
    %scan3A_37 = arith.addi %scan3A_35, %scan3A_36 : i32
    %scan3A_38 = arith.constant 1 : i32
    scf.for %scan3A_47 = %scan3A_35 to %scan3A_37 step %scan3A_38  : i32 {
      %mul3A_48 = arith.constant 2 : i32
      %mul3A_49 = arith.muli %mul3A_48, %scan3A_47 : i32
      %add3A_50 = arith.constant 0 : i32
      %add3A_51 = arith.addi %mul3A_49, %add3A_50 : i32
      %dma_wait3A = arith.constant 0 : i32
      %dma_wait3A_52 = arith.constant 0 : i32
      %dma_wait3A_53 = tpu.memref_slice %arg8[%dma_wait3A, %dma_wait3A_52] : memref<32x200xi32, #tpu.memory_space<vmem>> -> memref<16x200xi32, #tpu.memory_space<vmem>>
      %dma_wait3A_54 = arith.constant 0 : i32
      %dma_wait3A_55 = arith.constant 0 : i32
      %dma_wait3A_56 = tpu.memref_slice %arg2[%dma_wait3A_54, %dma_wait3A_55] : memref<16384x200xi32, #tpu.memory_space<hbm>> -> memref<16x200xi32, #tpu.memory_space<hbm>>
      %dma_wait3A_57 = arith.constant 0 : i32
      %dma_wait3A_58 = arith.constant 0 : i32
      %dma_wait3A_59 = tpu.memref_slice %arg8[%dma_wait3A_57, %dma_wait3A_58] : memref<32x200xi32, #tpu.memory_space<vmem>> -> memref<16x200xi32, #tpu.memory_space<vmem>>
      %dma_wait3A_60 = arith.constant 0 : i32
      %dma_wait3A_61 = arith.constant 0 : i32
      %dma_wait3A_62 = tpu.memref_slice %arg2[%dma_wait3A_60, %dma_wait3A_61] : memref<16384x200xi32, #tpu.memory_space<hbm>> -> memref<16x200xi32, #tpu.memory_space<hbm>>
      tpu.wait_dma2 semaphore(%arg12 : memref<!tpu.dma_semaphore, #tpu.memory_space<semaphore_mem>>) src(%dma_wait3A_62 : memref<16x200xi32, #tpu.memory_space<hbm>>) dst(%dma_wait3A_59 : memref<16x200xi32, #tpu.memory_space<vmem>>)
      %mul3A_63 = arith.constant 16 : i32
      %mul3A_64 = arith.muli %add3A_51, %mul3A_63 : i32
      %add3A_65 = arith.constant 0 : i32
      %add3A_66 = arith.addi %mul3A_64, %add3A_65 : i32
      %get3A_67 = arith.constant 0 : i32
      %get3A_68 = arith.index_cast %get3A_67 : i32 to index
      %get3A_69 = arith.constant 0 : index
      %get3A_70 = tpu.vector_load %arg8[%get3A_68, %get3A_69] {strides = array<i32>} : memref<32x200xi32, #tpu.memory_space<vmem>>, vector<16xi32>,
      %gather3A = tpu.vector_load_idx %arg7[%get3A_70] : memref<7800xf32, #tpu.memory_space<vmem>>[vector<16xi32>], vector<16xf32>,
      %add3A_71 = arith.addf %broadcast_in_dim3A_5, %gather3A : vector<16xf32>
      %get3A_72 = arith.constant 0 : i32
      %get3A_73 = arith.index_cast %get3A_72 : i32 to index
      %get3A_74 = arith.constant 16 : index
      %get3A_75 = tpu.vector_load %arg8[%get3A_73, %get3A_74] {strides = array<i32>} : memref<32x200xi32, #tpu.memory_space<vmem>>, vector<16xi32>,
      %gather3A_76 = tpu.vector_load_idx %arg7[%get3A_75] : memref<7800xf32, #tpu.memory_space<vmem>>[vector<16xi32>], vector<16xf32>,
      %add3A_77 = arith.addf %broadcast_in_dim3A_5, %gather3A_76 : vector<16xf32>
      %get3A_78 = arith.constant 0 : i32
      %get3A_79 = arith.index_cast %get3A_78 : i32 to index
      %get3A_80 = arith.constant 32 : index
      %get3A_81 = tpu.vector_load %arg8[%get3A_79, %get3A_80] {strides = array<i32>} : memref<32x200xi32, #tpu.memory_space<vmem>>, vector<16xi32>,
      %gather3A_82 = tpu.vector_load_idx %arg7[%get3A_81] : memref<7800xf32, #tpu.memory_space<vmem>>[vector<16xi32>], vector<16xf32>,
      %add3A_83 = arith.addf %add3A_71, %gather3A_82 : vector<16xf32>
      %get3A_84 = arith.constant 0 : i32
      %get3A_85 = arith.index_cast %get3A_84 : i32 to index
      %get3A_86 = arith.constant 48 : index
      %get3A_87 = tpu.vector_load %arg8[%get3A_85, %get3A_86] {strides = array<i32>} : memref<32x200xi32, #tpu.memory_space<vmem>>, vector<16xi32>,
      %gather3A_88 = tpu.vector_load_idx %arg7[%get3A_87] : memref<7800xf32, #tpu.memory_space<vmem>>[vector<16xi32>], vector<16xf32>,
      %add3A_89 = arith.addf %add3A_77, %gather3A_88 : vector<16xf32>
      %get3A_90 = arith.constant 0 : i32
      %get3A_91 = arith.index_cast %get3A_90 : i32 to index
      %get3A_92 = arith.constant 64 : index
      %get3A_93 = tpu.vector_load %arg8[%get3A_91, %get3A_92] {strides = array<i32>} : memref<32x200xi32, #tpu.memory_space<vmem>>, vector<16xi32>,
      %gather3A_94 = tpu.vector_load_idx %arg7[%get3A_93] : memref<7800xf32, #tpu.memory_space<vmem>>[vector<16xi32>], vector<16xf32>,
      %add3A_95 = arith.addf %add3A_83, %gather3A_94 : vector<16xf32>
      %get3A_96 = arith.constant 0 : i32
      %get3A_97 = arith.index_cast %get3A_96 : i32 to index
      %get3A_98 = arith.constant 80 : index
      %get3A_99 = tpu.vector_load %arg8[%get3A_97, %get3A_98] {strides = array<i32>} : memref<32x200xi32, #tpu.memory_space<vmem>>, vector<16xi32>,
      %gather3A_100 = tpu.vector_load_idx %arg7[%get3A_99] : memref<7800xf32, #tpu.memory_space<vmem>>[vector<16xi32>], vector<16xf32>,
      %add3A_101 = arith.addf %add3A_89, %gather3A_100 : vector<16xf32>
      %get3A_102 = arith.constant 0 : i32
      %get3A_103 = arith.index_cast %get3A_102 : i32 to index
      %get3A_104 = arith.constant 96 : index
      %get3A_105 = tpu.vector_load %arg8[%get3A_103, %get3A_104] {strides = array<i32>} : memref<32x200xi32, #tpu.memory_space<vmem>>, vector<16xi32>,
      %gather3A_106 = tpu.vector_load_idx %arg7[%get3A_105] : memref<7800xf32, #tpu.memory_space<vmem>>[vector<16xi32>], vector<16xf32>,
      %add3A_107 = arith.addf %add3A_95, %gather3A_106 : vector<16xf32>
      %get3A_108 = arith.constant 0 : i32
      %get3A_109 = arith.index_cast %get3A_108 : i32 to index
      %get3A_110 = arith.constant 112 : index
      %get3A_111 = tpu.vector_load %arg8[%get3A_109, %get3A_110] {strides = array<i32>} : memref<32x200xi32, #tpu.memory_space<vmem>>, vector<16xi32>,
      %gather3A_112 = tpu.vector_load_idx %arg7[%get3A_111] : memref<7800xf32, #tpu.memory_space<vmem>>[vector<16xi32>], vector<16xf32>,
      %add3A_113 = arith.addf %add3A_101, %gather3A_112 : vector<16xf32>
      %get3A_114 = arith.constant 0 : i32
      %get3A_115 = arith.index_cast %get3A_114 : i32 to index
      %get3A_116 = arith.constant 128 : index
      %get3A_117 = tpu.vector_load %arg8[%get3A_115, %get3A_116] {strides = array<i32>} : memref<32x200xi32, #tpu.memory_space<vmem>>, vector<16xi32>,
      %gather3A_118 = tpu.vector_load_idx %arg7[%get3A_117] : memref<7800xf32, #tpu.memory_space<vmem>>[vector<16xi32>], vector<16xf32>,
      %add3A_119 = arith.addf %add3A_107, %gather3A_118 : vector<16xf32>
      %get3A_120 = arith.constant 0 : i32
      %get3A_121 = arith.index_cast %get3A_120 : i32 to index
      %get3A_122 = arith.constant 144 : index
      %get3A_123 = tpu.vector_load %arg8[%get3A_121, %get3A_122] {strides = array<i32>} : memref<32x200xi32, #tpu.memory_space<vmem>>, vector<16xi32>,
      %gather3A_124 = tpu.vector_load_idx %arg7[%get3A_123] : memref<7800xf32, #tpu.memory_space<vmem>>[vector<16xi32>], vector<16xf32>,
      %add3A_125 = arith.addf %add3A_113, %gather3A_124 : vector<16xf32>
      %get3A_126 = arith.constant 0 : i32
      %get3A_127 = arith.index_cast %get3A_126 : i32 to index
      %get3A_128 = arith.constant 160 : index
      %get3A_129 = tpu.vector_load %arg8[%get3A_127, %get3A_128] {strides = array<i32>} : memref<32x200xi32, #tpu.memory_space<vmem>>, vector<16xi32>,
      %gather3A_130 = tpu.vector_load_idx %arg7[%get3A_129] : memref<7800xf32, #tpu.memory_space<vmem>>[vector<16xi32>], vector<16xf32>,
      %add3A_131 = arith.addf %add3A_119, %gather3A_130 : vector<16xf32>
      %get3A_132 = arith.constant 0 : i32
      %get3A_133 = arith.index_cast %get3A_132 : i32 to index
      %get3A_134 = arith.constant 176 : index
      %get3A_135 = tpu.vector_load %arg8[%get3A_133, %get3A_134] {strides = array<i32>} : memref<32x200xi32, #tpu.memory_space<vmem>>, vector<16xi32>,
      %gather3A_136 = tpu.vector_load_idx %arg7[%get3A_135] : memref<7800xf32, #tpu.memory_space<vmem>>[vector<16xi32>], vector<16xf32>,
      %add3A_137 = arith.addf %add3A_125, %gather3A_136 : vector<16xf32>
      %get3A_138 = arith.constant 0 : i32
      %get3A_139 = arith.index_cast %get3A_138 : i32 to index
      %get3A_140 = arith.constant 184 : index
      %get3A_141 = tpu.vector_load %arg8[%get3A_139, %get3A_140] {strides = array<i32>} : memref<32x200xi32, #tpu.memory_space<vmem>>, vector<16xi32>,
      %gather3A_142 = tpu.vector_load_idx %arg7[%get3A_141] : memref<7800xf32, #tpu.memory_space<vmem>>[vector<16xi32>], vector<16xf32>,
      %select_n3A = arith.select %ge3A_4, %gather3A_142, %broadcast_in_dim3A_5 : vector<16xi1>, vector<16xf32>
      %add3A_143 = arith.addf %add3A_131, %select_n3A : vector<16xf32>
      %add3A_144 = arith.addf %add3A_143, %add3A_137 : vector<16xf32>
      %broadcast_in_dim3A_145 = arith.constant true
      %broadcast_in_dim3A_146 = vector.broadcast %broadcast_in_dim3A_145 : i1 to vector<16xi1>
      %masked_cumsum3A = tpu.scan <sum>, %add3A_144 masked %broadcast_in_dim3A_146 : vector<16xf32>, vector<16xi1> -> vector<16xf32>
      %broadcast_in_dim3A_147 = vector.broadcast %add3A_66 : i32 to vector<16xi32>
      tpu.vector_store_idx %arg11[%broadcast_in_dim3A_147], %masked_cumsum3A masked %eq3A_34 : memref<512xf32, #tpu.memory_space<vmem>>[vector<16xi32>], vector<16xf32>, vector<16xi1>
      %mul3A_148 = arith.constant 16 : i32
      %mul3A_149 = arith.muli %add3A_51, %mul3A_148 : i32
      %add3A_150 = arith.constant 1 : i32
      %add3A_151 = arith.addi %mul3A_149, %add3A_150 : i32
      %get3A_152 = arith.constant 1 : i32
      %get3A_153 = arith.index_cast %get3A_152 : i32 to index
      %get3A_154 = arith.constant 0 : index
      %get3A_155 = tpu.vector_load %arg8[%get3A_153, %get3A_154] {strides = array<i32>} : memref<32x200xi32, #tpu.memory_space<vmem>>, vector<16xi32>,
      %gather3A_156 = tpu.vector_load_idx %arg7[%get3A_155] : memref<7800xf32, #tpu.memory_space<vmem>>[vector<16xi32>], vector<16xf32>,
      %add3A_157 = arith.addf %broadcast_in_dim3A_5, %gather3A_156 : vector<16xf32>
      %get3A_158 = arith.constant 1 : i32
      %get3A_159 = arith.index_cast %get3A_158 : i32 to index
      %get3A_160 = arith.constant 16 : index
      %get3A_161 = tpu.vector_load %arg8[%get3A_159, %get3A_160] {strides = array<i32>} : memref<32x200xi32, #tpu.memory_space<vmem>>, vector<16xi32>,
      %gather3A_162 = tpu.vector_load_idx %arg7[%get3A_161] : memref<7800xf32, #tpu.memory_space<vmem>>[vector<16xi32>], vector<16xf32>,
      %add3A_163 = arith.addf %broadcast_in_dim3A_5, %gather3A_162 : vector<16xf32>
      %get3A_164 = arith.constant 1 : i32
      %get3A_165 = arith.index_cast %get3A_164 : i32 to index
      %get3A_166 = arith.constant 32 : index
      %get3A_167 = tpu.vector_load %arg8[%get3A_165, %get3A_166] {strides = array<i32>} : memref<32x200xi32, #tpu.memory_space<vmem>>, vector<16xi32>,
      %gather3A_168 = tpu.vector_load_idx %arg7[%get3A_167] : memref<7800xf32, #tpu.memory_space<vmem>>[vector<16xi32>], vector<16xf32>,
      %add3A_169 = arith.addf %add3A_157, %gather3A_168 : vector<16xf32>
      %get3A_170 = arith.constant 1 : i32
      %get3A_171 = arith.index_cast %get3A_170 : i32 to index
      %get3A_172 = arith.constant 48 : index
      %get3A_173 = tpu.vector_load %arg8[%get3A_171, %get3A_172] {strides = array<i32>} : memref<32x200xi32, #tpu.memory_space<vmem>>, vector<16xi32>,
      %gather3A_174 = tpu.vector_load_idx %arg7[%get3A_173] : memref<7800xf32, #tpu.memory_space<vmem>>[vector<16xi32>], vector<16xf32>,
      %add3A_175 = arith.addf %add3A_163, %gather3A_174 : vector<16xf32>
      %get3A_176 = arith.constant 1 : i32
      %get3A_177 = arith.index_cast %get3A_176 : i32 to index
      %get3A_178 = arith.constant 64 : index
      %get3A_179 = tpu.vector_load %arg8[%get3A_177, %get3A_178] {strides = array<i32>} : memref<32x200xi32, #tpu.memory_space<vmem>>, vector<16xi32>,
      %gather3A_180 = tpu.vector_load_idx %arg7[%get3A_179] : memref<7800xf32, #tpu.memory_space<vmem>>[vector<16xi32>], vector<16xf32>,
      %add3A_181 = arith.addf %add3A_169, %gather3A_180 : vector<16xf32>
      %get3A_182 = arith.constant 1 : i32
      %get3A_183 = arith.index_cast %get3A_182 : i32 to index
      %get3A_184 = arith.constant 80 : index
      %get3A_185 = tpu.vector_load %arg8[%get3A_183, %get3A_184] {strides = array<i32>} : memref<32x200xi32, #tpu.memory_space<vmem>>, vector<16xi32>,
      %gather3A_186 = tpu.vector_load_idx %arg7[%get3A_185] : memref<7800xf32, #tpu.memory_space<vmem>>[vector<16xi32>], vector<16xf32>,
      %add3A_187 = arith.addf %add3A_175, %gather3A_186 : vector<16xf32>
      %get3A_188 = arith.constant 1 : i32
      %get3A_189 = arith.index_cast %get3A_188 : i32 to index
      %get3A_190 = arith.constant 96 : index
      %get3A_191 = tpu.vector_load %arg8[%get3A_189, %get3A_190] {strides = array<i32>} : memref<32x200xi32, #tpu.memory_space<vmem>>, vector<16xi32>,
      %gather3A_192 = tpu.vector_load_idx %arg7[%get3A_191] : memref<7800xf32, #tpu.memory_space<vmem>>[vector<16xi32>], vector<16xf32>,
      %add3A_193 = arith.addf %add3A_181, %gather3A_192 : vector<16xf32>
      %get3A_194 = arith.constant 1 : i32
      %get3A_195 = arith.index_cast %get3A_194 : i32 to index
      %get3A_196 = arith.constant 112 : index
      %get3A_197 = tpu.vector_load %arg8[%get3A_195, %get3A_196] {strides = array<i32>} : memref<32x200xi32, #tpu.memory_space<vmem>>, vector<16xi32>,
      %gather3A_198 = tpu.vector_load_idx %arg7[%get3A_197] : memref<7800xf32, #tpu.memory_space<vmem>>[vector<16xi32>], vector<16xf32>,
      %add3A_199 = arith.addf %add3A_187, %gather3A_198 : vector<16xf32>
      %get3A_200 = arith.constant 1 : i32
      %get3A_201 = arith.index_cast %get3A_200 : i32 to index
      %get3A_202 = arith.constant 128 : index
      %get3A_203 = tpu.vector_load %arg8[%get3A_201, %get3A_202] {strides = array<i32>} : memref<32x200xi32, #tpu.memory_space<vmem>>, vector<16xi32>,
      %gather3A_204 = tpu.vector_load_idx %arg7[%get3A_203] : memref<7800xf32, #tpu.memory_space<vmem>>[vector<16xi32>], vector<16xf32>,
      %add3A_205 = arith.addf %add3A_193, %gather3A_204 : vector<16xf32>
      %get3A_206 = arith.constant 1 : i32
      %get3A_207 = arith.index_cast %get3A_206 : i32 to index
      %get3A_208 = arith.constant 144 : index
      %get3A_209 = tpu.vector_load %arg8[%get3A_207, %get3A_208] {strides = array<i32>} : memref<32x200xi32, #tpu.memory_space<vmem>>, vector<16xi32>,
      %gather3A_210 = tpu.vector_load_idx %arg7[%get3A_209] : memref<7800xf32, #tpu.memory_space<vmem>>[vector<16xi32>], vector<16xf32>,
      %add3A_211 = arith.addf %add3A_199, %gather3A_210 : vector<16xf32>
      %get3A_212 = arith.constant 1 : i32
      %get3A_213 = arith.index_cast %get3A_212 : i32 to index
      %get3A_214 = arith.constant 160 : index
      %get3A_215 = tpu.vector_load %arg8[%get3A_213, %get3A_214] {strides = array<i32>} : memref<32x200xi32, #tpu.memory_space<vmem>>, vector<16xi32>,
      %gather3A_216 = tpu.vector_load_idx %arg7[%get3A_215] : memref<7800xf32, #tpu.memory_space<vmem>>[vector<16xi32>], vector<16xf32>,
      %add3A_217 = arith.addf %add3A_205, %gather3A_216 : vector<16xf32>
      %get3A_218 = arith.constant 1 : i32
      %get3A_219 = arith.index_cast %get3A_218 : i32 to index
      %get3A_220 = arith.constant 176 : index
      %get3A_221 = tpu.vector_load %arg8[%get3A_219, %get3A_220] {strides = array<i32>} : memref<32x200xi32, #tpu.memory_space<vmem>>, vector<16xi32>,
      %gather3A_222 = tpu.vector_load_idx %arg7[%get3A_221] : memref<7800xf32, #tpu.memory_space<vmem>>[vector<16xi32>], vector<16xf32>,
      %add3A_223 = arith.addf %add3A_211, %gather3A_222 : vector<16xf32>
      %get3A_224 = arith.constant 1 : i32
      %get3A_225 = arith.index_cast %get3A_224 : i32 to index
      %get3A_226 = arith.constant 184 : index
      %get3A_227 = tpu.vector_load %arg8[%get3A_225, %get3A_226] {strides = array<i32>} : memref<32x200xi32, #tpu.memory_space<vmem>>, vector<16xi32>,
      %gather3A_228 = tpu.vector_load_idx %arg7[%get3A_227] : memref<7800xf32, #tpu.memory_space<vmem>>[vector<16xi32>], vector<16xf32>,
      %select_n3A_229 = arith.select %ge3A_4, %gather3A_228, %broadcast_in_dim3A_5 : vector<16xi1>, vector<16xf32>
      %add3A_230 = arith.addf %add3A_217, %select_n3A_229 : vector<16xf32>
      %add3A_231 = arith.addf %add3A_230, %add3A_223 : vector<16xf32>
      %broadcast_in_dim3A_232 = arith.constant true
      %broadcast_in_dim3A_233 = vector.broadcast %broadcast_in_dim3A_232 : i1 to vector<16xi1>
      %masked_cumsum3A_234 = tpu.scan <sum>, %add3A_231 masked %broadcast_in_dim3A_233 : vector<16xf32>, vector<16xi1> -> vector<16xf32>
      %broadcast_in_dim3A_235 = vector.broadcast %add3A_151 : i32 to vector<16xi32>
      tpu.vector_store_idx %arg11[%broadcast_in_dim3A_235], %masked_cumsum3A_234 masked %eq3A_34 : memref<512xf32, #tpu.memory_space<vmem>>[vector<16xi32>], vector<16xf32>, vector<16xi1>
      %mul3A_236 = arith.constant 16 : i32
      %mul3A_237 = arith.muli %add3A_51, %mul3A_236 : i32
      %add3A_238 = arith.constant 2 : i32
      %add3A_239 = arith.addi %mul3A_237, %add3A_238 : i32
      %get3A_240 = arith.constant 2 : i32
      %get3A_241 = arith.index_cast %get3A_240 : i32 to index
      %get3A_242 = arith.constant 0 : index
      %get3A_243 = tpu.vector_load %arg8[%get3A_241, %get3A_242] {strides = array<i32>} : memref<32x200xi32, #tpu.memory_space<vmem>>, vector<16xi32>,
      %gather3A_244 = tpu.vector_load_idx %arg7[%get3A_243] : memref<7800xf32, #tpu.memory_space<vmem>>[vector<16xi32>], vector<16xf32>,
      %add3A_245 = arith.addf %broadcast_in_dim3A_5, %gather3A_244 : vector<16xf32>
      %get3A_246 = arith.constant 2 : i32
      %get3A_247 = arith.index_cast %get3A_246 : i32 to index
      %get3A_248 = arith.constant 16 : index
      %get3A_249 = tpu.vector_load %arg8[%get3A_247, %get3A_248] {strides = array<i32>} : memref<32x200xi32, #tpu.memory_space<vmem>>, vector<16xi32>,
      %gather3A_250 = tpu.vector_load_idx %arg7[%get3A_249] : memref<7800xf32, #tpu.memory_space<vmem>>[vector<16xi32>], vector<16xf32>,
      %add3A_251 = arith.addf %broadcast_in_dim3A_5, %gather3A_250 : vector<16xf32>
      %get3A_252 = arith.constant 2 : i32
      %get3A_253 = arith.index_cast %get3A_252 : i32 to index
      %get3A_254 = arith.constant 32 : index
      %get3A_255 = tpu.vector_load %arg8[%get3A_253, %get3A_254] {strides = array<i32>} : memref<32x200xi32, #tpu.memory_space<vmem>>, vector<16xi32>,
      %gather3A_256 = tpu.vector_load_idx %arg7[%get3A_255] : memref<7800xf32, #tpu.memory_space<vmem>>[vector<16xi32>], vector<16xf32>,
      %add3A_257 = arith.addf %add3A_245, %gather3A_256 : vector<16xf32>
      %get3A_258 = arith.constant 2 : i32
      %get3A_259 = arith.index_cast %get3A_258 : i32 to index
      %get3A_260 = arith.constant 48 : index
      %get3A_261 = tpu.vector_load %arg8[%get3A_259, %get3A_260] {strides = array<i32>} : memref<32x200xi32, #tpu.memory_space<vmem>>, vector<16xi32>,
      %gather3A_262 = tpu.vector_load_idx %arg7[%get3A_261] : memref<7800xf32, #tpu.memory_space<vmem>>[vector<16xi32>], vector<16xf32>,
      %add3A_263 = arith.addf %add3A_251, %gather3A_262 : vector<16xf32>
      %get3A_264 = arith.constant 2 : i32
      %get3A_265 = arith.index_cast %get3A_264 : i32 to index
      %get3A_266 = arith.constant 64 : index
      %get3A_267 = tpu.vector_load %arg8[%get3A_265, %get3A_266] {strides = array<i32>} : memref<32x200xi32, #tpu.memory_space<vmem>>, vector<16xi32>,
      %gather3A_268 = tpu.vector_load_idx %arg7[%get3A_267] : memref<7800xf32, #tpu.memory_space<vmem>>[vector<16xi32>], vector<16xf32>,
      %add3A_269 = arith.addf %add3A_257, %gather3A_268 : vector<16xf32>
      %get3A_270 = arith.constant 2 : i32
      %get3A_271 = arith.index_cast %get3A_270 : i32 to index
      %get3A_272 = arith.constant 80 : index
      %get3A_273 = tpu.vector_load %arg8[%get3A_271, %get3A_272] {strides = array<i32>} : memref<32x200xi32, #tpu.memory_space<vmem>>, vector<16xi32>,
      %gather3A_274 = tpu.vector_load_idx %arg7[%get3A_273] : memref<7800xf32, #tpu.memory_space<vmem>>[vector<16xi32>], vector<16xf32>,
      %add3A_275 = arith.addf %add3A_263, %gather3A_274 : vector<16xf32>
      %get3A_276 = arith.constant 2 : i32
      %get3A_277 = arith.index_cast %get3A_276 : i32 to index
      %get3A_278 = arith.constant 96 : index
      %get3A_279 = tpu.vector_load %arg8[%get3A_277, %get3A_278] {strides = array<i32>} : memref<32x200xi32, #tpu.memory_space<vmem>>, vector<16xi32>,
      %gather3A_280 = tpu.vector_load_idx %arg7[%get3A_279] : memref<7800xf32, #tpu.memory_space<vmem>>[vector<16xi32>], vector<16xf32>,
      %add3A_281 = arith.addf %add3A_269, %gather3A_280 : vector<16xf32>
      %get3A_282 = arith.constant 2 : i32
      %get3A_283 = arith.index_cast %get3A_282 : i32 to index
      %get3A_284 = arith.constant 112 : index
      %get3A_285 = tpu.vector_load %arg8[%get3A_283, %get3A_284] {strides = array<i32>} : memref<32x200xi32, #tpu.memory_space<vmem>>, vector<16xi32>,
      %gather3A_286 = tpu.vector_load_idx %arg7[%get3A_285] : memref<7800xf32, #tpu.memory_space<vmem>>[vector<16xi32>], vector<16xf32>,
      %add3A_287 = arith.addf %add3A_275, %gather3A_286 : vector<16xf32>
      %get3A_288 = arith.constant 2 : i32
      %get3A_289 = arith.index_cast %get3A_288 : i32 to index
      %get3A_290 = arith.constant 128 : index
      %get3A_291 = tpu.vector_load %arg8[%get3A_289, %get3A_290] {strides = array<i32>} : memref<32x200xi32, #tpu.memory_space<vmem>>, vector<16xi32>,
      %gather3A_292 = tpu.vector_load_idx %arg7[%get3A_291] : memref<7800xf32, #tpu.memory_space<vmem>>[vector<16xi32>], vector<16xf32>,
      %add3A_293 = arith.addf %add3A_281, %gather3A_292 : vector<16xf32>
      %get3A_294 = arith.constant 2 : i32
      %get3A_295 = arith.index_cast %get3A_294 : i32 to index
      %get3A_296 = arith.constant 144 : index
      %get3A_297 = tpu.vector_load %arg8[%get3A_295, %get3A_296] {strides = array<i32>} : memref<32x200xi32, #tpu.memory_space<vmem>>, vector<16xi32>,
      %gather3A_298 = tpu.vector_load_idx %arg7[%get3A_297] : memref<7800xf32, #tpu.memory_space<vmem>>[vector<16xi32>], vector<16xf32>,
      %add3A_299 = arith.addf %add3A_287, %gather3A_298 : vector<16xf32>
      %get3A_300 = arith.constant 2 : i32
      %get3A_301 = arith.index_cast %get3A_300 : i32 to index
      %get3A_302 = arith.constant 160 : index
      %get3A_303 = tpu.vector_load %arg8[%get3A_301, %get3A_302] {strides = array<i32>} : memref<32x200xi32, #tpu.memory_space<vmem>>, vector<16xi32>,
      %gather3A_304 = tpu.vector_load_idx %arg7[%get3A_303] : memref<7800xf32, #tpu.memory_space<vmem>>[vector<16xi32>], vector<16xf32>,
      %add3A_305 = arith.addf %add3A_293, %gather3A_304 : vector<16xf32>
      %get3A_306 = arith.constant 2 : i32
      %get3A_307 = arith.index_cast %get3A_306 : i32 to index
      %get3A_308 = arith.constant 176 : index
      %get3A_309 = tpu.vector_load %arg8[%get3A_307, %get3A_308] {strides = array<i32>} : memref<32x200xi32, #tpu.memory_space<vmem>>, vector<16xi32>,
      %gather3A_310 = tpu.vector_load_idx %arg7[%get3A_309] : memref<7800xf32, #tpu.memory_space<vmem>>[vector<16xi32>], vector<16xf32>,
      %add3A_311 = arith.addf %add3A_299, %gather3A_310 : vector<16xf32>
      %get3A_312 = arith.constant 2 : i32
      %get3A_313 = arith.index_cast %get3A_312 : i32 to index
      %get3A_314 = arith.constant 184 : index
      %get3A_315 = tpu.vector_load %arg8[%get3A_313, %get3A_314] {strides = array<i32>} : memref<32x200xi32, #tpu.memory_space<vmem>>, vector<16xi32>,
      %gather3A_316 = tpu.vector_load_idx %arg7[%get3A_315] : memref<7800xf32, #tpu.memory_space<vmem>>[vector<16xi32>], vector<16xf32>,
      %select_n3A_317 = arith.select %ge3A_4, %gather3A_316, %broadcast_in_dim3A_5 : vector<16xi1>, vector<16xf32>
      %add3A_318 = arith.addf %add3A_305, %select_n3A_317 : vector<16xf32>
      %add3A_319 = arith.addf %add3A_318, %add3A_311 : vector<16xf32>
      %broadcast_in_dim3A_320 = arith.constant true
      %broadcast_in_dim3A_321 = vector.broadcast %broadcast_in_dim3A_320 : i1 to vector<16xi1>
      %masked_cumsum3A_322 = tpu.scan <sum>, %add3A_319 masked %broadcast_in_dim3A_321 : vector<16xf32>, vector<16xi1> -> vector<16xf32>
      %broadcast_in_dim3A_323 = vector.broadcast %add3A_239 : i32 to vector<16xi32>
      tpu.vector_store_idx %arg11[%broadcast_in_dim3A_323], %masked_cumsum3A_322 masked %eq3A_34 : memref<512xf32, #tpu.memory_space<vmem>>[vector<16xi32>], vector<16xf32>, vector<16xi1>
      %mul3A_324 = arith.constant 16 : i32
      %mul3A_325 = arith.muli %add3A_51, %mul3A_324 : i32
      %add3A_326 = arith.constant 3 : i32
      %add3A_327 = arith.addi %mul3A_325, %add3A_326 : i32
      %get3A_328 = arith.constant 3 : i32
      %get3A_329 = arith.index_cast %get3A_328 : i32 to index
      %get3A_330 = arith.constant 0 : index
      %get3A_331 = tpu.vector_load %arg8[%get3A_329, %get3A_330] {strides = array<i32>} : memref<32x200xi32, #tpu.memory_space<vmem>>, vector<16xi32>,
      %gather3A_332 = tpu.vector_load_idx %arg7[%get3A_331] : memref<7800xf32, #tpu.memory_space<vmem>>[vector<16xi32>], vector<16xf32>,
      %add3A_333 = arith.addf %broadcast_in_dim3A_5, %gather3A_332 : vector<16xf32>
      %get3A_334 = arith.constant 3 : i32
      %get3A_335 = arith.index_cast %get3A_334 : i32 to index
      %get3A_336 = arith.constant 16 : index
      %get3A_337 = tpu.vector_load %arg8[%get3A_335, %get3A_336] {strides = array<i32>} : memref<32x200xi32, #tpu.memory_space<vmem>>, vector<16xi32>,
      %gather3A_338 = tpu.vector_load_idx %arg7[%get3A_337] : memref<7800xf32, #tpu.memory_space<vmem>>[vector<16xi32>], vector<16xf32>,
      %add3A_339 = arith.addf %broadcast_in_dim3A_5, %gather3A_338 : vector<16xf32>
      %get3A_340 = arith.constant 3 : i32
      %get3A_341 = arith.index_cast %get3A_340 : i32 to index
      %get3A_342 = arith.constant 32 : index
      %get3A_343 = tpu.vector_load %arg8[%get3A_341, %get3A_342] {strides = array<i32>} : memref<32x200xi32, #tpu.memory_space<vmem>>, vector<16xi32>,
      %gather3A_344 = tpu.vector_load_idx %arg7[%get3A_343] : memref<7800xf32, #tpu.memory_space<vmem>>[vector<16xi32>], vector<16xf32>,
      %add3A_345 = arith.addf %add3A_333, %gather3A_344 : vector<16xf32>
      %get3A_346 = arith.constant 3 : i32
      %get3A_347 = arith.index_cast %get3A_346 : i32 to index
      %get3A_348 = arith.constant 48 : index
      %get3A_349 = tpu.vector_load %arg8[%get3A_347, %get3A_348] {strides = array<i32>} : memref<32x200xi32, #tpu.memory_space<vmem>>, vector<16xi32>,
      %gather3A_350 = tpu.vector_load_idx %arg7[%get3A_349] : memref<7800xf32, #tpu.memory_space<vmem>>[vector<16xi32>], vector<16xf32>,
      %add3A_351 = arith.addf %add3A_339, %gather3A_350 : vector<16xf32>
      %get3A_352 = arith.constant 3 : i32
      %get3A_353 = arith.index_cast %get3A_352 : i32 to index
      %get3A_354 = arith.constant 64 : index
      %get3A_355 = tpu.vector_load %arg8[%get3A_353, %get3A_354] {strides = array<i32>} : memref<32x200xi32, #tpu.memory_space<vmem>>, vector<16xi32>,
      %gather3A_356 = tpu.vector_load_idx %arg7[%get3A_355] : memref<7800xf32, #tpu.memory_space<vmem>>[vector<16xi32>], vector<16xf32>,
      %add3A_357 = arith.addf %add3A_345, %gather3A_356 : vector<16xf32>
      %get3A_358 = arith.constant 3 : i32
      %get3A_359 = arith.index_cast %get3A_358 : i32 to index
      %get3A_360 = arith.constant 80 : index
      %get3A_361 = tpu.vector_load %arg8[%get3A_359, %get3A_360] {strides = array<i32>} : memref<32x200xi32, #tpu.memory_space<vmem>>, vector<16xi32>,
      %gather3A_362 = tpu.vector_load_idx %arg7[%get3A_361] : memref<7800xf32, #tpu.memory_space<vmem>>[vector<16xi32>], vector<16xf32>,
      %add3A_363 = arith.addf %add3A_351, %gather3A_362 : vector<16xf32>
      %get3A_364 = arith.constant 3 : i32
      %get3A_365 = arith.index_cast %get3A_364 : i32 to index
      %get3A_366 = arith.constant 96 : index
      %get3A_367 = tpu.vector_load %arg8[%get3A_365, %get3A_366] {strides = array<i32>} : memref<32x200xi32, #tpu.memory_space<vmem>>, vector<16xi32>,
      %gather3A_368 = tpu.vector_load_idx %arg7[%get3A_367] : memref<7800xf32, #tpu.memory_space<vmem>>[vector<16xi32>], vector<16xf32>,
      %add3A_369 = arith.addf %add3A_357, %gather3A_368 : vector<16xf32>
      %get3A_370 = arith.constant 3 : i32
      %get3A_371 = arith.index_cast %get3A_370 : i32 to index
      %get3A_372 = arith.constant 112 : index
      %get3A_373 = tpu.vector_load %arg8[%get3A_371, %get3A_372] {strides = array<i32>} : memref<32x200xi32, #tpu.memory_space<vmem>>, vector<16xi32>,
      %gather3A_374 = tpu.vector_load_idx %arg7[%get3A_373] : memref<7800xf32, #tpu.memory_space<vmem>>[vector<16xi32>], vector<16xf32>,
      %add3A_375 = arith.addf %add3A_363, %gather3A_374 : vector<16xf32>
      %get3A_376 = arith.constant 3 : i32
      %get3A_377 = arith.index_cast %get3A_376 : i32 to index
      %get3A_378 = arith.constant 128 : index
      %get3A_379 = tpu.vector_load %arg8[%get3A_377, %get3A_378] {strides = array<i32>} : memref<32x200xi32, #tpu.memory_space<vmem>>, vector<16xi32>,
      %gather3A_380 = tpu.vector_load_idx %arg7[%get3A_379] : memref<7800xf32, #tpu.memory_space<vmem>>[vector<16xi32>], vector<16xf32>,
      %add3A_381 = arith.addf %add3A_369, %gather3A_380 : vector<16xf32>
      %get3A_382 = arith.constant 3 : i32
      %get3A_383 = arith.index_cast %get3A_382 : i32 to index
      %get3A_384 = arith.constant 144 : index
      %get3A_385 = tpu.vector_load %arg8[%get3A_383, %get3A_384] {strides = array<i32>} : memref<32x200xi32, #tpu.memory_space<vmem>>, vector<16xi32>,
      %gather3A_386 = tpu.vector_load_idx %arg7[%get3A_385] : memref<7800xf32, #tpu.memory_space<vmem>>[vector<16xi32>], vector<16xf32>,
      %add3A_387 = arith.addf %add3A_375, %gather3A_386 : vector<16xf32>
      %get3A_388 = arith.constant 3 : i32
      %get3A_389 = arith.index_cast %get3A_388 : i32 to index
      %get3A_390 = arith.constant 160 : index
      %get3A_391 = tpu.vector_load %arg8[%get3A_389, %get3A_390] {strides = array<i32>} : memref<32x200xi32, #tpu.memory_space<vmem>>, vector<16xi32>,
      %gather3A_392 = tpu.vector_load_idx %arg7[%get3A_391] : memref<7800xf32, #tpu.memory_space<vmem>>[vector<16xi32>], vector<16xf32>,
      %add3A_393 = arith.addf %add3A_381, %gather3A_392 : vector<16xf32>
      %get3A_394 = arith.constant 3 : i32
      %get3A_395 = arith.index_cast %get3A_394 : i32 to index
      %get3A_396 = arith.constant 176 : index
      %get3A_397 = tpu.vector_load %arg8[%get3A_395, %get3A_396] {strides = array<i32>} : memref<32x200xi32, #tpu.memory_space<vmem>>, vector<16xi32>,
      %gather3A_398 = tpu.vector_load_idx %arg7[%get3A_397] : memref<7800xf32, #tpu.memory_space<vmem>>[vector<16xi32>], vector<16xf32>,
      %add3A_399 = arith.addf %add3A_387, %gather3A_398 : vector<16xf32>
      %get3A_400 = arith.constant 3 : i32
      %get3A_401 = arith.index_cast %get3A_400 : i32 to index
      %get3A_402 = arith.constant 184 : index
      %get3A_403 = tpu.vector_load %arg8[%get3A_401, %get3A_402] {strides = array<i32>} : memref<32x200xi32, #tpu.memory_space<vmem>>, vector<16xi32>,
      %gather3A_404 = tpu.vector_load_idx %arg7[%get3A_403] : memref<7800xf32, #tpu.memory_space<vmem>>[vector<16xi32>], vector<16xf32>,
      %select_n3A_405 = arith.select %ge3A_4, %gather3A_404, %broadcast_in_dim3A_5 : vector<16xi1>, vector<16xf32>
      %add3A_406 = arith.addf %add3A_393, %select_n3A_405 : vector<16xf32>
      %add3A_407 = arith.addf %add3A_406, %add3A_399 : vector<16xf32>
      %broadcast_in_dim3A_408 = arith.constant true
      %broadcast_in_dim3A_409 = vector.broadcast %broadcast_in_dim3A_408 : i1 to vector<16xi1>
      %masked_cumsum3A_410 = tpu.scan <sum>, %add3A_407 masked %broadcast_in_dim3A_409 : vector<16xf32>, vector<16xi1> -> vector<16xf32>
      %broadcast_in_dim3A_411 = vector.broadcast %add3A_327 : i32 to vector<16xi32>
      tpu.vector_store_idx %arg11[%broadcast_in_dim3A_411], %masked_cumsum3A_410 masked %eq3A_34 : memref<512xf32, #tpu.memory_space<vmem>>[vector<16xi32>], vector<16xf32>, vector<16xi1>
      %mul3A_412 = arith.constant 16 : i32
      %mul3A_413 = arith.muli %add3A_51, %mul3A_412 : i32
      %add3A_414 = arith.constant 4 : i32
      %add3A_415 = arith.addi %mul3A_413, %add3A_414 : i32
      %get3A_416 = arith.constant 4 : i32
      %get3A_417 = arith.index_cast %get3A_416 : i32 to index
      %get3A_418 = arith.constant 0 : index
      %get3A_419 = tpu.vector_load %arg8[%get3A_417, %get3A_418] {strides = array<i32>} : memref<32x200xi32, #tpu.memory_space<vmem>>, vector<16xi32>,
      %gather3A_420 = tpu.vector_load_idx %arg7[%get3A_419] : memref<7800xf32, #tpu.memory_space<vmem>>[vector<16xi32>], vector<16xf32>,
      %add3A_421 = arith.addf %broadcast_in_dim3A_5, %gather3A_420 : vector<16xf32>
      %get3A_422 = arith.constant 4 : i32
      %get3A_423 = arith.index_cast %get3A_422 : i32 to index
      %get3A_424 = arith.constant 16 : index
      %get3A_425 = tpu.vector_load %arg8[%get3A_423, %get3A_424] {strides = array<i32>} : memref<32x200xi32, #tpu.memory_space<vmem>>, vector<16xi32>,
      %gather3A_426 = tpu.vector_load_idx %arg7[%get3A_425] : memref<7800xf32, #tpu.memory_space<vmem>>[vector<16xi32>], vector<16xf32>,
      %add3A_427 = arith.addf %broadcast_in_dim3A_5, %gather3A_426 : vector<16xf32>
      %get3A_428 = arith.constant 4 : i32
      %get3A_429 = arith.index_cast %get3A_428 : i32 to index
      %get3A_430 = arith.constant 32 : index
      %get3A_431 = tpu.vector_load %arg8[%get3A_429, %get3A_430] {strides = array<i32>} : memref<32x200xi32, #tpu.memory_space<vmem>>, vector<16xi32>,
      %gather3A_432 = tpu.vector_load_idx %arg7[%get3A_431] : memref<7800xf32, #tpu.memory_space<vmem>>[vector<16xi32>], vector<16xf32>,
      %add3A_433 = arith.addf %add3A_421, %gather3A_432 : vector<16xf32>
      %get3A_434 = arith.constant 4 : i32
      %get3A_435 = arith.index_cast %get3A_434 : i32 to index
      %get3A_436 = arith.constant 48 : index
      %get3A_437 = tpu.vector_load %arg8[%get3A_435, %get3A_436] {strides = array<i32>} : memref<32x200xi32, #tpu.memory_space<vmem>>, vector<16xi32>,
      %gather3A_438 = tpu.vector_load_idx %arg7[%get3A_437] : memref<7800xf32, #tpu.memory_space<vmem>>[vector<16xi32>], vector<16xf32>,
      %add3A_439 = arith.addf %add3A_427, %gather3A_438 : vector<16xf32>
      %get3A_440 = arith.constant 4 : i32
      %get3A_441 = arith.index_cast %get3A_440 : i32 to index
      %get3A_442 = arith.constant 64 : index
      %get3A_443 = tpu.vector_load %arg8[%get3A_441, %get3A_442] {strides = array<i32>} : memref<32x200xi32, #tpu.memory_space<vmem>>, vector<16xi32>,
      %gather3A_444 = tpu.vector_load_idx %arg7[%get3A_443] : memref<7800xf32, #tpu.memory_space<vmem>>[vector<16xi32>], vector<16xf32>,
      %add3A_445 = arith.addf %add3A_433, %gather3A_444 : vector<16xf32>
      %get3A_446 = arith.constant 4 : i32
      %get3A_447 = arith.index_cast %get3A_446 : i32 to index
      %get3A_448 = arith.constant 80 : index
      %get3A_449 = tpu.vector_load %arg8[%get3A_447, %get3A_448] {strides = array<i32>} : memref<32x200xi32, #tpu.memory_space<vmem>>, vector<16xi32>,
      %gather3A_450 = tpu.vector_load_idx %arg7[%get3A_449] : memref<7800xf32, #tpu.memory_space<vmem>>[vector<16xi32>], vector<16xf32>,
      %add3A_451 = arith.addf %add3A_439, %gather3A_450 : vector<16xf32>
      %get3A_452 = arith.constant 4 : i32
      %get3A_453 = arith.index_cast %get3A_452 : i32 to index
      %get3A_454 = arith.constant 96 : index
      %get3A_455 = tpu.vector_load %arg8[%get3A_453, %get3A_454] {strides = array<i32>} : memref<32x200xi32, #tpu.memory_space<vmem>>, vector<16xi32>,
      %gather3A_456 = tpu.vector_load_idx %arg7[%get3A_455] : memref<7800xf32, #tpu.memory_space<vmem>>[vector<16xi32>], vector<16xf32>,
      %add3A_457 = arith.addf %add3A_445, %gather3A_456 : vector<16xf32>
      %get3A_458 = arith.constant 4 : i32
      %get3A_459 = arith.index_cast %get3A_458 : i32 to index
      %get3A_460 = arith.constant 112 : index
      %get3A_461 = tpu.vector_load %arg8[%get3A_459, %get3A_460] {strides = array<i32>} : memref<32x200xi32, #tpu.memory_space<vmem>>, vector<16xi32>,
      %gather3A_462 = tpu.vector_load_idx %arg7[%get3A_461] : memref<7800xf32, #tpu.memory_space<vmem>>[vector<16xi32>], vector<16xf32>,
      %add3A_463 = arith.addf %add3A_451, %gather3A_462 : vector<16xf32>
      %get3A_464 = arith.constant 4 : i32
      %get3A_465 = arith.index_cast %get3A_464 : i32 to index
      %get3A_466 = arith.constant 128 : index
      %get3A_467 = tpu.vector_load %arg8[%get3A_465, %get3A_466] {strides = array<i32>} : memref<32x200xi32, #tpu.memory_space<vmem>>, vector<16xi32>,
      %gather3A_468 = tpu.vector_load_idx %arg7[%get3A_467] : memref<7800xf32, #tpu.memory_space<vmem>>[vector<16xi32>], vector<16xf32>,
      %add3A_469 = arith.addf %add3A_457, %gather3A_468 : vector<16xf32>
      %get3A_470 = arith.constant 4 : i32
      %get3A_471 = arith.index_cast %get3A_470 : i32 to index
      %get3A_472 = arith.constant 144 : index
      %get3A_473 = tpu.vector_load %arg8[%get3A_471, %get3A_472] {strides = array<i32>} : memref<32x200xi32, #tpu.memory_space<vmem>>, vector<16xi32>,
      %gather3A_474 = tpu.vector_load_idx %arg7[%get3A_473] : memref<7800xf32, #tpu.memory_space<vmem>>[vector<16xi32>], vector<16xf32>,
      %add3A_475 = arith.addf %add3A_463, %gather3A_474 : vector<16xf32>
      %get3A_476 = arith.constant 4 : i32
      %get3A_477 = arith.index_cast %get3A_476 : i32 to index
      %get3A_478 = arith.constant 160 : index
      %get3A_479 = tpu.vector_load %arg8[%get3A_477, %get3A_478] {strides = array<i32>} : memref<32x200xi32, #tpu.memory_space<vmem>>, vector<16xi32>,
      %gather3A_480 = tpu.vector_load_idx %arg7[%get3A_479] : memref<7800xf32, #tpu.memory_space<vmem>>[vector<16xi32>], vector<16xf32>,
      %add3A_481 = arith.addf %add3A_469, %gather3A_480 : vector<16xf32>
      %get3A_482 = arith.constant 4 : i32
      %get3A_483 = arith.index_cast %get3A_482 : i32 to index
      %get3A_484 = arith.constant 176 : index
      %get3A_485 = tpu.vector_load %arg8[%get3A_483, %get3A_484] {strides = array<i32>} : memref<32x200xi32, #tpu.memory_space<vmem>>, vector<16xi32>,
      %gather3A_486 = tpu.vector_load_idx %arg7[%get3A_485] : memref<7800xf32, #tpu.memory_space<vmem>>[vector<16xi32>], vector<16xf32>,
      %add3A_487 = arith.addf %add3A_475, %gather3A_486 : vector<16xf32>
      %get3A_488 = arith.constant 4 : i32
      %get3A_489 = arith.index_cast %get3A_488 : i32 to index
      %get3A_490 = arith.constant 184 : index
      %get3A_491 = tpu.vector_load %arg8[%get3A_489, %get3A_490] {strides = array<i32>} : memref<32x200xi32, #tpu.memory_space<vmem>>, vector<16xi32>,
      %gather3A_492 = tpu.vector_load_idx %arg7[%get3A_491] : memref<7800xf32, #tpu.memory_space<vmem>>[vector<16xi32>], vector<16xf32>,
      %select_n3A_493 = arith.select %ge3A_4, %gather3A_492, %broadcast_in_dim3A_5 : vector<16xi1>, vector<16xf32>
      %add3A_494 = arith.addf %add3A_481, %select_n3A_493 : vector<16xf32>
      %add3A_495 = arith.addf %add3A_494, %add3A_487 : vector<16xf32>
      %broadcast_in_dim3A_496 = arith.constant true
      %broadcast_in_dim3A_497 = vector.broadcast %broadcast_in_dim3A_496 : i1 to vector<16xi1>
      %masked_cumsum3A_498 = tpu.scan <sum>, %add3A_495 masked %broadcast_in_dim3A_497 : vector<16xf32>, vector<16xi1> -> vector<16xf32>
      %broadcast_in_dim3A_499 = vector.broadcast %add3A_415 : i32 to vector<16xi32>
      tpu.vector_store_idx %arg11[%broadcast_in_dim3A_499], %masked_cumsum3A_498 masked %eq3A_34 : memref<512xf32, #tpu.memory_space<vmem>>[vector<16xi32>], vector<16xf32>, vector<16xi1>
      %mul3A_500 = arith.constant 16 : i32
      %mul3A_501 = arith.muli %add3A_51, %mul3A_500 : i32
      %add3A_502 = arith.constant 5 : i32
      %add3A_503 = arith.addi %mul3A_501, %add3A_502 : i32
      %get3A_504 = arith.constant 5 : i32
      %get3A_505 = arith.index_cast %get3A_504 : i32 to index
      %get3A_506 = arith.constant 0 : index
      %get3A_507 = tpu.vector_load %arg8[%get3A_505, %get3A_506] {strides = array<i32>} : memref<32x200xi32, #tpu.memory_space<vmem>>, vector<16xi32>,
      %gather3A_508 = tpu.vector_load_idx %arg7[%get3A_507] : memref<7800xf32, #tpu.memory_space<vmem>>[vector<16xi32>], vector<16xf32>,
      %add3A_509 = arith.addf %broadcast_in_dim3A_5, %gather3A_508 : vector<16xf32>
      %get3A_510 = arith.constant 5 : i32
      %get3A_511 = arith.index_cast %get3A_510 : i32 to index
      %get3A_512 = arith.constant 16 : index
      %get3A_513 = tpu.vector_load %arg8[%get3A_511, %get3A_512] {strides = array<i32>} : memref<32x200xi32, #tpu.memory_space<vmem>>, vector<16xi32>,
      %gather3A_514 = tpu.vector_load_idx %arg7[%get3A_513] : memref<7800xf32, #tpu.memory_space<vmem>>[vector<16xi32>], vector<16xf32>,
      %add3A_515 = arith.addf %broadcast_in_dim3A_5, %gather3A_514 : vector<16xf32>
      %get3A_516 = arith.constant 5 : i32
      %get3A_517 = arith.index_cast %get3A_516 : i32 to index
      %get3A_518 = arith.constant 32 : index
      %get3A_519 = tpu.vector_load %arg8[%get3A_517, %get3A_518] {strides = array<i32>} : memref<32x200xi32, #tpu.memory_space<vmem>>, vector<16xi32>,
      %gather3A_520 = tpu.vector_load_idx %arg7[%get3A_519] : memref<7800xf32, #tpu.memory_space<vmem>>[vector<16xi32>], vector<16xf32>,
      %add3A_521 = arith.addf %add3A_509, %gather3A_520 : vector<16xf32>
      %get3A_522 = arith.constant 5 : i32
      %get3A_523 = arith.index_cast %get3A_522 : i32 to index
      %get3A_524 = arith.constant 48 : index
      %get3A_525 = tpu.vector_load %arg8[%get3A_523, %get3A_524] {strides = array<i32>} : memref<32x200xi32, #tpu.memory_space<vmem>>, vector<16xi32>,
      %gather3A_526 = tpu.vector_load_idx %arg7[%get3A_525] : memref<7800xf32, #tpu.memory_space<vmem>>[vector<16xi32>], vector<16xf32>,
      %add3A_527 = arith.addf %add3A_515, %gather3A_526 : vector<16xf32>
      %get3A_528 = arith.constant 5 : i32
      %get3A_529 = arith.index_cast %get3A_528 : i32 to index
      %get3A_530 = arith.constant 64 : index
      %get3A_531 = tpu.vector_load %arg8[%get3A_529, %get3A_530] {strides = array<i32>} : memref<32x200xi32, #tpu.memory_space<vmem>>, vector<16xi32>,
      %gather3A_532 = tpu.vector_load_idx %arg7[%get3A_531] : memref<7800xf32, #tpu.memory_space<vmem>>[vector<16xi32>], vector<16xf32>,
      %add3A_533 = arith.addf %add3A_521, %gather3A_532 : vector<16xf32>
      %get3A_534 = arith.constant 5 : i32
      %get3A_535 = arith.index_cast %get3A_534 : i32 to index
      %get3A_536 = arith.constant 80 : index
      %get3A_537 = tpu.vector_load %arg8[%get3A_535, %get3A_536] {strides = array<i32>} : memref<32x200xi32, #tpu.memory_space<vmem>>, vector<16xi32>,
      %gather3A_538 = tpu.vector_load_idx %arg7[%get3A_537] : memref<7800xf32, #tpu.memory_space<vmem>>[vector<16xi32>], vector<16xf32>,
      %add3A_539 = arith.addf %add3A_527, %gather3A_538 : vector<16xf32>
      %get3A_540 = arith.constant 5 : i32
      %get3A_541 = arith.index_cast %get3A_540 : i32 to index
      %get3A_542 = arith.constant 96 : index
      %get3A_543 = tpu.vector_load %arg8[%get3A_541, %get3A_542] {strides = array<i32>} : memref<32x200xi32, #tpu.memory_space<vmem>>, vector<16xi32>,
      %gather3A_544 = tpu.vector_load_idx %arg7[%get3A_543] : memref<7800xf32, #tpu.memory_space<vmem>>[vector<16xi32>], vector<16xf32>,
      %add3A_545 = arith.addf %add3A_533, %gather3A_544 : vector<16xf32>
      %get3A_546 = arith.constant 5 : i32
      %get3A_547 = arith.index_cast %get3A_546 : i32 to index
      %get3A_548 = arith.constant 112 : index
      %get3A_549 = tpu.vector_load %arg8[%get3A_547, %get3A_548] {strides = array<i32>} : memref<32x200xi32, #tpu.memory_space<vmem>>, vector<16xi32>,
      %gather3A_550 = tpu.vector_load_idx %arg7[%get3A_549] : memref<7800xf32, #tpu.memory_space<vmem>>[vector<16xi32>], vector<16xf32>,
      %add3A_551 = arith.addf %add3A_539, %gather3A_550 : vector<16xf32>
      %get3A_552 = arith.constant 5 : i32
      %get3A_553 = arith.index_cast %get3A_552 : i32 to index
      %get3A_554 = arith.constant 128 : index
      %get3A_555 = tpu.vector_load %arg8[%get3A_553, %get3A_554] {strides = array<i32>} : memref<32x200xi32, #tpu.memory_space<vmem>>, vector<16xi32>,
      %gather3A_556 = tpu.vector_load_idx %arg7[%get3A_555] : memref<7800xf32, #tpu.memory_space<vmem>>[vector<16xi32>], vector<16xf32>,
      %add3A_557 = arith.addf %add3A_545, %gather3A_556 : vector<16xf32>
      %get3A_558 = arith.constant 5 : i32
      %get3A_559 = arith.index_cast %get3A_558 : i32 to index
      %get3A_560 = arith.constant 144 : index
      %get3A_561 = tpu.vector_load %arg8[%get3A_559, %get3A_560] {strides = array<i32>} : memref<32x200xi32, #tpu.memory_space<vmem>>, vector<16xi32>,
      %gather3A_562 = tpu.vector_load_idx %arg7[%get3A_561] : memref<7800xf32, #tpu.memory_space<vmem>>[vector<16xi32>], vector<16xf32>,
      %add3A_563 = arith.addf %add3A_551, %gather3A_562 : vector<16xf32>
      %get3A_564 = arith.constant 5 : i32
      %get3A_565 = arith.index_cast %get3A_564 : i32 to index
      %get3A_566 = arith.constant 160 : index
      %get3A_567 = tpu.vector_load %arg8[%get3A_565, %get3A_566] {strides = array<i32>} : memref<32x200xi32, #tpu.memory_space<vmem>>, vector<16xi32>,
      %gather3A_568 = tpu.vector_load_idx %arg7[%get3A_567] : memref<7800xf32, #tpu.memory_space<vmem>>[vector<16xi32>], vector<16xf32>,
      %add3A_569 = arith.addf %add3A_557, %gather3A_568 : vector<16xf32>
      %get3A_570 = arith.constant 5 : i32
      %get3A_571 = arith.index_cast %get3A_570 : i32 to index
      %get3A_572 = arith.constant 176 : index
      %get3A_573 = tpu.vector_load %arg8[%get3A_571, %get3A_572] {strides = array<i32>} : memref<32x200xi32, #tpu.memory_space<vmem>>, vector<16xi32>,
      %gather3A_574 = tpu.vector_load_idx %arg7[%get3A_573] : memref<7800xf32, #tpu.memory_space<vmem>>[vector<16xi32>], vector<16xf32>,
      %add3A_575 = arith.addf %add3A_563, %gather3A_574 : vector<16xf32>
      %get3A_576 = arith.constant 5 : i32
      %get3A_577 = arith.index_cast %get3A_576 : i32 to index
      %get3A_578 = arith.constant 184 : index
      %get3A_579 = tpu.vector_load %arg8[%get3A_577, %get3A_578] {strides = array<i32>} : memref<32x200xi32, #tpu.memory_space<vmem>>, vector<16xi32>,
      %gather3A_580 = tpu.vector_load_idx %arg7[%get3A_579] : memref<7800xf32, #tpu.memory_space<vmem>>[vector<16xi32>], vector<16xf32>,
      %select_n3A_581 = arith.select %ge3A_4, %gather3A_580, %broadcast_in_dim3A_5 : vector<16xi1>, vector<16xf32>
      %add3A_582 = arith.addf %add3A_569, %select_n3A_581 : vector<16xf32>
      %add3A_583 = arith.addf %add3A_582, %add3A_575 : vector<16xf32>
      %broadcast_in_dim3A_584 = arith.constant true
      %broadcast_in_dim3A_585 = vector.broadcast %broadcast_in_dim3A_584 : i1 to vector<16xi1>
      %masked_cumsum3A_586 = tpu.scan <sum>, %add3A_583 masked %broadcast_in_dim3A_585 : vector<16xf32>, vector<16xi1> -> vector<16xf32>
      %broadcast_in_dim3A_587 = vector.broadcast %add3A_503 : i32 to vector<16xi32>
      tpu.vector_store_idx %arg11[%broadcast_in_dim3A_587], %masked_cumsum3A_586 masked %eq3A_34 : memref<512xf32, #tpu.memory_space<vmem>>[vector<16xi32>], vector<16xf32>, vector<16xi1>
      %mul3A_588 = arith.constant 16 : i32
      %mul3A_589 = arith.muli %add3A_51, %mul3A_588 : i32
      %add3A_590 = arith.constant 6 : i32
      %add3A_591 = arith.addi %mul3A_589, %add3A_590 : i32
      %get3A_592 = arith.constant 6 : i32
      %get3A_593 = arith.index_cast %get3A_592 : i32 to index
      %get3A_594 = arith.constant 0 : index
      %get3A_595 = tpu.vector_load %arg8[%get3A_593, %get3A_594] {strides = array<i32>} : memref<32x200xi32, #tpu.memory_space<vmem>>, vector<16xi32>,
      %gather3A_596 = tpu.vector_load_idx %arg7[%get3A_595] : memref<7800xf32, #tpu.memory_space<vmem>>[vector<16xi32>], vector<16xf32>,
      %add3A_597 = arith.addf %broadcast_in_dim3A_5, %gather3A_596 : vector<16xf32>
      %get3A_598 = arith.constant 6 : i32
      %get3A_599 = arith.index_cast %get3A_598 : i32 to index
      %get3A_600 = arith.constant 16 : index
      %get3A_601 = tpu.vector_load %arg8[%get3A_599, %get3A_600] {strides = array<i32>} : memref<32x200xi32, #tpu.memory_space<vmem>>, vector<16xi32>,
      %gather3A_602 = tpu.vector_load_idx %arg7[%get3A_601] : memref<7800xf32, #tpu.memory_space<vmem>>[vector<16xi32>], vector<16xf32>,
      %add3A_603 = arith.addf %broadcast_in_dim3A_5, %gather3A_602 : vector<16xf32>
      %get3A_604 = arith.constant 6 : i32
      %get3A_605 = arith.index_cast %get3A_604 : i32 to index
      %get3A_606 = arith.constant 32 : index
      %get3A_607 = tpu.vector_load %arg8[%get3A_605, %get3A_606] {strides = array<i32>} : memref<32x200xi32, #tpu.memory_space<vmem>>, vector<16xi32>,
      %gather3A_608 = tpu.vector_load_idx %arg7[%get3A_607] : memref<7800xf32, #tpu.memory_space<vmem>>[vector<16xi32>], vector<16xf32>,
      %add3A_609 = arith.addf %add3A_597, %gather3A_608 : vector<16xf32>
      %get3A_610 = arith.constant 6 : i32
      %get3A_611 = arith.index_cast %get3A_610 : i32 to index
      %get3A_612 = arith.constant 48 : index
      %get3A_613 = tpu.vector_load %arg8[%get3A_611, %get3A_612] {strides = array<i32>} : memref<32x200xi32, #tpu.memory_space<vmem>>, vector<16xi32>,
      %gather3A_614 = tpu.vector_load_idx %arg7[%get3A_613] : memref<7800xf32, #tpu.memory_space<vmem>>[vector<16xi32>], vector<16xf32>,
      %add3A_615 = arith.addf %add3A_603, %gather3A_614 : vector<16xf32>
      %get3A_616 = arith.constant 6 : i32
      %get3A_617 = arith.index_cast %get3A_616 : i32 to index
      %get3A_618 = arith.constant 64 : index
      %get3A_619 = tpu.vector_load %arg8[%get3A_617, %get3A_618] {strides = array<i32>} : memref<32x200xi32, #tpu.memory_space<vmem>>, vector<16xi32>,
      %gather3A_620 = tpu.vector_load_idx %arg7[%get3A_619] : memref<7800xf32, #tpu.memory_space<vmem>>[vector<16xi32>], vector<16xf32>,
      %add3A_621 = arith.addf %add3A_609, %gather3A_620 : vector<16xf32>
      %get3A_622 = arith.constant 6 : i32
      %get3A_623 = arith.index_cast %get3A_622 : i32 to index
      %get3A_624 = arith.constant 80 : index
      %get3A_625 = tpu.vector_load %arg8[%get3A_623, %get3A_624] {strides = array<i32>} : memref<32x200xi32, #tpu.memory_space<vmem>>, vector<16xi32>,
      %gather3A_626 = tpu.vector_load_idx %arg7[%get3A_625] : memref<7800xf32, #tpu.memory_space<vmem>>[vector<16xi32>], vector<16xf32>,
      %add3A_627 = arith.addf %add3A_615, %gather3A_626 : vector<16xf32>
      %get3A_628 = arith.constant 6 : i32
      %get3A_629 = arith.index_cast %get3A_628 : i32 to index
      %get3A_630 = arith.constant 96 : index
      %get3A_631 = tpu.vector_load %arg8[%get3A_629, %get3A_630] {strides = array<i32>} : memref<32x200xi32, #tpu.memory_space<vmem>>, vector<16xi32>,
      %gather3A_632 = tpu.vector_load_idx %arg7[%get3A_631] : memref<7800xf32, #tpu.memory_space<vmem>>[vector<16xi32>], vector<16xf32>,
      %add3A_633 = arith.addf %add3A_621, %gather3A_632 : vector<16xf32>
      %get3A_634 = arith.constant 6 : i32
      %get3A_635 = arith.index_cast %get3A_634 : i32 to index
      %get3A_636 = arith.constant 112 : index
      %get3A_637 = tpu.vector_load %arg8[%get3A_635, %get3A_636] {strides = array<i32>} : memref<32x200xi32, #tpu.memory_space<vmem>>, vector<16xi32>,
      %gather3A_638 = tpu.vector_load_idx %arg7[%get3A_637] : memref<7800xf32, #tpu.memory_space<vmem>>[vector<16xi32>], vector<16xf32>,
      %add3A_639 = arith.addf %add3A_627, %gather3A_638 : vector<16xf32>
      %get3A_640 = arith.constant 6 : i32
      %get3A_641 = arith.index_cast %get3A_640 : i32 to index
      %get3A_642 = arith.constant 128 : index
      %get3A_643 = tpu.vector_load %arg8[%get3A_641, %get3A_642] {strides = array<i32>} : memref<32x200xi32, #tpu.memory_space<vmem>>, vector<16xi32>,
      %gather3A_644 = tpu.vector_load_idx %arg7[%get3A_643] : memref<7800xf32, #tpu.memory_space<vmem>>[vector<16xi32>], vector<16xf32>,
      %add3A_645 = arith.addf %add3A_633, %gather3A_644 : vector<16xf32>
      %get3A_646 = arith.constant 6 : i32
      %get3A_647 = arith.index_cast %get3A_646 : i32 to index
      %get3A_648 = arith.constant 144 : index
      %get3A_649 = tpu.vector_load %arg8[%get3A_647, %get3A_648] {strides = array<i32>} : memref<32x200xi32, #tpu.memory_space<vmem>>, vector<16xi32>,
      %gather3A_650 = tpu.vector_load_idx %arg7[%get3A_649] : memref<7800xf32, #tpu.memory_space<vmem>>[vector<16xi32>], vector<16xf32>,
      %add3A_651 = arith.addf %add3A_639, %gather3A_650 : vector<16xf32>
      %get3A_652 = arith.constant 6 : i32
      %get3A_653 = arith.index_cast %get3A_652 : i32 to index
      %get3A_654 = arith.constant 160 : index
      %get3A_655 = tpu.vector_load %arg8[%get3A_653, %get3A_654] {strides = array<i32>} : memref<32x200xi32, #tpu.memory_space<vmem>>, vector<16xi32>,
      %gather3A_656 = tpu.vector_load_idx %arg7[%get3A_655] : memref<7800xf32, #tpu.memory_space<vmem>>[vector<16xi32>], vector<16xf32>,
      %add3A_657 = arith.addf %add3A_645, %gather3A_656 : vector<16xf32>
      %get3A_658 = arith.constant 6 : i32
      %get3A_659 = arith.index_cast %get3A_658 : i32 to index
      %get3A_660 = arith.constant 176 : index
      %get3A_661 = tpu.vector_load %arg8[%get3A_659, %get3A_660] {strides = array<i32>} : memref<32x200xi32, #tpu.memory_space<vmem>>, vector<16xi32>,
      %gather3A_662 = tpu.vector_load_idx %arg7[%get3A_661] : memref<7800xf32, #tpu.memory_space<vmem>>[vector<16xi32>], vector<16xf32>,
      %add3A_663 = arith.addf %add3A_651, %gather3A_662 : vector<16xf32>
      %get3A_664 = arith.constant 6 : i32
      %get3A_665 = arith.index_cast %get3A_664 : i32 to index
      %get3A_666 = arith.constant 184 : index
      %get3A_667 = tpu.vector_load %arg8[%get3A_665, %get3A_666] {strides = array<i32>} : memref<32x200xi32, #tpu.memory_space<vmem>>, vector<16xi32>,
      %gather3A_668 = tpu.vector_load_idx %arg7[%get3A_667] : memref<7800xf32, #tpu.memory_space<vmem>>[vector<16xi32>], vector<16xf32>,
      %select_n3A_669 = arith.select %ge3A_4, %gather3A_668, %broadcast_in_dim3A_5 : vector<16xi1>, vector<16xf32>
      %add3A_670 = arith.addf %add3A_657, %select_n3A_669 : vector<16xf32>
      %add3A_671 = arith.addf %add3A_670, %add3A_663 : vector<16xf32>
      %broadcast_in_dim3A_672 = arith.constant true
      %broadcast_in_dim3A_673 = vector.broadcast %broadcast_in_dim3A_672 : i1 to vector<16xi1>
      %masked_cumsum3A_674 = tpu.scan <sum>, %add3A_671 masked %broadcast_in_dim3A_673 : vector<16xf32>, vector<16xi1> -> vector<16xf32>
      %broadcast_in_dim3A_675 = vector.broadcast %add3A_591 : i32 to vector<16xi32>
      tpu.vector_store_idx %arg11[%broadcast_in_dim3A_675], %masked_cumsum3A_674 masked %eq3A_34 : memref<512xf32, #tpu.memory_space<vmem>>[vector<16xi32>], vector<16xf32>, vector<16xi1>
      %mul3A_676 = arith.constant 16 : i32
      %mul3A_677 = arith.muli %add3A_51, %mul3A_676 : i32
      %add3A_678 = arith.constant 7 : i32
      %add3A_679 = arith.addi %mul3A_677, %add3A_678 : i32
      %get3A_680 = arith.constant 7 : i32
      %get3A_681 = arith.index_cast %get3A_680 : i32 to index
      %get3A_682 = arith.constant 0 : index
      %get3A_683 = tpu.vector_load %arg8[%get3A_681, %get3A_682] {strides = array<i32>} : memref<32x200xi32, #tpu.memory_space<vmem>>, vector<16xi32>,
      %gather3A_684 = tpu.vector_load_idx %arg7[%get3A_683] : memref<7800xf32, #tpu.memory_space<vmem>>[vector<16xi32>], vector<16xf32>,
      %add3A_685 = arith.addf %broadcast_in_dim3A_5, %gather3A_684 : vector<16xf32>
      %get3A_686 = arith.constant 7 : i32
      %get3A_687 = arith.index_cast %get3A_686 : i32 to index
      %get3A_688 = arith.constant 16 : index
      %get3A_689 = tpu.vector_load %arg8[%get3A_687, %get3A_688] {strides = array<i32>} : memref<32x200xi32, #tpu.memory_space<vmem>>, vector<16xi32>,
      %gather3A_690 = tpu.vector_load_idx %arg7[%get3A_689] : memref<7800xf32, #tpu.memory_space<vmem>>[vector<16xi32>], vector<16xf32>,
      %add3A_691 = arith.addf %broadcast_in_dim3A_5, %gather3A_690 : vector<16xf32>
      %get3A_692 = arith.constant 7 : i32
      %get3A_693 = arith.index_cast %get3A_692 : i32 to index
      %get3A_694 = arith.constant 32 : index
      %get3A_695 = tpu.vector_load %arg8[%get3A_693, %get3A_694] {strides = array<i32>} : memref<32x200xi32, #tpu.memory_space<vmem>>, vector<16xi32>,
      %gather3A_696 = tpu.vector_load_idx %arg7[%get3A_695] : memref<7800xf32, #tpu.memory_space<vmem>>[vector<16xi32>], vector<16xf32>,
      %add3A_697 = arith.addf %add3A_685, %gather3A_696 : vector<16xf32>
      %get3A_698 = arith.constant 7 : i32
      %get3A_699 = arith.index_cast %get3A_698 : i32 to index
      %get3A_700 = arith.constant 48 : index
      %get3A_701 = tpu.vector_load %arg8[%get3A_699, %get3A_700] {strides = array<i32>} : memref<32x200xi32, #tpu.memory_space<vmem>>, vector<16xi32>,
      %gather3A_702 = tpu.vector_load_idx %arg7[%get3A_701] : memref<7800xf32, #tpu.memory_space<vmem>>[vector<16xi32>], vector<16xf32>,
      %add3A_703 = arith.addf %add3A_691, %gather3A_702 : vector<16xf32>
      %get3A_704 = arith.constant 7 : i32
      %get3A_705 = arith.index_cast %get3A_704 : i32 to index
      %get3A_706 = arith.constant 64 : index
      %get3A_707 = tpu.vector_load %arg8[%get3A_705, %get3A_706] {strides = array<i32>} : memref<32x200xi32, #tpu.memory_space<vmem>>, vector<16xi32>,
      %gather3A_708 = tpu.vector_load_idx %arg7[%get3A_707] : memref<7800xf32, #tpu.memory_space<vmem>>[vector<16xi32>], vector<16xf32>,
      %add3A_709 = arith.addf %add3A_697, %gather3A_708 : vector<16xf32>
      %get3A_710 = arith.constant 7 : i32
      %get3A_711 = arith.index_cast %get3A_710 : i32 to index
      %get3A_712 = arith.constant 80 : index
      %get3A_713 = tpu.vector_load %arg8[%get3A_711, %get3A_712] {strides = array<i32>} : memref<32x200xi32, #tpu.memory_space<vmem>>, vector<16xi32>,
      %gather3A_714 = tpu.vector_load_idx %arg7[%get3A_713] : memref<7800xf32, #tpu.memory_space<vmem>>[vector<16xi32>], vector<16xf32>,
      %add3A_715 = arith.addf %add3A_703, %gather3A_714 : vector<16xf32>
      %get3A_716 = arith.constant 7 : i32
      %get3A_717 = arith.index_cast %get3A_716 : i32 to index
      %get3A_718 = arith.constant 96 : index
      %get3A_719 = tpu.vector_load %arg8[%get3A_717, %get3A_718] {strides = array<i32>} : memref<32x200xi32, #tpu.memory_space<vmem>>, vector<16xi32>,
      %gather3A_720 = tpu.vector_load_idx %arg7[%get3A_719] : memref<7800xf32, #tpu.memory_space<vmem>>[vector<16xi32>], vector<16xf32>,
      %add3A_721 = arith.addf %add3A_709, %gather3A_720 : vector<16xf32>
      %get3A_722 = arith.constant 7 : i32
      %get3A_723 = arith.index_cast %get3A_722 : i32 to index
      %get3A_724 = arith.constant 112 : index
      %get3A_725 = tpu.vector_load %arg8[%get3A_723, %get3A_724] {strides = array<i32>} : memref<32x200xi32, #tpu.memory_space<vmem>>, vector<16xi32>,
      %gather3A_726 = tpu.vector_load_idx %arg7[%get3A_725] : memref<7800xf32, #tpu.memory_space<vmem>>[vector<16xi32>], vector<16xf32>,
      %add3A_727 = arith.addf %add3A_715, %gather3A_726 : vector<16xf32>
      %get3A_728 = arith.constant 7 : i32
      %get3A_729 = arith.index_cast %get3A_728 : i32 to index
      %get3A_730 = arith.constant 128 : index
      %get3A_731 = tpu.vector_load %arg8[%get3A_729, %get3A_730] {strides = array<i32>} : memref<32x200xi32, #tpu.memory_space<vmem>>, vector<16xi32>,
      %gather3A_732 = tpu.vector_load_idx %arg7[%get3A_731] : memref<7800xf32, #tpu.memory_space<vmem>>[vector<16xi32>], vector<16xf32>,
      %add3A_733 = arith.addf %add3A_721, %gather3A_732 : vector<16xf32>
      %get3A_734 = arith.constant 7 : i32
      %get3A_735 = arith.index_cast %get3A_734 : i32 to index
      %get3A_736 = arith.constant 144 : index
      %get3A_737 = tpu.vector_load %arg8[%get3A_735, %get3A_736] {strides = array<i32>} : memref<32x200xi32, #tpu.memory_space<vmem>>, vector<16xi32>,
      %gather3A_738 = tpu.vector_load_idx %arg7[%get3A_737] : memref<7800xf32, #tpu.memory_space<vmem>>[vector<16xi32>], vector<16xf32>,
      %add3A_739 = arith.addf %add3A_727, %gather3A_738 : vector<16xf32>
      %get3A_740 = arith.constant 7 : i32
      %get3A_741 = arith.index_cast %get3A_740 : i32 to index
      %get3A_742 = arith.constant 160 : index
      %get3A_743 = tpu.vector_load %arg8[%get3A_741, %get3A_742] {strides = array<i32>} : memref<32x200xi32, #tpu.memory_space<vmem>>, vector<16xi32>,
      %gather3A_744 = tpu.vector_load_idx %arg7[%get3A_743] : memref<7800xf32, #tpu.memory_space<vmem>>[vector<16xi32>], vector<16xf32>,
      %add3A_745 = arith.addf %add3A_733, %gather3A_744 : vector<16xf32>
      %get3A_746 = arith.constant 7 : i32
      %get3A_747 = arith.index_cast %get3A_746 : i32 to index
      %get3A_748 = arith.constant 176 : index
      %get3A_749 = tpu.vector_load %arg8[%get3A_747, %get3A_748] {strides = array<i32>} : memref<32x200xi32, #tpu.memory_space<vmem>>, vector<16xi32>,
      %gather3A_750 = tpu.vector_load_idx %arg7[%get3A_749] : memref<7800xf32, #tpu.memory_space<vmem>>[vector<16xi32>], vector<16xf32>,
      %add3A_751 = arith.addf %add3A_739, %gather3A_750 : vector<16xf32>
      %get3A_752 = arith.constant 7 : i32
      %get3A_753 = arith.index_cast %get3A_752 : i32 to index
      %get3A_754 = arith.constant 184 : index
      %get3A_755 = tpu.vector_load %arg8[%get3A_753, %get3A_754] {strides = array<i32>} : memref<32x200xi32, #tpu.memory_space<vmem>>, vector<16xi32>,
      %gather3A_756 = tpu.vector_load_idx %arg7[%get3A_755] : memref<7800xf32, #tpu.memory_space<vmem>>[vector<16xi32>], vector<16xf32>,
      %select_n3A_757 = arith.select %ge3A_4, %gather3A_756, %broadcast_in_dim3A_5 : vector<16xi1>, vector<16xf32>
      %add3A_758 = arith.addf %add3A_745, %select_n3A_757 : vector<16xf32>
      %add3A_759 = arith.addf %add3A_758, %add3A_751 : vector<16xf32>
      %broadcast_in_dim3A_760 = arith.constant true
      %broadcast_in_dim3A_761 = vector.broadcast %broadcast_in_dim3A_760 : i1 to vector<16xi1>
      %masked_cumsum3A_762 = tpu.scan <sum>, %add3A_759 masked %broadcast_in_dim3A_761 : vector<16xf32>, vector<16xi1> -> vector<16xf32>
      %broadcast_in_dim3A_763 = vector.broadcast %add3A_679 : i32 to vector<16xi32>
      tpu.vector_store_idx %arg11[%broadcast_in_dim3A_763], %masked_cumsum3A_762 masked %eq3A_34 : memref<512xf32, #tpu.memory_space<vmem>>[vector<16xi32>], vector<16xf32>, vector<16xi1>
      %mul3A_764 = arith.constant 16 : i32
      %mul3A_765 = arith.muli %add3A_51, %mul3A_764 : i32
      %add3A_766 = arith.constant 8 : i32
      %add3A_767 = arith.addi %mul3A_765, %add3A_766 : i32
      %get3A_768 = arith.constant 8 : i32
      %get3A_769 = arith.index_cast %get3A_768 : i32 to index
      %get3A_770 = arith.constant 0 : index
      %get3A_771 = tpu.vector_load %arg8[%get3A_769, %get3A_770] {strides = array<i32>} : memref<32x200xi32, #tpu.memory_space<vmem>>, vector<16xi32>,
      %gather3A_772 = tpu.vector_load_idx %arg7[%get3A_771] : memref<7800xf32, #tpu.memory_space<vmem>>[vector<16xi32>], vector<16xf32>,
      %add3A_773 = arith.addf %broadcast_in_dim3A_5, %gather3A_772 : vector<16xf32>
      %get3A_774 = arith.constant 8 : i32
      %get3A_775 = arith.index_cast %get3A_774 : i32 to index
      %get3A_776 = arith.constant 16 : index
      %get3A_777 = tpu.vector_load %arg8[%get3A_775, %get3A_776] {strides = array<i32>} : memref<32x200xi32, #tpu.memory_space<vmem>>, vector<16xi32>,
      %gather3A_778 = tpu.vector_load_idx %arg7[%get3A_777] : memref<7800xf32, #tpu.memory_space<vmem>>[vector<16xi32>], vector<16xf32>,
      %add3A_779 = arith.addf %broadcast_in_dim3A_5, %gather3A_778 : vector<16xf32>
      %get3A_780 = arith.constant 8 : i32
      %get3A_781 = arith.index_cast %get3A_780 : i32 to index
      %get3A_782 = arith.constant 32 : index
      %get3A_783 = tpu.vector_load %arg8[%get3A_781, %get3A_782] {strides = array<i32>} : memref<32x200xi32, #tpu.memory_space<vmem>>, vector<16xi32>,
      %gather3A_784 = tpu.vector_load_idx %arg7[%get3A_783] : memref<7800xf32, #tpu.memory_space<vmem>>[vector<16xi32>], vector<16xf32>,
      %add3A_785 = arith.addf %add3A_773, %gather3A_784 : vector<16xf32>
      %get3A_786 = arith.constant 8 : i32
      %get3A_787 = arith.index_cast %get3A_786 : i32 to index
      %get3A_788 = arith.constant 48 : index
      %get3A_789 = tpu.vector_load %arg8[%get3A_787, %get3A_788] {strides = array<i32>} : memref<32x200xi32, #tpu.memory_space<vmem>>, vector<16xi32>,
      %gather3A_790 = tpu.vector_load_idx %arg7[%get3A_789] : memref<7800xf32, #tpu.memory_space<vmem>>[vector<16xi32>], vector<16xf32>,
      %add3A_791 = arith.addf %add3A_779, %gather3A_790 : vector<16xf32>
      %get3A_792 = arith.constant 8 : i32
      %get3A_793 = arith.index_cast %get3A_792 : i32 to index
      %get3A_794 = arith.constant 64 : index
      %get3A_795 = tpu.vector_load %arg8[%get3A_793, %get3A_794] {strides = array<i32>} : memref<32x200xi32, #tpu.memory_space<vmem>>, vector<16xi32>,
      %gather3A_796 = tpu.vector_load_idx %arg7[%get3A_795] : memref<7800xf32, #tpu.memory_space<vmem>>[vector<16xi32>], vector<16xf32>,
      %add3A_797 = arith.addf %add3A_785, %gather3A_796 : vector<16xf32>
      %get3A_798 = arith.constant 8 : i32
      %get3A_799 = arith.index_cast %get3A_798 : i32 to index
      %get3A_800 = arith.constant 80 : index
      %get3A_801 = tpu.vector_load %arg8[%get3A_799, %get3A_800] {strides = array<i32>} : memref<32x200xi32, #tpu.memory_space<vmem>>, vector<16xi32>,
      %gather3A_802 = tpu.vector_load_idx %arg7[%get3A_801] : memref<7800xf32, #tpu.memory_space<vmem>>[vector<16xi32>], vector<16xf32>,
      %add3A_803 = arith.addf %add3A_791, %gather3A_802 : vector<16xf32>
      %get3A_804 = arith.constant 8 : i32
      %get3A_805 = arith.index_cast %get3A_804 : i32 to index
      %get3A_806 = arith.constant 96 : index
      %get3A_807 = tpu.vector_load %arg8[%get3A_805, %get3A_806] {strides = array<i32>} : memref<32x200xi32, #tpu.memory_space<vmem>>, vector<16xi32>,
      %gather3A_808 = tpu.vector_load_idx %arg7[%get3A_807] : memref<7800xf32, #tpu.memory_space<vmem>>[vector<16xi32>], vector<16xf32>,
      %add3A_809 = arith.addf %add3A_797, %gather3A_808 : vector<16xf32>
      %get3A_810 = arith.constant 8 : i32
      %get3A_811 = arith.index_cast %get3A_810 : i32 to index
      %get3A_812 = arith.constant 112 : index
      %get3A_813 = tpu.vector_load %arg8[%get3A_811, %get3A_812] {strides = array<i32>} : memref<32x200xi32, #tpu.memory_space<vmem>>, vector<16xi32>,
      %gather3A_814 = tpu.vector_load_idx %arg7[%get3A_813] : memref<7800xf32, #tpu.memory_space<vmem>>[vector<16xi32>], vector<16xf32>,
      %add3A_815 = arith.addf %add3A_803, %gather3A_814 : vector<16xf32>
      %get3A_816 = arith.constant 8 : i32
      %get3A_817 = arith.index_cast %get3A_816 : i32 to index
      %get3A_818 = arith.constant 128 : index
      %get3A_819 = tpu.vector_load %arg8[%get3A_817, %get3A_818] {strides = array<i32>} : memref<32x200xi32, #tpu.memory_space<vmem>>, vector<16xi32>,
      %gather3A_820 = tpu.vector_load_idx %arg7[%get3A_819] : memref<7800xf32, #tpu.memory_space<vmem>>[vector<16xi32>], vector<16xf32>,
      %add3A_821 = arith.addf %add3A_809, %gather3A_820 : vector<16xf32>
      %get3A_822 = arith.constant 8 : i32
      %get3A_823 = arith.index_cast %get3A_822 : i32 to index
      %get3A_824 = arith.constant 144 : index
      %get3A_825 = tpu.vector_load %arg8[%get3A_823, %get3A_824] {strides = array<i32>} : memref<32x200xi32, #tpu.memory_space<vmem>>, vector<16xi32>,
      %gather3A_826 = tpu.vector_load_idx %arg7[%get3A_825] : memref<7800xf32, #tpu.memory_space<vmem>>[vector<16xi32>], vector<16xf32>,
      %add3A_827 = arith.addf %add3A_815, %gather3A_826 : vector<16xf32>
      %get3A_828 = arith.constant 8 : i32
      %get3A_829 = arith.index_cast %get3A_828 : i32 to index
      %get3A_830 = arith.constant 160 : index
      %get3A_831 = tpu.vector_load %arg8[%get3A_829, %get3A_830] {strides = array<i32>} : memref<32x200xi32, #tpu.memory_space<vmem>>, vector<16xi32>,
      %gather3A_832 = tpu.vector_load_idx %arg7[%get3A_831] : memref<7800xf32, #tpu.memory_space<vmem>>[vector<16xi32>], vector<16xf32>,
      %add3A_833 = arith.addf %add3A_821, %gather3A_832 : vector<16xf32>
      %get3A_834 = arith.constant 8 : i32
      %get3A_835 = arith.index_cast %get3A_834 : i32 to index
      %get3A_836 = arith.constant 176 : index
      %get3A_837 = tpu.vector_load %arg8[%get3A_835, %get3A_836] {strides = array<i32>} : memref<32x200xi32, #tpu.memory_space<vmem>>, vector<16xi32>,
      %gather3A_838 = tpu.vector_load_idx %arg7[%get3A_837] : memref<7800xf32, #tpu.memory_space<vmem>>[vector<16xi32>], vector<16xf32>,
      %add3A_839 = arith.addf %add3A_827, %gather3A_838 : vector<16xf32>
      %get3A_840 = arith.constant 8 : i32
      %get3A_841 = arith.index_cast %get3A_840 : i32 to index
      %get3A_842 = arith.constant 184 : index
      %get3A_843 = tpu.vector_load %arg8[%get3A_841, %get3A_842] {strides = array<i32>} : memref<32x200xi32, #tpu.memory_space<vmem>>, vector<16xi32>,
      %gather3A_844 = tpu.vector_load_idx %arg7[%get3A_843] : memref<7800xf32, #tpu.memory_space<vmem>>[vector<16xi32>], vector<16xf32>,
      %select_n3A_845 = arith.select %ge3A_4, %gather3A_844, %broadcast_in_dim3A_5 : vector<16xi1>, vector<16xf32>
      %add3A_846 = arith.addf %add3A_833, %select_n3A_845 : vector<16xf32>
      %add3A_847 = arith.addf %add3A_846, %add3A_839 : vector<16xf32>
      %broadcast_in_dim3A_848 = arith.constant true
      %broadcast_in_dim3A_849 = vector.broadcast %broadcast_in_dim3A_848 : i1 to vector<16xi1>
      %masked_cumsum3A_850 = tpu.scan <sum>, %add3A_847 masked %broadcast_in_dim3A_849 : vector<16xf32>, vector<16xi1> -> vector<16xf32>
      %broadcast_in_dim3A_851 = vector.broadcast %add3A_767 : i32 to vector<16xi32>
      tpu.vector_store_idx %arg11[%broadcast_in_dim3A_851], %masked_cumsum3A_850 masked %eq3A_34 : memref<512xf32, #tpu.memory_space<vmem>>[vector<16xi32>], vector<16xf32>, vector<16xi1>
      %mul3A_852 = arith.constant 16 : i32
      %mul3A_853 = arith.muli %add3A_51, %mul3A_852 : i32
      %add3A_854 = arith.constant 9 : i32
      %add3A_855 = arith.addi %mul3A_853, %add3A_854 : i32
      %get3A_856 = arith.constant 9 : i32
      %get3A_857 = arith.index_cast %get3A_856 : i32 to index
      %get3A_858 = arith.constant 0 : index
      %get3A_859 = tpu.vector_load %arg8[%get3A_857, %get3A_858] {strides = array<i32>} : memref<32x200xi32, #tpu.memory_space<vmem>>, vector<16xi32>,
      %gather3A_860 = tpu.vector_load_idx %arg7[%get3A_859] : memref<7800xf32, #tpu.memory_space<vmem>>[vector<16xi32>], vector<16xf32>,
      %add3A_861 = arith.addf %broadcast_in_dim3A_5, %gather3A_860 : vector<16xf32>
      %get3A_862 = arith.constant 9 : i32
      %get3A_863 = arith.index_cast %get3A_862 : i32 to index
      %get3A_864 = arith.constant 16 : index
      %get3A_865 = tpu.vector_load %arg8[%get3A_863, %get3A_864] {strides = array<i32>} : memref<32x200xi32, #tpu.memory_space<vmem>>, vector<16xi32>,
      %gather3A_866 = tpu.vector_load_idx %arg7[%get3A_865] : memref<7800xf32, #tpu.memory_space<vmem>>[vector<16xi32>], vector<16xf32>,
      %add3A_867 = arith.addf %broadcast_in_dim3A_5, %gather3A_866 : vector<16xf32>
      %get3A_868 = arith.constant 9 : i32
      %get3A_869 = arith.index_cast %get3A_868 : i32 to index
      %get3A_870 = arith.constant 32 : index
      %get3A_871 = tpu.vector_load %arg8[%get3A_869, %get3A_870] {strides = array<i32>} : memref<32x200xi32, #tpu.memory_space<vmem>>, vector<16xi32>,
      %gather3A_872 = tpu.vector_load_idx %arg7[%get3A_871] : memref<7800xf32, #tpu.memory_space<vmem>>[vector<16xi32>], vector<16xf32>,
      %add3A_873 = arith.addf %add3A_861, %gather3A_872 : vector<16xf32>
      %get3A_874 = arith.constant 9 : i32
      %get3A_875 = arith.index_cast %get3A_874 : i32 to index
      %get3A_876 = arith.constant 48 : index
      %get3A_877 = tpu.vector_load %arg8[%get3A_875, %get3A_876] {strides = array<i32>} : memref<32x200xi32, #tpu.memory_space<vmem>>, vector<16xi32>,
      %gather3A_878 = tpu.vector_load_idx %arg7[%get3A_877] : memref<7800xf32, #tpu.memory_space<vmem>>[vector<16xi32>], vector<16xf32>,
      %add3A_879 = arith.addf %add3A_867, %gather3A_878 : vector<16xf32>
      %get3A_880 = arith.constant 9 : i32
      %get3A_881 = arith.index_cast %get3A_880 : i32 to index
      %get3A_882 = arith.constant 64 : index
      %get3A_883 = tpu.vector_load %arg8[%get3A_881, %get3A_882] {strides = array<i32>} : memref<32x200xi32, #tpu.memory_space<vmem>>, vector<16xi32>,
      %gather3A_884 = tpu.vector_load_idx %arg7[%get3A_883] : memref<7800xf32, #tpu.memory_space<vmem>>[vector<16xi32>], vector<16xf32>,
      %add3A_885 = arith.addf %add3A_873, %gather3A_884 : vector<16xf32>
      %get3A_886 = arith.constant 9 : i32
      %get3A_887 = arith.index_cast %get3A_886 : i32 to index
      %get3A_888 = arith.constant 80 : index
      %get3A_889 = tpu.vector_load %arg8[%get3A_887, %get3A_888] {strides = array<i32>} : memref<32x200xi32, #tpu.memory_space<vmem>>, vector<16xi32>,
      %gather3A_890 = tpu.vector_load_idx %arg7[%get3A_889] : memref<7800xf32, #tpu.memory_space<vmem>>[vector<16xi32>], vector<16xf32>,
      %add3A_891 = arith.addf %add3A_879, %gather3A_890 : vector<16xf32>
      %get3A_892 = arith.constant 9 : i32
      %get3A_893 = arith.index_cast %get3A_892 : i32 to index
      %get3A_894 = arith.constant 96 : index
      %get3A_895 = tpu.vector_load %arg8[%get3A_893, %get3A_894] {strides = array<i32>} : memref<32x200xi32, #tpu.memory_space<vmem>>, vector<16xi32>,
      %gather3A_896 = tpu.vector_load_idx %arg7[%get3A_895] : memref<7800xf32, #tpu.memory_space<vmem>>[vector<16xi32>], vector<16xf32>,
      %add3A_897 = arith.addf %add3A_885, %gather3A_896 : vector<16xf32>
      %get3A_898 = arith.constant 9 : i32
      %get3A_899 = arith.index_cast %get3A_898 : i32 to index
      %get3A_900 = arith.constant 112 : index
      %get3A_901 = tpu.vector_load %arg8[%get3A_899, %get3A_900] {strides = array<i32>} : memref<32x200xi32, #tpu.memory_space<vmem>>, vector<16xi32>,
      %gather3A_902 = tpu.vector_load_idx %arg7[%get3A_901] : memref<7800xf32, #tpu.memory_space<vmem>>[vector<16xi32>], vector<16xf32>,
      %add3A_903 = arith.addf %add3A_891, %gather3A_902 : vector<16xf32>
      %get3A_904 = arith.constant 9 : i32
      %get3A_905 = arith.index_cast %get3A_904 : i32 to index
      %get3A_906 = arith.constant 128 : index
      %get3A_907 = tpu.vector_load %arg8[%get3A_905, %get3A_906] {strides = array<i32>} : memref<32x200xi32, #tpu.memory_space<vmem>>, vector<16xi32>,
      %gather3A_908 = tpu.vector_load_idx %arg7[%get3A_907] : memref<7800xf32, #tpu.memory_space<vmem>>[vector<16xi32>], vector<16xf32>,
      %add3A_909 = arith.addf %add3A_897, %gather3A_908 : vector<16xf32>
      %get3A_910 = arith.constant 9 : i32
      %get3A_911 = arith.index_cast %get3A_910 : i32 to index
      %get3A_912 = arith.constant 144 : index
      %get3A_913 = tpu.vector_load %arg8[%get3A_911, %get3A_912] {strides = array<i32>} : memref<32x200xi32, #tpu.memory_space<vmem>>, vector<16xi32>,
      %gather3A_914 = tpu.vector_load_idx %arg7[%get3A_913] : memref<7800xf32, #tpu.memory_space<vmem>>[vector<16xi32>], vector<16xf32>,
      %add3A_915 = arith.addf %add3A_903, %gather3A_914 : vector<16xf32>
      %get3A_916 = arith.constant 9 : i32
      %get3A_917 = arith.index_cast %get3A_916 : i32 to index
      %get3A_918 = arith.constant 160 : index
      %get3A_919 = tpu.vector_load %arg8[%get3A_917, %get3A_918] {strides = array<i32>} : memref<32x200xi32, #tpu.memory_space<vmem>>, vector<16xi32>,
      %gather3A_920 = tpu.vector_load_idx %arg7[%get3A_919] : memref<7800xf32, #tpu.memory_space<vmem>>[vector<16xi32>], vector<16xf32>,
      %add3A_921 = arith.addf %add3A_909, %gather3A_920 : vector<16xf32>
      %get3A_922 = arith.constant 9 : i32
      %get3A_923 = arith.index_cast %get3A_922 : i32 to index
      %get3A_924 = arith.constant 176 : index
      %get3A_925 = tpu.vector_load %arg8[%get3A_923, %get3A_924] {strides = array<i32>} : memref<32x200xi32, #tpu.memory_space<vmem>>, vector<16xi32>,
      %gather3A_926 = tpu.vector_load_idx %arg7[%get3A_925] : memref<7800xf32, #tpu.memory_space<vmem>>[vector<16xi32>], vector<16xf32>,
      %add3A_927 = arith.addf %add3A_915, %gather3A_926 : vector<16xf32>
      %get3A_928 = arith.constant 9 : i32
      %get3A_929 = arith.index_cast %get3A_928 : i32 to index
      %get3A_930 = arith.constant 184 : index
      %get3A_931 = tpu.vector_load %arg8[%get3A_929, %get3A_930] {strides = array<i32>} : memref<32x200xi32, #tpu.memory_space<vmem>>, vector<16xi32>,
      %gather3A_932 = tpu.vector_load_idx %arg7[%get3A_931] : memref<7800xf32, #tpu.memory_space<vmem>>[vector<16xi32>], vector<16xf32>,
      %select_n3A_933 = arith.select %ge3A_4, %gather3A_932, %broadcast_in_dim3A_5 : vector<16xi1>, vector<16xf32>
      %add3A_934 = arith.addf %add3A_921, %select_n3A_933 : vector<16xf32>
      %add3A_935 = arith.addf %add3A_934, %add3A_927 : vector<16xf32>
      %broadcast_in_dim3A_936 = arith.constant true
      %broadcast_in_dim3A_937 = vector.broadcast %broadcast_in_dim3A_936 : i1 to vector<16xi1>
      %masked_cumsum3A_938 = tpu.scan <sum>, %add3A_935 masked %broadcast_in_dim3A_937 : vector<16xf32>, vector<16xi1> -> vector<16xf32>
      %broadcast_in_dim3A_939 = vector.broadcast %add3A_855 : i32 to vector<16xi32>
      tpu.vector_store_idx %arg11[%broadcast_in_dim3A_939], %masked_cumsum3A_938 masked %eq3A_34 : memref<512xf32, #tpu.memory_space<vmem>>[vector<16xi32>], vector<16xf32>, vector<16xi1>
      %mul3A_940 = arith.constant 16 : i32
      %mul3A_941 = arith.muli %add3A_51, %mul3A_940 : i32
      %add3A_942 = arith.constant 10 : i32
      %add3A_943 = arith.addi %mul3A_941, %add3A_942 : i32
      %get3A_944 = arith.constant 10 : i32
      %get3A_945 = arith.index_cast %get3A_944 : i32 to index
      %get3A_946 = arith.constant 0 : index
      %get3A_947 = tpu.vector_load %arg8[%get3A_945, %get3A_946] {strides = array<i32>} : memref<32x200xi32, #tpu.memory_space<vmem>>, vector<16xi32>,
      %gather3A_948 = tpu.vector_load_idx %arg7[%get3A_947] : memref<7800xf32, #tpu.memory_space<vmem>>[vector<16xi32>], vector<16xf32>,
      %add3A_949 = arith.addf %broadcast_in_dim3A_5, %gather3A_948 : vector<16xf32>
      %get3A_950 = arith.constant 10 : i32
      %get3A_951 = arith.index_cast %get3A_950 : i32 to index
      %get3A_952 = arith.constant 16 : index
      %get3A_953 = tpu.vector_load %arg8[%get3A_951, %get3A_952] {strides = array<i32>} : memref<32x200xi32, #tpu.memory_space<vmem>>, vector<16xi32>,
      %gather3A_954 = tpu.vector_load_idx %arg7[%get3A_953] : memref<7800xf32, #tpu.memory_space<vmem>>[vector<16xi32>], vector<16xf32>,
      %add3A_955 = arith.addf %broadcast_in_dim3A_5, %gather3A_954 : vector<16xf32>
      %get3A_956 = arith.constant 10 : i32
      %get3A_957 = arith.index_cast %get3A_956 : i32 to index
      %get3A_958 = arith.constant 32 : index
      %get3A_959 = tpu.vector_load %arg8[%get3A_957, %get3A_958] {strides = array<i32>} : memref<32x200xi32, #tpu.memory_space<vmem>>, vector<16xi32>,
      %gather3A_960 = tpu.vector_load_idx %arg7[%get3A_959] : memref<7800xf32, #tpu.memory_space<vmem>>[vector<16xi32>], vector<16xf32>,
      %add3A_961 = arith.addf %add3A_949, %gather3A_960 : vector<16xf32>
      %get3A_962 = arith.constant 10 : i32
      %get3A_963 = arith.index_cast %get3A_962 : i32 to index
      %get3A_964 = arith.constant 48 : index
      %get3A_965 = tpu.vector_load %arg8[%get3A_963, %get3A_964] {strides = array<i32>} : memref<32x200xi32, #tpu.memory_space<vmem>>, vector<16xi32>,
      %gather3A_966 = tpu.vector_load_idx %arg7[%get3A_965] : memref<7800xf32, #tpu.memory_space<vmem>>[vector<16xi32>], vector<16xf32>,
      %add3A_967 = arith.addf %add3A_955, %gather3A_966 : vector<16xf32>
      %get3A_968 = arith.constant 10 : i32
      %get3A_969 = arith.index_cast %get3A_968 : i32 to index
      %get3A_970 = arith.constant 64 : index
      %get3A_971 = tpu.vector_load %arg8[%get3A_969, %get3A_970] {strides = array<i32>} : memref<32x200xi32, #tpu.memory_space<vmem>>, vector<16xi32>,
      %gather3A_972 = tpu.vector_load_idx %arg7[%get3A_971] : memref<7800xf32, #tpu.memory_space<vmem>>[vector<16xi32>], vector<16xf32>,
      %add3A_973 = arith.addf %add3A_961, %gather3A_972 : vector<16xf32>
      %get3A_974 = arith.constant 10 : i32
      %get3A_975 = arith.index_cast %get3A_974 : i32 to index
      %get3A_976 = arith.constant 80 : index
      %get3A_977 = tpu.vector_load %arg8[%get3A_975, %get3A_976] {strides = array<i32>} : memref<32x200xi32, #tpu.memory_space<vmem>>, vector<16xi32>,
      %gather3A_978 = tpu.vector_load_idx %arg7[%get3A_977] : memref<7800xf32, #tpu.memory_space<vmem>>[vector<16xi32>], vector<16xf32>,
      %add3A_979 = arith.addf %add3A_967, %gather3A_978 : vector<16xf32>
      %get3A_980 = arith.constant 10 : i32
      %get3A_981 = arith.index_cast %get3A_980 : i32 to index
      %get3A_982 = arith.constant 96 : index
      %get3A_983 = tpu.vector_load %arg8[%get3A_981, %get3A_982] {strides = array<i32>} : memref<32x200xi32, #tpu.memory_space<vmem>>, vector<16xi32>,
      %gather3A_984 = tpu.vector_load_idx %arg7[%get3A_983] : memref<7800xf32, #tpu.memory_space<vmem>>[vector<16xi32>], vector<16xf32>,
      %add3A_985 = arith.addf %add3A_973, %gather3A_984 : vector<16xf32>
      %get3A_986 = arith.constant 10 : i32
      %get3A_987 = arith.index_cast %get3A_986 : i32 to index
      %get3A_988 = arith.constant 112 : index
      %get3A_989 = tpu.vector_load %arg8[%get3A_987, %get3A_988] {strides = array<i32>} : memref<32x200xi32, #tpu.memory_space<vmem>>, vector<16xi32>,
      %gather3A_990 = tpu.vector_load_idx %arg7[%get3A_989] : memref<7800xf32, #tpu.memory_space<vmem>>[vector<16xi32>], vector<16xf32>,
      %add3A_991 = arith.addf %add3A_979, %gather3A_990 : vector<16xf32>
      %get3A_992 = arith.constant 10 : i32
      %get3A_993 = arith.index_cast %get3A_992 : i32 to index
      %get3A_994 = arith.constant 128 : index
      %get3A_995 = tpu.vector_load %arg8[%get3A_993, %get3A_994] {strides = array<i32>} : memref<32x200xi32, #tpu.memory_space<vmem>>, vector<16xi32>,
      %gather3A_996 = tpu.vector_load_idx %arg7[%get3A_995] : memref<7800xf32, #tpu.memory_space<vmem>>[vector<16xi32>], vector<16xf32>,
      %add3A_997 = arith.addf %add3A_985, %gather3A_996 : vector<16xf32>
      %get3A_998 = arith.constant 10 : i32
      %get3A_999 = arith.index_cast %get3A_998 : i32 to index
      %get3A_1000 = arith.constant 144 : index
      %get3A_1001 = tpu.vector_load %arg8[%get3A_999, %get3A_1000] {strides = array<i32>} : memref<32x200xi32, #tpu.memory_space<vmem>>, vector<16xi32>,
      %gather3A_1002 = tpu.vector_load_idx %arg7[%get3A_1001] : memref<7800xf32, #tpu.memory_space<vmem>>[vector<16xi32>], vector<16xf32>,
      %add3A_1003 = arith.addf %add3A_991, %gather3A_1002 : vector<16xf32>
      %get3A_1004 = arith.constant 10 : i32
      %get3A_1005 = arith.index_cast %get3A_1004 : i32 to index
      %get3A_1006 = arith.constant 160 : index
      %get3A_1007 = tpu.vector_load %arg8[%get3A_1005, %get3A_1006] {strides = array<i32>} : memref<32x200xi32, #tpu.memory_space<vmem>>, vector<16xi32>,
      %gather3A_1008 = tpu.vector_load_idx %arg7[%get3A_1007] : memref<7800xf32, #tpu.memory_space<vmem>>[vector<16xi32>], vector<16xf32>,
      %add3A_1009 = arith.addf %add3A_997, %gather3A_1008 : vector<16xf32>
      %get3A_1010 = arith.constant 10 : i32
      %get3A_1011 = arith.index_cast %get3A_1010 : i32 to index
      %get3A_1012 = arith.constant 176 : index
      %get3A_1013 = tpu.vector_load %arg8[%get3A_1011, %get3A_1012] {strides = array<i32>} : memref<32x200xi32, #tpu.memory_space<vmem>>, vector<16xi32>,
      %gather3A_1014 = tpu.vector_load_idx %arg7[%get3A_1013] : memref<7800xf32, #tpu.memory_space<vmem>>[vector<16xi32>], vector<16xf32>,
      %add3A_1015 = arith.addf %add3A_1003, %gather3A_1014 : vector<16xf32>
      %get3A_1016 = arith.constant 10 : i32
      %get3A_1017 = arith.index_cast %get3A_1016 : i32 to index
      %get3A_1018 = arith.constant 184 : index
      %get3A_1019 = tpu.vector_load %arg8[%get3A_1017, %get3A_1018] {strides = array<i32>} : memref<32x200xi32, #tpu.memory_space<vmem>>, vector<16xi32>,
      %gather3A_1020 = tpu.vector_load_idx %arg7[%get3A_1019] : memref<7800xf32, #tpu.memory_space<vmem>>[vector<16xi32>], vector<16xf32>,
      %select_n3A_1021 = arith.select %ge3A_4, %gather3A_1020, %broadcast_in_dim3A_5 : vector<16xi1>, vector<16xf32>
      %add3A_1022 = arith.addf %add3A_1009, %select_n3A_1021 : vector<16xf32>
      %add3A_1023 = arith.addf %add3A_1022, %add3A_1015 : vector<16xf32>
      %broadcast_in_dim3A_1024 = arith.constant true
      %broadcast_in_dim3A_1025 = vector.broadcast %broadcast_in_dim3A_1024 : i1 to vector<16xi1>
      %masked_cumsum3A_1026 = tpu.scan <sum>, %add3A_1023 masked %broadcast_in_dim3A_1025 : vector<16xf32>, vector<16xi1> -> vector<16xf32>
      %broadcast_in_dim3A_1027 = vector.broadcast %add3A_943 : i32 to vector<16xi32>
      tpu.vector_store_idx %arg11[%broadcast_in_dim3A_1027], %masked_cumsum3A_1026 masked %eq3A_34 : memref<512xf32, #tpu.memory_space<vmem>>[vector<16xi32>], vector<16xf32>, vector<16xi1>
      %mul3A_1028 = arith.constant 16 : i32
      %mul3A_1029 = arith.muli %add3A_51, %mul3A_1028 : i32
      %add3A_1030 = arith.constant 11 : i32
      %add3A_1031 = arith.addi %mul3A_1029, %add3A_1030 : i32
      %get3A_1032 = arith.constant 11 : i32
      %get3A_1033 = arith.index_cast %get3A_1032 : i32 to index
      %get3A_1034 = arith.constant 0 : index
      %get3A_1035 = tpu.vector_load %arg8[%get3A_1033, %get3A_1034] {strides = array<i32>} : memref<32x200xi32, #tpu.memory_space<vmem>>, vector<16xi32>,
      %gather3A_1036 = tpu.vector_load_idx %arg7[%get3A_1035] : memref<7800xf32, #tpu.memory_space<vmem>>[vector<16xi32>], vector<16xf32>,
      %add3A_1037 = arith.addf %broadcast_in_dim3A_5, %gather3A_1036 : vector<16xf32>
      %get3A_1038 = arith.constant 11 : i32
      %get3A_1039 = arith.index_cast %get3A_1038 : i32 to index
      %get3A_1040 = arith.constant 16 : index
      %get3A_1041 = tpu.vector_load %arg8[%get3A_1039, %get3A_1040] {strides = array<i32>} : memref<32x200xi32, #tpu.memory_space<vmem>>, vector<16xi32>,
      %gather3A_1042 = tpu.vector_load_idx %arg7[%get3A_1041] : memref<7800xf32, #tpu.memory_space<vmem>>[vector<16xi32>], vector<16xf32>,
      %add3A_1043 = arith.addf %broadcast_in_dim3A_5, %gather3A_1042 : vector<16xf32>
      %get3A_1044 = arith.constant 11 : i32
      %get3A_1045 = arith.index_cast %get3A_1044 : i32 to index
      %get3A_1046 = arith.constant 32 : index
      %get3A_1047 = tpu.vector_load %arg8[%get3A_1045, %get3A_1046] {strides = array<i32>} : memref<32x200xi32, #tpu.memory_space<vmem>>, vector<16xi32>,
      %gather3A_1048 = tpu.vector_load_idx %arg7[%get3A_1047] : memref<7800xf32, #tpu.memory_space<vmem>>[vector<16xi32>], vector<16xf32>,
      %add3A_1049 = arith.addf %add3A_1037, %gather3A_1048 : vector<16xf32>
      %get3A_1050 = arith.constant 11 : i32
      %get3A_1051 = arith.index_cast %get3A_1050 : i32 to index
      %get3A_1052 = arith.constant 48 : index
      %get3A_1053 = tpu.vector_load %arg8[%get3A_1051, %get3A_1052] {strides = array<i32>} : memref<32x200xi32, #tpu.memory_space<vmem>>, vector<16xi32>,
      %gather3A_1054 = tpu.vector_load_idx %arg7[%get3A_1053] : memref<7800xf32, #tpu.memory_space<vmem>>[vector<16xi32>], vector<16xf32>,
      %add3A_1055 = arith.addf %add3A_1043, %gather3A_1054 : vector<16xf32>
      %get3A_1056 = arith.constant 11 : i32
      %get3A_1057 = arith.index_cast %get3A_1056 : i32 to index
      %get3A_1058 = arith.constant 64 : index
      %get3A_1059 = tpu.vector_load %arg8[%get3A_1057, %get3A_1058] {strides = array<i32>} : memref<32x200xi32, #tpu.memory_space<vmem>>, vector<16xi32>,
      %gather3A_1060 = tpu.vector_load_idx %arg7[%get3A_1059] : memref<7800xf32, #tpu.memory_space<vmem>>[vector<16xi32>], vector<16xf32>,
      %add3A_1061 = arith.addf %add3A_1049, %gather3A_1060 : vector<16xf32>
      %get3A_1062 = arith.constant 11 : i32
      %get3A_1063 = arith.index_cast %get3A_1062 : i32 to index
      %get3A_1064 = arith.constant 80 : index
      %get3A_1065 = tpu.vector_load %arg8[%get3A_1063, %get3A_1064] {strides = array<i32>} : memref<32x200xi32, #tpu.memory_space<vmem>>, vector<16xi32>,
      %gather3A_1066 = tpu.vector_load_idx %arg7[%get3A_1065] : memref<7800xf32, #tpu.memory_space<vmem>>[vector<16xi32>], vector<16xf32>,
      %add3A_1067 = arith.addf %add3A_1055, %gather3A_1066 : vector<16xf32>
      %get3A_1068 = arith.constant 11 : i32
      %get3A_1069 = arith.index_cast %get3A_1068 : i32 to index
      %get3A_1070 = arith.constant 96 : index
      %get3A_1071 = tpu.vector_load %arg8[%get3A_1069, %get3A_1070] {strides = array<i32>} : memref<32x200xi32, #tpu.memory_space<vmem>>, vector<16xi32>,
      %gather3A_1072 = tpu.vector_load_idx %arg7[%get3A_1071] : memref<7800xf32, #tpu.memory_space<vmem>>[vector<16xi32>], vector<16xf32>,
      %add3A_1073 = arith.addf %add3A_1061, %gather3A_1072 : vector<16xf32>
      %get3A_1074 = arith.constant 11 : i32
      %get3A_1075 = arith.index_cast %get3A_1074 : i32 to index
      %get3A_1076 = arith.constant 112 : index
      %get3A_1077 = tpu.vector_load %arg8[%get3A_1075, %get3A_1076] {strides = array<i32>} : memref<32x200xi32, #tpu.memory_space<vmem>>, vector<16xi32>,
      %gather3A_1078 = tpu.vector_load_idx %arg7[%get3A_1077] : memref<7800xf32, #tpu.memory_space<vmem>>[vector<16xi32>], vector<16xf32>,
      %add3A_1079 = arith.addf %add3A_1067, %gather3A_1078 : vector<16xf32>
      %get3A_1080 = arith.constant 11 : i32
      %get3A_1081 = arith.index_cast %get3A_1080 : i32 to index
      %get3A_1082 = arith.constant 128 : index
      %get3A_1083 = tpu.vector_load %arg8[%get3A_1081, %get3A_1082] {strides = array<i32>} : memref<32x200xi32, #tpu.memory_space<vmem>>, vector<16xi32>,
      %gather3A_1084 = tpu.vector_load_idx %arg7[%get3A_1083] : memref<7800xf32, #tpu.memory_space<vmem>>[vector<16xi32>], vector<16xf32>,
      %add3A_1085 = arith.addf %add3A_1073, %gather3A_1084 : vector<16xf32>
      %get3A_1086 = arith.constant 11 : i32
      %get3A_1087 = arith.index_cast %get3A_1086 : i32 to index
      %get3A_1088 = arith.constant 144 : index
      %get3A_1089 = tpu.vector_load %arg8[%get3A_1087, %get3A_1088] {strides = array<i32>} : memref<32x200xi32, #tpu.memory_space<vmem>>, vector<16xi32>,
      %gather3A_1090 = tpu.vector_load_idx %arg7[%get3A_1089] : memref<7800xf32, #tpu.memory_space<vmem>>[vector<16xi32>], vector<16xf32>,
      %add3A_1091 = arith.addf %add3A_1079, %gather3A_1090 : vector<16xf32>
      %get3A_1092 = arith.constant 11 : i32
      %get3A_1093 = arith.index_cast %get3A_1092 : i32 to index
      %get3A_1094 = arith.constant 160 : index
      %get3A_1095 = tpu.vector_load %arg8[%get3A_1093, %get3A_1094] {strides = array<i32>} : memref<32x200xi32, #tpu.memory_space<vmem>>, vector<16xi32>,
      %gather3A_1096 = tpu.vector_load_idx %arg7[%get3A_1095] : memref<7800xf32, #tpu.memory_space<vmem>>[vector<16xi32>], vector<16xf32>,
      %add3A_1097 = arith.addf %add3A_1085, %gather3A_1096 : vector<16xf32>
      %get3A_1098 = arith.constant 11 : i32
      %get3A_1099 = arith.index_cast %get3A_1098 : i32 to index
      %get3A_1100 = arith.constant 176 : index
      %get3A_1101 = tpu.vector_load %arg8[%get3A_1099, %get3A_1100] {strides = array<i32>} : memref<32x200xi32, #tpu.memory_space<vmem>>, vector<16xi32>,
      %gather3A_1102 = tpu.vector_load_idx %arg7[%get3A_1101] : memref<7800xf32, #tpu.memory_space<vmem>>[vector<16xi32>], vector<16xf32>,
      %add3A_1103 = arith.addf %add3A_1091, %gather3A_1102 : vector<16xf32>
      %get3A_1104 = arith.constant 11 : i32
      %get3A_1105 = arith.index_cast %get3A_1104 : i32 to index
      %get3A_1106 = arith.constant 184 : index
      %get3A_1107 = tpu.vector_load %arg8[%get3A_1105, %get3A_1106] {strides = array<i32>} : memref<32x200xi32, #tpu.memory_space<vmem>>, vector<16xi32>,
      %gather3A_1108 = tpu.vector_load_idx %arg7[%get3A_1107] : memref<7800xf32, #tpu.memory_space<vmem>>[vector<16xi32>], vector<16xf32>,
      %select_n3A_1109 = arith.select %ge3A_4, %gather3A_1108, %broadcast_in_dim3A_5 : vector<16xi1>, vector<16xf32>
      %add3A_1110 = arith.addf %add3A_1097, %select_n3A_1109 : vector<16xf32>
      %add3A_1111 = arith.addf %add3A_1110, %add3A_1103 : vector<16xf32>
      %broadcast_in_dim3A_1112 = arith.constant true
      %broadcast_in_dim3A_1113 = vector.broadcast %broadcast_in_dim3A_1112 : i1 to vector<16xi1>
      %masked_cumsum3A_1114 = tpu.scan <sum>, %add3A_1111 masked %broadcast_in_dim3A_1113 : vector<16xf32>, vector<16xi1> -> vector<16xf32>
      %broadcast_in_dim3A_1115 = vector.broadcast %add3A_1031 : i32 to vector<16xi32>
      tpu.vector_store_idx %arg11[%broadcast_in_dim3A_1115], %masked_cumsum3A_1114 masked %eq3A_34 : memref<512xf32, #tpu.memory_space<vmem>>[vector<16xi32>], vector<16xf32>, vector<16xi1>
      %mul3A_1116 = arith.constant 16 : i32
      %mul3A_1117 = arith.muli %add3A_51, %mul3A_1116 : i32
      %add3A_1118 = arith.constant 12 : i32
      %add3A_1119 = arith.addi %mul3A_1117, %add3A_1118 : i32
      %get3A_1120 = arith.constant 12 : i32
      %get3A_1121 = arith.index_cast %get3A_1120 : i32 to index
      %get3A_1122 = arith.constant 0 : index
      %get3A_1123 = tpu.vector_load %arg8[%get3A_1121, %get3A_1122] {strides = array<i32>} : memref<32x200xi32, #tpu.memory_space<vmem>>, vector<16xi32>,
      %gather3A_1124 = tpu.vector_load_idx %arg7[%get3A_1123] : memref<7800xf32, #tpu.memory_space<vmem>>[vector<16xi32>], vector<16xf32>,
      %add3A_1125 = arith.addf %broadcast_in_dim3A_5, %gather3A_1124 : vector<16xf32>
      %get3A_1126 = arith.constant 12 : i32
      %get3A_1127 = arith.index_cast %get3A_1126 : i32 to index
      %get3A_1128 = arith.constant 16 : index
      %get3A_1129 = tpu.vector_load %arg8[%get3A_1127, %get3A_1128] {strides = array<i32>} : memref<32x200xi32, #tpu.memory_space<vmem>>, vector<16xi32>,
      %gather3A_1130 = tpu.vector_load_idx %arg7[%get3A_1129] : memref<7800xf32, #tpu.memory_space<vmem>>[vector<16xi32>], vector<16xf32>,
      %add3A_1131 = arith.addf %broadcast_in_dim3A_5, %gather3A_1130 : vector<16xf32>
      %get3A_1132 = arith.constant 12 : i32
      %get3A_1133 = arith.index_cast %get3A_1132 : i32 to index
      %get3A_1134 = arith.constant 32 : index
      %get3A_1135 = tpu.vector_load %arg8[%get3A_1133, %get3A_1134] {strides = array<i32>} : memref<32x200xi32, #tpu.memory_space<vmem>>, vector<16xi32>,
      %gather3A_1136 = tpu.vector_load_idx %arg7[%get3A_1135] : memref<7800xf32, #tpu.memory_space<vmem>>[vector<16xi32>], vector<16xf32>,
      %add3A_1137 = arith.addf %add3A_1125, %gather3A_1136 : vector<16xf32>
      %get3A_1138 = arith.constant 12 : i32
      %get3A_1139 = arith.index_cast %get3A_1138 : i32 to index
      %get3A_1140 = arith.constant 48 : index
      %get3A_1141 = tpu.vector_load %arg8[%get3A_1139, %get3A_1140] {strides = array<i32>} : memref<32x200xi32, #tpu.memory_space<vmem>>, vector<16xi32>,
      %gather3A_1142 = tpu.vector_load_idx %arg7[%get3A_1141] : memref<7800xf32, #tpu.memory_space<vmem>>[vector<16xi32>], vector<16xf32>,
      %add3A_1143 = arith.addf %add3A_1131, %gather3A_1142 : vector<16xf32>
      %get3A_1144 = arith.constant 12 : i32
      %get3A_1145 = arith.index_cast %get3A_1144 : i32 to index
      %get3A_1146 = arith.constant 64 : index
      %get3A_1147 = tpu.vector_load %arg8[%get3A_1145, %get3A_1146] {strides = array<i32>} : memref<32x200xi32, #tpu.memory_space<vmem>>, vector<16xi32>,
      %gather3A_1148 = tpu.vector_load_idx %arg7[%get3A_1147] : memref<7800xf32, #tpu.memory_space<vmem>>[vector<16xi32>], vector<16xf32>,
      %add3A_1149 = arith.addf %add3A_1137, %gather3A_1148 : vector<16xf32>
      %get3A_1150 = arith.constant 12 : i32
      %get3A_1151 = arith.index_cast %get3A_1150 : i32 to index
      %get3A_1152 = arith.constant 80 : index
      %get3A_1153 = tpu.vector_load %arg8[%get3A_1151, %get3A_1152] {strides = array<i32>} : memref<32x200xi32, #tpu.memory_space<vmem>>, vector<16xi32>,
      %gather3A_1154 = tpu.vector_load_idx %arg7[%get3A_1153] : memref<7800xf32, #tpu.memory_space<vmem>>[vector<16xi32>], vector<16xf32>,
      %add3A_1155 = arith.addf %add3A_1143, %gather3A_1154 : vector<16xf32>
      %get3A_1156 = arith.constant 12 : i32
      %get3A_1157 = arith.index_cast %get3A_1156 : i32 to index
      %get3A_1158 = arith.constant 96 : index
      %get3A_1159 = tpu.vector_load %arg8[%get3A_1157, %get3A_1158] {strides = array<i32>} : memref<32x200xi32, #tpu.memory_space<vmem>>, vector<16xi32>,
      %gather3A_1160 = tpu.vector_load_idx %arg7[%get3A_1159] : memref<7800xf32, #tpu.memory_space<vmem>>[vector<16xi32>], vector<16xf32>,
      %add3A_1161 = arith.addf %add3A_1149, %gather3A_1160 : vector<16xf32>
      %get3A_1162 = arith.constant 12 : i32
      %get3A_1163 = arith.index_cast %get3A_1162 : i32 to index
      %get3A_1164 = arith.constant 112 : index
      %get3A_1165 = tpu.vector_load %arg8[%get3A_1163, %get3A_1164] {strides = array<i32>} : memref<32x200xi32, #tpu.memory_space<vmem>>, vector<16xi32>,
      %gather3A_1166 = tpu.vector_load_idx %arg7[%get3A_1165] : memref<7800xf32, #tpu.memory_space<vmem>>[vector<16xi32>], vector<16xf32>,
      %add3A_1167 = arith.addf %add3A_1155, %gather3A_1166 : vector<16xf32>
      %get3A_1168 = arith.constant 12 : i32
      %get3A_1169 = arith.index_cast %get3A_1168 : i32 to index
      %get3A_1170 = arith.constant 128 : index
      %get3A_1171 = tpu.vector_load %arg8[%get3A_1169, %get3A_1170] {strides = array<i32>} : memref<32x200xi32, #tpu.memory_space<vmem>>, vector<16xi32>,
      %gather3A_1172 = tpu.vector_load_idx %arg7[%get3A_1171] : memref<7800xf32, #tpu.memory_space<vmem>>[vector<16xi32>], vector<16xf32>,
      %add3A_1173 = arith.addf %add3A_1161, %gather3A_1172 : vector<16xf32>
      %get3A_1174 = arith.constant 12 : i32
      %get3A_1175 = arith.index_cast %get3A_1174 : i32 to index
      %get3A_1176 = arith.constant 144 : index
      %get3A_1177 = tpu.vector_load %arg8[%get3A_1175, %get3A_1176] {strides = array<i32>} : memref<32x200xi32, #tpu.memory_space<vmem>>, vector<16xi32>,
      %gather3A_1178 = tpu.vector_load_idx %arg7[%get3A_1177] : memref<7800xf32, #tpu.memory_space<vmem>>[vector<16xi32>], vector<16xf32>,
      %add3A_1179 = arith.addf %add3A_1167, %gather3A_1178 : vector<16xf32>
      %get3A_1180 = arith.constant 12 : i32
      %get3A_1181 = arith.index_cast %get3A_1180 : i32 to index
      %get3A_1182 = arith.constant 160 : index
      %get3A_1183 = tpu.vector_load %arg8[%get3A_1181, %get3A_1182] {strides = array<i32>} : memref<32x200xi32, #tpu.memory_space<vmem>>, vector<16xi32>,
      %gather3A_1184 = tpu.vector_load_idx %arg7[%get3A_1183] : memref<7800xf32, #tpu.memory_space<vmem>>[vector<16xi32>], vector<16xf32>,
      %add3A_1185 = arith.addf %add3A_1173, %gather3A_1184 : vector<16xf32>
      %get3A_1186 = arith.constant 12 : i32
      %get3A_1187 = arith.index_cast %get3A_1186 : i32 to index
      %get3A_1188 = arith.constant 176 : index
      %get3A_1189 = tpu.vector_load %arg8[%get3A_1187, %get3A_1188] {strides = array<i32>} : memref<32x200xi32, #tpu.memory_space<vmem>>, vector<16xi32>,
      %gather3A_1190 = tpu.vector_load_idx %arg7[%get3A_1189] : memref<7800xf32, #tpu.memory_space<vmem>>[vector<16xi32>], vector<16xf32>,
      %add3A_1191 = arith.addf %add3A_1179, %gather3A_1190 : vector<16xf32>
      %get3A_1192 = arith.constant 12 : i32
      %get3A_1193 = arith.index_cast %get3A_1192 : i32 to index
      %get3A_1194 = arith.constant 184 : index
      %get3A_1195 = tpu.vector_load %arg8[%get3A_1193, %get3A_1194] {strides = array<i32>} : memref<32x200xi32, #tpu.memory_space<vmem>>, vector<16xi32>,
      %gather3A_1196 = tpu.vector_load_idx %arg7[%get3A_1195] : memref<7800xf32, #tpu.memory_space<vmem>>[vector<16xi32>], vector<16xf32>,
      %select_n3A_1197 = arith.select %ge3A_4, %gather3A_1196, %broadcast_in_dim3A_5 : vector<16xi1>, vector<16xf32>
      %add3A_1198 = arith.addf %add3A_1185, %select_n3A_1197 : vector<16xf32>
      %add3A_1199 = arith.addf %add3A_1198, %add3A_1191 : vector<16xf32>
      %broadcast_in_dim3A_1200 = arith.constant true
      %broadcast_in_dim3A_1201 = vector.broadcast %broadcast_in_dim3A_1200 : i1 to vector<16xi1>
      %masked_cumsum3A_1202 = tpu.scan <sum>, %add3A_1199 masked %broadcast_in_dim3A_1201 : vector<16xf32>, vector<16xi1> -> vector<16xf32>
      %broadcast_in_dim3A_1203 = vector.broadcast %add3A_1119 : i32 to vector<16xi32>
      tpu.vector_store_idx %arg11[%broadcast_in_dim3A_1203], %masked_cumsum3A_1202 masked %eq3A_34 : memref<512xf32, #tpu.memory_space<vmem>>[vector<16xi32>], vector<16xf32>, vector<16xi1>
      %mul3A_1204 = arith.constant 16 : i32
      %mul3A_1205 = arith.muli %add3A_51, %mul3A_1204 : i32
      %add3A_1206 = arith.constant 13 : i32
      %add3A_1207 = arith.addi %mul3A_1205, %add3A_1206 : i32
      %get3A_1208 = arith.constant 13 : i32
      %get3A_1209 = arith.index_cast %get3A_1208 : i32 to index
      %get3A_1210 = arith.constant 0 : index
      %get3A_1211 = tpu.vector_load %arg8[%get3A_1209, %get3A_1210] {strides = array<i32>} : memref<32x200xi32, #tpu.memory_space<vmem>>, vector<16xi32>,
      %gather3A_1212 = tpu.vector_load_idx %arg7[%get3A_1211] : memref<7800xf32, #tpu.memory_space<vmem>>[vector<16xi32>], vector<16xf32>,
      %add3A_1213 = arith.addf %broadcast_in_dim3A_5, %gather3A_1212 : vector<16xf32>
      %get3A_1214 = arith.constant 13 : i32
      %get3A_1215 = arith.index_cast %get3A_1214 : i32 to index
      %get3A_1216 = arith.constant 16 : index
      %get3A_1217 = tpu.vector_load %arg8[%get3A_1215, %get3A_1216] {strides = array<i32>} : memref<32x200xi32, #tpu.memory_space<vmem>>, vector<16xi32>,
      %gather3A_1218 = tpu.vector_load_idx %arg7[%get3A_1217] : memref<7800xf32, #tpu.memory_space<vmem>>[vector<16xi32>], vector<16xf32>,
      %add3A_1219 = arith.addf %broadcast_in_dim3A_5, %gather3A_1218 : vector<16xf32>
      %get3A_1220 = arith.constant 13 : i32
      %get3A_1221 = arith.index_cast %get3A_1220 : i32 to index
      %get3A_1222 = arith.constant 32 : index
      %get3A_1223 = tpu.vector_load %arg8[%get3A_1221, %get3A_1222] {strides = array<i32>} : memref<32x200xi32, #tpu.memory_space<vmem>>, vector<16xi32>,
      %gather3A_1224 = tpu.vector_load_idx %arg7[%get3A_1223] : memref<7800xf32, #tpu.memory_space<vmem>>[vector<16xi32>], vector<16xf32>,
      %add3A_1225 = arith.addf %add3A_1213, %gather3A_1224 : vector<16xf32>
      %get3A_1226 = arith.constant 13 : i32
      %get3A_1227 = arith.index_cast %get3A_1226 : i32 to index
      %get3A_1228 = arith.constant 48 : index
      %get3A_1229 = tpu.vector_load %arg8[%get3A_1227, %get3A_1228] {strides = array<i32>} : memref<32x200xi32, #tpu.memory_space<vmem>>, vector<16xi32>,
      %gather3A_1230 = tpu.vector_load_idx %arg7[%get3A_1229] : memref<7800xf32, #tpu.memory_space<vmem>>[vector<16xi32>], vector<16xf32>,
      %add3A_1231 = arith.addf %add3A_1219, %gather3A_1230 : vector<16xf32>
      %get3A_1232 = arith.constant 13 : i32
      %get3A_1233 = arith.index_cast %get3A_1232 : i32 to index
      %get3A_1234 = arith.constant 64 : index
      %get3A_1235 = tpu.vector_load %arg8[%get3A_1233, %get3A_1234] {strides = array<i32>} : memref<32x200xi32, #tpu.memory_space<vmem>>, vector<16xi32>,
      %gather3A_1236 = tpu.vector_load_idx %arg7[%get3A_1235] : memref<7800xf32, #tpu.memory_space<vmem>>[vector<16xi32>], vector<16xf32>,
      %add3A_1237 = arith.addf %add3A_1225, %gather3A_1236 : vector<16xf32>
      %get3A_1238 = arith.constant 13 : i32
      %get3A_1239 = arith.index_cast %get3A_1238 : i32 to index
      %get3A_1240 = arith.constant 80 : index
      %get3A_1241 = tpu.vector_load %arg8[%get3A_1239, %get3A_1240] {strides = array<i32>} : memref<32x200xi32, #tpu.memory_space<vmem>>, vector<16xi32>,
      %gather3A_1242 = tpu.vector_load_idx %arg7[%get3A_1241] : memref<7800xf32, #tpu.memory_space<vmem>>[vector<16xi32>], vector<16xf32>,
      %add3A_1243 = arith.addf %add3A_1231, %gather3A_1242 : vector<16xf32>
      %get3A_1244 = arith.constant 13 : i32
      %get3A_1245 = arith.index_cast %get3A_1244 : i32 to index
      %get3A_1246 = arith.constant 96 : index
      %get3A_1247 = tpu.vector_load %arg8[%get3A_1245, %get3A_1246] {strides = array<i32>} : memref<32x200xi32, #tpu.memory_space<vmem>>, vector<16xi32>,
      %gather3A_1248 = tpu.vector_load_idx %arg7[%get3A_1247] : memref<7800xf32, #tpu.memory_space<vmem>>[vector<16xi32>], vector<16xf32>,
      %add3A_1249 = arith.addf %add3A_1237, %gather3A_1248 : vector<16xf32>
      %get3A_1250 = arith.constant 13 : i32
      %get3A_1251 = arith.index_cast %get3A_1250 : i32 to index
      %get3A_1252 = arith.constant 112 : index
      %get3A_1253 = tpu.vector_load %arg8[%get3A_1251, %get3A_1252] {strides = array<i32>} : memref<32x200xi32, #tpu.memory_space<vmem>>, vector<16xi32>,
      %gather3A_1254 = tpu.vector_load_idx %arg7[%get3A_1253] : memref<7800xf32, #tpu.memory_space<vmem>>[vector<16xi32>], vector<16xf32>,
      %add3A_1255 = arith.addf %add3A_1243, %gather3A_1254 : vector<16xf32>
      %get3A_1256 = arith.constant 13 : i32
      %get3A_1257 = arith.index_cast %get3A_1256 : i32 to index
      %get3A_1258 = arith.constant 128 : index
      %get3A_1259 = tpu.vector_load %arg8[%get3A_1257, %get3A_1258] {strides = array<i32>} : memref<32x200xi32, #tpu.memory_space<vmem>>, vector<16xi32>,
      %gather3A_1260 = tpu.vector_load_idx %arg7[%get3A_1259] : memref<7800xf32, #tpu.memory_space<vmem>>[vector<16xi32>], vector<16xf32>,
      %add3A_1261 = arith.addf %add3A_1249, %gather3A_1260 : vector<16xf32>
      %get3A_1262 = arith.constant 13 : i32
      %get3A_1263 = arith.index_cast %get3A_1262 : i32 to index
      %get3A_1264 = arith.constant 144 : index
      %get3A_1265 = tpu.vector_load %arg8[%get3A_1263, %get3A_1264] {strides = array<i32>} : memref<32x200xi32, #tpu.memory_space<vmem>>, vector<16xi32>,
      %gather3A_1266 = tpu.vector_load_idx %arg7[%get3A_1265] : memref<7800xf32, #tpu.memory_space<vmem>>[vector<16xi32>], vector<16xf32>,
      %add3A_1267 = arith.addf %add3A_1255, %gather3A_1266 : vector<16xf32>
      %get3A_1268 = arith.constant 13 : i32
      %get3A_1269 = arith.index_cast %get3A_1268 : i32 to index
      %get3A_1270 = arith.constant 160 : index
      %get3A_1271 = tpu.vector_load %arg8[%get3A_1269, %get3A_1270] {strides = array<i32>} : memref<32x200xi32, #tpu.memory_space<vmem>>, vector<16xi32>,
      %gather3A_1272 = tpu.vector_load_idx %arg7[%get3A_1271] : memref<7800xf32, #tpu.memory_space<vmem>>[vector<16xi32>], vector<16xf32>,
      %add3A_1273 = arith.addf %add3A_1261, %gather3A_1272 : vector<16xf32>
      %get3A_1274 = arith.constant 13 : i32
      %get3A_1275 = arith.index_cast %get3A_1274 : i32 to index
      %get3A_1276 = arith.constant 176 : index
      %get3A_1277 = tpu.vector_load %arg8[%get3A_1275, %get3A_1276] {strides = array<i32>} : memref<32x200xi32, #tpu.memory_space<vmem>>, vector<16xi32>,
      %gather3A_1278 = tpu.vector_load_idx %arg7[%get3A_1277] : memref<7800xf32, #tpu.memory_space<vmem>>[vector<16xi32>], vector<16xf32>,
      %add3A_1279 = arith.addf %add3A_1267, %gather3A_1278 : vector<16xf32>
      %get3A_1280 = arith.constant 13 : i32
      %get3A_1281 = arith.index_cast %get3A_1280 : i32 to index
      %get3A_1282 = arith.constant 184 : index
      %get3A_1283 = tpu.vector_load %arg8[%get3A_1281, %get3A_1282] {strides = array<i32>} : memref<32x200xi32, #tpu.memory_space<vmem>>, vector<16xi32>,
      %gather3A_1284 = tpu.vector_load_idx %arg7[%get3A_1283] : memref<7800xf32, #tpu.memory_space<vmem>>[vector<16xi32>], vector<16xf32>,
      %select_n3A_1285 = arith.select %ge3A_4, %gather3A_1284, %broadcast_in_dim3A_5 : vector<16xi1>, vector<16xf32>
      %add3A_1286 = arith.addf %add3A_1273, %select_n3A_1285 : vector<16xf32>
      %add3A_1287 = arith.addf %add3A_1286, %add3A_1279 : vector<16xf32>
      %broadcast_in_dim3A_1288 = arith.constant true
      %broadcast_in_dim3A_1289 = vector.broadcast %broadcast_in_dim3A_1288 : i1 to vector<16xi1>
      %masked_cumsum3A_1290 = tpu.scan <sum>, %add3A_1287 masked %broadcast_in_dim3A_1289 : vector<16xf32>, vector<16xi1> -> vector<16xf32>
      %broadcast_in_dim3A_1291 = vector.broadcast %add3A_1207 : i32 to vector<16xi32>
      tpu.vector_store_idx %arg11[%broadcast_in_dim3A_1291], %masked_cumsum3A_1290 masked %eq3A_34 : memref<512xf32, #tpu.memory_space<vmem>>[vector<16xi32>], vector<16xf32>, vector<16xi1>
      %mul3A_1292 = arith.constant 16 : i32
      %mul3A_1293 = arith.muli %add3A_51, %mul3A_1292 : i32
      %add3A_1294 = arith.constant 14 : i32
      %add3A_1295 = arith.addi %mul3A_1293, %add3A_1294 : i32
      %get3A_1296 = arith.constant 14 : i32
      %get3A_1297 = arith.index_cast %get3A_1296 : i32 to index
      %get3A_1298 = arith.constant 0 : index
      %get3A_1299 = tpu.vector_load %arg8[%get3A_1297, %get3A_1298] {strides = array<i32>} : memref<32x200xi32, #tpu.memory_space<vmem>>, vector<16xi32>,
      %gather3A_1300 = tpu.vector_load_idx %arg7[%get3A_1299] : memref<7800xf32, #tpu.memory_space<vmem>>[vector<16xi32>], vector<16xf32>,
      %add3A_1301 = arith.addf %broadcast_in_dim3A_5, %gather3A_1300 : vector<16xf32>
      %get3A_1302 = arith.constant 14 : i32
      %get3A_1303 = arith.index_cast %get3A_1302 : i32 to index
      %get3A_1304 = arith.constant 16 : index
      %get3A_1305 = tpu.vector_load %arg8[%get3A_1303, %get3A_1304] {strides = array<i32>} : memref<32x200xi32, #tpu.memory_space<vmem>>, vector<16xi32>,
      %gather3A_1306 = tpu.vector_load_idx %arg7[%get3A_1305] : memref<7800xf32, #tpu.memory_space<vmem>>[vector<16xi32>], vector<16xf32>,
      %add3A_1307 = arith.addf %broadcast_in_dim3A_5, %gather3A_1306 : vector<16xf32>
      %get3A_1308 = arith.constant 14 : i32
      %get3A_1309 = arith.index_cast %get3A_1308 : i32 to index
      %get3A_1310 = arith.constant 32 : index
      %get3A_1311 = tpu.vector_load %arg8[%get3A_1309, %get3A_1310] {strides = array<i32>} : memref<32x200xi32, #tpu.memory_space<vmem>>, vector<16xi32>,
      %gather3A_1312 = tpu.vector_load_idx %arg7[%get3A_1311] : memref<7800xf32, #tpu.memory_space<vmem>>[vector<16xi32>], vector<16xf32>,
      %add3A_1313 = arith.addf %add3A_1301, %gather3A_1312 : vector<16xf32>
      %get3A_1314 = arith.constant 14 : i32
      %get3A_1315 = arith.index_cast %get3A_1314 : i32 to index
      %get3A_1316 = arith.constant 48 : index
      %get3A_1317 = tpu.vector_load %arg8[%get3A_1315, %get3A_1316] {strides = array<i32>} : memref<32x200xi32, #tpu.memory_space<vmem>>, vector<16xi32>,
      %gather3A_1318 = tpu.vector_load_idx %arg7[%get3A_1317] : memref<7800xf32, #tpu.memory_space<vmem>>[vector<16xi32>], vector<16xf32>,
      %add3A_1319 = arith.addf %add3A_1307, %gather3A_1318 : vector<16xf32>
      %get3A_1320 = arith.constant 14 : i32
      %get3A_1321 = arith.index_cast %get3A_1320 : i32 to index
      %get3A_1322 = arith.constant 64 : index
      %get3A_1323 = tpu.vector_load %arg8[%get3A_1321, %get3A_1322] {strides = array<i32>} : memref<32x200xi32, #tpu.memory_space<vmem>>, vector<16xi32>,
      %gather3A_1324 = tpu.vector_load_idx %arg7[%get3A_1323] : memref<7800xf32, #tpu.memory_space<vmem>>[vector<16xi32>], vector<16xf32>,
      %add3A_1325 = arith.addf %add3A_1313, %gather3A_1324 : vector<16xf32>
      %get3A_1326 = arith.constant 14 : i32
      %get3A_1327 = arith.index_cast %get3A_1326 : i32 to index
      %get3A_1328 = arith.constant 80 : index
      %get3A_1329 = tpu.vector_load %arg8[%get3A_1327, %get3A_1328] {strides = array<i32>} : memref<32x200xi32, #tpu.memory_space<vmem>>, vector<16xi32>,
      %gather3A_1330 = tpu.vector_load_idx %arg7[%get3A_1329] : memref<7800xf32, #tpu.memory_space<vmem>>[vector<16xi32>], vector<16xf32>,
      %add3A_1331 = arith.addf %add3A_1319, %gather3A_1330 : vector<16xf32>
      %get3A_1332 = arith.constant 14 : i32
      %get3A_1333 = arith.index_cast %get3A_1332 : i32 to index
      %get3A_1334 = arith.constant 96 : index
      %get3A_1335 = tpu.vector_load %arg8[%get3A_1333, %get3A_1334] {strides = array<i32>} : memref<32x200xi32, #tpu.memory_space<vmem>>, vector<16xi32>,
      %gather3A_1336 = tpu.vector_load_idx %arg7[%get3A_1335] : memref<7800xf32, #tpu.memory_space<vmem>>[vector<16xi32>], vector<16xf32>,
      %add3A_1337 = arith.addf %add3A_1325, %gather3A_1336 : vector<16xf32>
      %get3A_1338 = arith.constant 14 : i32
      %get3A_1339 = arith.index_cast %get3A_1338 : i32 to index
      %get3A_1340 = arith.constant 112 : index
      %get3A_1341 = tpu.vector_load %arg8[%get3A_1339, %get3A_1340] {strides = array<i32>} : memref<32x200xi32, #tpu.memory_space<vmem>>, vector<16xi32>,
      %gather3A_1342 = tpu.vector_load_idx %arg7[%get3A_1341] : memref<7800xf32, #tpu.memory_space<vmem>>[vector<16xi32>], vector<16xf32>,
      %add3A_1343 = arith.addf %add3A_1331, %gather3A_1342 : vector<16xf32>
      %get3A_1344 = arith.constant 14 : i32
      %get3A_1345 = arith.index_cast %get3A_1344 : i32 to index
      %get3A_1346 = arith.constant 128 : index
      %get3A_1347 = tpu.vector_load %arg8[%get3A_1345, %get3A_1346] {strides = array<i32>} : memref<32x200xi32, #tpu.memory_space<vmem>>, vector<16xi32>,
      %gather3A_1348 = tpu.vector_load_idx %arg7[%get3A_1347] : memref<7800xf32, #tpu.memory_space<vmem>>[vector<16xi32>], vector<16xf32>,
      %add3A_1349 = arith.addf %add3A_1337, %gather3A_1348 : vector<16xf32>
      %get3A_1350 = arith.constant 14 : i32
      %get3A_1351 = arith.index_cast %get3A_1350 : i32 to index
      %get3A_1352 = arith.constant 144 : index
      %get3A_1353 = tpu.vector_load %arg8[%get3A_1351, %get3A_1352] {strides = array<i32>} : memref<32x200xi32, #tpu.memory_space<vmem>>, vector<16xi32>,
      %gather3A_1354 = tpu.vector_load_idx %arg7[%get3A_1353] : memref<7800xf32, #tpu.memory_space<vmem>>[vector<16xi32>], vector<16xf32>,
      %add3A_1355 = arith.addf %add3A_1343, %gather3A_1354 : vector<16xf32>
      %get3A_1356 = arith.constant 14 : i32
      %get3A_1357 = arith.index_cast %get3A_1356 : i32 to index
      %get3A_1358 = arith.constant 160 : index
      %get3A_1359 = tpu.vector_load %arg8[%get3A_1357, %get3A_1358] {strides = array<i32>} : memref<32x200xi32, #tpu.memory_space<vmem>>, vector<16xi32>,
      %gather3A_1360 = tpu.vector_load_idx %arg7[%get3A_1359] : memref<7800xf32, #tpu.memory_space<vmem>>[vector<16xi32>], vector<16xf32>,
      %add3A_1361 = arith.addf %add3A_1349, %gather3A_1360 : vector<16xf32>
      %get3A_1362 = arith.constant 14 : i32
      %get3A_1363 = arith.index_cast %get3A_1362 : i32 to index
      %get3A_1364 = arith.constant 176 : index
      %get3A_1365 = tpu.vector_load %arg8[%get3A_1363, %get3A_1364] {strides = array<i32>} : memref<32x200xi32, #tpu.memory_space<vmem>>, vector<16xi32>,
      %gather3A_1366 = tpu.vector_load_idx %arg7[%get3A_1365] : memref<7800xf32, #tpu.memory_space<vmem>>[vector<16xi32>], vector<16xf32>,
      %add3A_1367 = arith.addf %add3A_1355, %gather3A_1366 : vector<16xf32>
      %get3A_1368 = arith.constant 14 : i32
      %get3A_1369 = arith.index_cast %get3A_1368 : i32 to index
      %get3A_1370 = arith.constant 184 : index
      %get3A_1371 = tpu.vector_load %arg8[%get3A_1369, %get3A_1370] {strides = array<i32>} : memref<32x200xi32, #tpu.memory_space<vmem>>, vector<16xi32>,
      %gather3A_1372 = tpu.vector_load_idx %arg7[%get3A_1371] : memref<7800xf32, #tpu.memory_space<vmem>>[vector<16xi32>], vector<16xf32>,
      %select_n3A_1373 = arith.select %ge3A_4, %gather3A_1372, %broadcast_in_dim3A_5 : vector<16xi1>, vector<16xf32>
      %add3A_1374 = arith.addf %add3A_1361, %select_n3A_1373 : vector<16xf32>
      %add3A_1375 = arith.addf %add3A_1374, %add3A_1367 : vector<16xf32>
      %broadcast_in_dim3A_1376 = arith.constant true
      %broadcast_in_dim3A_1377 = vector.broadcast %broadcast_in_dim3A_1376 : i1 to vector<16xi1>
      %masked_cumsum3A_1378 = tpu.scan <sum>, %add3A_1375 masked %broadcast_in_dim3A_1377 : vector<16xf32>, vector<16xi1> -> vector<16xf32>
      %broadcast_in_dim3A_1379 = vector.broadcast %add3A_1295 : i32 to vector<16xi32>
      tpu.vector_store_idx %arg11[%broadcast_in_dim3A_1379], %masked_cumsum3A_1378 masked %eq3A_34 : memref<512xf32, #tpu.memory_space<vmem>>[vector<16xi32>], vector<16xf32>, vector<16xi1>
      %mul3A_1380 = arith.constant 16 : i32
      %mul3A_1381 = arith.muli %add3A_51, %mul3A_1380 : i32
      %add3A_1382 = arith.constant 15 : i32
      %add3A_1383 = arith.addi %mul3A_1381, %add3A_1382 : i32
      %get3A_1384 = arith.constant 15 : i32
      %get3A_1385 = arith.index_cast %get3A_1384 : i32 to index
      %get3A_1386 = arith.constant 0 : index
      %get3A_1387 = tpu.vector_load %arg8[%get3A_1385, %get3A_1386] {strides = array<i32>} : memref<32x200xi32, #tpu.memory_space<vmem>>, vector<16xi32>,
      %gather3A_1388 = tpu.vector_load_idx %arg7[%get3A_1387] : memref<7800xf32, #tpu.memory_space<vmem>>[vector<16xi32>], vector<16xf32>,
      %add3A_1389 = arith.addf %broadcast_in_dim3A_5, %gather3A_1388 : vector<16xf32>
      %get3A_1390 = arith.constant 15 : i32
      %get3A_1391 = arith.index_cast %get3A_1390 : i32 to index
      %get3A_1392 = arith.constant 16 : index
      %get3A_1393 = tpu.vector_load %arg8[%get3A_1391, %get3A_1392] {strides = array<i32>} : memref<32x200xi32, #tpu.memory_space<vmem>>, vector<16xi32>,
      %gather3A_1394 = tpu.vector_load_idx %arg7[%get3A_1393] : memref<7800xf32, #tpu.memory_space<vmem>>[vector<16xi32>], vector<16xf32>,
      %add3A_1395 = arith.addf %broadcast_in_dim3A_5, %gather3A_1394 : vector<16xf32>
      %get3A_1396 = arith.constant 15 : i32
      %get3A_1397 = arith.index_cast %get3A_1396 : i32 to index
      %get3A_1398 = arith.constant 32 : index
      %get3A_1399 = tpu.vector_load %arg8[%get3A_1397, %get3A_1398] {strides = array<i32>} : memref<32x200xi32, #tpu.memory_space<vmem>>, vector<16xi32>,
      %gather3A_1400 = tpu.vector_load_idx %arg7[%get3A_1399] : memref<7800xf32, #tpu.memory_space<vmem>>[vector<16xi32>], vector<16xf32>,
      %add3A_1401 = arith.addf %add3A_1389, %gather3A_1400 : vector<16xf32>
      %get3A_1402 = arith.constant 15 : i32
      %get3A_1403 = arith.index_cast %get3A_1402 : i32 to index
      %get3A_1404 = arith.constant 48 : index
      %get3A_1405 = tpu.vector_load %arg8[%get3A_1403, %get3A_1404] {strides = array<i32>} : memref<32x200xi32, #tpu.memory_space<vmem>>, vector<16xi32>,
      %gather3A_1406 = tpu.vector_load_idx %arg7[%get3A_1405] : memref<7800xf32, #tpu.memory_space<vmem>>[vector<16xi32>], vector<16xf32>,
      %add3A_1407 = arith.addf %add3A_1395, %gather3A_1406 : vector<16xf32>
      %get3A_1408 = arith.constant 15 : i32
      %get3A_1409 = arith.index_cast %get3A_1408 : i32 to index
      %get3A_1410 = arith.constant 64 : index
      %get3A_1411 = tpu.vector_load %arg8[%get3A_1409, %get3A_1410] {strides = array<i32>} : memref<32x200xi32, #tpu.memory_space<vmem>>, vector<16xi32>,
      %gather3A_1412 = tpu.vector_load_idx %arg7[%get3A_1411] : memref<7800xf32, #tpu.memory_space<vmem>>[vector<16xi32>], vector<16xf32>,
      %add3A_1413 = arith.addf %add3A_1401, %gather3A_1412 : vector<16xf32>
      %get3A_1414 = arith.constant 15 : i32
      %get3A_1415 = arith.index_cast %get3A_1414 : i32 to index
      %get3A_1416 = arith.constant 80 : index
      %get3A_1417 = tpu.vector_load %arg8[%get3A_1415, %get3A_1416] {strides = array<i32>} : memref<32x200xi32, #tpu.memory_space<vmem>>, vector<16xi32>,
      %gather3A_1418 = tpu.vector_load_idx %arg7[%get3A_1417] : memref<7800xf32, #tpu.memory_space<vmem>>[vector<16xi32>], vector<16xf32>,
      %add3A_1419 = arith.addf %add3A_1407, %gather3A_1418 : vector<16xf32>
      %get3A_1420 = arith.constant 15 : i32
      %get3A_1421 = arith.index_cast %get3A_1420 : i32 to index
      %get3A_1422 = arith.constant 96 : index
      %get3A_1423 = tpu.vector_load %arg8[%get3A_1421, %get3A_1422] {strides = array<i32>} : memref<32x200xi32, #tpu.memory_space<vmem>>, vector<16xi32>,
      %gather3A_1424 = tpu.vector_load_idx %arg7[%get3A_1423] : memref<7800xf32, #tpu.memory_space<vmem>>[vector<16xi32>], vector<16xf32>,
      %add3A_1425 = arith.addf %add3A_1413, %gather3A_1424 : vector<16xf32>
      %get3A_1426 = arith.constant 15 : i32
      %get3A_1427 = arith.index_cast %get3A_1426 : i32 to index
      %get3A_1428 = arith.constant 112 : index
      %get3A_1429 = tpu.vector_load %arg8[%get3A_1427, %get3A_1428] {strides = array<i32>} : memref<32x200xi32, #tpu.memory_space<vmem>>, vector<16xi32>,
      %gather3A_1430 = tpu.vector_load_idx %arg7[%get3A_1429] : memref<7800xf32, #tpu.memory_space<vmem>>[vector<16xi32>], vector<16xf32>,
      %add3A_1431 = arith.addf %add3A_1419, %gather3A_1430 : vector<16xf32>
      %get3A_1432 = arith.constant 15 : i32
      %get3A_1433 = arith.index_cast %get3A_1432 : i32 to index
      %get3A_1434 = arith.constant 128 : index
      %get3A_1435 = tpu.vector_load %arg8[%get3A_1433, %get3A_1434] {strides = array<i32>} : memref<32x200xi32, #tpu.memory_space<vmem>>, vector<16xi32>,
      %gather3A_1436 = tpu.vector_load_idx %arg7[%get3A_1435] : memref<7800xf32, #tpu.memory_space<vmem>>[vector<16xi32>], vector<16xf32>,
      %add3A_1437 = arith.addf %add3A_1425, %gather3A_1436 : vector<16xf32>
      %get3A_1438 = arith.constant 15 : i32
      %get3A_1439 = arith.index_cast %get3A_1438 : i32 to index
      %get3A_1440 = arith.constant 144 : index
      %get3A_1441 = tpu.vector_load %arg8[%get3A_1439, %get3A_1440] {strides = array<i32>} : memref<32x200xi32, #tpu.memory_space<vmem>>, vector<16xi32>,
      %gather3A_1442 = tpu.vector_load_idx %arg7[%get3A_1441] : memref<7800xf32, #tpu.memory_space<vmem>>[vector<16xi32>], vector<16xf32>,
      %add3A_1443 = arith.addf %add3A_1431, %gather3A_1442 : vector<16xf32>
      %get3A_1444 = arith.constant 15 : i32
      %get3A_1445 = arith.index_cast %get3A_1444 : i32 to index
      %get3A_1446 = arith.constant 160 : index
      %get3A_1447 = tpu.vector_load %arg8[%get3A_1445, %get3A_1446] {strides = array<i32>} : memref<32x200xi32, #tpu.memory_space<vmem>>, vector<16xi32>,
      %gather3A_1448 = tpu.vector_load_idx %arg7[%get3A_1447] : memref<7800xf32, #tpu.memory_space<vmem>>[vector<16xi32>], vector<16xf32>,
      %add3A_1449 = arith.addf %add3A_1437, %gather3A_1448 : vector<16xf32>
      %get3A_1450 = arith.constant 15 : i32
      %get3A_1451 = arith.index_cast %get3A_1450 : i32 to index
      %get3A_1452 = arith.constant 176 : index
      %get3A_1453 = tpu.vector_load %arg8[%get3A_1451, %get3A_1452] {strides = array<i32>} : memref<32x200xi32, #tpu.memory_space<vmem>>, vector<16xi32>,
      %gather3A_1454 = tpu.vector_load_idx %arg7[%get3A_1453] : memref<7800xf32, #tpu.memory_space<vmem>>[vector<16xi32>], vector<16xf32>,
      %add3A_1455 = arith.addf %add3A_1443, %gather3A_1454 : vector<16xf32>
      %get3A_1456 = arith.constant 15 : i32
      %get3A_1457 = arith.index_cast %get3A_1456 : i32 to index
      %get3A_1458 = arith.constant 184 : index
      %get3A_1459 = tpu.vector_load %arg8[%get3A_1457, %get3A_1458] {strides = array<i32>} : memref<32x200xi32, #tpu.memory_space<vmem>>, vector<16xi32>,
      %gather3A_1460 = tpu.vector_load_idx %arg7[%get3A_1459] : memref<7800xf32, #tpu.memory_space<vmem>>[vector<16xi32>], vector<16xf32>,
      %select_n3A_1461 = arith.select %ge3A_4, %gather3A_1460, %broadcast_in_dim3A_5 : vector<16xi1>, vector<16xf32>
      %add3A_1462 = arith.addf %add3A_1449, %select_n3A_1461 : vector<16xf32>
      %add3A_1463 = arith.addf %add3A_1462, %add3A_1455 : vector<16xf32>
      %broadcast_in_dim3A_1464 = arith.constant true
      %broadcast_in_dim3A_1465 = vector.broadcast %broadcast_in_dim3A_1464 : i1 to vector<16xi1>
      %masked_cumsum3A_1466 = tpu.scan <sum>, %add3A_1463 masked %broadcast_in_dim3A_1465 : vector<16xf32>, vector<16xi1> -> vector<16xf32>
      %broadcast_in_dim3A_1467 = vector.broadcast %add3A_1383 : i32 to vector<16xi32>
      tpu.vector_store_idx %arg11[%broadcast_in_dim3A_1467], %masked_cumsum3A_1466 masked %eq3A_34 : memref<512xf32, #tpu.memory_space<vmem>>[vector<16xi32>], vector<16xf32>, vector<16xi1>
      %add3A_1468 = arith.constant 2 : i32
      %add3A_1469 = arith.addi %add3A_51, %add3A_1468 : i32
      %lt3A = arith.constant 32 : i32
      %lt3A_1470 = arith.cmpi slt, %add3A_1469, %lt3A : i32
      %convert_element_type3A = arith.extui %lt3A_1470 : i1 to i32
      %cond3A = arith.constant 0 : i32
      %cond3A_1471 = arith.cmpi ne, %convert_element_type3A, %cond3A : i32
      scf.if %cond3A_1471 {
        %add3A_2903 = arith.constant 2 : i32
        %add3A_2904 = arith.addi %add3A_51, %add3A_2903 : i32
        %mul3A_2905 = arith.constant 16 : i32
        %mul3A_2906 = arith.muli %add3A_2904, %mul3A_2905 : i32
        %add3A_2907 = arith.addi %mul3A_2, %mul3A_2906 : i32
        %dma_start3A_2908 = arith.constant 0 : i32
        %dma_start3A_2909 = arith.constant 0 : i32
        %dma_start3A_2910 = tpu.memref_slice %arg8[%dma_start3A_2908, %dma_start3A_2909] : memref<32x200xi32, #tpu.memory_space<vmem>> -> memref<16x200xi32, #tpu.memory_space<vmem>>
        %dma_start3A_2911 = arith.constant 0 : i32
        %dma_start3A_2912 = tpu.memref_slice %arg2[%add3A_2907, %dma_start3A_2911] : memref<16384x200xi32, #tpu.memory_space<hbm>> -> memref<16x200xi32, #tpu.memory_space<hbm>>
        %dma_start3A_2913 = arith.constant 0 : i32
        %dma_start3A_2914 = arith.constant 0 : i32
        %dma_start3A_2915 = tpu.memref_slice %arg8[%dma_start3A_2913, %dma_start3A_2914] : memref<32x200xi32, #tpu.memory_space<vmem>> -> memref<16x200xi32, #tpu.memory_space<vmem>>
        %dma_start3A_2916 = arith.constant 0 : i32
        %dma_start3A_2917 = tpu.memref_slice %arg2[%add3A_2907, %dma_start3A_2916] : memref<16384x200xi32, #tpu.memory_space<hbm>> -> memref<16x200xi32, #tpu.memory_space<hbm>>
        tpu.enqueue_dma source(%dma_start3A_2917 : memref<16x200xi32, #tpu.memory_space<hbm>>) target(%dma_start3A_2915 : memref<16x200xi32, #tpu.memory_space<vmem>>) target_semaphore(%arg12 : memref<!tpu.dma_semaphore, #tpu.memory_space<semaphore_mem>>)
      } else {
      }
      %mul3A_1472 = arith.constant 2 : i32
      %mul3A_1473 = arith.muli %mul3A_1472, %scan3A_47 : i32
      %add3A_1474 = arith.constant 1 : i32
      %add3A_1475 = arith.addi %mul3A_1473, %add3A_1474 : i32
      %dma_wait3A_1476 = arith.constant 16 : i32
      %dma_wait3A_1477 = arith.constant 0 : i32
      %dma_wait3A_1478 = tpu.memref_slice %arg8[%dma_wait3A_1476, %dma_wait3A_1477] : memref<32x200xi32, #tpu.memory_space<vmem>> -> memref<16x200xi32, #tpu.memory_space<vmem>>
      %dma_wait3A_1479 = arith.constant 0 : i32
      %dma_wait3A_1480 = arith.constant 0 : i32
      %dma_wait3A_1481 = tpu.memref_slice %arg2[%dma_wait3A_1479, %dma_wait3A_1480] : memref<16384x200xi32, #tpu.memory_space<hbm>> -> memref<16x200xi32, #tpu.memory_space<hbm>>
      %dma_wait3A_1482 = arith.constant 16 : i32
      %dma_wait3A_1483 = arith.constant 0 : i32
      %dma_wait3A_1484 = tpu.memref_slice %arg8[%dma_wait3A_1482, %dma_wait3A_1483] : memref<32x200xi32, #tpu.memory_space<vmem>> -> memref<16x200xi32, #tpu.memory_space<vmem>>
      %dma_wait3A_1485 = arith.constant 0 : i32
      %dma_wait3A_1486 = arith.constant 0 : i32
      %dma_wait3A_1487 = tpu.memref_slice %arg2[%dma_wait3A_1485, %dma_wait3A_1486] : memref<16384x200xi32, #tpu.memory_space<hbm>> -> memref<16x200xi32, #tpu.memory_space<hbm>>
      tpu.wait_dma2 semaphore(%arg13 : memref<!tpu.dma_semaphore, #tpu.memory_space<semaphore_mem>>) src(%dma_wait3A_1487 : memref<16x200xi32, #tpu.memory_space<hbm>>) dst(%dma_wait3A_1484 : memref<16x200xi32, #tpu.memory_space<vmem>>)
      %mul3A_1488 = arith.constant 16 : i32
      %mul3A_1489 = arith.muli %add3A_1475, %mul3A_1488 : i32
      %add3A_1490 = arith.constant 0 : i32
      %add3A_1491 = arith.addi %mul3A_1489, %add3A_1490 : i32
      %get3A_1492 = arith.constant 16 : i32
      %get3A_1493 = arith.index_cast %get3A_1492 : i32 to index
      %get3A_1494 = arith.constant 0 : index
      %get3A_1495 = tpu.vector_load %arg8[%get3A_1493, %get3A_1494] {strides = array<i32>} : memref<32x200xi32, #tpu.memory_space<vmem>>, vector<16xi32>,
      %gather3A_1496 = tpu.vector_load_idx %arg7[%get3A_1495] : memref<7800xf32, #tpu.memory_space<vmem>>[vector<16xi32>], vector<16xf32>,
      %add3A_1497 = arith.addf %broadcast_in_dim3A_5, %gather3A_1496 : vector<16xf32>
      %get3A_1498 = arith.constant 16 : i32
      %get3A_1499 = arith.index_cast %get3A_1498 : i32 to index
      %get3A_1500 = arith.constant 16 : index
      %get3A_1501 = tpu.vector_load %arg8[%get3A_1499, %get3A_1500] {strides = array<i32>} : memref<32x200xi32, #tpu.memory_space<vmem>>, vector<16xi32>,
      %gather3A_1502 = tpu.vector_load_idx %arg7[%get3A_1501] : memref<7800xf32, #tpu.memory_space<vmem>>[vector<16xi32>], vector<16xf32>,
      %add3A_1503 = arith.addf %broadcast_in_dim3A_5, %gather3A_1502 : vector<16xf32>
      %get3A_1504 = arith.constant 16 : i32
      %get3A_1505 = arith.index_cast %get3A_1504 : i32 to index
      %get3A_1506 = arith.constant 32 : index
      %get3A_1507 = tpu.vector_load %arg8[%get3A_1505, %get3A_1506] {strides = array<i32>} : memref<32x200xi32, #tpu.memory_space<vmem>>, vector<16xi32>,
      %gather3A_1508 = tpu.vector_load_idx %arg7[%get3A_1507] : memref<7800xf32, #tpu.memory_space<vmem>>[vector<16xi32>], vector<16xf32>,
      %add3A_1509 = arith.addf %add3A_1497, %gather3A_1508 : vector<16xf32>
      %get3A_1510 = arith.constant 16 : i32
      %get3A_1511 = arith.index_cast %get3A_1510 : i32 to index
      %get3A_1512 = arith.constant 48 : index
      %get3A_1513 = tpu.vector_load %arg8[%get3A_1511, %get3A_1512] {strides = array<i32>} : memref<32x200xi32, #tpu.memory_space<vmem>>, vector<16xi32>,
      %gather3A_1514 = tpu.vector_load_idx %arg7[%get3A_1513] : memref<7800xf32, #tpu.memory_space<vmem>>[vector<16xi32>], vector<16xf32>,
      %add3A_1515 = arith.addf %add3A_1503, %gather3A_1514 : vector<16xf32>
      %get3A_1516 = arith.constant 16 : i32
      %get3A_1517 = arith.index_cast %get3A_1516 : i32 to index
      %get3A_1518 = arith.constant 64 : index
      %get3A_1519 = tpu.vector_load %arg8[%get3A_1517, %get3A_1518] {strides = array<i32>} : memref<32x200xi32, #tpu.memory_space<vmem>>, vector<16xi32>,
      %gather3A_1520 = tpu.vector_load_idx %arg7[%get3A_1519] : memref<7800xf32, #tpu.memory_space<vmem>>[vector<16xi32>], vector<16xf32>,
      %add3A_1521 = arith.addf %add3A_1509, %gather3A_1520 : vector<16xf32>
      %get3A_1522 = arith.constant 16 : i32
      %get3A_1523 = arith.index_cast %get3A_1522 : i32 to index
      %get3A_1524 = arith.constant 80 : index
      %get3A_1525 = tpu.vector_load %arg8[%get3A_1523, %get3A_1524] {strides = array<i32>} : memref<32x200xi32, #tpu.memory_space<vmem>>, vector<16xi32>,
      %gather3A_1526 = tpu.vector_load_idx %arg7[%get3A_1525] : memref<7800xf32, #tpu.memory_space<vmem>>[vector<16xi32>], vector<16xf32>,
      %add3A_1527 = arith.addf %add3A_1515, %gather3A_1526 : vector<16xf32>
      %get3A_1528 = arith.constant 16 : i32
      %get3A_1529 = arith.index_cast %get3A_1528 : i32 to index
      %get3A_1530 = arith.constant 96 : index
      %get3A_1531 = tpu.vector_load %arg8[%get3A_1529, %get3A_1530] {strides = array<i32>} : memref<32x200xi32, #tpu.memory_space<vmem>>, vector<16xi32>,
      %gather3A_1532 = tpu.vector_load_idx %arg7[%get3A_1531] : memref<7800xf32, #tpu.memory_space<vmem>>[vector<16xi32>], vector<16xf32>,
      %add3A_1533 = arith.addf %add3A_1521, %gather3A_1532 : vector<16xf32>
      %get3A_1534 = arith.constant 16 : i32
      %get3A_1535 = arith.index_cast %get3A_1534 : i32 to index
      %get3A_1536 = arith.constant 112 : index
      %get3A_1537 = tpu.vector_load %arg8[%get3A_1535, %get3A_1536] {strides = array<i32>} : memref<32x200xi32, #tpu.memory_space<vmem>>, vector<16xi32>,
      %gather3A_1538 = tpu.vector_load_idx %arg7[%get3A_1537] : memref<7800xf32, #tpu.memory_space<vmem>>[vector<16xi32>], vector<16xf32>,
      %add3A_1539 = arith.addf %add3A_1527, %gather3A_1538 : vector<16xf32>
      %get3A_1540 = arith.constant 16 : i32
      %get3A_1541 = arith.index_cast %get3A_1540 : i32 to index
      %get3A_1542 = arith.constant 128 : index
      %get3A_1543 = tpu.vector_load %arg8[%get3A_1541, %get3A_1542] {strides = array<i32>} : memref<32x200xi32, #tpu.memory_space<vmem>>, vector<16xi32>,
      %gather3A_1544 = tpu.vector_load_idx %arg7[%get3A_1543] : memref<7800xf32, #tpu.memory_space<vmem>>[vector<16xi32>], vector<16xf32>,
      %add3A_1545 = arith.addf %add3A_1533, %gather3A_1544 : vector<16xf32>
      %get3A_1546 = arith.constant 16 : i32
      %get3A_1547 = arith.index_cast %get3A_1546 : i32 to index
      %get3A_1548 = arith.constant 144 : index
      %get3A_1549 = tpu.vector_load %arg8[%get3A_1547, %get3A_1548] {strides = array<i32>} : memref<32x200xi32, #tpu.memory_space<vmem>>, vector<16xi32>,
      %gather3A_1550 = tpu.vector_load_idx %arg7[%get3A_1549] : memref<7800xf32, #tpu.memory_space<vmem>>[vector<16xi32>], vector<16xf32>,
      %add3A_1551 = arith.addf %add3A_1539, %gather3A_1550 : vector<16xf32>
      %get3A_1552 = arith.constant 16 : i32
      %get3A_1553 = arith.index_cast %get3A_1552 : i32 to index
      %get3A_1554 = arith.constant 160 : index
      %get3A_1555 = tpu.vector_load %arg8[%get3A_1553, %get3A_1554] {strides = array<i32>} : memref<32x200xi32, #tpu.memory_space<vmem>>, vector<16xi32>,
      %gather3A_1556 = tpu.vector_load_idx %arg7[%get3A_1555] : memref<7800xf32, #tpu.memory_space<vmem>>[vector<16xi32>], vector<16xf32>,
      %add3A_1557 = arith.addf %add3A_1545, %gather3A_1556 : vector<16xf32>
      %get3A_1558 = arith.constant 16 : i32
      %get3A_1559 = arith.index_cast %get3A_1558 : i32 to index
      %get3A_1560 = arith.constant 176 : index
      %get3A_1561 = tpu.vector_load %arg8[%get3A_1559, %get3A_1560] {strides = array<i32>} : memref<32x200xi32, #tpu.memory_space<vmem>>, vector<16xi32>,
      %gather3A_1562 = tpu.vector_load_idx %arg7[%get3A_1561] : memref<7800xf32, #tpu.memory_space<vmem>>[vector<16xi32>], vector<16xf32>,
      %add3A_1563 = arith.addf %add3A_1551, %gather3A_1562 : vector<16xf32>
      %get3A_1564 = arith.constant 16 : i32
      %get3A_1565 = arith.index_cast %get3A_1564 : i32 to index
      %get3A_1566 = arith.constant 184 : index
      %get3A_1567 = tpu.vector_load %arg8[%get3A_1565, %get3A_1566] {strides = array<i32>} : memref<32x200xi32, #tpu.memory_space<vmem>>, vector<16xi32>,
      %gather3A_1568 = tpu.vector_load_idx %arg7[%get3A_1567] : memref<7800xf32, #tpu.memory_space<vmem>>[vector<16xi32>], vector<16xf32>,
      %select_n3A_1569 = arith.select %ge3A_4, %gather3A_1568, %broadcast_in_dim3A_5 : vector<16xi1>, vector<16xf32>
      %add3A_1570 = arith.addf %add3A_1557, %select_n3A_1569 : vector<16xf32>
      %add3A_1571 = arith.addf %add3A_1570, %add3A_1563 : vector<16xf32>
      %broadcast_in_dim3A_1572 = arith.constant true
      %broadcast_in_dim3A_1573 = vector.broadcast %broadcast_in_dim3A_1572 : i1 to vector<16xi1>
      %masked_cumsum3A_1574 = tpu.scan <sum>, %add3A_1571 masked %broadcast_in_dim3A_1573 : vector<16xf32>, vector<16xi1> -> vector<16xf32>
      %broadcast_in_dim3A_1575 = vector.broadcast %add3A_1491 : i32 to vector<16xi32>
      tpu.vector_store_idx %arg11[%broadcast_in_dim3A_1575], %masked_cumsum3A_1574 masked %eq3A_34 : memref<512xf32, #tpu.memory_space<vmem>>[vector<16xi32>], vector<16xf32>, vector<16xi1>
      %mul3A_1576 = arith.constant 16 : i32
      %mul3A_1577 = arith.muli %add3A_1475, %mul3A_1576 : i32
      %add3A_1578 = arith.constant 1 : i32
      %add3A_1579 = arith.addi %mul3A_1577, %add3A_1578 : i32
      %get3A_1580 = arith.constant 17 : i32
      %get3A_1581 = arith.index_cast %get3A_1580 : i32 to index
      %get3A_1582 = arith.constant 0 : index
      %get3A_1583 = tpu.vector_load %arg8[%get3A_1581, %get3A_1582] {strides = array<i32>} : memref<32x200xi32, #tpu.memory_space<vmem>>, vector<16xi32>,
      %gather3A_1584 = tpu.vector_load_idx %arg7[%get3A_1583] : memref<7800xf32, #tpu.memory_space<vmem>>[vector<16xi32>], vector<16xf32>,
      %add3A_1585 = arith.addf %broadcast_in_dim3A_5, %gather3A_1584 : vector<16xf32>
      %get3A_1586 = arith.constant 17 : i32
      %get3A_1587 = arith.index_cast %get3A_1586 : i32 to index
      %get3A_1588 = arith.constant 16 : index
      %get3A_1589 = tpu.vector_load %arg8[%get3A_1587, %get3A_1588] {strides = array<i32>} : memref<32x200xi32, #tpu.memory_space<vmem>>, vector<16xi32>,
      %gather3A_1590 = tpu.vector_load_idx %arg7[%get3A_1589] : memref<7800xf32, #tpu.memory_space<vmem>>[vector<16xi32>], vector<16xf32>,
      %add3A_1591 = arith.addf %broadcast_in_dim3A_5, %gather3A_1590 : vector<16xf32>
      %get3A_1592 = arith.constant 17 : i32
      %get3A_1593 = arith.index_cast %get3A_1592 : i32 to index
      %get3A_1594 = arith.constant 32 : index
      %get3A_1595 = tpu.vector_load %arg8[%get3A_1593, %get3A_1594] {strides = array<i32>} : memref<32x200xi32, #tpu.memory_space<vmem>>, vector<16xi32>,
      %gather3A_1596 = tpu.vector_load_idx %arg7[%get3A_1595] : memref<7800xf32, #tpu.memory_space<vmem>>[vector<16xi32>], vector<16xf32>,
      %add3A_1597 = arith.addf %add3A_1585, %gather3A_1596 : vector<16xf32>
      %get3A_1598 = arith.constant 17 : i32
      %get3A_1599 = arith.index_cast %get3A_1598 : i32 to index
      %get3A_1600 = arith.constant 48 : index
      %get3A_1601 = tpu.vector_load %arg8[%get3A_1599, %get3A_1600] {strides = array<i32>} : memref<32x200xi32, #tpu.memory_space<vmem>>, vector<16xi32>,
      %gather3A_1602 = tpu.vector_load_idx %arg7[%get3A_1601] : memref<7800xf32, #tpu.memory_space<vmem>>[vector<16xi32>], vector<16xf32>,
      %add3A_1603 = arith.addf %add3A_1591, %gather3A_1602 : vector<16xf32>
      %get3A_1604 = arith.constant 17 : i32
      %get3A_1605 = arith.index_cast %get3A_1604 : i32 to index
      %get3A_1606 = arith.constant 64 : index
      %get3A_1607 = tpu.vector_load %arg8[%get3A_1605, %get3A_1606] {strides = array<i32>} : memref<32x200xi32, #tpu.memory_space<vmem>>, vector<16xi32>,
      %gather3A_1608 = tpu.vector_load_idx %arg7[%get3A_1607] : memref<7800xf32, #tpu.memory_space<vmem>>[vector<16xi32>], vector<16xf32>,
      %add3A_1609 = arith.addf %add3A_1597, %gather3A_1608 : vector<16xf32>
      %get3A_1610 = arith.constant 17 : i32
      %get3A_1611 = arith.index_cast %get3A_1610 : i32 to index
      %get3A_1612 = arith.constant 80 : index
      %get3A_1613 = tpu.vector_load %arg8[%get3A_1611, %get3A_1612] {strides = array<i32>} : memref<32x200xi32, #tpu.memory_space<vmem>>, vector<16xi32>,
      %gather3A_1614 = tpu.vector_load_idx %arg7[%get3A_1613] : memref<7800xf32, #tpu.memory_space<vmem>>[vector<16xi32>], vector<16xf32>,
      %add3A_1615 = arith.addf %add3A_1603, %gather3A_1614 : vector<16xf32>
      %get3A_1616 = arith.constant 17 : i32
      %get3A_1617 = arith.index_cast %get3A_1616 : i32 to index
      %get3A_1618 = arith.constant 96 : index
      %get3A_1619 = tpu.vector_load %arg8[%get3A_1617, %get3A_1618] {strides = array<i32>} : memref<32x200xi32, #tpu.memory_space<vmem>>, vector<16xi32>,
      %gather3A_1620 = tpu.vector_load_idx %arg7[%get3A_1619] : memref<7800xf32, #tpu.memory_space<vmem>>[vector<16xi32>], vector<16xf32>,
      %add3A_1621 = arith.addf %add3A_1609, %gather3A_1620 : vector<16xf32>
      %get3A_1622 = arith.constant 17 : i32
      %get3A_1623 = arith.index_cast %get3A_1622 : i32 to index
      %get3A_1624 = arith.constant 112 : index
      %get3A_1625 = tpu.vector_load %arg8[%get3A_1623, %get3A_1624] {strides = array<i32>} : memref<32x200xi32, #tpu.memory_space<vmem>>, vector<16xi32>,
      %gather3A_1626 = tpu.vector_load_idx %arg7[%get3A_1625] : memref<7800xf32, #tpu.memory_space<vmem>>[vector<16xi32>], vector<16xf32>,
      %add3A_1627 = arith.addf %add3A_1615, %gather3A_1626 : vector<16xf32>
      %get3A_1628 = arith.constant 17 : i32
      %get3A_1629 = arith.index_cast %get3A_1628 : i32 to index
      %get3A_1630 = arith.constant 128 : index
      %get3A_1631 = tpu.vector_load %arg8[%get3A_1629, %get3A_1630] {strides = array<i32>} : memref<32x200xi32, #tpu.memory_space<vmem>>, vector<16xi32>,
      %gather3A_1632 = tpu.vector_load_idx %arg7[%get3A_1631] : memref<7800xf32, #tpu.memory_space<vmem>>[vector<16xi32>], vector<16xf32>,
      %add3A_1633 = arith.addf %add3A_1621, %gather3A_1632 : vector<16xf32>
      %get3A_1634 = arith.constant 17 : i32
      %get3A_1635 = arith.index_cast %get3A_1634 : i32 to index
      %get3A_1636 = arith.constant 144 : index
      %get3A_1637 = tpu.vector_load %arg8[%get3A_1635, %get3A_1636] {strides = array<i32>} : memref<32x200xi32, #tpu.memory_space<vmem>>, vector<16xi32>,
      %gather3A_1638 = tpu.vector_load_idx %arg7[%get3A_1637] : memref<7800xf32, #tpu.memory_space<vmem>>[vector<16xi32>], vector<16xf32>,
      %add3A_1639 = arith.addf %add3A_1627, %gather3A_1638 : vector<16xf32>
      %get3A_1640 = arith.constant 17 : i32
      %get3A_1641 = arith.index_cast %get3A_1640 : i32 to index
      %get3A_1642 = arith.constant 160 : index
      %get3A_1643 = tpu.vector_load %arg8[%get3A_1641, %get3A_1642] {strides = array<i32>} : memref<32x200xi32, #tpu.memory_space<vmem>>, vector<16xi32>,
      %gather3A_1644 = tpu.vector_load_idx %arg7[%get3A_1643] : memref<7800xf32, #tpu.memory_space<vmem>>[vector<16xi32>], vector<16xf32>,
      %add3A_1645 = arith.addf %add3A_1633, %gather3A_1644 : vector<16xf32>
      %get3A_1646 = arith.constant 17 : i32
      %get3A_1647 = arith.index_cast %get3A_1646 : i32 to index
      %get3A_1648 = arith.constant 176 : index
      %get3A_1649 = tpu.vector_load %arg8[%get3A_1647, %get3A_1648] {strides = array<i32>} : memref<32x200xi32, #tpu.memory_space<vmem>>, vector<16xi32>,
      %gather3A_1650 = tpu.vector_load_idx %arg7[%get3A_1649] : memref<7800xf32, #tpu.memory_space<vmem>>[vector<16xi32>], vector<16xf32>,
      %add3A_1651 = arith.addf %add3A_1639, %gather3A_1650 : vector<16xf32>
      %get3A_1652 = arith.constant 17 : i32
      %get3A_1653 = arith.index_cast %get3A_1652 : i32 to index
      %get3A_1654 = arith.constant 184 : index
      %get3A_1655 = tpu.vector_load %arg8[%get3A_1653, %get3A_1654] {strides = array<i32>} : memref<32x200xi32, #tpu.memory_space<vmem>>, vector<16xi32>,
      %gather3A_1656 = tpu.vector_load_idx %arg7[%get3A_1655] : memref<7800xf32, #tpu.memory_space<vmem>>[vector<16xi32>], vector<16xf32>,
      %select_n3A_1657 = arith.select %ge3A_4, %gather3A_1656, %broadcast_in_dim3A_5 : vector<16xi1>, vector<16xf32>
      %add3A_1658 = arith.addf %add3A_1645, %select_n3A_1657 : vector<16xf32>
      %add3A_1659 = arith.addf %add3A_1658, %add3A_1651 : vector<16xf32>
      %broadcast_in_dim3A_1660 = arith.constant true
      %broadcast_in_dim3A_1661 = vector.broadcast %broadcast_in_dim3A_1660 : i1 to vector<16xi1>
      %masked_cumsum3A_1662 = tpu.scan <sum>, %add3A_1659 masked %broadcast_in_dim3A_1661 : vector<16xf32>, vector<16xi1> -> vector<16xf32>
      %broadcast_in_dim3A_1663 = vector.broadcast %add3A_1579 : i32 to vector<16xi32>
      tpu.vector_store_idx %arg11[%broadcast_in_dim3A_1663], %masked_cumsum3A_1662 masked %eq3A_34 : memref<512xf32, #tpu.memory_space<vmem>>[vector<16xi32>], vector<16xf32>, vector<16xi1>
      %mul3A_1664 = arith.constant 16 : i32
      %mul3A_1665 = arith.muli %add3A_1475, %mul3A_1664 : i32
      %add3A_1666 = arith.constant 2 : i32
      %add3A_1667 = arith.addi %mul3A_1665, %add3A_1666 : i32
      %get3A_1668 = arith.constant 18 : i32
      %get3A_1669 = arith.index_cast %get3A_1668 : i32 to index
      %get3A_1670 = arith.constant 0 : index
      %get3A_1671 = tpu.vector_load %arg8[%get3A_1669, %get3A_1670] {strides = array<i32>} : memref<32x200xi32, #tpu.memory_space<vmem>>, vector<16xi32>,
      %gather3A_1672 = tpu.vector_load_idx %arg7[%get3A_1671] : memref<7800xf32, #tpu.memory_space<vmem>>[vector<16xi32>], vector<16xf32>,
      %add3A_1673 = arith.addf %broadcast_in_dim3A_5, %gather3A_1672 : vector<16xf32>
      %get3A_1674 = arith.constant 18 : i32
      %get3A_1675 = arith.index_cast %get3A_1674 : i32 to index
      %get3A_1676 = arith.constant 16 : index
      %get3A_1677 = tpu.vector_load %arg8[%get3A_1675, %get3A_1676] {strides = array<i32>} : memref<32x200xi32, #tpu.memory_space<vmem>>, vector<16xi32>,
      %gather3A_1678 = tpu.vector_load_idx %arg7[%get3A_1677] : memref<7800xf32, #tpu.memory_space<vmem>>[vector<16xi32>], vector<16xf32>,
      %add3A_1679 = arith.addf %broadcast_in_dim3A_5, %gather3A_1678 : vector<16xf32>
      %get3A_1680 = arith.constant 18 : i32
      %get3A_1681 = arith.index_cast %get3A_1680 : i32 to index
      %get3A_1682 = arith.constant 32 : index
      %get3A_1683 = tpu.vector_load %arg8[%get3A_1681, %get3A_1682] {strides = array<i32>} : memref<32x200xi32, #tpu.memory_space<vmem>>, vector<16xi32>,
      %gather3A_1684 = tpu.vector_load_idx %arg7[%get3A_1683] : memref<7800xf32, #tpu.memory_space<vmem>>[vector<16xi32>], vector<16xf32>,
      %add3A_1685 = arith.addf %add3A_1673, %gather3A_1684 : vector<16xf32>
      %get3A_1686 = arith.constant 18 : i32
      %get3A_1687 = arith.index_cast %get3A_1686 : i32 to index
      %get3A_1688 = arith.constant 48 : index
      %get3A_1689 = tpu.vector_load %arg8[%get3A_1687, %get3A_1688] {strides = array<i32>} : memref<32x200xi32, #tpu.memory_space<vmem>>, vector<16xi32>,
      %gather3A_1690 = tpu.vector_load_idx %arg7[%get3A_1689] : memref<7800xf32, #tpu.memory_space<vmem>>[vector<16xi32>], vector<16xf32>,
      %add3A_1691 = arith.addf %add3A_1679, %gather3A_1690 : vector<16xf32>
      %get3A_1692 = arith.constant 18 : i32
      %get3A_1693 = arith.index_cast %get3A_1692 : i32 to index
      %get3A_1694 = arith.constant 64 : index
      %get3A_1695 = tpu.vector_load %arg8[%get3A_1693, %get3A_1694] {strides = array<i32>} : memref<32x200xi32, #tpu.memory_space<vmem>>, vector<16xi32>,
      %gather3A_1696 = tpu.vector_load_idx %arg7[%get3A_1695] : memref<7800xf32, #tpu.memory_space<vmem>>[vector<16xi32>], vector<16xf32>,
      %add3A_1697 = arith.addf %add3A_1685, %gather3A_1696 : vector<16xf32>
      %get3A_1698 = arith.constant 18 : i32
      %get3A_1699 = arith.index_cast %get3A_1698 : i32 to index
      %get3A_1700 = arith.constant 80 : index
      %get3A_1701 = tpu.vector_load %arg8[%get3A_1699, %get3A_1700] {strides = array<i32>} : memref<32x200xi32, #tpu.memory_space<vmem>>, vector<16xi32>,
      %gather3A_1702 = tpu.vector_load_idx %arg7[%get3A_1701] : memref<7800xf32, #tpu.memory_space<vmem>>[vector<16xi32>], vector<16xf32>,
      %add3A_1703 = arith.addf %add3A_1691, %gather3A_1702 : vector<16xf32>
      %get3A_1704 = arith.constant 18 : i32
      %get3A_1705 = arith.index_cast %get3A_1704 : i32 to index
      %get3A_1706 = arith.constant 96 : index
      %get3A_1707 = tpu.vector_load %arg8[%get3A_1705, %get3A_1706] {strides = array<i32>} : memref<32x200xi32, #tpu.memory_space<vmem>>, vector<16xi32>,
      %gather3A_1708 = tpu.vector_load_idx %arg7[%get3A_1707] : memref<7800xf32, #tpu.memory_space<vmem>>[vector<16xi32>], vector<16xf32>,
      %add3A_1709 = arith.addf %add3A_1697, %gather3A_1708 : vector<16xf32>
      %get3A_1710 = arith.constant 18 : i32
      %get3A_1711 = arith.index_cast %get3A_1710 : i32 to index
      %get3A_1712 = arith.constant 112 : index
      %get3A_1713 = tpu.vector_load %arg8[%get3A_1711, %get3A_1712] {strides = array<i32>} : memref<32x200xi32, #tpu.memory_space<vmem>>, vector<16xi32>,
      %gather3A_1714 = tpu.vector_load_idx %arg7[%get3A_1713] : memref<7800xf32, #tpu.memory_space<vmem>>[vector<16xi32>], vector<16xf32>,
      %add3A_1715 = arith.addf %add3A_1703, %gather3A_1714 : vector<16xf32>
      %get3A_1716 = arith.constant 18 : i32
      %get3A_1717 = arith.index_cast %get3A_1716 : i32 to index
      %get3A_1718 = arith.constant 128 : index
      %get3A_1719 = tpu.vector_load %arg8[%get3A_1717, %get3A_1718] {strides = array<i32>} : memref<32x200xi32, #tpu.memory_space<vmem>>, vector<16xi32>,
      %gather3A_1720 = tpu.vector_load_idx %arg7[%get3A_1719] : memref<7800xf32, #tpu.memory_space<vmem>>[vector<16xi32>], vector<16xf32>,
      %add3A_1721 = arith.addf %add3A_1709, %gather3A_1720 : vector<16xf32>
      %get3A_1722 = arith.constant 18 : i32
      %get3A_1723 = arith.index_cast %get3A_1722 : i32 to index
      %get3A_1724 = arith.constant 144 : index
      %get3A_1725 = tpu.vector_load %arg8[%get3A_1723, %get3A_1724] {strides = array<i32>} : memref<32x200xi32, #tpu.memory_space<vmem>>, vector<16xi32>,
      %gather3A_1726 = tpu.vector_load_idx %arg7[%get3A_1725] : memref<7800xf32, #tpu.memory_space<vmem>>[vector<16xi32>], vector<16xf32>,
      %add3A_1727 = arith.addf %add3A_1715, %gather3A_1726 : vector<16xf32>
      %get3A_1728 = arith.constant 18 : i32
      %get3A_1729 = arith.index_cast %get3A_1728 : i32 to index
      %get3A_1730 = arith.constant 160 : index
      %get3A_1731 = tpu.vector_load %arg8[%get3A_1729, %get3A_1730] {strides = array<i32>} : memref<32x200xi32, #tpu.memory_space<vmem>>, vector<16xi32>,
      %gather3A_1732 = tpu.vector_load_idx %arg7[%get3A_1731] : memref<7800xf32, #tpu.memory_space<vmem>>[vector<16xi32>], vector<16xf32>,
      %add3A_1733 = arith.addf %add3A_1721, %gather3A_1732 : vector<16xf32>
      %get3A_1734 = arith.constant 18 : i32
      %get3A_1735 = arith.index_cast %get3A_1734 : i32 to index
      %get3A_1736 = arith.constant 176 : index
      %get3A_1737 = tpu.vector_load %arg8[%get3A_1735, %get3A_1736] {strides = array<i32>} : memref<32x200xi32, #tpu.memory_space<vmem>>, vector<16xi32>,
      %gather3A_1738 = tpu.vector_load_idx %arg7[%get3A_1737] : memref<7800xf32, #tpu.memory_space<vmem>>[vector<16xi32>], vector<16xf32>,
      %add3A_1739 = arith.addf %add3A_1727, %gather3A_1738 : vector<16xf32>
      %get3A_1740 = arith.constant 18 : i32
      %get3A_1741 = arith.index_cast %get3A_1740 : i32 to index
      %get3A_1742 = arith.constant 184 : index
      %get3A_1743 = tpu.vector_load %arg8[%get3A_1741, %get3A_1742] {strides = array<i32>} : memref<32x200xi32, #tpu.memory_space<vmem>>, vector<16xi32>,
      %gather3A_1744 = tpu.vector_load_idx %arg7[%get3A_1743] : memref<7800xf32, #tpu.memory_space<vmem>>[vector<16xi32>], vector<16xf32>,
      %select_n3A_1745 = arith.select %ge3A_4, %gather3A_1744, %broadcast_in_dim3A_5 : vector<16xi1>, vector<16xf32>
      %add3A_1746 = arith.addf %add3A_1733, %select_n3A_1745 : vector<16xf32>
      %add3A_1747 = arith.addf %add3A_1746, %add3A_1739 : vector<16xf32>
      %broadcast_in_dim3A_1748 = arith.constant true
      %broadcast_in_dim3A_1749 = vector.broadcast %broadcast_in_dim3A_1748 : i1 to vector<16xi1>
      %masked_cumsum3A_1750 = tpu.scan <sum>, %add3A_1747 masked %broadcast_in_dim3A_1749 : vector<16xf32>, vector<16xi1> -> vector<16xf32>
      %broadcast_in_dim3A_1751 = vector.broadcast %add3A_1667 : i32 to vector<16xi32>
      tpu.vector_store_idx %arg11[%broadcast_in_dim3A_1751], %masked_cumsum3A_1750 masked %eq3A_34 : memref<512xf32, #tpu.memory_space<vmem>>[vector<16xi32>], vector<16xf32>, vector<16xi1>
      %mul3A_1752 = arith.constant 16 : i32
      %mul3A_1753 = arith.muli %add3A_1475, %mul3A_1752 : i32
      %add3A_1754 = arith.constant 3 : i32
      %add3A_1755 = arith.addi %mul3A_1753, %add3A_1754 : i32
      %get3A_1756 = arith.constant 19 : i32
      %get3A_1757 = arith.index_cast %get3A_1756 : i32 to index
      %get3A_1758 = arith.constant 0 : index
      %get3A_1759 = tpu.vector_load %arg8[%get3A_1757, %get3A_1758] {strides = array<i32>} : memref<32x200xi32, #tpu.memory_space<vmem>>, vector<16xi32>,
      %gather3A_1760 = tpu.vector_load_idx %arg7[%get3A_1759] : memref<7800xf32, #tpu.memory_space<vmem>>[vector<16xi32>], vector<16xf32>,
      %add3A_1761 = arith.addf %broadcast_in_dim3A_5, %gather3A_1760 : vector<16xf32>
      %get3A_1762 = arith.constant 19 : i32
      %get3A_1763 = arith.index_cast %get3A_1762 : i32 to index
      %get3A_1764 = arith.constant 16 : index
      %get3A_1765 = tpu.vector_load %arg8[%get3A_1763, %get3A_1764] {strides = array<i32>} : memref<32x200xi32, #tpu.memory_space<vmem>>, vector<16xi32>,
      %gather3A_1766 = tpu.vector_load_idx %arg7[%get3A_1765] : memref<7800xf32, #tpu.memory_space<vmem>>[vector<16xi32>], vector<16xf32>,
      %add3A_1767 = arith.addf %broadcast_in_dim3A_5, %gather3A_1766 : vector<16xf32>
      %get3A_1768 = arith.constant 19 : i32
      %get3A_1769 = arith.index_cast %get3A_1768 : i32 to index
      %get3A_1770 = arith.constant 32 : index
      %get3A_1771 = tpu.vector_load %arg8[%get3A_1769, %get3A_1770] {strides = array<i32>} : memref<32x200xi32, #tpu.memory_space<vmem>>, vector<16xi32>,
      %gather3A_1772 = tpu.vector_load_idx %arg7[%get3A_1771] : memref<7800xf32, #tpu.memory_space<vmem>>[vector<16xi32>], vector<16xf32>,
      %add3A_1773 = arith.addf %add3A_1761, %gather3A_1772 : vector<16xf32>
      %get3A_1774 = arith.constant 19 : i32
      %get3A_1775 = arith.index_cast %get3A_1774 : i32 to index
      %get3A_1776 = arith.constant 48 : index
      %get3A_1777 = tpu.vector_load %arg8[%get3A_1775, %get3A_1776] {strides = array<i32>} : memref<32x200xi32, #tpu.memory_space<vmem>>, vector<16xi32>,
      %gather3A_1778 = tpu.vector_load_idx %arg7[%get3A_1777] : memref<7800xf32, #tpu.memory_space<vmem>>[vector<16xi32>], vector<16xf32>,
      %add3A_1779 = arith.addf %add3A_1767, %gather3A_1778 : vector<16xf32>
      %get3A_1780 = arith.constant 19 : i32
      %get3A_1781 = arith.index_cast %get3A_1780 : i32 to index
      %get3A_1782 = arith.constant 64 : index
      %get3A_1783 = tpu.vector_load %arg8[%get3A_1781, %get3A_1782] {strides = array<i32>} : memref<32x200xi32, #tpu.memory_space<vmem>>, vector<16xi32>,
      %gather3A_1784 = tpu.vector_load_idx %arg7[%get3A_1783] : memref<7800xf32, #tpu.memory_space<vmem>>[vector<16xi32>], vector<16xf32>,
      %add3A_1785 = arith.addf %add3A_1773, %gather3A_1784 : vector<16xf32>
      %get3A_1786 = arith.constant 19 : i32
      %get3A_1787 = arith.index_cast %get3A_1786 : i32 to index
      %get3A_1788 = arith.constant 80 : index
      %get3A_1789 = tpu.vector_load %arg8[%get3A_1787, %get3A_1788] {strides = array<i32>} : memref<32x200xi32, #tpu.memory_space<vmem>>, vector<16xi32>,
      %gather3A_1790 = tpu.vector_load_idx %arg7[%get3A_1789] : memref<7800xf32, #tpu.memory_space<vmem>>[vector<16xi32>], vector<16xf32>,
      %add3A_1791 = arith.addf %add3A_1779, %gather3A_1790 : vector<16xf32>
      %get3A_1792 = arith.constant 19 : i32
      %get3A_1793 = arith.index_cast %get3A_1792 : i32 to index
      %get3A_1794 = arith.constant 96 : index
      %get3A_1795 = tpu.vector_load %arg8[%get3A_1793, %get3A_1794] {strides = array<i32>} : memref<32x200xi32, #tpu.memory_space<vmem>>, vector<16xi32>,
      %gather3A_1796 = tpu.vector_load_idx %arg7[%get3A_1795] : memref<7800xf32, #tpu.memory_space<vmem>>[vector<16xi32>], vector<16xf32>,
      %add3A_1797 = arith.addf %add3A_1785, %gather3A_1796 : vector<16xf32>
      %get3A_1798 = arith.constant 19 : i32
      %get3A_1799 = arith.index_cast %get3A_1798 : i32 to index
      %get3A_1800 = arith.constant 112 : index
      %get3A_1801 = tpu.vector_load %arg8[%get3A_1799, %get3A_1800] {strides = array<i32>} : memref<32x200xi32, #tpu.memory_space<vmem>>, vector<16xi32>,
      %gather3A_1802 = tpu.vector_load_idx %arg7[%get3A_1801] : memref<7800xf32, #tpu.memory_space<vmem>>[vector<16xi32>], vector<16xf32>,
      %add3A_1803 = arith.addf %add3A_1791, %gather3A_1802 : vector<16xf32>
      %get3A_1804 = arith.constant 19 : i32
      %get3A_1805 = arith.index_cast %get3A_1804 : i32 to index
      %get3A_1806 = arith.constant 128 : index
      %get3A_1807 = tpu.vector_load %arg8[%get3A_1805, %get3A_1806] {strides = array<i32>} : memref<32x200xi32, #tpu.memory_space<vmem>>, vector<16xi32>,
      %gather3A_1808 = tpu.vector_load_idx %arg7[%get3A_1807] : memref<7800xf32, #tpu.memory_space<vmem>>[vector<16xi32>], vector<16xf32>,
      %add3A_1809 = arith.addf %add3A_1797, %gather3A_1808 : vector<16xf32>
      %get3A_1810 = arith.constant 19 : i32
      %get3A_1811 = arith.index_cast %get3A_1810 : i32 to index
      %get3A_1812 = arith.constant 144 : index
      %get3A_1813 = tpu.vector_load %arg8[%get3A_1811, %get3A_1812] {strides = array<i32>} : memref<32x200xi32, #tpu.memory_space<vmem>>, vector<16xi32>,
      %gather3A_1814 = tpu.vector_load_idx %arg7[%get3A_1813] : memref<7800xf32, #tpu.memory_space<vmem>>[vector<16xi32>], vector<16xf32>,
      %add3A_1815 = arith.addf %add3A_1803, %gather3A_1814 : vector<16xf32>
      %get3A_1816 = arith.constant 19 : i32
      %get3A_1817 = arith.index_cast %get3A_1816 : i32 to index
      %get3A_1818 = arith.constant 160 : index
      %get3A_1819 = tpu.vector_load %arg8[%get3A_1817, %get3A_1818] {strides = array<i32>} : memref<32x200xi32, #tpu.memory_space<vmem>>, vector<16xi32>,
      %gather3A_1820 = tpu.vector_load_idx %arg7[%get3A_1819] : memref<7800xf32, #tpu.memory_space<vmem>>[vector<16xi32>], vector<16xf32>,
      %add3A_1821 = arith.addf %add3A_1809, %gather3A_1820 : vector<16xf32>
      %get3A_1822 = arith.constant 19 : i32
      %get3A_1823 = arith.index_cast %get3A_1822 : i32 to index
      %get3A_1824 = arith.constant 176 : index
      %get3A_1825 = tpu.vector_load %arg8[%get3A_1823, %get3A_1824] {strides = array<i32>} : memref<32x200xi32, #tpu.memory_space<vmem>>, vector<16xi32>,
      %gather3A_1826 = tpu.vector_load_idx %arg7[%get3A_1825] : memref<7800xf32, #tpu.memory_space<vmem>>[vector<16xi32>], vector<16xf32>,
      %add3A_1827 = arith.addf %add3A_1815, %gather3A_1826 : vector<16xf32>
      %get3A_1828 = arith.constant 19 : i32
      %get3A_1829 = arith.index_cast %get3A_1828 : i32 to index
      %get3A_1830 = arith.constant 184 : index
      %get3A_1831 = tpu.vector_load %arg8[%get3A_1829, %get3A_1830] {strides = array<i32>} : memref<32x200xi32, #tpu.memory_space<vmem>>, vector<16xi32>,
      %gather3A_1832 = tpu.vector_load_idx %arg7[%get3A_1831] : memref<7800xf32, #tpu.memory_space<vmem>>[vector<16xi32>], vector<16xf32>,
      %select_n3A_1833 = arith.select %ge3A_4, %gather3A_1832, %broadcast_in_dim3A_5 : vector<16xi1>, vector<16xf32>
      %add3A_1834 = arith.addf %add3A_1821, %select_n3A_1833 : vector<16xf32>
      %add3A_1835 = arith.addf %add3A_1834, %add3A_1827 : vector<16xf32>
      %broadcast_in_dim3A_1836 = arith.constant true
      %broadcast_in_dim3A_1837 = vector.broadcast %broadcast_in_dim3A_1836 : i1 to vector<16xi1>
      %masked_cumsum3A_1838 = tpu.scan <sum>, %add3A_1835 masked %broadcast_in_dim3A_1837 : vector<16xf32>, vector<16xi1> -> vector<16xf32>
      %broadcast_in_dim3A_1839 = vector.broadcast %add3A_1755 : i32 to vector<16xi32>
      tpu.vector_store_idx %arg11[%broadcast_in_dim3A_1839], %masked_cumsum3A_1838 masked %eq3A_34 : memref<512xf32, #tpu.memory_space<vmem>>[vector<16xi32>], vector<16xf32>, vector<16xi1>
      %mul3A_1840 = arith.constant 16 : i32
      %mul3A_1841 = arith.muli %add3A_1475, %mul3A_1840 : i32
      %add3A_1842 = arith.constant 4 : i32
      %add3A_1843 = arith.addi %mul3A_1841, %add3A_1842 : i32
      %get3A_1844 = arith.constant 20 : i32
      %get3A_1845 = arith.index_cast %get3A_1844 : i32 to index
      %get3A_1846 = arith.constant 0 : index
      %get3A_1847 = tpu.vector_load %arg8[%get3A_1845, %get3A_1846] {strides = array<i32>} : memref<32x200xi32, #tpu.memory_space<vmem>>, vector<16xi32>,
      %gather3A_1848 = tpu.vector_load_idx %arg7[%get3A_1847] : memref<7800xf32, #tpu.memory_space<vmem>>[vector<16xi32>], vector<16xf32>,
      %add3A_1849 = arith.addf %broadcast_in_dim3A_5, %gather3A_1848 : vector<16xf32>
      %get3A_1850 = arith.constant 20 : i32
      %get3A_1851 = arith.index_cast %get3A_1850 : i32 to index
      %get3A_1852 = arith.constant 16 : index
      %get3A_1853 = tpu.vector_load %arg8[%get3A_1851, %get3A_1852] {strides = array<i32>} : memref<32x200xi32, #tpu.memory_space<vmem>>, vector<16xi32>,
      %gather3A_1854 = tpu.vector_load_idx %arg7[%get3A_1853] : memref<7800xf32, #tpu.memory_space<vmem>>[vector<16xi32>], vector<16xf32>,
      %add3A_1855 = arith.addf %broadcast_in_dim3A_5, %gather3A_1854 : vector<16xf32>
      %get3A_1856 = arith.constant 20 : i32
      %get3A_1857 = arith.index_cast %get3A_1856 : i32 to index
      %get3A_1858 = arith.constant 32 : index
      %get3A_1859 = tpu.vector_load %arg8[%get3A_1857, %get3A_1858] {strides = array<i32>} : memref<32x200xi32, #tpu.memory_space<vmem>>, vector<16xi32>,
      %gather3A_1860 = tpu.vector_load_idx %arg7[%get3A_1859] : memref<7800xf32, #tpu.memory_space<vmem>>[vector<16xi32>], vector<16xf32>,
      %add3A_1861 = arith.addf %add3A_1849, %gather3A_1860 : vector<16xf32>
      %get3A_1862 = arith.constant 20 : i32
      %get3A_1863 = arith.index_cast %get3A_1862 : i32 to index
      %get3A_1864 = arith.constant 48 : index
      %get3A_1865 = tpu.vector_load %arg8[%get3A_1863, %get3A_1864] {strides = array<i32>} : memref<32x200xi32, #tpu.memory_space<vmem>>, vector<16xi32>,
      %gather3A_1866 = tpu.vector_load_idx %arg7[%get3A_1865] : memref<7800xf32, #tpu.memory_space<vmem>>[vector<16xi32>], vector<16xf32>,
      %add3A_1867 = arith.addf %add3A_1855, %gather3A_1866 : vector<16xf32>
      %get3A_1868 = arith.constant 20 : i32
      %get3A_1869 = arith.index_cast %get3A_1868 : i32 to index
      %get3A_1870 = arith.constant 64 : index
      %get3A_1871 = tpu.vector_load %arg8[%get3A_1869, %get3A_1870] {strides = array<i32>} : memref<32x200xi32, #tpu.memory_space<vmem>>, vector<16xi32>,
      %gather3A_1872 = tpu.vector_load_idx %arg7[%get3A_1871] : memref<7800xf32, #tpu.memory_space<vmem>>[vector<16xi32>], vector<16xf32>,
      %add3A_1873 = arith.addf %add3A_1861, %gather3A_1872 : vector<16xf32>
      %get3A_1874 = arith.constant 20 : i32
      %get3A_1875 = arith.index_cast %get3A_1874 : i32 to index
      %get3A_1876 = arith.constant 80 : index
      %get3A_1877 = tpu.vector_load %arg8[%get3A_1875, %get3A_1876] {strides = array<i32>} : memref<32x200xi32, #tpu.memory_space<vmem>>, vector<16xi32>,
      %gather3A_1878 = tpu.vector_load_idx %arg7[%get3A_1877] : memref<7800xf32, #tpu.memory_space<vmem>>[vector<16xi32>], vector<16xf32>,
      %add3A_1879 = arith.addf %add3A_1867, %gather3A_1878 : vector<16xf32>
      %get3A_1880 = arith.constant 20 : i32
      %get3A_1881 = arith.index_cast %get3A_1880 : i32 to index
      %get3A_1882 = arith.constant 96 : index
      %get3A_1883 = tpu.vector_load %arg8[%get3A_1881, %get3A_1882] {strides = array<i32>} : memref<32x200xi32, #tpu.memory_space<vmem>>, vector<16xi32>,
      %gather3A_1884 = tpu.vector_load_idx %arg7[%get3A_1883] : memref<7800xf32, #tpu.memory_space<vmem>>[vector<16xi32>], vector<16xf32>,
      %add3A_1885 = arith.addf %add3A_1873, %gather3A_1884 : vector<16xf32>
      %get3A_1886 = arith.constant 20 : i32
      %get3A_1887 = arith.index_cast %get3A_1886 : i32 to index
      %get3A_1888 = arith.constant 112 : index
      %get3A_1889 = tpu.vector_load %arg8[%get3A_1887, %get3A_1888] {strides = array<i32>} : memref<32x200xi32, #tpu.memory_space<vmem>>, vector<16xi32>,
      %gather3A_1890 = tpu.vector_load_idx %arg7[%get3A_1889] : memref<7800xf32, #tpu.memory_space<vmem>>[vector<16xi32>], vector<16xf32>,
      %add3A_1891 = arith.addf %add3A_1879, %gather3A_1890 : vector<16xf32>
      %get3A_1892 = arith.constant 20 : i32
      %get3A_1893 = arith.index_cast %get3A_1892 : i32 to index
      %get3A_1894 = arith.constant 128 : index
      %get3A_1895 = tpu.vector_load %arg8[%get3A_1893, %get3A_1894] {strides = array<i32>} : memref<32x200xi32, #tpu.memory_space<vmem>>, vector<16xi32>,
      %gather3A_1896 = tpu.vector_load_idx %arg7[%get3A_1895] : memref<7800xf32, #tpu.memory_space<vmem>>[vector<16xi32>], vector<16xf32>,
      %add3A_1897 = arith.addf %add3A_1885, %gather3A_1896 : vector<16xf32>
      %get3A_1898 = arith.constant 20 : i32
      %get3A_1899 = arith.index_cast %get3A_1898 : i32 to index
      %get3A_1900 = arith.constant 144 : index
      %get3A_1901 = tpu.vector_load %arg8[%get3A_1899, %get3A_1900] {strides = array<i32>} : memref<32x200xi32, #tpu.memory_space<vmem>>, vector<16xi32>,
      %gather3A_1902 = tpu.vector_load_idx %arg7[%get3A_1901] : memref<7800xf32, #tpu.memory_space<vmem>>[vector<16xi32>], vector<16xf32>,
      %add3A_1903 = arith.addf %add3A_1891, %gather3A_1902 : vector<16xf32>
      %get3A_1904 = arith.constant 20 : i32
      %get3A_1905 = arith.index_cast %get3A_1904 : i32 to index
      %get3A_1906 = arith.constant 160 : index
      %get3A_1907 = tpu.vector_load %arg8[%get3A_1905, %get3A_1906] {strides = array<i32>} : memref<32x200xi32, #tpu.memory_space<vmem>>, vector<16xi32>,
      %gather3A_1908 = tpu.vector_load_idx %arg7[%get3A_1907] : memref<7800xf32, #tpu.memory_space<vmem>>[vector<16xi32>], vector<16xf32>,
      %add3A_1909 = arith.addf %add3A_1897, %gather3A_1908 : vector<16xf32>
      %get3A_1910 = arith.constant 20 : i32
      %get3A_1911 = arith.index_cast %get3A_1910 : i32 to index
      %get3A_1912 = arith.constant 176 : index
      %get3A_1913 = tpu.vector_load %arg8[%get3A_1911, %get3A_1912] {strides = array<i32>} : memref<32x200xi32, #tpu.memory_space<vmem>>, vector<16xi32>,
      %gather3A_1914 = tpu.vector_load_idx %arg7[%get3A_1913] : memref<7800xf32, #tpu.memory_space<vmem>>[vector<16xi32>], vector<16xf32>,
      %add3A_1915 = arith.addf %add3A_1903, %gather3A_1914 : vector<16xf32>
      %get3A_1916 = arith.constant 20 : i32
      %get3A_1917 = arith.index_cast %get3A_1916 : i32 to index
      %get3A_1918 = arith.constant 184 : index
      %get3A_1919 = tpu.vector_load %arg8[%get3A_1917, %get3A_1918] {strides = array<i32>} : memref<32x200xi32, #tpu.memory_space<vmem>>, vector<16xi32>,
      %gather3A_1920 = tpu.vector_load_idx %arg7[%get3A_1919] : memref<7800xf32, #tpu.memory_space<vmem>>[vector<16xi32>], vector<16xf32>,
      %select_n3A_1921 = arith.select %ge3A_4, %gather3A_1920, %broadcast_in_dim3A_5 : vector<16xi1>, vector<16xf32>
      %add3A_1922 = arith.addf %add3A_1909, %select_n3A_1921 : vector<16xf32>
      %add3A_1923 = arith.addf %add3A_1922, %add3A_1915 : vector<16xf32>
      %broadcast_in_dim3A_1924 = arith.constant true
      %broadcast_in_dim3A_1925 = vector.broadcast %broadcast_in_dim3A_1924 : i1 to vector<16xi1>
      %masked_cumsum3A_1926 = tpu.scan <sum>, %add3A_1923 masked %broadcast_in_dim3A_1925 : vector<16xf32>, vector<16xi1> -> vector<16xf32>
      %broadcast_in_dim3A_1927 = vector.broadcast %add3A_1843 : i32 to vector<16xi32>
      tpu.vector_store_idx %arg11[%broadcast_in_dim3A_1927], %masked_cumsum3A_1926 masked %eq3A_34 : memref<512xf32, #tpu.memory_space<vmem>>[vector<16xi32>], vector<16xf32>, vector<16xi1>
      %mul3A_1928 = arith.constant 16 : i32
      %mul3A_1929 = arith.muli %add3A_1475, %mul3A_1928 : i32
      %add3A_1930 = arith.constant 5 : i32
      %add3A_1931 = arith.addi %mul3A_1929, %add3A_1930 : i32
      %get3A_1932 = arith.constant 21 : i32
      %get3A_1933 = arith.index_cast %get3A_1932 : i32 to index
      %get3A_1934 = arith.constant 0 : index
      %get3A_1935 = tpu.vector_load %arg8[%get3A_1933, %get3A_1934] {strides = array<i32>} : memref<32x200xi32, #tpu.memory_space<vmem>>, vector<16xi32>,
      %gather3A_1936 = tpu.vector_load_idx %arg7[%get3A_1935] : memref<7800xf32, #tpu.memory_space<vmem>>[vector<16xi32>], vector<16xf32>,
      %add3A_1937 = arith.addf %broadcast_in_dim3A_5, %gather3A_1936 : vector<16xf32>
      %get3A_1938 = arith.constant 21 : i32
      %get3A_1939 = arith.index_cast %get3A_1938 : i32 to index
      %get3A_1940 = arith.constant 16 : index
      %get3A_1941 = tpu.vector_load %arg8[%get3A_1939, %get3A_1940] {strides = array<i32>} : memref<32x200xi32, #tpu.memory_space<vmem>>, vector<16xi32>,
      %gather3A_1942 = tpu.vector_load_idx %arg7[%get3A_1941] : memref<7800xf32, #tpu.memory_space<vmem>>[vector<16xi32>], vector<16xf32>,
      %add3A_1943 = arith.addf %broadcast_in_dim3A_5, %gather3A_1942 : vector<16xf32>
      %get3A_1944 = arith.constant 21 : i32
      %get3A_1945 = arith.index_cast %get3A_1944 : i32 to index
      %get3A_1946 = arith.constant 32 : index
      %get3A_1947 = tpu.vector_load %arg8[%get3A_1945, %get3A_1946] {strides = array<i32>} : memref<32x200xi32, #tpu.memory_space<vmem>>, vector<16xi32>,
      %gather3A_1948 = tpu.vector_load_idx %arg7[%get3A_1947] : memref<7800xf32, #tpu.memory_space<vmem>>[vector<16xi32>], vector<16xf32>,
      %add3A_1949 = arith.addf %add3A_1937, %gather3A_1948 : vector<16xf32>
      %get3A_1950 = arith.constant 21 : i32
      %get3A_1951 = arith.index_cast %get3A_1950 : i32 to index
      %get3A_1952 = arith.constant 48 : index
      %get3A_1953 = tpu.vector_load %arg8[%get3A_1951, %get3A_1952] {strides = array<i32>} : memref<32x200xi32, #tpu.memory_space<vmem>>, vector<16xi32>,
      %gather3A_1954 = tpu.vector_load_idx %arg7[%get3A_1953] : memref<7800xf32, #tpu.memory_space<vmem>>[vector<16xi32>], vector<16xf32>,
      %add3A_1955 = arith.addf %add3A_1943, %gather3A_1954 : vector<16xf32>
      %get3A_1956 = arith.constant 21 : i32
      %get3A_1957 = arith.index_cast %get3A_1956 : i32 to index
      %get3A_1958 = arith.constant 64 : index
      %get3A_1959 = tpu.vector_load %arg8[%get3A_1957, %get3A_1958] {strides = array<i32>} : memref<32x200xi32, #tpu.memory_space<vmem>>, vector<16xi32>,
      %gather3A_1960 = tpu.vector_load_idx %arg7[%get3A_1959] : memref<7800xf32, #tpu.memory_space<vmem>>[vector<16xi32>], vector<16xf32>,
      %add3A_1961 = arith.addf %add3A_1949, %gather3A_1960 : vector<16xf32>
      %get3A_1962 = arith.constant 21 : i32
      %get3A_1963 = arith.index_cast %get3A_1962 : i32 to index
      %get3A_1964 = arith.constant 80 : index
      %get3A_1965 = tpu.vector_load %arg8[%get3A_1963, %get3A_1964] {strides = array<i32>} : memref<32x200xi32, #tpu.memory_space<vmem>>, vector<16xi32>,
      %gather3A_1966 = tpu.vector_load_idx %arg7[%get3A_1965] : memref<7800xf32, #tpu.memory_space<vmem>>[vector<16xi32>], vector<16xf32>,
      %add3A_1967 = arith.addf %add3A_1955, %gather3A_1966 : vector<16xf32>
      %get3A_1968 = arith.constant 21 : i32
      %get3A_1969 = arith.index_cast %get3A_1968 : i32 to index
      %get3A_1970 = arith.constant 96 : index
      %get3A_1971 = tpu.vector_load %arg8[%get3A_1969, %get3A_1970] {strides = array<i32>} : memref<32x200xi32, #tpu.memory_space<vmem>>, vector<16xi32>,
      %gather3A_1972 = tpu.vector_load_idx %arg7[%get3A_1971] : memref<7800xf32, #tpu.memory_space<vmem>>[vector<16xi32>], vector<16xf32>,
      %add3A_1973 = arith.addf %add3A_1961, %gather3A_1972 : vector<16xf32>
      %get3A_1974 = arith.constant 21 : i32
      %get3A_1975 = arith.index_cast %get3A_1974 : i32 to index
      %get3A_1976 = arith.constant 112 : index
      %get3A_1977 = tpu.vector_load %arg8[%get3A_1975, %get3A_1976] {strides = array<i32>} : memref<32x200xi32, #tpu.memory_space<vmem>>, vector<16xi32>,
      %gather3A_1978 = tpu.vector_load_idx %arg7[%get3A_1977] : memref<7800xf32, #tpu.memory_space<vmem>>[vector<16xi32>], vector<16xf32>,
      %add3A_1979 = arith.addf %add3A_1967, %gather3A_1978 : vector<16xf32>
      %get3A_1980 = arith.constant 21 : i32
      %get3A_1981 = arith.index_cast %get3A_1980 : i32 to index
      %get3A_1982 = arith.constant 128 : index
      %get3A_1983 = tpu.vector_load %arg8[%get3A_1981, %get3A_1982] {strides = array<i32>} : memref<32x200xi32, #tpu.memory_space<vmem>>, vector<16xi32>,
      %gather3A_1984 = tpu.vector_load_idx %arg7[%get3A_1983] : memref<7800xf32, #tpu.memory_space<vmem>>[vector<16xi32>], vector<16xf32>,
      %add3A_1985 = arith.addf %add3A_1973, %gather3A_1984 : vector<16xf32>
      %get3A_1986 = arith.constant 21 : i32
      %get3A_1987 = arith.index_cast %get3A_1986 : i32 to index
      %get3A_1988 = arith.constant 144 : index
      %get3A_1989 = tpu.vector_load %arg8[%get3A_1987, %get3A_1988] {strides = array<i32>} : memref<32x200xi32, #tpu.memory_space<vmem>>, vector<16xi32>,
      %gather3A_1990 = tpu.vector_load_idx %arg7[%get3A_1989] : memref<7800xf32, #tpu.memory_space<vmem>>[vector<16xi32>], vector<16xf32>,
      %add3A_1991 = arith.addf %add3A_1979, %gather3A_1990 : vector<16xf32>
      %get3A_1992 = arith.constant 21 : i32
      %get3A_1993 = arith.index_cast %get3A_1992 : i32 to index
      %get3A_1994 = arith.constant 160 : index
      %get3A_1995 = tpu.vector_load %arg8[%get3A_1993, %get3A_1994] {strides = array<i32>} : memref<32x200xi32, #tpu.memory_space<vmem>>, vector<16xi32>,
      %gather3A_1996 = tpu.vector_load_idx %arg7[%get3A_1995] : memref<7800xf32, #tpu.memory_space<vmem>>[vector<16xi32>], vector<16xf32>,
      %add3A_1997 = arith.addf %add3A_1985, %gather3A_1996 : vector<16xf32>
      %get3A_1998 = arith.constant 21 : i32
      %get3A_1999 = arith.index_cast %get3A_1998 : i32 to index
      %get3A_2000 = arith.constant 176 : index
      %get3A_2001 = tpu.vector_load %arg8[%get3A_1999, %get3A_2000] {strides = array<i32>} : memref<32x200xi32, #tpu.memory_space<vmem>>, vector<16xi32>,
      %gather3A_2002 = tpu.vector_load_idx %arg7[%get3A_2001] : memref<7800xf32, #tpu.memory_space<vmem>>[vector<16xi32>], vector<16xf32>,
      %add3A_2003 = arith.addf %add3A_1991, %gather3A_2002 : vector<16xf32>
      %get3A_2004 = arith.constant 21 : i32
      %get3A_2005 = arith.index_cast %get3A_2004 : i32 to index
      %get3A_2006 = arith.constant 184 : index
      %get3A_2007 = tpu.vector_load %arg8[%get3A_2005, %get3A_2006] {strides = array<i32>} : memref<32x200xi32, #tpu.memory_space<vmem>>, vector<16xi32>,
      %gather3A_2008 = tpu.vector_load_idx %arg7[%get3A_2007] : memref<7800xf32, #tpu.memory_space<vmem>>[vector<16xi32>], vector<16xf32>,
      %select_n3A_2009 = arith.select %ge3A_4, %gather3A_2008, %broadcast_in_dim3A_5 : vector<16xi1>, vector<16xf32>
      %add3A_2010 = arith.addf %add3A_1997, %select_n3A_2009 : vector<16xf32>
      %add3A_2011 = arith.addf %add3A_2010, %add3A_2003 : vector<16xf32>
      %broadcast_in_dim3A_2012 = arith.constant true
      %broadcast_in_dim3A_2013 = vector.broadcast %broadcast_in_dim3A_2012 : i1 to vector<16xi1>
      %masked_cumsum3A_2014 = tpu.scan <sum>, %add3A_2011 masked %broadcast_in_dim3A_2013 : vector<16xf32>, vector<16xi1> -> vector<16xf32>
      %broadcast_in_dim3A_2015 = vector.broadcast %add3A_1931 : i32 to vector<16xi32>
      tpu.vector_store_idx %arg11[%broadcast_in_dim3A_2015], %masked_cumsum3A_2014 masked %eq3A_34 : memref<512xf32, #tpu.memory_space<vmem>>[vector<16xi32>], vector<16xf32>, vector<16xi1>
      %mul3A_2016 = arith.constant 16 : i32
      %mul3A_2017 = arith.muli %add3A_1475, %mul3A_2016 : i32
      %add3A_2018 = arith.constant 6 : i32
      %add3A_2019 = arith.addi %mul3A_2017, %add3A_2018 : i32
      %get3A_2020 = arith.constant 22 : i32
      %get3A_2021 = arith.index_cast %get3A_2020 : i32 to index
      %get3A_2022 = arith.constant 0 : index
      %get3A_2023 = tpu.vector_load %arg8[%get3A_2021, %get3A_2022] {strides = array<i32>} : memref<32x200xi32, #tpu.memory_space<vmem>>, vector<16xi32>,
      %gather3A_2024 = tpu.vector_load_idx %arg7[%get3A_2023] : memref<7800xf32, #tpu.memory_space<vmem>>[vector<16xi32>], vector<16xf32>,
      %add3A_2025 = arith.addf %broadcast_in_dim3A_5, %gather3A_2024 : vector<16xf32>
      %get3A_2026 = arith.constant 22 : i32
      %get3A_2027 = arith.index_cast %get3A_2026 : i32 to index
      %get3A_2028 = arith.constant 16 : index
      %get3A_2029 = tpu.vector_load %arg8[%get3A_2027, %get3A_2028] {strides = array<i32>} : memref<32x200xi32, #tpu.memory_space<vmem>>, vector<16xi32>,
      %gather3A_2030 = tpu.vector_load_idx %arg7[%get3A_2029] : memref<7800xf32, #tpu.memory_space<vmem>>[vector<16xi32>], vector<16xf32>,
      %add3A_2031 = arith.addf %broadcast_in_dim3A_5, %gather3A_2030 : vector<16xf32>
      %get3A_2032 = arith.constant 22 : i32
      %get3A_2033 = arith.index_cast %get3A_2032 : i32 to index
      %get3A_2034 = arith.constant 32 : index
      %get3A_2035 = tpu.vector_load %arg8[%get3A_2033, %get3A_2034] {strides = array<i32>} : memref<32x200xi32, #tpu.memory_space<vmem>>, vector<16xi32>,
      %gather3A_2036 = tpu.vector_load_idx %arg7[%get3A_2035] : memref<7800xf32, #tpu.memory_space<vmem>>[vector<16xi32>], vector<16xf32>,
      %add3A_2037 = arith.addf %add3A_2025, %gather3A_2036 : vector<16xf32>
      %get3A_2038 = arith.constant 22 : i32
      %get3A_2039 = arith.index_cast %get3A_2038 : i32 to index
      %get3A_2040 = arith.constant 48 : index
      %get3A_2041 = tpu.vector_load %arg8[%get3A_2039, %get3A_2040] {strides = array<i32>} : memref<32x200xi32, #tpu.memory_space<vmem>>, vector<16xi32>,
      %gather3A_2042 = tpu.vector_load_idx %arg7[%get3A_2041] : memref<7800xf32, #tpu.memory_space<vmem>>[vector<16xi32>], vector<16xf32>,
      %add3A_2043 = arith.addf %add3A_2031, %gather3A_2042 : vector<16xf32>
      %get3A_2044 = arith.constant 22 : i32
      %get3A_2045 = arith.index_cast %get3A_2044 : i32 to index
      %get3A_2046 = arith.constant 64 : index
      %get3A_2047 = tpu.vector_load %arg8[%get3A_2045, %get3A_2046] {strides = array<i32>} : memref<32x200xi32, #tpu.memory_space<vmem>>, vector<16xi32>,
      %gather3A_2048 = tpu.vector_load_idx %arg7[%get3A_2047] : memref<7800xf32, #tpu.memory_space<vmem>>[vector<16xi32>], vector<16xf32>,
      %add3A_2049 = arith.addf %add3A_2037, %gather3A_2048 : vector<16xf32>
      %get3A_2050 = arith.constant 22 : i32
      %get3A_2051 = arith.index_cast %get3A_2050 : i32 to index
      %get3A_2052 = arith.constant 80 : index
      %get3A_2053 = tpu.vector_load %arg8[%get3A_2051, %get3A_2052] {strides = array<i32>} : memref<32x200xi32, #tpu.memory_space<vmem>>, vector<16xi32>,
      %gather3A_2054 = tpu.vector_load_idx %arg7[%get3A_2053] : memref<7800xf32, #tpu.memory_space<vmem>>[vector<16xi32>], vector<16xf32>,
      %add3A_2055 = arith.addf %add3A_2043, %gather3A_2054 : vector<16xf32>
      %get3A_2056 = arith.constant 22 : i32
      %get3A_2057 = arith.index_cast %get3A_2056 : i32 to index
      %get3A_2058 = arith.constant 96 : index
      %get3A_2059 = tpu.vector_load %arg8[%get3A_2057, %get3A_2058] {strides = array<i32>} : memref<32x200xi32, #tpu.memory_space<vmem>>, vector<16xi32>,
      %gather3A_2060 = tpu.vector_load_idx %arg7[%get3A_2059] : memref<7800xf32, #tpu.memory_space<vmem>>[vector<16xi32>], vector<16xf32>,
      %add3A_2061 = arith.addf %add3A_2049, %gather3A_2060 : vector<16xf32>
      %get3A_2062 = arith.constant 22 : i32
      %get3A_2063 = arith.index_cast %get3A_2062 : i32 to index
      %get3A_2064 = arith.constant 112 : index
      %get3A_2065 = tpu.vector_load %arg8[%get3A_2063, %get3A_2064] {strides = array<i32>} : memref<32x200xi32, #tpu.memory_space<vmem>>, vector<16xi32>,
      %gather3A_2066 = tpu.vector_load_idx %arg7[%get3A_2065] : memref<7800xf32, #tpu.memory_space<vmem>>[vector<16xi32>], vector<16xf32>,
      %add3A_2067 = arith.addf %add3A_2055, %gather3A_2066 : vector<16xf32>
      %get3A_2068 = arith.constant 22 : i32
      %get3A_2069 = arith.index_cast %get3A_2068 : i32 to index
      %get3A_2070 = arith.constant 128 : index
      %get3A_2071 = tpu.vector_load %arg8[%get3A_2069, %get3A_2070] {strides = array<i32>} : memref<32x200xi32, #tpu.memory_space<vmem>>, vector<16xi32>,
      %gather3A_2072 = tpu.vector_load_idx %arg7[%get3A_2071] : memref<7800xf32, #tpu.memory_space<vmem>>[vector<16xi32>], vector<16xf32>,
      %add3A_2073 = arith.addf %add3A_2061, %gather3A_2072 : vector<16xf32>
      %get3A_2074 = arith.constant 22 : i32
      %get3A_2075 = arith.index_cast %get3A_2074 : i32 to index
      %get3A_2076 = arith.constant 144 : index
      %get3A_2077 = tpu.vector_load %arg8[%get3A_2075, %get3A_2076] {strides = array<i32>} : memref<32x200xi32, #tpu.memory_space<vmem>>, vector<16xi32>,
      %gather3A_2078 = tpu.vector_load_idx %arg7[%get3A_2077] : memref<7800xf32, #tpu.memory_space<vmem>>[vector<16xi32>], vector<16xf32>,
      %add3A_2079 = arith.addf %add3A_2067, %gather3A_2078 : vector<16xf32>
      %get3A_2080 = arith.constant 22 : i32
      %get3A_2081 = arith.index_cast %get3A_2080 : i32 to index
      %get3A_2082 = arith.constant 160 : index
      %get3A_2083 = tpu.vector_load %arg8[%get3A_2081, %get3A_2082] {strides = array<i32>} : memref<32x200xi32, #tpu.memory_space<vmem>>, vector<16xi32>,
      %gather3A_2084 = tpu.vector_load_idx %arg7[%get3A_2083] : memref<7800xf32, #tpu.memory_space<vmem>>[vector<16xi32>], vector<16xf32>,
      %add3A_2085 = arith.addf %add3A_2073, %gather3A_2084 : vector<16xf32>
      %get3A_2086 = arith.constant 22 : i32
      %get3A_2087 = arith.index_cast %get3A_2086 : i32 to index
      %get3A_2088 = arith.constant 176 : index
      %get3A_2089 = tpu.vector_load %arg8[%get3A_2087, %get3A_2088] {strides = array<i32>} : memref<32x200xi32, #tpu.memory_space<vmem>>, vector<16xi32>,
      %gather3A_2090 = tpu.vector_load_idx %arg7[%get3A_2089] : memref<7800xf32, #tpu.memory_space<vmem>>[vector<16xi32>], vector<16xf32>,
      %add3A_2091 = arith.addf %add3A_2079, %gather3A_2090 : vector<16xf32>
      %get3A_2092 = arith.constant 22 : i32
      %get3A_2093 = arith.index_cast %get3A_2092 : i32 to index
      %get3A_2094 = arith.constant 184 : index
      %get3A_2095 = tpu.vector_load %arg8[%get3A_2093, %get3A_2094] {strides = array<i32>} : memref<32x200xi32, #tpu.memory_space<vmem>>, vector<16xi32>,
      %gather3A_2096 = tpu.vector_load_idx %arg7[%get3A_2095] : memref<7800xf32, #tpu.memory_space<vmem>>[vector<16xi32>], vector<16xf32>,
      %select_n3A_2097 = arith.select %ge3A_4, %gather3A_2096, %broadcast_in_dim3A_5 : vector<16xi1>, vector<16xf32>
      %add3A_2098 = arith.addf %add3A_2085, %select_n3A_2097 : vector<16xf32>
      %add3A_2099 = arith.addf %add3A_2098, %add3A_2091 : vector<16xf32>
      %broadcast_in_dim3A_2100 = arith.constant true
      %broadcast_in_dim3A_2101 = vector.broadcast %broadcast_in_dim3A_2100 : i1 to vector<16xi1>
      %masked_cumsum3A_2102 = tpu.scan <sum>, %add3A_2099 masked %broadcast_in_dim3A_2101 : vector<16xf32>, vector<16xi1> -> vector<16xf32>
      %broadcast_in_dim3A_2103 = vector.broadcast %add3A_2019 : i32 to vector<16xi32>
      tpu.vector_store_idx %arg11[%broadcast_in_dim3A_2103], %masked_cumsum3A_2102 masked %eq3A_34 : memref<512xf32, #tpu.memory_space<vmem>>[vector<16xi32>], vector<16xf32>, vector<16xi1>
      %mul3A_2104 = arith.constant 16 : i32
      %mul3A_2105 = arith.muli %add3A_1475, %mul3A_2104 : i32
      %add3A_2106 = arith.constant 7 : i32
      %add3A_2107 = arith.addi %mul3A_2105, %add3A_2106 : i32
      %get3A_2108 = arith.constant 23 : i32
      %get3A_2109 = arith.index_cast %get3A_2108 : i32 to index
      %get3A_2110 = arith.constant 0 : index
      %get3A_2111 = tpu.vector_load %arg8[%get3A_2109, %get3A_2110] {strides = array<i32>} : memref<32x200xi32, #tpu.memory_space<vmem>>, vector<16xi32>,
      %gather3A_2112 = tpu.vector_load_idx %arg7[%get3A_2111] : memref<7800xf32, #tpu.memory_space<vmem>>[vector<16xi32>], vector<16xf32>,
      %add3A_2113 = arith.addf %broadcast_in_dim3A_5, %gather3A_2112 : vector<16xf32>
      %get3A_2114 = arith.constant 23 : i32
      %get3A_2115 = arith.index_cast %get3A_2114 : i32 to index
      %get3A_2116 = arith.constant 16 : index
      %get3A_2117 = tpu.vector_load %arg8[%get3A_2115, %get3A_2116] {strides = array<i32>} : memref<32x200xi32, #tpu.memory_space<vmem>>, vector<16xi32>,
      %gather3A_2118 = tpu.vector_load_idx %arg7[%get3A_2117] : memref<7800xf32, #tpu.memory_space<vmem>>[vector<16xi32>], vector<16xf32>,
      %add3A_2119 = arith.addf %broadcast_in_dim3A_5, %gather3A_2118 : vector<16xf32>
      %get3A_2120 = arith.constant 23 : i32
      %get3A_2121 = arith.index_cast %get3A_2120 : i32 to index
      %get3A_2122 = arith.constant 32 : index
      %get3A_2123 = tpu.vector_load %arg8[%get3A_2121, %get3A_2122] {strides = array<i32>} : memref<32x200xi32, #tpu.memory_space<vmem>>, vector<16xi32>,
      %gather3A_2124 = tpu.vector_load_idx %arg7[%get3A_2123] : memref<7800xf32, #tpu.memory_space<vmem>>[vector<16xi32>], vector<16xf32>,
      %add3A_2125 = arith.addf %add3A_2113, %gather3A_2124 : vector<16xf32>
      %get3A_2126 = arith.constant 23 : i32
      %get3A_2127 = arith.index_cast %get3A_2126 : i32 to index
      %get3A_2128 = arith.constant 48 : index
      %get3A_2129 = tpu.vector_load %arg8[%get3A_2127, %get3A_2128] {strides = array<i32>} : memref<32x200xi32, #tpu.memory_space<vmem>>, vector<16xi32>,
      %gather3A_2130 = tpu.vector_load_idx %arg7[%get3A_2129] : memref<7800xf32, #tpu.memory_space<vmem>>[vector<16xi32>], vector<16xf32>,
      %add3A_2131 = arith.addf %add3A_2119, %gather3A_2130 : vector<16xf32>
      %get3A_2132 = arith.constant 23 : i32
      %get3A_2133 = arith.index_cast %get3A_2132 : i32 to index
      %get3A_2134 = arith.constant 64 : index
      %get3A_2135 = tpu.vector_load %arg8[%get3A_2133, %get3A_2134] {strides = array<i32>} : memref<32x200xi32, #tpu.memory_space<vmem>>, vector<16xi32>,
      %gather3A_2136 = tpu.vector_load_idx %arg7[%get3A_2135] : memref<7800xf32, #tpu.memory_space<vmem>>[vector<16xi32>], vector<16xf32>,
      %add3A_2137 = arith.addf %add3A_2125, %gather3A_2136 : vector<16xf32>
      %get3A_2138 = arith.constant 23 : i32
      %get3A_2139 = arith.index_cast %get3A_2138 : i32 to index
      %get3A_2140 = arith.constant 80 : index
      %get3A_2141 = tpu.vector_load %arg8[%get3A_2139, %get3A_2140] {strides = array<i32>} : memref<32x200xi32, #tpu.memory_space<vmem>>, vector<16xi32>,
      %gather3A_2142 = tpu.vector_load_idx %arg7[%get3A_2141] : memref<7800xf32, #tpu.memory_space<vmem>>[vector<16xi32>], vector<16xf32>,
      %add3A_2143 = arith.addf %add3A_2131, %gather3A_2142 : vector<16xf32>
      %get3A_2144 = arith.constant 23 : i32
      %get3A_2145 = arith.index_cast %get3A_2144 : i32 to index
      %get3A_2146 = arith.constant 96 : index
      %get3A_2147 = tpu.vector_load %arg8[%get3A_2145, %get3A_2146] {strides = array<i32>} : memref<32x200xi32, #tpu.memory_space<vmem>>, vector<16xi32>,
      %gather3A_2148 = tpu.vector_load_idx %arg7[%get3A_2147] : memref<7800xf32, #tpu.memory_space<vmem>>[vector<16xi32>], vector<16xf32>,
      %add3A_2149 = arith.addf %add3A_2137, %gather3A_2148 : vector<16xf32>
      %get3A_2150 = arith.constant 23 : i32
      %get3A_2151 = arith.index_cast %get3A_2150 : i32 to index
      %get3A_2152 = arith.constant 112 : index
      %get3A_2153 = tpu.vector_load %arg8[%get3A_2151, %get3A_2152] {strides = array<i32>} : memref<32x200xi32, #tpu.memory_space<vmem>>, vector<16xi32>,
      %gather3A_2154 = tpu.vector_load_idx %arg7[%get3A_2153] : memref<7800xf32, #tpu.memory_space<vmem>>[vector<16xi32>], vector<16xf32>,
      %add3A_2155 = arith.addf %add3A_2143, %gather3A_2154 : vector<16xf32>
      %get3A_2156 = arith.constant 23 : i32
      %get3A_2157 = arith.index_cast %get3A_2156 : i32 to index
      %get3A_2158 = arith.constant 128 : index
      %get3A_2159 = tpu.vector_load %arg8[%get3A_2157, %get3A_2158] {strides = array<i32>} : memref<32x200xi32, #tpu.memory_space<vmem>>, vector<16xi32>,
      %gather3A_2160 = tpu.vector_load_idx %arg7[%get3A_2159] : memref<7800xf32, #tpu.memory_space<vmem>>[vector<16xi32>], vector<16xf32>,
      %add3A_2161 = arith.addf %add3A_2149, %gather3A_2160 : vector<16xf32>
      %get3A_2162 = arith.constant 23 : i32
      %get3A_2163 = arith.index_cast %get3A_2162 : i32 to index
      %get3A_2164 = arith.constant 144 : index
      %get3A_2165 = tpu.vector_load %arg8[%get3A_2163, %get3A_2164] {strides = array<i32>} : memref<32x200xi32, #tpu.memory_space<vmem>>, vector<16xi32>,
      %gather3A_2166 = tpu.vector_load_idx %arg7[%get3A_2165] : memref<7800xf32, #tpu.memory_space<vmem>>[vector<16xi32>], vector<16xf32>,
      %add3A_2167 = arith.addf %add3A_2155, %gather3A_2166 : vector<16xf32>
      %get3A_2168 = arith.constant 23 : i32
      %get3A_2169 = arith.index_cast %get3A_2168 : i32 to index
      %get3A_2170 = arith.constant 160 : index
      %get3A_2171 = tpu.vector_load %arg8[%get3A_2169, %get3A_2170] {strides = array<i32>} : memref<32x200xi32, #tpu.memory_space<vmem>>, vector<16xi32>,
      %gather3A_2172 = tpu.vector_load_idx %arg7[%get3A_2171] : memref<7800xf32, #tpu.memory_space<vmem>>[vector<16xi32>], vector<16xf32>,
      %add3A_2173 = arith.addf %add3A_2161, %gather3A_2172 : vector<16xf32>
      %get3A_2174 = arith.constant 23 : i32
      %get3A_2175 = arith.index_cast %get3A_2174 : i32 to index
      %get3A_2176 = arith.constant 176 : index
      %get3A_2177 = tpu.vector_load %arg8[%get3A_2175, %get3A_2176] {strides = array<i32>} : memref<32x200xi32, #tpu.memory_space<vmem>>, vector<16xi32>,
      %gather3A_2178 = tpu.vector_load_idx %arg7[%get3A_2177] : memref<7800xf32, #tpu.memory_space<vmem>>[vector<16xi32>], vector<16xf32>,
      %add3A_2179 = arith.addf %add3A_2167, %gather3A_2178 : vector<16xf32>
      %get3A_2180 = arith.constant 23 : i32
      %get3A_2181 = arith.index_cast %get3A_2180 : i32 to index
      %get3A_2182 = arith.constant 184 : index
      %get3A_2183 = tpu.vector_load %arg8[%get3A_2181, %get3A_2182] {strides = array<i32>} : memref<32x200xi32, #tpu.memory_space<vmem>>, vector<16xi32>,
      %gather3A_2184 = tpu.vector_load_idx %arg7[%get3A_2183] : memref<7800xf32, #tpu.memory_space<vmem>>[vector<16xi32>], vector<16xf32>,
      %select_n3A_2185 = arith.select %ge3A_4, %gather3A_2184, %broadcast_in_dim3A_5 : vector<16xi1>, vector<16xf32>
      %add3A_2186 = arith.addf %add3A_2173, %select_n3A_2185 : vector<16xf32>
      %add3A_2187 = arith.addf %add3A_2186, %add3A_2179 : vector<16xf32>
      %broadcast_in_dim3A_2188 = arith.constant true
      %broadcast_in_dim3A_2189 = vector.broadcast %broadcast_in_dim3A_2188 : i1 to vector<16xi1>
      %masked_cumsum3A_2190 = tpu.scan <sum>, %add3A_2187 masked %broadcast_in_dim3A_2189 : vector<16xf32>, vector<16xi1> -> vector<16xf32>
      %broadcast_in_dim3A_2191 = vector.broadcast %add3A_2107 : i32 to vector<16xi32>
      tpu.vector_store_idx %arg11[%broadcast_in_dim3A_2191], %masked_cumsum3A_2190 masked %eq3A_34 : memref<512xf32, #tpu.memory_space<vmem>>[vector<16xi32>], vector<16xf32>, vector<16xi1>
      %mul3A_2192 = arith.constant 16 : i32
      %mul3A_2193 = arith.muli %add3A_1475, %mul3A_2192 : i32
      %add3A_2194 = arith.constant 8 : i32
      %add3A_2195 = arith.addi %mul3A_2193, %add3A_2194 : i32
      %get3A_2196 = arith.constant 24 : i32
      %get3A_2197 = arith.index_cast %get3A_2196 : i32 to index
      %get3A_2198 = arith.constant 0 : index
      %get3A_2199 = tpu.vector_load %arg8[%get3A_2197, %get3A_2198] {strides = array<i32>} : memref<32x200xi32, #tpu.memory_space<vmem>>, vector<16xi32>,
      %gather3A_2200 = tpu.vector_load_idx %arg7[%get3A_2199] : memref<7800xf32, #tpu.memory_space<vmem>>[vector<16xi32>], vector<16xf32>,
      %add3A_2201 = arith.addf %broadcast_in_dim3A_5, %gather3A_2200 : vector<16xf32>
      %get3A_2202 = arith.constant 24 : i32
      %get3A_2203 = arith.index_cast %get3A_2202 : i32 to index
      %get3A_2204 = arith.constant 16 : index
      %get3A_2205 = tpu.vector_load %arg8[%get3A_2203, %get3A_2204] {strides = array<i32>} : memref<32x200xi32, #tpu.memory_space<vmem>>, vector<16xi32>,
      %gather3A_2206 = tpu.vector_load_idx %arg7[%get3A_2205] : memref<7800xf32, #tpu.memory_space<vmem>>[vector<16xi32>], vector<16xf32>,
      %add3A_2207 = arith.addf %broadcast_in_dim3A_5, %gather3A_2206 : vector<16xf32>
      %get3A_2208 = arith.constant 24 : i32
      %get3A_2209 = arith.index_cast %get3A_2208 : i32 to index
      %get3A_2210 = arith.constant 32 : index
      %get3A_2211 = tpu.vector_load %arg8[%get3A_2209, %get3A_2210] {strides = array<i32>} : memref<32x200xi32, #tpu.memory_space<vmem>>, vector<16xi32>,
      %gather3A_2212 = tpu.vector_load_idx %arg7[%get3A_2211] : memref<7800xf32, #tpu.memory_space<vmem>>[vector<16xi32>], vector<16xf32>,
      %add3A_2213 = arith.addf %add3A_2201, %gather3A_2212 : vector<16xf32>
      %get3A_2214 = arith.constant 24 : i32
      %get3A_2215 = arith.index_cast %get3A_2214 : i32 to index
      %get3A_2216 = arith.constant 48 : index
      %get3A_2217 = tpu.vector_load %arg8[%get3A_2215, %get3A_2216] {strides = array<i32>} : memref<32x200xi32, #tpu.memory_space<vmem>>, vector<16xi32>,
      %gather3A_2218 = tpu.vector_load_idx %arg7[%get3A_2217] : memref<7800xf32, #tpu.memory_space<vmem>>[vector<16xi32>], vector<16xf32>,
      %add3A_2219 = arith.addf %add3A_2207, %gather3A_2218 : vector<16xf32>
      %get3A_2220 = arith.constant 24 : i32
      %get3A_2221 = arith.index_cast %get3A_2220 : i32 to index
      %get3A_2222 = arith.constant 64 : index
      %get3A_2223 = tpu.vector_load %arg8[%get3A_2221, %get3A_2222] {strides = array<i32>} : memref<32x200xi32, #tpu.memory_space<vmem>>, vector<16xi32>,
      %gather3A_2224 = tpu.vector_load_idx %arg7[%get3A_2223] : memref<7800xf32, #tpu.memory_space<vmem>>[vector<16xi32>], vector<16xf32>,
      %add3A_2225 = arith.addf %add3A_2213, %gather3A_2224 : vector<16xf32>
      %get3A_2226 = arith.constant 24 : i32
      %get3A_2227 = arith.index_cast %get3A_2226 : i32 to index
      %get3A_2228 = arith.constant 80 : index
      %get3A_2229 = tpu.vector_load %arg8[%get3A_2227, %get3A_2228] {strides = array<i32>} : memref<32x200xi32, #tpu.memory_space<vmem>>, vector<16xi32>,
      %gather3A_2230 = tpu.vector_load_idx %arg7[%get3A_2229] : memref<7800xf32, #tpu.memory_space<vmem>>[vector<16xi32>], vector<16xf32>,
      %add3A_2231 = arith.addf %add3A_2219, %gather3A_2230 : vector<16xf32>
      %get3A_2232 = arith.constant 24 : i32
      %get3A_2233 = arith.index_cast %get3A_2232 : i32 to index
      %get3A_2234 = arith.constant 96 : index
      %get3A_2235 = tpu.vector_load %arg8[%get3A_2233, %get3A_2234] {strides = array<i32>} : memref<32x200xi32, #tpu.memory_space<vmem>>, vector<16xi32>,
      %gather3A_2236 = tpu.vector_load_idx %arg7[%get3A_2235] : memref<7800xf32, #tpu.memory_space<vmem>>[vector<16xi32>], vector<16xf32>,
      %add3A_2237 = arith.addf %add3A_2225, %gather3A_2236 : vector<16xf32>
      %get3A_2238 = arith.constant 24 : i32
      %get3A_2239 = arith.index_cast %get3A_2238 : i32 to index
      %get3A_2240 = arith.constant 112 : index
      %get3A_2241 = tpu.vector_load %arg8[%get3A_2239, %get3A_2240] {strides = array<i32>} : memref<32x200xi32, #tpu.memory_space<vmem>>, vector<16xi32>,
      %gather3A_2242 = tpu.vector_load_idx %arg7[%get3A_2241] : memref<7800xf32, #tpu.memory_space<vmem>>[vector<16xi32>], vector<16xf32>,
      %add3A_2243 = arith.addf %add3A_2231, %gather3A_2242 : vector<16xf32>
      %get3A_2244 = arith.constant 24 : i32
      %get3A_2245 = arith.index_cast %get3A_2244 : i32 to index
      %get3A_2246 = arith.constant 128 : index
      %get3A_2247 = tpu.vector_load %arg8[%get3A_2245, %get3A_2246] {strides = array<i32>} : memref<32x200xi32, #tpu.memory_space<vmem>>, vector<16xi32>,
      %gather3A_2248 = tpu.vector_load_idx %arg7[%get3A_2247] : memref<7800xf32, #tpu.memory_space<vmem>>[vector<16xi32>], vector<16xf32>,
      %add3A_2249 = arith.addf %add3A_2237, %gather3A_2248 : vector<16xf32>
      %get3A_2250 = arith.constant 24 : i32
      %get3A_2251 = arith.index_cast %get3A_2250 : i32 to index
      %get3A_2252 = arith.constant 144 : index
      %get3A_2253 = tpu.vector_load %arg8[%get3A_2251, %get3A_2252] {strides = array<i32>} : memref<32x200xi32, #tpu.memory_space<vmem>>, vector<16xi32>,
      %gather3A_2254 = tpu.vector_load_idx %arg7[%get3A_2253] : memref<7800xf32, #tpu.memory_space<vmem>>[vector<16xi32>], vector<16xf32>,
      %add3A_2255 = arith.addf %add3A_2243, %gather3A_2254 : vector<16xf32>
      %get3A_2256 = arith.constant 24 : i32
      %get3A_2257 = arith.index_cast %get3A_2256 : i32 to index
      %get3A_2258 = arith.constant 160 : index
      %get3A_2259 = tpu.vector_load %arg8[%get3A_2257, %get3A_2258] {strides = array<i32>} : memref<32x200xi32, #tpu.memory_space<vmem>>, vector<16xi32>,
      %gather3A_2260 = tpu.vector_load_idx %arg7[%get3A_2259] : memref<7800xf32, #tpu.memory_space<vmem>>[vector<16xi32>], vector<16xf32>,
      %add3A_2261 = arith.addf %add3A_2249, %gather3A_2260 : vector<16xf32>
      %get3A_2262 = arith.constant 24 : i32
      %get3A_2263 = arith.index_cast %get3A_2262 : i32 to index
      %get3A_2264 = arith.constant 176 : index
      %get3A_2265 = tpu.vector_load %arg8[%get3A_2263, %get3A_2264] {strides = array<i32>} : memref<32x200xi32, #tpu.memory_space<vmem>>, vector<16xi32>,
      %gather3A_2266 = tpu.vector_load_idx %arg7[%get3A_2265] : memref<7800xf32, #tpu.memory_space<vmem>>[vector<16xi32>], vector<16xf32>,
      %add3A_2267 = arith.addf %add3A_2255, %gather3A_2266 : vector<16xf32>
      %get3A_2268 = arith.constant 24 : i32
      %get3A_2269 = arith.index_cast %get3A_2268 : i32 to index
      %get3A_2270 = arith.constant 184 : index
      %get3A_2271 = tpu.vector_load %arg8[%get3A_2269, %get3A_2270] {strides = array<i32>} : memref<32x200xi32, #tpu.memory_space<vmem>>, vector<16xi32>,
      %gather3A_2272 = tpu.vector_load_idx %arg7[%get3A_2271] : memref<7800xf32, #tpu.memory_space<vmem>>[vector<16xi32>], vector<16xf32>,
      %select_n3A_2273 = arith.select %ge3A_4, %gather3A_2272, %broadcast_in_dim3A_5 : vector<16xi1>, vector<16xf32>
      %add3A_2274 = arith.addf %add3A_2261, %select_n3A_2273 : vector<16xf32>
      %add3A_2275 = arith.addf %add3A_2274, %add3A_2267 : vector<16xf32>
      %broadcast_in_dim3A_2276 = arith.constant true
      %broadcast_in_dim3A_2277 = vector.broadcast %broadcast_in_dim3A_2276 : i1 to vector<16xi1>
      %masked_cumsum3A_2278 = tpu.scan <sum>, %add3A_2275 masked %broadcast_in_dim3A_2277 : vector<16xf32>, vector<16xi1> -> vector<16xf32>
      %broadcast_in_dim3A_2279 = vector.broadcast %add3A_2195 : i32 to vector<16xi32>
      tpu.vector_store_idx %arg11[%broadcast_in_dim3A_2279], %masked_cumsum3A_2278 masked %eq3A_34 : memref<512xf32, #tpu.memory_space<vmem>>[vector<16xi32>], vector<16xf32>, vector<16xi1>
      %mul3A_2280 = arith.constant 16 : i32
      %mul3A_2281 = arith.muli %add3A_1475, %mul3A_2280 : i32
      %add3A_2282 = arith.constant 9 : i32
      %add3A_2283 = arith.addi %mul3A_2281, %add3A_2282 : i32
      %get3A_2284 = arith.constant 25 : i32
      %get3A_2285 = arith.index_cast %get3A_2284 : i32 to index
      %get3A_2286 = arith.constant 0 : index
      %get3A_2287 = tpu.vector_load %arg8[%get3A_2285, %get3A_2286] {strides = array<i32>} : memref<32x200xi32, #tpu.memory_space<vmem>>, vector<16xi32>,
      %gather3A_2288 = tpu.vector_load_idx %arg7[%get3A_2287] : memref<7800xf32, #tpu.memory_space<vmem>>[vector<16xi32>], vector<16xf32>,
      %add3A_2289 = arith.addf %broadcast_in_dim3A_5, %gather3A_2288 : vector<16xf32>
      %get3A_2290 = arith.constant 25 : i32
      %get3A_2291 = arith.index_cast %get3A_2290 : i32 to index
      %get3A_2292 = arith.constant 16 : index
      %get3A_2293 = tpu.vector_load %arg8[%get3A_2291, %get3A_2292] {strides = array<i32>} : memref<32x200xi32, #tpu.memory_space<vmem>>, vector<16xi32>,
      %gather3A_2294 = tpu.vector_load_idx %arg7[%get3A_2293] : memref<7800xf32, #tpu.memory_space<vmem>>[vector<16xi32>], vector<16xf32>,
      %add3A_2295 = arith.addf %broadcast_in_dim3A_5, %gather3A_2294 : vector<16xf32>
      %get3A_2296 = arith.constant 25 : i32
      %get3A_2297 = arith.index_cast %get3A_2296 : i32 to index
      %get3A_2298 = arith.constant 32 : index
      %get3A_2299 = tpu.vector_load %arg8[%get3A_2297, %get3A_2298] {strides = array<i32>} : memref<32x200xi32, #tpu.memory_space<vmem>>, vector<16xi32>,
      %gather3A_2300 = tpu.vector_load_idx %arg7[%get3A_2299] : memref<7800xf32, #tpu.memory_space<vmem>>[vector<16xi32>], vector<16xf32>,
      %add3A_2301 = arith.addf %add3A_2289, %gather3A_2300 : vector<16xf32>
      %get3A_2302 = arith.constant 25 : i32
      %get3A_2303 = arith.index_cast %get3A_2302 : i32 to index
      %get3A_2304 = arith.constant 48 : index
      %get3A_2305 = tpu.vector_load %arg8[%get3A_2303, %get3A_2304] {strides = array<i32>} : memref<32x200xi32, #tpu.memory_space<vmem>>, vector<16xi32>,
      %gather3A_2306 = tpu.vector_load_idx %arg7[%get3A_2305] : memref<7800xf32, #tpu.memory_space<vmem>>[vector<16xi32>], vector<16xf32>,
      %add3A_2307 = arith.addf %add3A_2295, %gather3A_2306 : vector<16xf32>
      %get3A_2308 = arith.constant 25 : i32
      %get3A_2309 = arith.index_cast %get3A_2308 : i32 to index
      %get3A_2310 = arith.constant 64 : index
      %get3A_2311 = tpu.vector_load %arg8[%get3A_2309, %get3A_2310] {strides = array<i32>} : memref<32x200xi32, #tpu.memory_space<vmem>>, vector<16xi32>,
      %gather3A_2312 = tpu.vector_load_idx %arg7[%get3A_2311] : memref<7800xf32, #tpu.memory_space<vmem>>[vector<16xi32>], vector<16xf32>,
      %add3A_2313 = arith.addf %add3A_2301, %gather3A_2312 : vector<16xf32>
      %get3A_2314 = arith.constant 25 : i32
      %get3A_2315 = arith.index_cast %get3A_2314 : i32 to index
      %get3A_2316 = arith.constant 80 : index
      %get3A_2317 = tpu.vector_load %arg8[%get3A_2315, %get3A_2316] {strides = array<i32>} : memref<32x200xi32, #tpu.memory_space<vmem>>, vector<16xi32>,
      %gather3A_2318 = tpu.vector_load_idx %arg7[%get3A_2317] : memref<7800xf32, #tpu.memory_space<vmem>>[vector<16xi32>], vector<16xf32>,
      %add3A_2319 = arith.addf %add3A_2307, %gather3A_2318 : vector<16xf32>
      %get3A_2320 = arith.constant 25 : i32
      %get3A_2321 = arith.index_cast %get3A_2320 : i32 to index
      %get3A_2322 = arith.constant 96 : index
      %get3A_2323 = tpu.vector_load %arg8[%get3A_2321, %get3A_2322] {strides = array<i32>} : memref<32x200xi32, #tpu.memory_space<vmem>>, vector<16xi32>,
      %gather3A_2324 = tpu.vector_load_idx %arg7[%get3A_2323] : memref<7800xf32, #tpu.memory_space<vmem>>[vector<16xi32>], vector<16xf32>,
      %add3A_2325 = arith.addf %add3A_2313, %gather3A_2324 : vector<16xf32>
      %get3A_2326 = arith.constant 25 : i32
      %get3A_2327 = arith.index_cast %get3A_2326 : i32 to index
      %get3A_2328 = arith.constant 112 : index
      %get3A_2329 = tpu.vector_load %arg8[%get3A_2327, %get3A_2328] {strides = array<i32>} : memref<32x200xi32, #tpu.memory_space<vmem>>, vector<16xi32>,
      %gather3A_2330 = tpu.vector_load_idx %arg7[%get3A_2329] : memref<7800xf32, #tpu.memory_space<vmem>>[vector<16xi32>], vector<16xf32>,
      %add3A_2331 = arith.addf %add3A_2319, %gather3A_2330 : vector<16xf32>
      %get3A_2332 = arith.constant 25 : i32
      %get3A_2333 = arith.index_cast %get3A_2332 : i32 to index
      %get3A_2334 = arith.constant 128 : index
      %get3A_2335 = tpu.vector_load %arg8[%get3A_2333, %get3A_2334] {strides = array<i32>} : memref<32x200xi32, #tpu.memory_space<vmem>>, vector<16xi32>,
      %gather3A_2336 = tpu.vector_load_idx %arg7[%get3A_2335] : memref<7800xf32, #tpu.memory_space<vmem>>[vector<16xi32>], vector<16xf32>,
      %add3A_2337 = arith.addf %add3A_2325, %gather3A_2336 : vector<16xf32>
      %get3A_2338 = arith.constant 25 : i32
      %get3A_2339 = arith.index_cast %get3A_2338 : i32 to index
      %get3A_2340 = arith.constant 144 : index
      %get3A_2341 = tpu.vector_load %arg8[%get3A_2339, %get3A_2340] {strides = array<i32>} : memref<32x200xi32, #tpu.memory_space<vmem>>, vector<16xi32>,
      %gather3A_2342 = tpu.vector_load_idx %arg7[%get3A_2341] : memref<7800xf32, #tpu.memory_space<vmem>>[vector<16xi32>], vector<16xf32>,
      %add3A_2343 = arith.addf %add3A_2331, %gather3A_2342 : vector<16xf32>
      %get3A_2344 = arith.constant 25 : i32
      %get3A_2345 = arith.index_cast %get3A_2344 : i32 to index
      %get3A_2346 = arith.constant 160 : index
      %get3A_2347 = tpu.vector_load %arg8[%get3A_2345, %get3A_2346] {strides = array<i32>} : memref<32x200xi32, #tpu.memory_space<vmem>>, vector<16xi32>,
      %gather3A_2348 = tpu.vector_load_idx %arg7[%get3A_2347] : memref<7800xf32, #tpu.memory_space<vmem>>[vector<16xi32>], vector<16xf32>,
      %add3A_2349 = arith.addf %add3A_2337, %gather3A_2348 : vector<16xf32>
      %get3A_2350 = arith.constant 25 : i32
      %get3A_2351 = arith.index_cast %get3A_2350 : i32 to index
      %get3A_2352 = arith.constant 176 : index
      %get3A_2353 = tpu.vector_load %arg8[%get3A_2351, %get3A_2352] {strides = array<i32>} : memref<32x200xi32, #tpu.memory_space<vmem>>, vector<16xi32>,
      %gather3A_2354 = tpu.vector_load_idx %arg7[%get3A_2353] : memref<7800xf32, #tpu.memory_space<vmem>>[vector<16xi32>], vector<16xf32>,
      %add3A_2355 = arith.addf %add3A_2343, %gather3A_2354 : vector<16xf32>
      %get3A_2356 = arith.constant 25 : i32
      %get3A_2357 = arith.index_cast %get3A_2356 : i32 to index
      %get3A_2358 = arith.constant 184 : index
      %get3A_2359 = tpu.vector_load %arg8[%get3A_2357, %get3A_2358] {strides = array<i32>} : memref<32x200xi32, #tpu.memory_space<vmem>>, vector<16xi32>,
      %gather3A_2360 = tpu.vector_load_idx %arg7[%get3A_2359] : memref<7800xf32, #tpu.memory_space<vmem>>[vector<16xi32>], vector<16xf32>,
      %select_n3A_2361 = arith.select %ge3A_4, %gather3A_2360, %broadcast_in_dim3A_5 : vector<16xi1>, vector<16xf32>
      %add3A_2362 = arith.addf %add3A_2349, %select_n3A_2361 : vector<16xf32>
      %add3A_2363 = arith.addf %add3A_2362, %add3A_2355 : vector<16xf32>
      %broadcast_in_dim3A_2364 = arith.constant true
      %broadcast_in_dim3A_2365 = vector.broadcast %broadcast_in_dim3A_2364 : i1 to vector<16xi1>
      %masked_cumsum3A_2366 = tpu.scan <sum>, %add3A_2363 masked %broadcast_in_dim3A_2365 : vector<16xf32>, vector<16xi1> -> vector<16xf32>
      %broadcast_in_dim3A_2367 = vector.broadcast %add3A_2283 : i32 to vector<16xi32>
      tpu.vector_store_idx %arg11[%broadcast_in_dim3A_2367], %masked_cumsum3A_2366 masked %eq3A_34 : memref<512xf32, #tpu.memory_space<vmem>>[vector<16xi32>], vector<16xf32>, vector<16xi1>
      %mul3A_2368 = arith.constant 16 : i32
      %mul3A_2369 = arith.muli %add3A_1475, %mul3A_2368 : i32
      %add3A_2370 = arith.constant 10 : i32
      %add3A_2371 = arith.addi %mul3A_2369, %add3A_2370 : i32
      %get3A_2372 = arith.constant 26 : i32
      %get3A_2373 = arith.index_cast %get3A_2372 : i32 to index
      %get3A_2374 = arith.constant 0 : index
      %get3A_2375 = tpu.vector_load %arg8[%get3A_2373, %get3A_2374] {strides = array<i32>} : memref<32x200xi32, #tpu.memory_space<vmem>>, vector<16xi32>,
      %gather3A_2376 = tpu.vector_load_idx %arg7[%get3A_2375] : memref<7800xf32, #tpu.memory_space<vmem>>[vector<16xi32>], vector<16xf32>,
      %add3A_2377 = arith.addf %broadcast_in_dim3A_5, %gather3A_2376 : vector<16xf32>
      %get3A_2378 = arith.constant 26 : i32
      %get3A_2379 = arith.index_cast %get3A_2378 : i32 to index
      %get3A_2380 = arith.constant 16 : index
      %get3A_2381 = tpu.vector_load %arg8[%get3A_2379, %get3A_2380] {strides = array<i32>} : memref<32x200xi32, #tpu.memory_space<vmem>>, vector<16xi32>,
      %gather3A_2382 = tpu.vector_load_idx %arg7[%get3A_2381] : memref<7800xf32, #tpu.memory_space<vmem>>[vector<16xi32>], vector<16xf32>,
      %add3A_2383 = arith.addf %broadcast_in_dim3A_5, %gather3A_2382 : vector<16xf32>
      %get3A_2384 = arith.constant 26 : i32
      %get3A_2385 = arith.index_cast %get3A_2384 : i32 to index
      %get3A_2386 = arith.constant 32 : index
      %get3A_2387 = tpu.vector_load %arg8[%get3A_2385, %get3A_2386] {strides = array<i32>} : memref<32x200xi32, #tpu.memory_space<vmem>>, vector<16xi32>,
      %gather3A_2388 = tpu.vector_load_idx %arg7[%get3A_2387] : memref<7800xf32, #tpu.memory_space<vmem>>[vector<16xi32>], vector<16xf32>,
      %add3A_2389 = arith.addf %add3A_2377, %gather3A_2388 : vector<16xf32>
      %get3A_2390 = arith.constant 26 : i32
      %get3A_2391 = arith.index_cast %get3A_2390 : i32 to index
      %get3A_2392 = arith.constant 48 : index
      %get3A_2393 = tpu.vector_load %arg8[%get3A_2391, %get3A_2392] {strides = array<i32>} : memref<32x200xi32, #tpu.memory_space<vmem>>, vector<16xi32>,
      %gather3A_2394 = tpu.vector_load_idx %arg7[%get3A_2393] : memref<7800xf32, #tpu.memory_space<vmem>>[vector<16xi32>], vector<16xf32>,
      %add3A_2395 = arith.addf %add3A_2383, %gather3A_2394 : vector<16xf32>
      %get3A_2396 = arith.constant 26 : i32
      %get3A_2397 = arith.index_cast %get3A_2396 : i32 to index
      %get3A_2398 = arith.constant 64 : index
      %get3A_2399 = tpu.vector_load %arg8[%get3A_2397, %get3A_2398] {strides = array<i32>} : memref<32x200xi32, #tpu.memory_space<vmem>>, vector<16xi32>,
      %gather3A_2400 = tpu.vector_load_idx %arg7[%get3A_2399] : memref<7800xf32, #tpu.memory_space<vmem>>[vector<16xi32>], vector<16xf32>,
      %add3A_2401 = arith.addf %add3A_2389, %gather3A_2400 : vector<16xf32>
      %get3A_2402 = arith.constant 26 : i32
      %get3A_2403 = arith.index_cast %get3A_2402 : i32 to index
      %get3A_2404 = arith.constant 80 : index
      %get3A_2405 = tpu.vector_load %arg8[%get3A_2403, %get3A_2404] {strides = array<i32>} : memref<32x200xi32, #tpu.memory_space<vmem>>, vector<16xi32>,
      %gather3A_2406 = tpu.vector_load_idx %arg7[%get3A_2405] : memref<7800xf32, #tpu.memory_space<vmem>>[vector<16xi32>], vector<16xf32>,
      %add3A_2407 = arith.addf %add3A_2395, %gather3A_2406 : vector<16xf32>
      %get3A_2408 = arith.constant 26 : i32
      %get3A_2409 = arith.index_cast %get3A_2408 : i32 to index
      %get3A_2410 = arith.constant 96 : index
      %get3A_2411 = tpu.vector_load %arg8[%get3A_2409, %get3A_2410] {strides = array<i32>} : memref<32x200xi32, #tpu.memory_space<vmem>>, vector<16xi32>,
      %gather3A_2412 = tpu.vector_load_idx %arg7[%get3A_2411] : memref<7800xf32, #tpu.memory_space<vmem>>[vector<16xi32>], vector<16xf32>,
      %add3A_2413 = arith.addf %add3A_2401, %gather3A_2412 : vector<16xf32>
      %get3A_2414 = arith.constant 26 : i32
      %get3A_2415 = arith.index_cast %get3A_2414 : i32 to index
      %get3A_2416 = arith.constant 112 : index
      %get3A_2417 = tpu.vector_load %arg8[%get3A_2415, %get3A_2416] {strides = array<i32>} : memref<32x200xi32, #tpu.memory_space<vmem>>, vector<16xi32>,
      %gather3A_2418 = tpu.vector_load_idx %arg7[%get3A_2417] : memref<7800xf32, #tpu.memory_space<vmem>>[vector<16xi32>], vector<16xf32>,
      %add3A_2419 = arith.addf %add3A_2407, %gather3A_2418 : vector<16xf32>
      %get3A_2420 = arith.constant 26 : i32
      %get3A_2421 = arith.index_cast %get3A_2420 : i32 to index
      %get3A_2422 = arith.constant 128 : index
      %get3A_2423 = tpu.vector_load %arg8[%get3A_2421, %get3A_2422] {strides = array<i32>} : memref<32x200xi32, #tpu.memory_space<vmem>>, vector<16xi32>,
      %gather3A_2424 = tpu.vector_load_idx %arg7[%get3A_2423] : memref<7800xf32, #tpu.memory_space<vmem>>[vector<16xi32>], vector<16xf32>,
      %add3A_2425 = arith.addf %add3A_2413, %gather3A_2424 : vector<16xf32>
      %get3A_2426 = arith.constant 26 : i32
      %get3A_2427 = arith.index_cast %get3A_2426 : i32 to index
      %get3A_2428 = arith.constant 144 : index
      %get3A_2429 = tpu.vector_load %arg8[%get3A_2427, %get3A_2428] {strides = array<i32>} : memref<32x200xi32, #tpu.memory_space<vmem>>, vector<16xi32>,
      %gather3A_2430 = tpu.vector_load_idx %arg7[%get3A_2429] : memref<7800xf32, #tpu.memory_space<vmem>>[vector<16xi32>], vector<16xf32>,
      %add3A_2431 = arith.addf %add3A_2419, %gather3A_2430 : vector<16xf32>
      %get3A_2432 = arith.constant 26 : i32
      %get3A_2433 = arith.index_cast %get3A_2432 : i32 to index
      %get3A_2434 = arith.constant 160 : index
      %get3A_2435 = tpu.vector_load %arg8[%get3A_2433, %get3A_2434] {strides = array<i32>} : memref<32x200xi32, #tpu.memory_space<vmem>>, vector<16xi32>,
      %gather3A_2436 = tpu.vector_load_idx %arg7[%get3A_2435] : memref<7800xf32, #tpu.memory_space<vmem>>[vector<16xi32>], vector<16xf32>,
      %add3A_2437 = arith.addf %add3A_2425, %gather3A_2436 : vector<16xf32>
      %get3A_2438 = arith.constant 26 : i32
      %get3A_2439 = arith.index_cast %get3A_2438 : i32 to index
      %get3A_2440 = arith.constant 176 : index
      %get3A_2441 = tpu.vector_load %arg8[%get3A_2439, %get3A_2440] {strides = array<i32>} : memref<32x200xi32, #tpu.memory_space<vmem>>, vector<16xi32>,
      %gather3A_2442 = tpu.vector_load_idx %arg7[%get3A_2441] : memref<7800xf32, #tpu.memory_space<vmem>>[vector<16xi32>], vector<16xf32>,
      %add3A_2443 = arith.addf %add3A_2431, %gather3A_2442 : vector<16xf32>
      %get3A_2444 = arith.constant 26 : i32
      %get3A_2445 = arith.index_cast %get3A_2444 : i32 to index
      %get3A_2446 = arith.constant 184 : index
      %get3A_2447 = tpu.vector_load %arg8[%get3A_2445, %get3A_2446] {strides = array<i32>} : memref<32x200xi32, #tpu.memory_space<vmem>>, vector<16xi32>,
      %gather3A_2448 = tpu.vector_load_idx %arg7[%get3A_2447] : memref<7800xf32, #tpu.memory_space<vmem>>[vector<16xi32>], vector<16xf32>,
      %select_n3A_2449 = arith.select %ge3A_4, %gather3A_2448, %broadcast_in_dim3A_5 : vector<16xi1>, vector<16xf32>
      %add3A_2450 = arith.addf %add3A_2437, %select_n3A_2449 : vector<16xf32>
      %add3A_2451 = arith.addf %add3A_2450, %add3A_2443 : vector<16xf32>
      %broadcast_in_dim3A_2452 = arith.constant true
      %broadcast_in_dim3A_2453 = vector.broadcast %broadcast_in_dim3A_2452 : i1 to vector<16xi1>
      %masked_cumsum3A_2454 = tpu.scan <sum>, %add3A_2451 masked %broadcast_in_dim3A_2453 : vector<16xf32>, vector<16xi1> -> vector<16xf32>
      %broadcast_in_dim3A_2455 = vector.broadcast %add3A_2371 : i32 to vector<16xi32>
      tpu.vector_store_idx %arg11[%broadcast_in_dim3A_2455], %masked_cumsum3A_2454 masked %eq3A_34 : memref<512xf32, #tpu.memory_space<vmem>>[vector<16xi32>], vector<16xf32>, vector<16xi1>
      %mul3A_2456 = arith.constant 16 : i32
      %mul3A_2457 = arith.muli %add3A_1475, %mul3A_2456 : i32
      %add3A_2458 = arith.constant 11 : i32
      %add3A_2459 = arith.addi %mul3A_2457, %add3A_2458 : i32
      %get3A_2460 = arith.constant 27 : i32
      %get3A_2461 = arith.index_cast %get3A_2460 : i32 to index
      %get3A_2462 = arith.constant 0 : index
      %get3A_2463 = tpu.vector_load %arg8[%get3A_2461, %get3A_2462] {strides = array<i32>} : memref<32x200xi32, #tpu.memory_space<vmem>>, vector<16xi32>,
      %gather3A_2464 = tpu.vector_load_idx %arg7[%get3A_2463] : memref<7800xf32, #tpu.memory_space<vmem>>[vector<16xi32>], vector<16xf32>,
      %add3A_2465 = arith.addf %broadcast_in_dim3A_5, %gather3A_2464 : vector<16xf32>
      %get3A_2466 = arith.constant 27 : i32
      %get3A_2467 = arith.index_cast %get3A_2466 : i32 to index
      %get3A_2468 = arith.constant 16 : index
      %get3A_2469 = tpu.vector_load %arg8[%get3A_2467, %get3A_2468] {strides = array<i32>} : memref<32x200xi32, #tpu.memory_space<vmem>>, vector<16xi32>,
      %gather3A_2470 = tpu.vector_load_idx %arg7[%get3A_2469] : memref<7800xf32, #tpu.memory_space<vmem>>[vector<16xi32>], vector<16xf32>,
      %add3A_2471 = arith.addf %broadcast_in_dim3A_5, %gather3A_2470 : vector<16xf32>
      %get3A_2472 = arith.constant 27 : i32
      %get3A_2473 = arith.index_cast %get3A_2472 : i32 to index
      %get3A_2474 = arith.constant 32 : index
      %get3A_2475 = tpu.vector_load %arg8[%get3A_2473, %get3A_2474] {strides = array<i32>} : memref<32x200xi32, #tpu.memory_space<vmem>>, vector<16xi32>,
      %gather3A_2476 = tpu.vector_load_idx %arg7[%get3A_2475] : memref<7800xf32, #tpu.memory_space<vmem>>[vector<16xi32>], vector<16xf32>,
      %add3A_2477 = arith.addf %add3A_2465, %gather3A_2476 : vector<16xf32>
      %get3A_2478 = arith.constant 27 : i32
      %get3A_2479 = arith.index_cast %get3A_2478 : i32 to index
      %get3A_2480 = arith.constant 48 : index
      %get3A_2481 = tpu.vector_load %arg8[%get3A_2479, %get3A_2480] {strides = array<i32>} : memref<32x200xi32, #tpu.memory_space<vmem>>, vector<16xi32>,
      %gather3A_2482 = tpu.vector_load_idx %arg7[%get3A_2481] : memref<7800xf32, #tpu.memory_space<vmem>>[vector<16xi32>], vector<16xf32>,
      %add3A_2483 = arith.addf %add3A_2471, %gather3A_2482 : vector<16xf32>
      %get3A_2484 = arith.constant 27 : i32
      %get3A_2485 = arith.index_cast %get3A_2484 : i32 to index
      %get3A_2486 = arith.constant 64 : index
      %get3A_2487 = tpu.vector_load %arg8[%get3A_2485, %get3A_2486] {strides = array<i32>} : memref<32x200xi32, #tpu.memory_space<vmem>>, vector<16xi32>,
      %gather3A_2488 = tpu.vector_load_idx %arg7[%get3A_2487] : memref<7800xf32, #tpu.memory_space<vmem>>[vector<16xi32>], vector<16xf32>,
      %add3A_2489 = arith.addf %add3A_2477, %gather3A_2488 : vector<16xf32>
      %get3A_2490 = arith.constant 27 : i32
      %get3A_2491 = arith.index_cast %get3A_2490 : i32 to index
      %get3A_2492 = arith.constant 80 : index
      %get3A_2493 = tpu.vector_load %arg8[%get3A_2491, %get3A_2492] {strides = array<i32>} : memref<32x200xi32, #tpu.memory_space<vmem>>, vector<16xi32>,
      %gather3A_2494 = tpu.vector_load_idx %arg7[%get3A_2493] : memref<7800xf32, #tpu.memory_space<vmem>>[vector<16xi32>], vector<16xf32>,
      %add3A_2495 = arith.addf %add3A_2483, %gather3A_2494 : vector<16xf32>
      %get3A_2496 = arith.constant 27 : i32
      %get3A_2497 = arith.index_cast %get3A_2496 : i32 to index
      %get3A_2498 = arith.constant 96 : index
      %get3A_2499 = tpu.vector_load %arg8[%get3A_2497, %get3A_2498] {strides = array<i32>} : memref<32x200xi32, #tpu.memory_space<vmem>>, vector<16xi32>,
      %gather3A_2500 = tpu.vector_load_idx %arg7[%get3A_2499] : memref<7800xf32, #tpu.memory_space<vmem>>[vector<16xi32>], vector<16xf32>,
      %add3A_2501 = arith.addf %add3A_2489, %gather3A_2500 : vector<16xf32>
      %get3A_2502 = arith.constant 27 : i32
      %get3A_2503 = arith.index_cast %get3A_2502 : i32 to index
      %get3A_2504 = arith.constant 112 : index
      %get3A_2505 = tpu.vector_load %arg8[%get3A_2503, %get3A_2504] {strides = array<i32>} : memref<32x200xi32, #tpu.memory_space<vmem>>, vector<16xi32>,
      %gather3A_2506 = tpu.vector_load_idx %arg7[%get3A_2505] : memref<7800xf32, #tpu.memory_space<vmem>>[vector<16xi32>], vector<16xf32>,
      %add3A_2507 = arith.addf %add3A_2495, %gather3A_2506 : vector<16xf32>
      %get3A_2508 = arith.constant 27 : i32
      %get3A_2509 = arith.index_cast %get3A_2508 : i32 to index
      %get3A_2510 = arith.constant 128 : index
      %get3A_2511 = tpu.vector_load %arg8[%get3A_2509, %get3A_2510] {strides = array<i32>} : memref<32x200xi32, #tpu.memory_space<vmem>>, vector<16xi32>,
      %gather3A_2512 = tpu.vector_load_idx %arg7[%get3A_2511] : memref<7800xf32, #tpu.memory_space<vmem>>[vector<16xi32>], vector<16xf32>,
      %add3A_2513 = arith.addf %add3A_2501, %gather3A_2512 : vector<16xf32>
      %get3A_2514 = arith.constant 27 : i32
      %get3A_2515 = arith.index_cast %get3A_2514 : i32 to index
      %get3A_2516 = arith.constant 144 : index
      %get3A_2517 = tpu.vector_load %arg8[%get3A_2515, %get3A_2516] {strides = array<i32>} : memref<32x200xi32, #tpu.memory_space<vmem>>, vector<16xi32>,
      %gather3A_2518 = tpu.vector_load_idx %arg7[%get3A_2517] : memref<7800xf32, #tpu.memory_space<vmem>>[vector<16xi32>], vector<16xf32>,
      %add3A_2519 = arith.addf %add3A_2507, %gather3A_2518 : vector<16xf32>
      %get3A_2520 = arith.constant 27 : i32
      %get3A_2521 = arith.index_cast %get3A_2520 : i32 to index
      %get3A_2522 = arith.constant 160 : index
      %get3A_2523 = tpu.vector_load %arg8[%get3A_2521, %get3A_2522] {strides = array<i32>} : memref<32x200xi32, #tpu.memory_space<vmem>>, vector<16xi32>,
      %gather3A_2524 = tpu.vector_load_idx %arg7[%get3A_2523] : memref<7800xf32, #tpu.memory_space<vmem>>[vector<16xi32>], vector<16xf32>,
      %add3A_2525 = arith.addf %add3A_2513, %gather3A_2524 : vector<16xf32>
      %get3A_2526 = arith.constant 27 : i32
      %get3A_2527 = arith.index_cast %get3A_2526 : i32 to index
      %get3A_2528 = arith.constant 176 : index
      %get3A_2529 = tpu.vector_load %arg8[%get3A_2527, %get3A_2528] {strides = array<i32>} : memref<32x200xi32, #tpu.memory_space<vmem>>, vector<16xi32>,
      %gather3A_2530 = tpu.vector_load_idx %arg7[%get3A_2529] : memref<7800xf32, #tpu.memory_space<vmem>>[vector<16xi32>], vector<16xf32>,
      %add3A_2531 = arith.addf %add3A_2519, %gather3A_2530 : vector<16xf32>
      %get3A_2532 = arith.constant 27 : i32
      %get3A_2533 = arith.index_cast %get3A_2532 : i32 to index
      %get3A_2534 = arith.constant 184 : index
      %get3A_2535 = tpu.vector_load %arg8[%get3A_2533, %get3A_2534] {strides = array<i32>} : memref<32x200xi32, #tpu.memory_space<vmem>>, vector<16xi32>,
      %gather3A_2536 = tpu.vector_load_idx %arg7[%get3A_2535] : memref<7800xf32, #tpu.memory_space<vmem>>[vector<16xi32>], vector<16xf32>,
      %select_n3A_2537 = arith.select %ge3A_4, %gather3A_2536, %broadcast_in_dim3A_5 : vector<16xi1>, vector<16xf32>
      %add3A_2538 = arith.addf %add3A_2525, %select_n3A_2537 : vector<16xf32>
      %add3A_2539 = arith.addf %add3A_2538, %add3A_2531 : vector<16xf32>
      %broadcast_in_dim3A_2540 = arith.constant true
      %broadcast_in_dim3A_2541 = vector.broadcast %broadcast_in_dim3A_2540 : i1 to vector<16xi1>
      %masked_cumsum3A_2542 = tpu.scan <sum>, %add3A_2539 masked %broadcast_in_dim3A_2541 : vector<16xf32>, vector<16xi1> -> vector<16xf32>
      %broadcast_in_dim3A_2543 = vector.broadcast %add3A_2459 : i32 to vector<16xi32>
      tpu.vector_store_idx %arg11[%broadcast_in_dim3A_2543], %masked_cumsum3A_2542 masked %eq3A_34 : memref<512xf32, #tpu.memory_space<vmem>>[vector<16xi32>], vector<16xf32>, vector<16xi1>
      %mul3A_2544 = arith.constant 16 : i32
      %mul3A_2545 = arith.muli %add3A_1475, %mul3A_2544 : i32
      %add3A_2546 = arith.constant 12 : i32
      %add3A_2547 = arith.addi %mul3A_2545, %add3A_2546 : i32
      %get3A_2548 = arith.constant 28 : i32
      %get3A_2549 = arith.index_cast %get3A_2548 : i32 to index
      %get3A_2550 = arith.constant 0 : index
      %get3A_2551 = tpu.vector_load %arg8[%get3A_2549, %get3A_2550] {strides = array<i32>} : memref<32x200xi32, #tpu.memory_space<vmem>>, vector<16xi32>,
      %gather3A_2552 = tpu.vector_load_idx %arg7[%get3A_2551] : memref<7800xf32, #tpu.memory_space<vmem>>[vector<16xi32>], vector<16xf32>,
      %add3A_2553 = arith.addf %broadcast_in_dim3A_5, %gather3A_2552 : vector<16xf32>
      %get3A_2554 = arith.constant 28 : i32
      %get3A_2555 = arith.index_cast %get3A_2554 : i32 to index
      %get3A_2556 = arith.constant 16 : index
      %get3A_2557 = tpu.vector_load %arg8[%get3A_2555, %get3A_2556] {strides = array<i32>} : memref<32x200xi32, #tpu.memory_space<vmem>>, vector<16xi32>,
      %gather3A_2558 = tpu.vector_load_idx %arg7[%get3A_2557] : memref<7800xf32, #tpu.memory_space<vmem>>[vector<16xi32>], vector<16xf32>,
      %add3A_2559 = arith.addf %broadcast_in_dim3A_5, %gather3A_2558 : vector<16xf32>
      %get3A_2560 = arith.constant 28 : i32
      %get3A_2561 = arith.index_cast %get3A_2560 : i32 to index
      %get3A_2562 = arith.constant 32 : index
      %get3A_2563 = tpu.vector_load %arg8[%get3A_2561, %get3A_2562] {strides = array<i32>} : memref<32x200xi32, #tpu.memory_space<vmem>>, vector<16xi32>,
      %gather3A_2564 = tpu.vector_load_idx %arg7[%get3A_2563] : memref<7800xf32, #tpu.memory_space<vmem>>[vector<16xi32>], vector<16xf32>,
      %add3A_2565 = arith.addf %add3A_2553, %gather3A_2564 : vector<16xf32>
      %get3A_2566 = arith.constant 28 : i32
      %get3A_2567 = arith.index_cast %get3A_2566 : i32 to index
      %get3A_2568 = arith.constant 48 : index
      %get3A_2569 = tpu.vector_load %arg8[%get3A_2567, %get3A_2568] {strides = array<i32>} : memref<32x200xi32, #tpu.memory_space<vmem>>, vector<16xi32>,
      %gather3A_2570 = tpu.vector_load_idx %arg7[%get3A_2569] : memref<7800xf32, #tpu.memory_space<vmem>>[vector<16xi32>], vector<16xf32>,
      %add3A_2571 = arith.addf %add3A_2559, %gather3A_2570 : vector<16xf32>
      %get3A_2572 = arith.constant 28 : i32
      %get3A_2573 = arith.index_cast %get3A_2572 : i32 to index
      %get3A_2574 = arith.constant 64 : index
      %get3A_2575 = tpu.vector_load %arg8[%get3A_2573, %get3A_2574] {strides = array<i32>} : memref<32x200xi32, #tpu.memory_space<vmem>>, vector<16xi32>,
      %gather3A_2576 = tpu.vector_load_idx %arg7[%get3A_2575] : memref<7800xf32, #tpu.memory_space<vmem>>[vector<16xi32>], vector<16xf32>,
      %add3A_2577 = arith.addf %add3A_2565, %gather3A_2576 : vector<16xf32>
      %get3A_2578 = arith.constant 28 : i32
      %get3A_2579 = arith.index_cast %get3A_2578 : i32 to index
      %get3A_2580 = arith.constant 80 : index
      %get3A_2581 = tpu.vector_load %arg8[%get3A_2579, %get3A_2580] {strides = array<i32>} : memref<32x200xi32, #tpu.memory_space<vmem>>, vector<16xi32>,
      %gather3A_2582 = tpu.vector_load_idx %arg7[%get3A_2581] : memref<7800xf32, #tpu.memory_space<vmem>>[vector<16xi32>], vector<16xf32>,
      %add3A_2583 = arith.addf %add3A_2571, %gather3A_2582 : vector<16xf32>
      %get3A_2584 = arith.constant 28 : i32
      %get3A_2585 = arith.index_cast %get3A_2584 : i32 to index
      %get3A_2586 = arith.constant 96 : index
      %get3A_2587 = tpu.vector_load %arg8[%get3A_2585, %get3A_2586] {strides = array<i32>} : memref<32x200xi32, #tpu.memory_space<vmem>>, vector<16xi32>,
      %gather3A_2588 = tpu.vector_load_idx %arg7[%get3A_2587] : memref<7800xf32, #tpu.memory_space<vmem>>[vector<16xi32>], vector<16xf32>,
      %add3A_2589 = arith.addf %add3A_2577, %gather3A_2588 : vector<16xf32>
      %get3A_2590 = arith.constant 28 : i32
      %get3A_2591 = arith.index_cast %get3A_2590 : i32 to index
      %get3A_2592 = arith.constant 112 : index
      %get3A_2593 = tpu.vector_load %arg8[%get3A_2591, %get3A_2592] {strides = array<i32>} : memref<32x200xi32, #tpu.memory_space<vmem>>, vector<16xi32>,
      %gather3A_2594 = tpu.vector_load_idx %arg7[%get3A_2593] : memref<7800xf32, #tpu.memory_space<vmem>>[vector<16xi32>], vector<16xf32>,
      %add3A_2595 = arith.addf %add3A_2583, %gather3A_2594 : vector<16xf32>
      %get3A_2596 = arith.constant 28 : i32
      %get3A_2597 = arith.index_cast %get3A_2596 : i32 to index
      %get3A_2598 = arith.constant 128 : index
      %get3A_2599 = tpu.vector_load %arg8[%get3A_2597, %get3A_2598] {strides = array<i32>} : memref<32x200xi32, #tpu.memory_space<vmem>>, vector<16xi32>,
      %gather3A_2600 = tpu.vector_load_idx %arg7[%get3A_2599] : memref<7800xf32, #tpu.memory_space<vmem>>[vector<16xi32>], vector<16xf32>,
      %add3A_2601 = arith.addf %add3A_2589, %gather3A_2600 : vector<16xf32>
      %get3A_2602 = arith.constant 28 : i32
      %get3A_2603 = arith.index_cast %get3A_2602 : i32 to index
      %get3A_2604 = arith.constant 144 : index
      %get3A_2605 = tpu.vector_load %arg8[%get3A_2603, %get3A_2604] {strides = array<i32>} : memref<32x200xi32, #tpu.memory_space<vmem>>, vector<16xi32>,
      %gather3A_2606 = tpu.vector_load_idx %arg7[%get3A_2605] : memref<7800xf32, #tpu.memory_space<vmem>>[vector<16xi32>], vector<16xf32>,
      %add3A_2607 = arith.addf %add3A_2595, %gather3A_2606 : vector<16xf32>
      %get3A_2608 = arith.constant 28 : i32
      %get3A_2609 = arith.index_cast %get3A_2608 : i32 to index
      %get3A_2610 = arith.constant 160 : index
      %get3A_2611 = tpu.vector_load %arg8[%get3A_2609, %get3A_2610] {strides = array<i32>} : memref<32x200xi32, #tpu.memory_space<vmem>>, vector<16xi32>,
      %gather3A_2612 = tpu.vector_load_idx %arg7[%get3A_2611] : memref<7800xf32, #tpu.memory_space<vmem>>[vector<16xi32>], vector<16xf32>,
      %add3A_2613 = arith.addf %add3A_2601, %gather3A_2612 : vector<16xf32>
      %get3A_2614 = arith.constant 28 : i32
      %get3A_2615 = arith.index_cast %get3A_2614 : i32 to index
      %get3A_2616 = arith.constant 176 : index
      %get3A_2617 = tpu.vector_load %arg8[%get3A_2615, %get3A_2616] {strides = array<i32>} : memref<32x200xi32, #tpu.memory_space<vmem>>, vector<16xi32>,
      %gather3A_2618 = tpu.vector_load_idx %arg7[%get3A_2617] : memref<7800xf32, #tpu.memory_space<vmem>>[vector<16xi32>], vector<16xf32>,
      %add3A_2619 = arith.addf %add3A_2607, %gather3A_2618 : vector<16xf32>
      %get3A_2620 = arith.constant 28 : i32
      %get3A_2621 = arith.index_cast %get3A_2620 : i32 to index
      %get3A_2622 = arith.constant 184 : index
      %get3A_2623 = tpu.vector_load %arg8[%get3A_2621, %get3A_2622] {strides = array<i32>} : memref<32x200xi32, #tpu.memory_space<vmem>>, vector<16xi32>,
      %gather3A_2624 = tpu.vector_load_idx %arg7[%get3A_2623] : memref<7800xf32, #tpu.memory_space<vmem>>[vector<16xi32>], vector<16xf32>,
      %select_n3A_2625 = arith.select %ge3A_4, %gather3A_2624, %broadcast_in_dim3A_5 : vector<16xi1>, vector<16xf32>
      %add3A_2626 = arith.addf %add3A_2613, %select_n3A_2625 : vector<16xf32>
      %add3A_2627 = arith.addf %add3A_2626, %add3A_2619 : vector<16xf32>
      %broadcast_in_dim3A_2628 = arith.constant true
      %broadcast_in_dim3A_2629 = vector.broadcast %broadcast_in_dim3A_2628 : i1 to vector<16xi1>
      %masked_cumsum3A_2630 = tpu.scan <sum>, %add3A_2627 masked %broadcast_in_dim3A_2629 : vector<16xf32>, vector<16xi1> -> vector<16xf32>
      %broadcast_in_dim3A_2631 = vector.broadcast %add3A_2547 : i32 to vector<16xi32>
      tpu.vector_store_idx %arg11[%broadcast_in_dim3A_2631], %masked_cumsum3A_2630 masked %eq3A_34 : memref<512xf32, #tpu.memory_space<vmem>>[vector<16xi32>], vector<16xf32>, vector<16xi1>
      %mul3A_2632 = arith.constant 16 : i32
      %mul3A_2633 = arith.muli %add3A_1475, %mul3A_2632 : i32
      %add3A_2634 = arith.constant 13 : i32
      %add3A_2635 = arith.addi %mul3A_2633, %add3A_2634 : i32
      %get3A_2636 = arith.constant 29 : i32
      %get3A_2637 = arith.index_cast %get3A_2636 : i32 to index
      %get3A_2638 = arith.constant 0 : index
      %get3A_2639 = tpu.vector_load %arg8[%get3A_2637, %get3A_2638] {strides = array<i32>} : memref<32x200xi32, #tpu.memory_space<vmem>>, vector<16xi32>,
      %gather3A_2640 = tpu.vector_load_idx %arg7[%get3A_2639] : memref<7800xf32, #tpu.memory_space<vmem>>[vector<16xi32>], vector<16xf32>,
      %add3A_2641 = arith.addf %broadcast_in_dim3A_5, %gather3A_2640 : vector<16xf32>
      %get3A_2642 = arith.constant 29 : i32
      %get3A_2643 = arith.index_cast %get3A_2642 : i32 to index
      %get3A_2644 = arith.constant 16 : index
      %get3A_2645 = tpu.vector_load %arg8[%get3A_2643, %get3A_2644] {strides = array<i32>} : memref<32x200xi32, #tpu.memory_space<vmem>>, vector<16xi32>,
      %gather3A_2646 = tpu.vector_load_idx %arg7[%get3A_2645] : memref<7800xf32, #tpu.memory_space<vmem>>[vector<16xi32>], vector<16xf32>,
      %add3A_2647 = arith.addf %broadcast_in_dim3A_5, %gather3A_2646 : vector<16xf32>
      %get3A_2648 = arith.constant 29 : i32
      %get3A_2649 = arith.index_cast %get3A_2648 : i32 to index
      %get3A_2650 = arith.constant 32 : index
      %get3A_2651 = tpu.vector_load %arg8[%get3A_2649, %get3A_2650] {strides = array<i32>} : memref<32x200xi32, #tpu.memory_space<vmem>>, vector<16xi32>,
      %gather3A_2652 = tpu.vector_load_idx %arg7[%get3A_2651] : memref<7800xf32, #tpu.memory_space<vmem>>[vector<16xi32>], vector<16xf32>,
      %add3A_2653 = arith.addf %add3A_2641, %gather3A_2652 : vector<16xf32>
      %get3A_2654 = arith.constant 29 : i32
      %get3A_2655 = arith.index_cast %get3A_2654 : i32 to index
      %get3A_2656 = arith.constant 48 : index
      %get3A_2657 = tpu.vector_load %arg8[%get3A_2655, %get3A_2656] {strides = array<i32>} : memref<32x200xi32, #tpu.memory_space<vmem>>, vector<16xi32>,
      %gather3A_2658 = tpu.vector_load_idx %arg7[%get3A_2657] : memref<7800xf32, #tpu.memory_space<vmem>>[vector<16xi32>], vector<16xf32>,
      %add3A_2659 = arith.addf %add3A_2647, %gather3A_2658 : vector<16xf32>
      %get3A_2660 = arith.constant 29 : i32
      %get3A_2661 = arith.index_cast %get3A_2660 : i32 to index
      %get3A_2662 = arith.constant 64 : index
      %get3A_2663 = tpu.vector_load %arg8[%get3A_2661, %get3A_2662] {strides = array<i32>} : memref<32x200xi32, #tpu.memory_space<vmem>>, vector<16xi32>,
      %gather3A_2664 = tpu.vector_load_idx %arg7[%get3A_2663] : memref<7800xf32, #tpu.memory_space<vmem>>[vector<16xi32>], vector<16xf32>,
      %add3A_2665 = arith.addf %add3A_2653, %gather3A_2664 : vector<16xf32>
      %get3A_2666 = arith.constant 29 : i32
      %get3A_2667 = arith.index_cast %get3A_2666 : i32 to index
      %get3A_2668 = arith.constant 80 : index
      %get3A_2669 = tpu.vector_load %arg8[%get3A_2667, %get3A_2668] {strides = array<i32>} : memref<32x200xi32, #tpu.memory_space<vmem>>, vector<16xi32>,
      %gather3A_2670 = tpu.vector_load_idx %arg7[%get3A_2669] : memref<7800xf32, #tpu.memory_space<vmem>>[vector<16xi32>], vector<16xf32>,
      %add3A_2671 = arith.addf %add3A_2659, %gather3A_2670 : vector<16xf32>
      %get3A_2672 = arith.constant 29 : i32
      %get3A_2673 = arith.index_cast %get3A_2672 : i32 to index
      %get3A_2674 = arith.constant 96 : index
      %get3A_2675 = tpu.vector_load %arg8[%get3A_2673, %get3A_2674] {strides = array<i32>} : memref<32x200xi32, #tpu.memory_space<vmem>>, vector<16xi32>,
      %gather3A_2676 = tpu.vector_load_idx %arg7[%get3A_2675] : memref<7800xf32, #tpu.memory_space<vmem>>[vector<16xi32>], vector<16xf32>,
      %add3A_2677 = arith.addf %add3A_2665, %gather3A_2676 : vector<16xf32>
      %get3A_2678 = arith.constant 29 : i32
      %get3A_2679 = arith.index_cast %get3A_2678 : i32 to index
      %get3A_2680 = arith.constant 112 : index
      %get3A_2681 = tpu.vector_load %arg8[%get3A_2679, %get3A_2680] {strides = array<i32>} : memref<32x200xi32, #tpu.memory_space<vmem>>, vector<16xi32>,
      %gather3A_2682 = tpu.vector_load_idx %arg7[%get3A_2681] : memref<7800xf32, #tpu.memory_space<vmem>>[vector<16xi32>], vector<16xf32>,
      %add3A_2683 = arith.addf %add3A_2671, %gather3A_2682 : vector<16xf32>
      %get3A_2684 = arith.constant 29 : i32
      %get3A_2685 = arith.index_cast %get3A_2684 : i32 to index
      %get3A_2686 = arith.constant 128 : index
      %get3A_2687 = tpu.vector_load %arg8[%get3A_2685, %get3A_2686] {strides = array<i32>} : memref<32x200xi32, #tpu.memory_space<vmem>>, vector<16xi32>,
      %gather3A_2688 = tpu.vector_load_idx %arg7[%get3A_2687] : memref<7800xf32, #tpu.memory_space<vmem>>[vector<16xi32>], vector<16xf32>,
      %add3A_2689 = arith.addf %add3A_2677, %gather3A_2688 : vector<16xf32>
      %get3A_2690 = arith.constant 29 : i32
      %get3A_2691 = arith.index_cast %get3A_2690 : i32 to index
      %get3A_2692 = arith.constant 144 : index
      %get3A_2693 = tpu.vector_load %arg8[%get3A_2691, %get3A_2692] {strides = array<i32>} : memref<32x200xi32, #tpu.memory_space<vmem>>, vector<16xi32>,
      %gather3A_2694 = tpu.vector_load_idx %arg7[%get3A_2693] : memref<7800xf32, #tpu.memory_space<vmem>>[vector<16xi32>], vector<16xf32>,
      %add3A_2695 = arith.addf %add3A_2683, %gather3A_2694 : vector<16xf32>
      %get3A_2696 = arith.constant 29 : i32
      %get3A_2697 = arith.index_cast %get3A_2696 : i32 to index
      %get3A_2698 = arith.constant 160 : index
      %get3A_2699 = tpu.vector_load %arg8[%get3A_2697, %get3A_2698] {strides = array<i32>} : memref<32x200xi32, #tpu.memory_space<vmem>>, vector<16xi32>,
      %gather3A_2700 = tpu.vector_load_idx %arg7[%get3A_2699] : memref<7800xf32, #tpu.memory_space<vmem>>[vector<16xi32>], vector<16xf32>,
      %add3A_2701 = arith.addf %add3A_2689, %gather3A_2700 : vector<16xf32>
      %get3A_2702 = arith.constant 29 : i32
      %get3A_2703 = arith.index_cast %get3A_2702 : i32 to index
      %get3A_2704 = arith.constant 176 : index
      %get3A_2705 = tpu.vector_load %arg8[%get3A_2703, %get3A_2704] {strides = array<i32>} : memref<32x200xi32, #tpu.memory_space<vmem>>, vector<16xi32>,
      %gather3A_2706 = tpu.vector_load_idx %arg7[%get3A_2705] : memref<7800xf32, #tpu.memory_space<vmem>>[vector<16xi32>], vector<16xf32>,
      %add3A_2707 = arith.addf %add3A_2695, %gather3A_2706 : vector<16xf32>
      %get3A_2708 = arith.constant 29 : i32
      %get3A_2709 = arith.index_cast %get3A_2708 : i32 to index
      %get3A_2710 = arith.constant 184 : index
      %get3A_2711 = tpu.vector_load %arg8[%get3A_2709, %get3A_2710] {strides = array<i32>} : memref<32x200xi32, #tpu.memory_space<vmem>>, vector<16xi32>,
      %gather3A_2712 = tpu.vector_load_idx %arg7[%get3A_2711] : memref<7800xf32, #tpu.memory_space<vmem>>[vector<16xi32>], vector<16xf32>,
      %select_n3A_2713 = arith.select %ge3A_4, %gather3A_2712, %broadcast_in_dim3A_5 : vector<16xi1>, vector<16xf32>
      %add3A_2714 = arith.addf %add3A_2701, %select_n3A_2713 : vector<16xf32>
      %add3A_2715 = arith.addf %add3A_2714, %add3A_2707 : vector<16xf32>
      %broadcast_in_dim3A_2716 = arith.constant true
      %broadcast_in_dim3A_2717 = vector.broadcast %broadcast_in_dim3A_2716 : i1 to vector<16xi1>
      %masked_cumsum3A_2718 = tpu.scan <sum>, %add3A_2715 masked %broadcast_in_dim3A_2717 : vector<16xf32>, vector<16xi1> -> vector<16xf32>
      %broadcast_in_dim3A_2719 = vector.broadcast %add3A_2635 : i32 to vector<16xi32>
      tpu.vector_store_idx %arg11[%broadcast_in_dim3A_2719], %masked_cumsum3A_2718 masked %eq3A_34 : memref<512xf32, #tpu.memory_space<vmem>>[vector<16xi32>], vector<16xf32>, vector<16xi1>
      %mul3A_2720 = arith.constant 16 : i32
      %mul3A_2721 = arith.muli %add3A_1475, %mul3A_2720 : i32
      %add3A_2722 = arith.constant 14 : i32
      %add3A_2723 = arith.addi %mul3A_2721, %add3A_2722 : i32
      %get3A_2724 = arith.constant 30 : i32
      %get3A_2725 = arith.index_cast %get3A_2724 : i32 to index
      %get3A_2726 = arith.constant 0 : index
      %get3A_2727 = tpu.vector_load %arg8[%get3A_2725, %get3A_2726] {strides = array<i32>} : memref<32x200xi32, #tpu.memory_space<vmem>>, vector<16xi32>,
      %gather3A_2728 = tpu.vector_load_idx %arg7[%get3A_2727] : memref<7800xf32, #tpu.memory_space<vmem>>[vector<16xi32>], vector<16xf32>,
      %add3A_2729 = arith.addf %broadcast_in_dim3A_5, %gather3A_2728 : vector<16xf32>
      %get3A_2730 = arith.constant 30 : i32
      %get3A_2731 = arith.index_cast %get3A_2730 : i32 to index
      %get3A_2732 = arith.constant 16 : index
      %get3A_2733 = tpu.vector_load %arg8[%get3A_2731, %get3A_2732] {strides = array<i32>} : memref<32x200xi32, #tpu.memory_space<vmem>>, vector<16xi32>,
      %gather3A_2734 = tpu.vector_load_idx %arg7[%get3A_2733] : memref<7800xf32, #tpu.memory_space<vmem>>[vector<16xi32>], vector<16xf32>,
      %add3A_2735 = arith.addf %broadcast_in_dim3A_5, %gather3A_2734 : vector<16xf32>
      %get3A_2736 = arith.constant 30 : i32
      %get3A_2737 = arith.index_cast %get3A_2736 : i32 to index
      %get3A_2738 = arith.constant 32 : index
      %get3A_2739 = tpu.vector_load %arg8[%get3A_2737, %get3A_2738] {strides = array<i32>} : memref<32x200xi32, #tpu.memory_space<vmem>>, vector<16xi32>,
      %gather3A_2740 = tpu.vector_load_idx %arg7[%get3A_2739] : memref<7800xf32, #tpu.memory_space<vmem>>[vector<16xi32>], vector<16xf32>,
      %add3A_2741 = arith.addf %add3A_2729, %gather3A_2740 : vector<16xf32>
      %get3A_2742 = arith.constant 30 : i32
      %get3A_2743 = arith.index_cast %get3A_2742 : i32 to index
      %get3A_2744 = arith.constant 48 : index
      %get3A_2745 = tpu.vector_load %arg8[%get3A_2743, %get3A_2744] {strides = array<i32>} : memref<32x200xi32, #tpu.memory_space<vmem>>, vector<16xi32>,
      %gather3A_2746 = tpu.vector_load_idx %arg7[%get3A_2745] : memref<7800xf32, #tpu.memory_space<vmem>>[vector<16xi32>], vector<16xf32>,
      %add3A_2747 = arith.addf %add3A_2735, %gather3A_2746 : vector<16xf32>
      %get3A_2748 = arith.constant 30 : i32
      %get3A_2749 = arith.index_cast %get3A_2748 : i32 to index
      %get3A_2750 = arith.constant 64 : index
      %get3A_2751 = tpu.vector_load %arg8[%get3A_2749, %get3A_2750] {strides = array<i32>} : memref<32x200xi32, #tpu.memory_space<vmem>>, vector<16xi32>,
      %gather3A_2752 = tpu.vector_load_idx %arg7[%get3A_2751] : memref<7800xf32, #tpu.memory_space<vmem>>[vector<16xi32>], vector<16xf32>,
      %add3A_2753 = arith.addf %add3A_2741, %gather3A_2752 : vector<16xf32>
      %get3A_2754 = arith.constant 30 : i32
      %get3A_2755 = arith.index_cast %get3A_2754 : i32 to index
      %get3A_2756 = arith.constant 80 : index
      %get3A_2757 = tpu.vector_load %arg8[%get3A_2755, %get3A_2756] {strides = array<i32>} : memref<32x200xi32, #tpu.memory_space<vmem>>, vector<16xi32>,
      %gather3A_2758 = tpu.vector_load_idx %arg7[%get3A_2757] : memref<7800xf32, #tpu.memory_space<vmem>>[vector<16xi32>], vector<16xf32>,
      %add3A_2759 = arith.addf %add3A_2747, %gather3A_2758 : vector<16xf32>
      %get3A_2760 = arith.constant 30 : i32
      %get3A_2761 = arith.index_cast %get3A_2760 : i32 to index
      %get3A_2762 = arith.constant 96 : index
      %get3A_2763 = tpu.vector_load %arg8[%get3A_2761, %get3A_2762] {strides = array<i32>} : memref<32x200xi32, #tpu.memory_space<vmem>>, vector<16xi32>,
      %gather3A_2764 = tpu.vector_load_idx %arg7[%get3A_2763] : memref<7800xf32, #tpu.memory_space<vmem>>[vector<16xi32>], vector<16xf32>,
      %add3A_2765 = arith.addf %add3A_2753, %gather3A_2764 : vector<16xf32>
      %get3A_2766 = arith.constant 30 : i32
      %get3A_2767 = arith.index_cast %get3A_2766 : i32 to index
      %get3A_2768 = arith.constant 112 : index
      %get3A_2769 = tpu.vector_load %arg8[%get3A_2767, %get3A_2768] {strides = array<i32>} : memref<32x200xi32, #tpu.memory_space<vmem>>, vector<16xi32>,
      %gather3A_2770 = tpu.vector_load_idx %arg7[%get3A_2769] : memref<7800xf32, #tpu.memory_space<vmem>>[vector<16xi32>], vector<16xf32>,
      %add3A_2771 = arith.addf %add3A_2759, %gather3A_2770 : vector<16xf32>
      %get3A_2772 = arith.constant 30 : i32
      %get3A_2773 = arith.index_cast %get3A_2772 : i32 to index
      %get3A_2774 = arith.constant 128 : index
      %get3A_2775 = tpu.vector_load %arg8[%get3A_2773, %get3A_2774] {strides = array<i32>} : memref<32x200xi32, #tpu.memory_space<vmem>>, vector<16xi32>,
      %gather3A_2776 = tpu.vector_load_idx %arg7[%get3A_2775] : memref<7800xf32, #tpu.memory_space<vmem>>[vector<16xi32>], vector<16xf32>,
      %add3A_2777 = arith.addf %add3A_2765, %gather3A_2776 : vector<16xf32>
      %get3A_2778 = arith.constant 30 : i32
      %get3A_2779 = arith.index_cast %get3A_2778 : i32 to index
      %get3A_2780 = arith.constant 144 : index
      %get3A_2781 = tpu.vector_load %arg8[%get3A_2779, %get3A_2780] {strides = array<i32>} : memref<32x200xi32, #tpu.memory_space<vmem>>, vector<16xi32>,
      %gather3A_2782 = tpu.vector_load_idx %arg7[%get3A_2781] : memref<7800xf32, #tpu.memory_space<vmem>>[vector<16xi32>], vector<16xf32>,
      %add3A_2783 = arith.addf %add3A_2771, %gather3A_2782 : vector<16xf32>
      %get3A_2784 = arith.constant 30 : i32
      %get3A_2785 = arith.index_cast %get3A_2784 : i32 to index
      %get3A_2786 = arith.constant 160 : index
      %get3A_2787 = tpu.vector_load %arg8[%get3A_2785, %get3A_2786] {strides = array<i32>} : memref<32x200xi32, #tpu.memory_space<vmem>>, vector<16xi32>,
      %gather3A_2788 = tpu.vector_load_idx %arg7[%get3A_2787] : memref<7800xf32, #tpu.memory_space<vmem>>[vector<16xi32>], vector<16xf32>,
      %add3A_2789 = arith.addf %add3A_2777, %gather3A_2788 : vector<16xf32>
      %get3A_2790 = arith.constant 30 : i32
      %get3A_2791 = arith.index_cast %get3A_2790 : i32 to index
      %get3A_2792 = arith.constant 176 : index
      %get3A_2793 = tpu.vector_load %arg8[%get3A_2791, %get3A_2792] {strides = array<i32>} : memref<32x200xi32, #tpu.memory_space<vmem>>, vector<16xi32>,
      %gather3A_2794 = tpu.vector_load_idx %arg7[%get3A_2793] : memref<7800xf32, #tpu.memory_space<vmem>>[vector<16xi32>], vector<16xf32>,
      %add3A_2795 = arith.addf %add3A_2783, %gather3A_2794 : vector<16xf32>
      %get3A_2796 = arith.constant 30 : i32
      %get3A_2797 = arith.index_cast %get3A_2796 : i32 to index
      %get3A_2798 = arith.constant 184 : index
      %get3A_2799 = tpu.vector_load %arg8[%get3A_2797, %get3A_2798] {strides = array<i32>} : memref<32x200xi32, #tpu.memory_space<vmem>>, vector<16xi32>,
      %gather3A_2800 = tpu.vector_load_idx %arg7[%get3A_2799] : memref<7800xf32, #tpu.memory_space<vmem>>[vector<16xi32>], vector<16xf32>,
      %select_n3A_2801 = arith.select %ge3A_4, %gather3A_2800, %broadcast_in_dim3A_5 : vector<16xi1>, vector<16xf32>
      %add3A_2802 = arith.addf %add3A_2789, %select_n3A_2801 : vector<16xf32>
      %add3A_2803 = arith.addf %add3A_2802, %add3A_2795 : vector<16xf32>
      %broadcast_in_dim3A_2804 = arith.constant true
      %broadcast_in_dim3A_2805 = vector.broadcast %broadcast_in_dim3A_2804 : i1 to vector<16xi1>
      %masked_cumsum3A_2806 = tpu.scan <sum>, %add3A_2803 masked %broadcast_in_dim3A_2805 : vector<16xf32>, vector<16xi1> -> vector<16xf32>
      %broadcast_in_dim3A_2807 = vector.broadcast %add3A_2723 : i32 to vector<16xi32>
      tpu.vector_store_idx %arg11[%broadcast_in_dim3A_2807], %masked_cumsum3A_2806 masked %eq3A_34 : memref<512xf32, #tpu.memory_space<vmem>>[vector<16xi32>], vector<16xf32>, vector<16xi1>
      %mul3A_2808 = arith.constant 16 : i32
      %mul3A_2809 = arith.muli %add3A_1475, %mul3A_2808 : i32
      %add3A_2810 = arith.constant 15 : i32
      %add3A_2811 = arith.addi %mul3A_2809, %add3A_2810 : i32
      %get3A_2812 = arith.constant 31 : i32
      %get3A_2813 = arith.index_cast %get3A_2812 : i32 to index
      %get3A_2814 = arith.constant 0 : index
      %get3A_2815 = tpu.vector_load %arg8[%get3A_2813, %get3A_2814] {strides = array<i32>} : memref<32x200xi32, #tpu.memory_space<vmem>>, vector<16xi32>,
      %gather3A_2816 = tpu.vector_load_idx %arg7[%get3A_2815] : memref<7800xf32, #tpu.memory_space<vmem>>[vector<16xi32>], vector<16xf32>,
      %add3A_2817 = arith.addf %broadcast_in_dim3A_5, %gather3A_2816 : vector<16xf32>
      %get3A_2818 = arith.constant 31 : i32
      %get3A_2819 = arith.index_cast %get3A_2818 : i32 to index
      %get3A_2820 = arith.constant 16 : index
      %get3A_2821 = tpu.vector_load %arg8[%get3A_2819, %get3A_2820] {strides = array<i32>} : memref<32x200xi32, #tpu.memory_space<vmem>>, vector<16xi32>,
      %gather3A_2822 = tpu.vector_load_idx %arg7[%get3A_2821] : memref<7800xf32, #tpu.memory_space<vmem>>[vector<16xi32>], vector<16xf32>,
      %add3A_2823 = arith.addf %broadcast_in_dim3A_5, %gather3A_2822 : vector<16xf32>
      %get3A_2824 = arith.constant 31 : i32
      %get3A_2825 = arith.index_cast %get3A_2824 : i32 to index
      %get3A_2826 = arith.constant 32 : index
      %get3A_2827 = tpu.vector_load %arg8[%get3A_2825, %get3A_2826] {strides = array<i32>} : memref<32x200xi32, #tpu.memory_space<vmem>>, vector<16xi32>,
      %gather3A_2828 = tpu.vector_load_idx %arg7[%get3A_2827] : memref<7800xf32, #tpu.memory_space<vmem>>[vector<16xi32>], vector<16xf32>,
      %add3A_2829 = arith.addf %add3A_2817, %gather3A_2828 : vector<16xf32>
      %get3A_2830 = arith.constant 31 : i32
      %get3A_2831 = arith.index_cast %get3A_2830 : i32 to index
      %get3A_2832 = arith.constant 48 : index
      %get3A_2833 = tpu.vector_load %arg8[%get3A_2831, %get3A_2832] {strides = array<i32>} : memref<32x200xi32, #tpu.memory_space<vmem>>, vector<16xi32>,
      %gather3A_2834 = tpu.vector_load_idx %arg7[%get3A_2833] : memref<7800xf32, #tpu.memory_space<vmem>>[vector<16xi32>], vector<16xf32>,
      %add3A_2835 = arith.addf %add3A_2823, %gather3A_2834 : vector<16xf32>
      %get3A_2836 = arith.constant 31 : i32
      %get3A_2837 = arith.index_cast %get3A_2836 : i32 to index
      %get3A_2838 = arith.constant 64 : index
      %get3A_2839 = tpu.vector_load %arg8[%get3A_2837, %get3A_2838] {strides = array<i32>} : memref<32x200xi32, #tpu.memory_space<vmem>>, vector<16xi32>,
      %gather3A_2840 = tpu.vector_load_idx %arg7[%get3A_2839] : memref<7800xf32, #tpu.memory_space<vmem>>[vector<16xi32>], vector<16xf32>,
      %add3A_2841 = arith.addf %add3A_2829, %gather3A_2840 : vector<16xf32>
      %get3A_2842 = arith.constant 31 : i32
      %get3A_2843 = arith.index_cast %get3A_2842 : i32 to index
      %get3A_2844 = arith.constant 80 : index
      %get3A_2845 = tpu.vector_load %arg8[%get3A_2843, %get3A_2844] {strides = array<i32>} : memref<32x200xi32, #tpu.memory_space<vmem>>, vector<16xi32>,
      %gather3A_2846 = tpu.vector_load_idx %arg7[%get3A_2845] : memref<7800xf32, #tpu.memory_space<vmem>>[vector<16xi32>], vector<16xf32>,
      %add3A_2847 = arith.addf %add3A_2835, %gather3A_2846 : vector<16xf32>
      %get3A_2848 = arith.constant 31 : i32
      %get3A_2849 = arith.index_cast %get3A_2848 : i32 to index
      %get3A_2850 = arith.constant 96 : index
      %get3A_2851 = tpu.vector_load %arg8[%get3A_2849, %get3A_2850] {strides = array<i32>} : memref<32x200xi32, #tpu.memory_space<vmem>>, vector<16xi32>,
      %gather3A_2852 = tpu.vector_load_idx %arg7[%get3A_2851] : memref<7800xf32, #tpu.memory_space<vmem>>[vector<16xi32>], vector<16xf32>,
      %add3A_2853 = arith.addf %add3A_2841, %gather3A_2852 : vector<16xf32>
      %get3A_2854 = arith.constant 31 : i32
      %get3A_2855 = arith.index_cast %get3A_2854 : i32 to index
      %get3A_2856 = arith.constant 112 : index
      %get3A_2857 = tpu.vector_load %arg8[%get3A_2855, %get3A_2856] {strides = array<i32>} : memref<32x200xi32, #tpu.memory_space<vmem>>, vector<16xi32>,
      %gather3A_2858 = tpu.vector_load_idx %arg7[%get3A_2857] : memref<7800xf32, #tpu.memory_space<vmem>>[vector<16xi32>], vector<16xf32>,
      %add3A_2859 = arith.addf %add3A_2847, %gather3A_2858 : vector<16xf32>
      %get3A_2860 = arith.constant 31 : i32
      %get3A_2861 = arith.index_cast %get3A_2860 : i32 to index
      %get3A_2862 = arith.constant 128 : index
      %get3A_2863 = tpu.vector_load %arg8[%get3A_2861, %get3A_2862] {strides = array<i32>} : memref<32x200xi32, #tpu.memory_space<vmem>>, vector<16xi32>,
      %gather3A_2864 = tpu.vector_load_idx %arg7[%get3A_2863] : memref<7800xf32, #tpu.memory_space<vmem>>[vector<16xi32>], vector<16xf32>,
      %add3A_2865 = arith.addf %add3A_2853, %gather3A_2864 : vector<16xf32>
      %get3A_2866 = arith.constant 31 : i32
      %get3A_2867 = arith.index_cast %get3A_2866 : i32 to index
      %get3A_2868 = arith.constant 144 : index
      %get3A_2869 = tpu.vector_load %arg8[%get3A_2867, %get3A_2868] {strides = array<i32>} : memref<32x200xi32, #tpu.memory_space<vmem>>, vector<16xi32>,
      %gather3A_2870 = tpu.vector_load_idx %arg7[%get3A_2869] : memref<7800xf32, #tpu.memory_space<vmem>>[vector<16xi32>], vector<16xf32>,
      %add3A_2871 = arith.addf %add3A_2859, %gather3A_2870 : vector<16xf32>
      %get3A_2872 = arith.constant 31 : i32
      %get3A_2873 = arith.index_cast %get3A_2872 : i32 to index
      %get3A_2874 = arith.constant 160 : index
      %get3A_2875 = tpu.vector_load %arg8[%get3A_2873, %get3A_2874] {strides = array<i32>} : memref<32x200xi32, #tpu.memory_space<vmem>>, vector<16xi32>,
      %gather3A_2876 = tpu.vector_load_idx %arg7[%get3A_2875] : memref<7800xf32, #tpu.memory_space<vmem>>[vector<16xi32>], vector<16xf32>,
      %add3A_2877 = arith.addf %add3A_2865, %gather3A_2876 : vector<16xf32>
      %get3A_2878 = arith.constant 31 : i32
      %get3A_2879 = arith.index_cast %get3A_2878 : i32 to index
      %get3A_2880 = arith.constant 176 : index
      %get3A_2881 = tpu.vector_load %arg8[%get3A_2879, %get3A_2880] {strides = array<i32>} : memref<32x200xi32, #tpu.memory_space<vmem>>, vector<16xi32>,
      %gather3A_2882 = tpu.vector_load_idx %arg7[%get3A_2881] : memref<7800xf32, #tpu.memory_space<vmem>>[vector<16xi32>], vector<16xf32>,
      %add3A_2883 = arith.addf %add3A_2871, %gather3A_2882 : vector<16xf32>
      %get3A_2884 = arith.constant 31 : i32
      %get3A_2885 = arith.index_cast %get3A_2884 : i32 to index
      %get3A_2886 = arith.constant 184 : index
      %get3A_2887 = tpu.vector_load %arg8[%get3A_2885, %get3A_2886] {strides = array<i32>} : memref<32x200xi32, #tpu.memory_space<vmem>>, vector<16xi32>,
      %gather3A_2888 = tpu.vector_load_idx %arg7[%get3A_2887] : memref<7800xf32, #tpu.memory_space<vmem>>[vector<16xi32>], vector<16xf32>,
      %select_n3A_2889 = arith.select %ge3A_4, %gather3A_2888, %broadcast_in_dim3A_5 : vector<16xi1>, vector<16xf32>
      %add3A_2890 = arith.addf %add3A_2877, %select_n3A_2889 : vector<16xf32>
      %add3A_2891 = arith.addf %add3A_2890, %add3A_2883 : vector<16xf32>
      %broadcast_in_dim3A_2892 = arith.constant true
      %broadcast_in_dim3A_2893 = vector.broadcast %broadcast_in_dim3A_2892 : i1 to vector<16xi1>
      %masked_cumsum3A_2894 = tpu.scan <sum>, %add3A_2891 masked %broadcast_in_dim3A_2893 : vector<16xf32>, vector<16xi1> -> vector<16xf32>
      %broadcast_in_dim3A_2895 = vector.broadcast %add3A_2811 : i32 to vector<16xi32>
      tpu.vector_store_idx %arg11[%broadcast_in_dim3A_2895], %masked_cumsum3A_2894 masked %eq3A_34 : memref<512xf32, #tpu.memory_space<vmem>>[vector<16xi32>], vector<16xf32>, vector<16xi1>
      %add3A_2896 = arith.constant 2 : i32
      %add3A_2897 = arith.addi %add3A_1475, %add3A_2896 : i32
      %lt3A_2898 = arith.constant 32 : i32
      %lt3A_2899 = arith.cmpi slt, %add3A_2897, %lt3A_2898 : i32
      %convert_element_type3A_2900 = arith.extui %lt3A_2899 : i1 to i32
      %cond3A_2901 = arith.constant 0 : i32
      %cond3A_2902 = arith.cmpi ne, %convert_element_type3A_2900, %cond3A_2901 : i32
      scf.if %cond3A_2902 {
        %add3A_2903 = arith.constant 2 : i32
        %add3A_2904 = arith.addi %add3A_1475, %add3A_2903 : i32
        %mul3A_2905 = arith.constant 16 : i32
        %mul3A_2906 = arith.muli %add3A_2904, %mul3A_2905 : i32
        %add3A_2907 = arith.addi %mul3A_2, %mul3A_2906 : i32
        %dma_start3A_2908 = arith.constant 16 : i32
        %dma_start3A_2909 = arith.constant 0 : i32
        %dma_start3A_2910 = tpu.memref_slice %arg8[%dma_start3A_2908, %dma_start3A_2909] : memref<32x200xi32, #tpu.memory_space<vmem>> -> memref<16x200xi32, #tpu.memory_space<vmem>>
        %dma_start3A_2911 = arith.constant 0 : i32
        %dma_start3A_2912 = tpu.memref_slice %arg2[%add3A_2907, %dma_start3A_2911] : memref<16384x200xi32, #tpu.memory_space<hbm>> -> memref<16x200xi32, #tpu.memory_space<hbm>>
        %dma_start3A_2913 = arith.constant 16 : i32
        %dma_start3A_2914 = arith.constant 0 : i32
        %dma_start3A_2915 = tpu.memref_slice %arg8[%dma_start3A_2913, %dma_start3A_2914] : memref<32x200xi32, #tpu.memory_space<vmem>> -> memref<16x200xi32, #tpu.memory_space<vmem>>
        %dma_start3A_2916 = arith.constant 0 : i32
        %dma_start3A_2917 = tpu.memref_slice %arg2[%add3A_2907, %dma_start3A_2916] : memref<16384x200xi32, #tpu.memory_space<hbm>> -> memref<16x200xi32, #tpu.memory_space<hbm>>
        tpu.enqueue_dma source(%dma_start3A_2917 : memref<16x200xi32, #tpu.memory_space<hbm>>) target(%dma_start3A_2915 : memref<16x200xi32, #tpu.memory_space<vmem>>) target_semaphore(%arg13 : memref<!tpu.dma_semaphore, #tpu.memory_space<semaphore_mem>>)
      } else {
      }
    }
    %scan3A_39 = arith.constant 16 : i32
    %get3A = arith.constant 0 : index
    %get3A_40 = tpu.vector_load %arg10[%get3A] {strides = array<i32>} : memref<16xf32, #tpu.memory_space<vmem>>, vector<16xf32>,
    %scan3A_41 = arith.constant 0 : i32
    %scan3A_42 = arith.constant 0 : i32
    %scan3A_43 = arith.constant 32 : i32
    %scan3A_44 = arith.addi %scan3A_42, %scan3A_43 : i32
    %scan3A_45 = arith.constant 1 : i32
    scf.for %scan3A_47 = %scan3A_42 to %scan3A_44 step %scan3A_45  : i32 {
      %mul3A_48 = arith.constant 16 : i32
      %mul3A_49 = arith.muli %scan3A_47, %mul3A_48 : i32
      %get3A_50 = arith.index_cast %mul3A_49 : i32 to index
      %get3A_51 = tpu.vector_load %arg11[%get3A_50] {strides = array<i32>} : memref<512xf32, #tpu.memory_space<vmem>>, vector<16xf32>,
      %get3A_52 = arith.index_cast %mul3A_49 : i32 to index
      %get3A_53 = tpu.vector_load %arg9[%get3A_52] {strides = array<i32>} : memref<512xf32, #tpu.memory_space<vmem>>, vector<16xf32>,
      %div3A = arith.divf %get3A_51, %get3A_53 : vector<16xf32>
      %add3A_54 = arith.addf %div3A, %get3A_40 : vector<16xf32>
      %neg3A = arith.constant 0.000000e+00 : f32
      %neg3A_55 = vector.broadcast %neg3A : f32 to vector<16xf32>
      %neg3A_56 = arith.subf %neg3A_55, %add3A_54 : vector<16xf32>
      %exp3A = math.exp %neg3A_56 : vector<16xf32>
      %add3A_57 = arith.constant 1.000000e+00 : f32
      %add3A_58 = vector.broadcast %add3A_57 : f32 to vector<16xf32>
      %add3A_59 = arith.addf %add3A_58, %exp3A : vector<16xf32>
      %div3A_60 = arith.constant 1.000000e+00 : f32
      %div3A_61 = vector.broadcast %div3A_60 : f32 to vector<16xf32>
      %div3A_62 = arith.divf %div3A_61, %add3A_59 : vector<16xf32>
      %swap3A = arith.index_cast %mul3A_49 : i32 to index
      %swap3A_63 = tpu.vector_load %arg11[%swap3A] {strides = array<i32>} : memref<512xf32, #tpu.memory_space<vmem>>, vector<16xf32>,
      tpu.vector_store %arg11[%swap3A], %div3A_62 {strides = array<i32>} : memref<512xf32, #tpu.memory_space<vmem>>, vector<16xf32>,
    }
    %scan3A_46 = arith.constant 32 : i32
    "tpu.region"() ({
      %run_scoped3A = tpu.sem_alloc : memref<!tpu.dma_semaphore, #tpu.memory_space<semaphore_mem>>
      %dma_start3A_47 = tpu.memref_slice %arg6[%mul3A_2] : memref<16384xf32, #tpu.memory_space<hbm>> -> memref<512xf32, #tpu.memory_space<hbm>>
      %dma_start3A_48 = tpu.memref_slice %arg6[%mul3A_2] : memref<16384xf32, #tpu.memory_space<hbm>> -> memref<512xf32, #tpu.memory_space<hbm>>
      tpu.enqueue_dma source(%arg11 : memref<512xf32, #tpu.memory_space<vmem>>) target(%dma_start3A_48 : memref<512xf32, #tpu.memory_space<hbm>>) target_semaphore(%run_scoped3A : memref<!tpu.dma_semaphore, #tpu.memory_space<semaphore_mem>>)
      %dma_wait3A = tpu.memref_slice %arg6[%mul3A_2] : memref<16384xf32, #tpu.memory_space<hbm>> -> memref<512xf32, #tpu.memory_space<hbm>>
      %dma_wait3A_49 = tpu.memref_slice %arg6[%mul3A_2] : memref<16384xf32, #tpu.memory_space<hbm>> -> memref<512xf32, #tpu.memory_space<hbm>>
      tpu.wait_dma2 semaphore(%run_scoped3A : memref<!tpu.dma_semaphore, #tpu.memory_space<semaphore_mem>>) src(%arg11 : memref<512xf32, #tpu.memory_space<vmem>>) dst(%dma_wait3A_49 : memref<512xf32, #tpu.memory_space<hbm>>)
      tpu.yield
    }) : () -> ()
    return
  }
}

module attributes {stable_mosaic.version = 14 : i64} {
  func.func @_scores_body(%arg0: memref<7800x64xf32, #tpu.memory_space<vmem>>, %arg1: memref<1x64xf32, #tpu.memory_space<vmem>>, %arg2: memref<7800xf32, #tpu.memory_space<vmem>>) attributes {dimension_semantics = [], scalar_prefetch = 0 : i64, scratch_operands = 0 : i64, tpu.core_type = #tpu.core_type<tc>} {
    %get3A = arith.constant 0 : index
    %get3A_0 = arith.constant 0 : index
    %get3A_1 = vector.load %arg0[%get3A, %get3A_0] : memref<7800x64xf32, #tpu.memory_space<vmem>>, vector<7800x64xf32>
    %get3A_2 = arith.constant 0 : index
    %get3A_3 = arith.constant 0 : index
    %get3A_4 = vector.load %arg1[%get3A_2, %get3A_3] : memref<1x64xf32, #tpu.memory_space<vmem>>, vector<1x64xf32>
    %reshape3A = vector.shape_cast %get3A_4 : vector<1x64xf32> to vector<64xf32>
    %dot_general3A = arith.constant dense<0.000000e+00> : vector<7800xf32>
    %dot_general3A_5 = tpu.matmul %get3A_1, %reshape3A, %dot_general3A {dimension_numbers = #tpu.dot_dimension_numbers<[1], [0], [0], [], [0, 0], [], []>, transpose_lhs_hint = false} : vector<7800x64xf32>, vector<64xf32>, vector<7800xf32> -> vector<7800xf32>
    %swap3A = arith.constant 0 : index
    %swap3A_6 = vector.load %arg2[%swap3A] : memref<7800xf32, #tpu.memory_space<vmem>>, vector<7800xf32>
    tpu.vector_store %arg2[%swap3A], %dot_general3A_5 {strides = array<i32>} : memref<7800xf32, #tpu.memory_space<vmem>>, vector<7800xf32>,
    return
  }
}

</mosaic_0001>

<sc_bundles>
// kernel: kernel.4.cloned.1.call-start
scs
__scs_entry_jumppad:
0x0: {  	(pc) =	sbr.rel $0x88, $3  }
0x1: {  	(tag) =	ssettag $0x0;
	lr =	simm.s32 $0x1  }
0x2: {  	[smem:$0x3F9C] =	sst lr;
	_ =	strace $0xD0000000  }
0x3: {  	_ = 	snop  }
0x4: {  	_ = 	snop  }
0x5: {  	_ = 	snop  }
0x6: {  	_ = 	snop  }
0x7: {  	_ = 	snop  }
__scs_overlays_trampoline_lowered:
0x8: {  	[smem:$0x3FAB] =	sst s0  }
0x9: {  	[smem:$0x3FAC] =	sst s1  }
0xa: {  	[smem:$0x3FAD] =	sst s2  }
0xb: {  	[smem:$0x3FAE] =	sst s3  }
0xc: {  	[smem:$0x3FAF] =	sst s4  }
0xd: {  	[smem:$0x3FB0] =	sst s5  }
0xe: {  	[smem:$0x3FB1] =	sst s6  }
0xf: {  	[smem:$0x3FB2] =	sst s7  }
0x10: {  	[smem:$0x3FB3] =	sst s8  }
0x11: {  	[smem:$0x3FB4] =	sst s9;
	s0 =	simm.s32 @!p0 $0x0  }
0x12: {  	s1 =	sld [smem:$0x3F9A];
	s0 =	simm.s32 @p0 $0x1  }
0x13: {  	[smem:$0x3FB5] =	sst s0;
	s0 =	simm.s32 @!p1 $0x0  }
0x14: {  	s2 =	sld [smem:$0x3F99];
	s0 =	simm.s32 @p1 $0x1  }
0x15: {  	[smem:$0x3FB6] =	sst s0;
	s0 =	simm.s32 @!p2 $0x0  }
0x16: {  	s3 =	sld [smem:$0x3FDB];
	s0 =	simm.s32 @p2 $0x1  }
0x17: {  	s4 =	simm.s32 $0x1BF5;
	[smem:$0x3FB8] =	sst s0  }
0x18: {  	s0 =	sld [smem:$0x3F9B];
	_ =	swait.ge [sflag:s4], $0x0  }
0x19: {  	s7 =	sld [smem:$0x3F9C]  }
0x1a: {  	s8 =	sadd.s32 $0xFFFFE003, lr  }
0x1b: {  	s9 =	sadd.s32 $0xFFFFFEF7, lr;
	s5 =	simm.s32 $0xFFFFFFFF;
	p2 =	slt.u32 s8, $0xFFFFF086  }
0x1c: {  	p1 =	slt.u32 s9, $0xF7A;
	s5 =	simm.s32 @!p2 $0x0  }
0x1d: {  	s5 =	simm.s32 @p1 $0x1;
	p0 =	seq.s32 s7, s2  }
0x1e: {  	s7 =	smul.u32 @!p0 $0xF7A, s2;
	p2 =	seq.s32 @!p0 s5, $0x0  }
0x1f: {  	s9 =	smul.u32 $0xF7A, s1;
	s8 =	simm.s32 @!p0 $0x1BF5;
	p2 =	por !p2, p0  }
0x20: {  	[sflag:s8] =	ssyncset.s32 @!p0 $0xFFFFF086;
	s6 =	sadd.s32 @!p0 s3, s7;
	s7 =	simm.s32 @!p0 $0x108  }
0x21: {  	s3 =	sadd.s32 s3, s9;
	s6 =	sadd.s32 @!p0 $0x88, s6;
	s7 =	simm.s32 @p2 $0x1082  }
0x22: {  	[simem:s7], [sflag:s8] =	dma.local @!p0 [hbm:s6], $0xF7A  }
0x23: {  	s9 =	sor.u32 $0xD0000000, s2;
	s6 =	simm.s32 $0x108;
	_ =	swait.ge @!p0 [sflag:s8], $0x0  }
0x24: {  	s3 =	sadd.s32 $0x88, s3;
	s6 =	simm.s32 @!p1 $0x1082;
	[sflag:s4] =	ssyncset.s32 $0xFFFFF086  }
0x25: {  	[simem:s6], [sflag:s4] =	dma.local [hbm:s3], $0xF7A  }
0x26: {  	[smem:$0x3F9C] =	sst s1;
	(tag) =	ssettag s2;
	_ =	strace s9  }
0x27: {  	s1 =	sld [smem:$0x3FAC]  }
0x28: {  	s2 =	sld [smem:$0x3FAD]  }
0x29: {  	s4 =	sld [smem:$0x3FAF]  }
0x2a: {  	p0 =	seq.s32 s5, $0x0;
	s5 =	sld [smem:$0x3FB0]  }
0x2b: {  	s6 =	sld [smem:$0x3FB1]  }
0x2c: {  	s7 =	sld [smem:$0x3FB2]  }
0x2d: {  	s3 =	simm.s32 $0x108;
	s8 =	sld [smem:$0x3FB3]  }
0x2e: {  	s3 =	simm.s32 @!p0 $0x1082;
	s9 =	sld [smem:$0x3FB4]  }
0x2f: {  	lr =	sadd.s32 s0, s3;
	s0 =	sld [smem:$0x3FAB]  }
0x30: {  	s3 =	sld [smem:$0x3FAE]  }
0x31: {  	[smem:$0x3FB7] =	sst s10  }
0x32: {  	s10 =	sld [smem:$0x3FB5];
	_ =	sdelay $0x3  }
0x33: {  	p0 =	seq.s32 s10, $0x1;
	s10 =	sld [smem:$0x3FB7];
	_ =	sdelay $0x3  }
0x34: {  	[smem:$0x3FB7] =	sst s10  }
0x35: {  	s10 =	sld [smem:$0x3FB6];
	_ =	sdelay $0x3  }
0x36: {  	p1 =	seq.s32 s10, $0x1;
	s10 =	sld [smem:$0x3FB7];
	_ =	sdelay $0x3  }
0x37: {  	[smem:$0x3FB7] =	sst s10  }
0x38: {  	s10 =	sld [smem:$0x3FB8]  }
0x39: {  	_ = 	snop;
	(pc) =	sbr.ind lr, $3  }
0x3a: {  	_ = 	snop  }
0x3b: {  	_ = 	snop  }
0x3c: {  	p2 =	seq.s32 s10, $0x1;
	s10 =	sld [smem:$0x3FB7]  }
0x3d: {  	_ =	shalt  }
0x3e: {  	_ =	shalt  }
0x3f: {  	_ =	shalt  }
0x40: {  	_ =	shalt  }
0x41: {  	_ =	shalt  }
0x42: {  	_ =	shalt  }
0x43: {  	_ =	shalt  }
0x44: {  	_ =	shalt  }
0x45: {  	_ =	shalt  }
0x46: {  	_ =	shalt  }
0x47: {  	_ =	shalt  }
0x48: {  	_ =	shalt  }
0x49: {  	_ =	shalt  }
0x4a: {  	_ =	shalt  }
0x4b: {  	_ =	shalt  }
0x4c: {  	_ =	shalt  }
0x4d: {  	_ =	shalt  }
0x4e: {  	_ =	shalt  }
0x4f: {  	_ =	shalt  }
0x50: {  	_ =	shalt  }
0x51: {  	_ =	shalt  }
0x52: {  	_ =	shalt  }
0x53: {  	_ =	shalt  }
0x54: {  	_ =	shalt  }
0x55: {  	_ =	shalt  }
0x56: {  	_ =	shalt  }
0x57: {  	_ =	shalt  }
0x58: {  	_ =	shalt  }
0x59: {  	_ =	shalt  }
0x5a: {  	_ =	shalt  }
0x5b: {  	_ =	shalt  }
0x5c: {  	_ =	shalt  }
0x5d: {  	_ =	shalt  }
0x5e: {  	_ =	shalt  }
0x5f: {  	_ =	shalt  }
0x60: {  	_ =	shalt  }
0x61: {  	_ =	shalt  }
0x62: {  	_ =	shalt  }
0x63: {  	_ =	shalt  }
0x64: {  	_ =	shalt  }
0x65: {  	_ =	shalt  }
0x66: {  	_ =	shalt  }
0x67: {  	_ =	shalt  }
0x68: {  	_ =	shalt  }
0x69: {  	_ =	shalt  }
0x6a: {  	_ =	shalt  }
0x6b: {  	_ =	shalt  }
0x6c: {  	_ =	shalt  }
0x6d: {  	_ =	shalt  }
0x6e: {  	_ =	shalt  }
0x6f: {  	_ =	shalt  }
0x70: {  	_ =	shalt  }
0x71: {  	_ =	shalt  }
0x72: {  	_ =	shalt  }
0x73: {  	_ =	shalt  }
0x74: {  	_ =	shalt  }
0x75: {  	_ =	shalt  }
0x76: {  	_ =	shalt  }
0x77: {  	_ =	shalt  }
0x78: {  	_ =	shalt  }
0x79: {  	_ =	shalt  }
0x7a: {  	_ =	shalt  }
0x7b: {  	_ =	shalt  }
0x7c: {  	_ =	shalt  }
0x7d: {  	_ =	shalt  }
0x7e: {  	_ =	shalt  }
0x7f: {  	_ =	shalt  }
0x80: {  	_ =	shalt  }
0x81: {  	_ =	shalt  }
0x82: {  	_ =	shalt  }
0x83: {  	_ =	shalt  }
0x84: {  	_ =	shalt  }
0x85: {  	_ =	shalt  }
0x86: {  	_ =	shalt  }
0x87: {  	_ =	shalt  }
.Lfunc_end0:
.L_simem_size_0:
called_computation_lowered:
.L_overlay_start_0:
0x88: {  	s2 =	sld [smem:$0x3FD9]  }
0x89: {  	s3 =	sld [smem:$0x3FFE];
	_ =	sdelay $0x1  }
0x8a: {  	s1 =	srdreg.scid  }
0x8b: {  	s0 =	sand.u32 $0x1, s1  }
0x8c: {  	s17 =	sshll.u32 s0, $0xA;
	s2 =	sadd.s32 s3, s2  }
0x8d: {  	s2 =	sadd.s32 s2, s17  }
0x8e: {  	[smem:$0x3FC3] =	sst s2  }
0x8f: {  	_ = 	snop  }
0x90: {  	s2 =	sld [smem:$0x3FC8]  }
0x91: {  	s18 =	sld [smem:$0x3FD0];
	(tm) =	ssettm $0x1  }
0x92: {  	s4 =	sld [smem:$0x3FFB];
	_ =	sdelay $0x3  }
0x93: {  	_ =	strace s4  }
0x94: {  	s4 =	sld [smem:$0x3FFC];
	_ =	sdelay $0x3  }
0x95: {  	_ =	strace s4  }
0x96: {  	s4 =	sld [smem:$0x3FFD];
	_ =	sdelay $0x3  }
0x97: {  	_ =	strace s4  }
0x98: {  	_ =	strace $0x8FFFFFFF  }
0x99: {  	s19 =	sld [smem:$0x3FDB];
	_ =	sdelay $0x1  }
0x9a: {  	s5 =	simm.s32 $_scs_section_size  }
0x9b: {  	s6 =	simm.s32 $_size__tile_overlayer_lowered;
	s7 =	simm.s32 $_tile_overlayer_lowered  }
0x9c: {  	s22 =	simm.s32 $0x1BFF;
	s21 =	sshll.u32 s7, $0x1;
	s4 =	sadd.s32 s5, s19  }
0x9d: {  	s8 =	simm.s32 $0x0;
	s20 =	sshll.u32 s6, $0x1;
	s6 =	sadd.s32 s21, s4  }
0x9e: {  	[timem:s8], [sflag:s22] =	dma.local [hbm:s6], s20  }
0x9f: {  	_ =	swait.ge [sflag:s22], s20  }
0xa0: {  	s5 =	ssub.s32 $0x0, s20;
	[sflag:s22] =	ssyncset.done $0x0  }
0xa1: {  	[sflag:s22] =	ssyncadd.s32 s5;
	_ =	sdelay $0x1  }
0xa2: {  	s23 =	simm.s32 $0x1B8B  }
0xa3: {  	_ =	swait.ge [sflag:s23], $0x1  }
0xa4: {  	[sflag:s23] =	ssyncset.done $0x0  }
0xa5: {  	s25 =	simm.s32 $0x1B8E;
	s24 =	sld [smem:$0x3FFE];
	[sflag:s23] =	ssyncadd.s32 $0xFFFFFFFF  }
0xa6: {  	s26 =	simm.s32 $execute0_lowered;
	[smem:$0x3FD2] =	sst s25  }
0xa7: {  	s6 =	sshll.u32 s26, $0x1;
	_ =	strace $0x80000046;
	[dreg:$0x1] =	wrdreg $0xFFFFFFFF  }
0xa8: {  	s28 =	simm.s32 $_size_execute0_lowered;
	s4 =	sadd.s32 s4, s6;
	[dreg:$0x0] =	wrdreg $0x0  }
0xa9: {  	s6 =	sshll.u32 s28, $0x1;
	[dreg:$0x2] =	wrdreg s4  }
0xaa: {  	[dreg:$0x3] =	wrdreg s6  }
0xab: {  	[dreg:$0x4] =	wrdreg $0xC0  }
0xac: {  	_ =	task [dreg:s8], $0x5FFFF  }
0xad: {  	[dreg:$0x1] =	wrdreg $0xFFFFFFFF  }
0xae: {  	[dreg:$0x0] =	wrdreg $0x60  }
0xaf: {  	[dreg:$0x2] =	wrdreg s24  }
0xb0: {  	[dreg:$0x3] =	wrdreg s2  }
0xb1: {  	[dreg:$0x4] =	wrdreg s18  }
0xb2: {  	[dreg:$0x5] =	wrdreg $0x9  }
0xb3: {  	_ =	task.clear_ibuf [dreg:s8], $0x6FFFF;
	_ =	strace $0x90000046  }
0xb4: {  	s29 =	simm.s32 $0x9;
	_ =	strace $0x80000048  }
0xb5: {  	_ =	swait.ge [sflag:s29], $0x1  }
0xb6: {  	[sflag:s29] =	ssyncadd.s32 $0xFFFFFFFF  }
0xb7: {  	_ =	strace $0x90000048  }
0xb8: {  	_ =	sfence  }
0xb9: {  	s30 =	sld [smem:$0x0];
	_ =	sdelay $0x2  }
0xba: {  	s31 =	sshll.u32 s1, $0xD;
	s1 =	sshrl.u32 s1, $0x2  }
0xbb: {  	s3 =	sand.u32 $0x4000, s31;
	s1 =	sadd.s32 s1, s30  }
0xbc: {  	s0 =	sor.u32 s3, s0;
	s1 =	sshll.u32 s1, $0x11  }
0xbd: {  	s0 =	sor.u32 s1, s0  }
0xbe: {  	s0 =	sadd.s32 $0x8F2B, s0  }
0xbf: {  	[sflag:s0] =	ssyncadd.remote.s32 $0x1  }
0xc0: {  	_ =	sfence.sel $0xFFFF  }
0xc1: {  	[dreg:$0x0] =	wrdreg $0xFFFFFFFF;
	(pc) =	sbr.abs _section_cstart, $3  }
0xc2: {  	[dreg:$0x1] =	wrdreg $0xFFFFFFFF  }
0xc3: {  	_ =	task.clear_ibuf [dreg:s8], $0x2FFFF;
	_ =	strace $0x9FFFFFFF  }
0xc4: {  	(tm) =	ssettm $0x7FFFFFFF  }
0xc5: {  	_ =	shalt  }
tec
execute0_lowered:
.L_overlay_start_1:
0x0: {  	(tag) =	ssettag $0x1  }
0x1: {  	s4 =	rddreg [dreg:$0x0]  }
0x2: {  	s7 =	rddreg [dreg:$0x1]  }
0x3: {  	s8 =	rddreg [dreg:$0x2]  }
0x4: {  	s0 =	rddreg [dreg:$0x3]  }
0x5: {  	s2 =	simm.s32 $0x0;
	s3 =	srdreg.scid;
	s1 =	stileid.u32  }
0x6: {  	s13 =	simm.s32 $0x3;
	s14 =	simm.s32 $0x3E80;
	s15 =	simm.s32 $0x4080  }
0x7: {  	s16 =	simm.s32 $0x1;
	s17 =	simm.s32 $0x4100;
	s18 =	simm.s32 $0x2  }
0x8: {  	s19 =	simm.s32 $0x0;
	[smem:$0x7FF] =	sst s2;
	s6 =	sand.u32 $0x1, s3  }
0x9: {  	s9 =	sadd.s32 $0x800, s4;
	s5 =	sshll.u32 s1, $0xA;
	s3 =	sadd.s32 $0x80800, s4  }
0xa: {  	s4 =	sadd.s32 $0x80C00, s4;
	s30 =	sshll.u32 s1, $0xF;
	s10 =	sshll.u32 s6, $0x9  }
0xb: {  	_ =	strace $0x80000047;
	s11 =	ssub.s32 $0x2, s6;
	s10 =	sor.u32 s10, s5  }
0xc: {  	s31 =	sshll.u32 s6, $0xE;
	s29 =	sshrl.u32 s11, $0x1;
	s12 =	sshll.u32 s10, $0x5  }
0xd: {  	s11 =	ssub.s32 s11, s29;
	s10 =	sshrl.u32 s10, $0x3;
	s5 =	sadd.s32 s9, s12  }
0xe: {  	s9 =	sadd.s32 s30, s9;
	s7 =	sadd.s32 s7, s10;
	s8 =	sadd.s32 s8, s10  }
0xf: {  	s6 =	sadd.s32 $0x200, s5;
	s12 =	sadd.s32 s31, s9;
	s9 =	smax.u32 s11, $0x1  }
0x10: {  	vm0 =	vmmov $0xff;
	vm1 =	vcmask $0x3F3C;
	s11 =	simm.s32 $0x1E80;
	s10 =	sadd.s32 $0x600, s12;
	s12 =	simm.s32 $0x2E80  }
.LBB2_1:
0x11: {  	[tilespmem:s11], [sflag:$0x1] =	stream.linear.gather [hbm4b:s5+s2], $0x1000, $0x38;
	[tilespmem:$0x4300] =	vst v63  }
0x12: {  	_ = 	snop  }
0x13: {  	[tilespmem:s12], [sflag:$0x2] =	stream.linear.gather [hbm4b:s6+s2], $0x1000, $0x38;
	[tilespmem:$0x4300] =	vst v63  }
0x14: {  	_ = 	snop  }
0x15: {  	[tilespmem:s2], [sflag:$0x3] =	stream.linear.gather [hbm4b:s3+s2], $0x1E80, $0x38;
	[tilespmem:$0x4300] =	vst v63  }
0x16: {  	_ =	swait.ge [sflag:s13], $0x1E80  }
0x17: {  	[sflag:s13] =	ssyncset.done $0x0  }
0x18: {  	[sflag:s13] =	ssyncadd.s32 $0xFFFFE180  }
0x19: {  	[tilespmem:s14], [sflag:$0x3] =	stream.linear.gather [hbm4b:s7+s2], $0x200, $0x38;
	[tilespmem:$0x4300] =	vst v63  }
0x1a: {  	_ =	swait.ge [sflag:s13], $0x200  }
0x1b: {  	[sflag:s13] =	ssyncset.done $0x0  }
0x1c: {  	[sflag:s13] =	ssyncadd.s32 $0xFFFFFE00  }
0x1d: {  	[tilespmem:s15], [sflag:$0x3] =	stream.linear.gather [hbm4b:s4+s2], $0x80, $0x38;
	[tilespmem:$0x4300] =	vst v63  }
0x1e: {  	_ =	swait.ge [sflag:s13], $0x80  }
0x1f: {  	[sflag:s13] =	ssyncset.done $0x0  }
0x20: {  	s20 =	simm.s32 $0x1F;
	s21 =	smov.u32 s10;
	[sflag:s13] =	ssyncadd.s32 $0xFFFFFF80  }
.LBB2_2:
0x21: {  	_ =	swait.ge [sflag:s16], $0x1000  }
0x22: {  	[sflag:s16] =	ssyncset.done $0x0  }
0x23: {  	[sflag:s16] =	ssyncadd.s32 $0xFFFFF000  }
0x24: {  	v0 =	vld [tilespmem:$0x1E80]  }
0x25: {  	v1 =	vld [tilespmem:$0x1E90]  }
0x26: {  	v2 =	vld [tilespmem:$0x1EA0]  }
0x27: {  	v3 =	vld [tilespmem:$0x1EB0]  }
0x28: {  	v4 =	vld [tilespmem:$0x1EC0]  }
0x29: {  	v5 =	vld [tilespmem:$0x1ED0]  }
0x2a: {  	v6 =	vld [tilespmem:$0x1EE0]  }
0x2b: {  	v7 =	vld [tilespmem:$0x1EF0]  }
0x2c: {  	v8 =	vld [tilespmem:$0x2280]  }
0x2d: {  	v9 =	vld [tilespmem:$0x2290]  }
0x2e: {  	v10 =	vld [tilespmem:$0x22A0]  }
0x2f: {  	v11 =	vld [tilespmem:$0x22B8]  }
0x30: {  	v12 =	vld [tilespmem:$0x22B0]  }
0x31: {  	v0 =	vld.idx.msk [tilespmem:v0+s2+$0x0], $0xffff  }
0x32: {  	v1 =	vld.idx.msk [tilespmem:v1+s2+$0x0], $0xffff  }
0x33: {  	v2 =	vld.idx.msk [tilespmem:v2+s2+$0x0], $0xffff  }
0x34: {  	v3 =	vld.idx.msk [tilespmem:v3+s2+$0x0], $0xffff  }
0x35: {  	v4 =	vld.idx.msk [tilespmem:v4+s2+$0x0], $0xffff  }
0x36: {  	v5 =	vld.idx.msk [tilespmem:v5+s2+$0x0], $0xffff;
	v0 =	vadd.f32 $0.0e+00, v0  }
0x37: {  	v6 =	vld.idx.msk [tilespmem:v6+s2+$0x0], $0xffff  }
0x38: {  	v42 =	vld.idx.msk [tilespmem:v7+s2+$0x0], $0xffff;
	v1 =	vadd.f32 $0.0e+00, v1;
	v0 =	vadd.f32 v2, v0  }
0x39: {  	v43 =	vld.idx.msk [tilespmem:v8+s2+$0x0], $0xffff  }
0x3a: {  	v44 =	vld.idx.msk [tilespmem:v9+s2+$0x0], $0xffff;
	v1 =	vadd.f32 v3, v1;
	v0 =	vadd.f32 v4, v0  }
0x3b: {  	v45 =	vld.idx.msk [tilespmem:v10+s2+$0x0], $0xffff  }
0x3c: {  	v46 =	vld.idx.msk [tilespmem:v11+s2+$0x0], $0xffff;
	v1 =	vadd.f32 v5, v1;
	v0 =	vadd.f32 v6, v0  }
0x3d: {  	v47 =	vld.idx.msk [tilespmem:v12+s2+$0x0], $0xffff  }
0x3e: {  	v1 =	vadd.f32 v42, v1;
	v0 =	vadd.f32 v43, v0;
	_ =	sdelay $0x1  }
0x3f: {  	v1 =	vadd.f32 v44, v1;
	v0 =	vadd.f32 v45, v0  }
0x40: {  	v48 =	vsel vm0, $0x0, v46  }
0x41: {  	v1 =	vadd.f32 v47, v1;
	v0 =	vadd.f32 v48, v0;
	_ =	sdelay $0x1  }
0x42: {  	v0 =	vadd.f32 v0, v1;
	_ =	sdelay $0x1  }
0x43: {  	(xrf2) =	vadd.scan.msk.f32 $0xffff, v0;
	_ =	sdelay $0x1  }
0x44: {  	s22 =	sadd.s32 $0xFFFFFFE1, s20  }
0x45: {  	v49 =	vmov s22  }
0x46: {  	v0 =	vand.u32 $0xFFFFFFE0, v49  }
0x47: {  	v0 =	vbroadcast v0, $0x0;
	_ =	sdelay $0x4  }
0x48: {  	v50, _, _ =	vpop (xrf2)  }
0x49: {  	[tilespmem:v0+s17+$0x0] =	vst.idx.msk vm1, v50  }
0x4a: {  	v0 =	vld [tilespmem:$0x1F00]  }
0x4b: {  	v1 =	vld [tilespmem:$0x1F10]  }
0x4c: {  	v51 =	vld [tilespmem:$0x1F20]  }
0x4d: {  	v52 =	vld [tilespmem:$0x1F30]  }
0x4e: {  	v53 =	vld [tilespmem:$0x1F40]  }
0x4f: {  	v54 =	vld [tilespmem:$0x1F50]  }
0x50: {  	v55 =	vld [tilespmem:$0x1F60]  }
0x51: {  	v56 =	vld [tilespmem:$0x1F70]  }
0x52: {  	v57 =	vld [tilespmem:$0x2300]  }
0x53: {  	v58 =	vld [tilespmem:$0x2310]  }
0x54: {  	v59 =	vld [tilespmem:$0x2320]  }
0x55: {  	v60 =	vld [tilespmem:$0x2338]  }
0x56: {  	v61 =	vld [tilespmem:$0x2330]  }
0x57: {  	v0 =	vld.idx.msk [tilespmem:v0+s2+$0x0], $0xffff  }
0x58: {  	v1 =	vld.idx.msk [tilespmem:v1+s2+$0x0], $0xffff  }
0x59: {  	v2 =	vld.idx.msk [tilespmem:v51+s2+$0x0], $0xffff  }
0x5a: {  	v3 =	vld.idx.msk [tilespmem:v52+s2+$0x0], $0xffff  }
0x5b: {  	v4 =	vld.idx.msk [tilespmem:v53+s2+$0x0], $0xffff  }
0x5c: {  	v5 =	vld.idx.msk [tilespmem:v54+s2+$0x0], $0xffff;
	v0 =	vadd.f32 $0.0e+00, v0  }
0x5d: {  	v6 =	vld.idx.msk [tilespmem:v55+s2+$0x0], $0xffff  }
0x5e: {  	v62 =	vld.idx.msk [tilespmem:v56+s2+$0x0], $0xffff;
	v1 =	vadd.f32 $0.0e+00, v1;
	v0 =	vadd.f32 v2, v0  }
0x5f: {  	v63 =	vld.idx.msk [tilespmem:v57+s2+$0x0], $0xffff  }
0x60: {  	v9 =	vld.idx.msk [tilespmem:v58+s2+$0x0], $0xffff;
	v1 =	vadd.f32 v3, v1;
	v0 =	vadd.f32 v4, v0  }
0x61: {  	v13 =	vld.idx.msk [tilespmem:v59+s2+$0x0], $0xffff  }
0x62: {  	v14 =	vld.idx.msk [tilespmem:v60+s2+$0x0], $0xffff;
	v1 =	vadd.f32 v5, v1;
	v0 =	vadd.f32 v6, v0  }
0x63: {  	v15 =	vld.idx.msk [tilespmem:v61+s2+$0x0], $0xffff  }
0x64: {  	v1 =	vadd.f32 v62, v1;
	v0 =	vadd.f32 v63, v0;
	_ =	sdelay $0x1  }
0x65: {  	v1 =	vadd.f32 v9, v1;
	v0 =	vadd.f32 v13, v0  }
0x66: {  	v16 =	vsel vm0, $0x0, v14  }
0x67: {  	v1 =	vadd.f32 v15, v1;
	v0 =	vadd.f32 v16, v0;
	_ =	sdelay $0x1  }
0x68: {  	v0 =	vadd.f32 v0, v1;
	_ =	sdelay $0x1  }
0x69: {  	(xrf2) =	vadd.scan.msk.f32 $0xffff, v0;
	_ =	sdelay $0x1  }
0x6a: {  	s25 =	sadd.s32 $0xFFFFFFE2, s20  }
0x6b: {  	v17 =	vmov s25  }
0x6c: {  	v0 =	vand.u32 $0xFFFFFFE1, v17  }
0x6d: {  	v0 =	vbroadcast v0, $0x0;
	_ =	sdelay $0x4  }
0x6e: {  	v18, _, _ =	vpop (xrf2)  }
0x6f: {  	[tilespmem:v0+s17+$0x0] =	vst.idx.msk vm1, v18  }
0x70: {  	v0 =	vld [tilespmem:$0x1F80]  }
0x71: {  	v1 =	vld [tilespmem:$0x1F90]  }
0x72: {  	v19 =	vld [tilespmem:$0x1FA0]  }
0x73: {  	v20 =	vld [tilespmem:$0x1FB0]  }
0x74: {  	v21 =	vld [tilespmem:$0x1FC0]  }
0x75: {  	v22 =	vld [tilespmem:$0x1FD0]  }
0x76: {  	v23 =	vld [tilespmem:$0x1FE0]  }
0x77: {  	v24 =	vld [tilespmem:$0x1FF0]  }
0x78: {  	v25 =	vld [tilespmem:$0x2380]  }
0x79: {  	v26 =	vld [tilespmem:$0x2390]  }
0x7a: {  	v27 =	vld [tilespmem:$0x23A0]  }
0x7b: {  	v28 =	vld [tilespmem:$0x23B8]  }
0x7c: {  	v29 =	vld [tilespmem:$0x23B0]  }
0x7d: {  	v0 =	vld.idx.msk [tilespmem:v0+s2+$0x0], $0xffff  }
0x7e: {  	v1 =	vld.idx.msk [tilespmem:v1+s2+$0x0], $0xffff  }
0x7f: {  	v2 =	vld.idx.msk [tilespmem:v19+s2+$0x0], $0xffff  }
0x80: {  	v3 =	vld.idx.msk [tilespmem:v20+s2+$0x0], $0xffff  }
0x81: {  	v4 =	vld.idx.msk [tilespmem:v21+s2+$0x0], $0xffff  }
0x82: {  	v5 =	vld.idx.msk [tilespmem:v22+s2+$0x0], $0xffff;
	v0 =	vadd.f32 $0.0e+00, v0  }
0x83: {  	v6 =	vld.idx.msk [tilespmem:v23+s2+$0x0], $0xffff  }
0x84: {  	v30 =	vld.idx.msk [tilespmem:v24+s2+$0x0], $0xffff;
	v1 =	vadd.f32 $0.0e+00, v1;
	v0 =	vadd.f32 v2, v0  }
0x85: {  	v31 =	vld.idx.msk [tilespmem:v25+s2+$0x0], $0xffff  }
0x86: {  	v32 =	vld.idx.msk [tilespmem:v26+s2+$0x0], $0xffff;
	v1 =	vadd.f32 v3, v1;
	v0 =	vadd.f32 v4, v0  }
0x87: {  	v33 =	vld.idx.msk [tilespmem:v27+s2+$0x0], $0xffff  }
0x88: {  	v34 =	vld.idx.msk [tilespmem:v28+s2+$0x0], $0xffff;
	v1 =	vadd.f32 v5, v1;
	v0 =	vadd.f32 v6, v0  }
0x89: {  	v35 =	vld.idx.msk [tilespmem:v29+s2+$0x0], $0xffff  }
0x8a: {  	v1 =	vadd.f32 v30, v1;
	v0 =	vadd.f32 v31, v0;
	_ =	sdelay $0x1  }
0x8b: {  	v1 =	vadd.f32 v32, v1;
	v0 =	vadd.f32 v33, v0  }
0x8c: {  	v36 =	vsel vm0, $0x0, v34  }
0x8d: {  	v1 =	vadd.f32 v35, v1;
	v0 =	vadd.f32 v36, v0;
	_ =	sdelay $0x1  }
0x8e: {  	v0 =	vadd.f32 v0, v1;
	_ =	sdelay $0x1  }
0x8f: {  	(xrf2) =	vadd.scan.msk.f32 $0xffff, v0;
	_ =	sdelay $0x1  }
0x90: {  	s26 =	sadd.s32 $0xFFFFFFE3, s20  }
0x91: {  	v37 =	vmov s26  }
0x92: {  	v0 =	vand.u32 $0xFFFFFFE2, v37  }
0x93: {  	v0 =	vbroadcast v0, $0x0;
	_ =	sdelay $0x4  }
0x94: {  	v38, _, _ =	vpop (xrf2)  }
0x95: {  	[tilespmem:v0+s17+$0x0] =	vst.idx.msk vm1, v38  }
0x96: {  	v0 =	vld [tilespmem:$0x2000]  }
0x97: {  	v1 =	vld [tilespmem:$0x2010]  }
0x98: {  	v39 =	vld [tilespmem:$0x2020]  }
0x99: {  	v40 =	vld [tilespmem:$0x2030]  }
0x9a: {  	v41 =	vld [tilespmem:$0x2040]  }
0x9b: {  	v42 =	vld [tilespmem:$0x2050]  }
0x9c: {  	v43 =	vld [tilespmem:$0x2060]  }
0x9d: {  	v44 =	vld [tilespmem:$0x2070]  }
0x9e: {  	v45 =	vld [tilespmem:$0x2400]  }
0x9f: {  	v46 =	vld [tilespmem:$0x2410]  }
0xa0: {  	v47 =	vld [tilespmem:$0x2420]  }
0xa1: {  	v48 =	vld [tilespmem:$0x2438]  }
0xa2: {  	v49 =	vld [tilespmem:$0x2430]  }
0xa3: {  	v0 =	vld.idx.msk [tilespmem:v0+s2+$0x0], $0xffff  }
0xa4: {  	v1 =	vld.idx.msk [tilespmem:v1+s2+$0x0], $0xffff  }
0xa5: {  	v2 =	vld.idx.msk [tilespmem:v39+s2+$0x0], $0xffff  }
0xa6: {  	v3 =	vld.idx.msk [tilespmem:v40+s2+$0x0], $0xffff  }
0xa7: {  	v4 =	vld.idx.msk [tilespmem:v41+s2+$0x0], $0xffff  }
0xa8: {  	v5 =	vld.idx.msk [tilespmem:v42+s2+$0x0], $0xffff;
	v0 =	vadd.f32 $0.0e+00, v0  }
0xa9: {  	v6 =	vld.idx.msk [tilespmem:v43+s2+$0x0], $0xffff  }
0xaa: {  	v50 =	vld.idx.msk [tilespmem:v44+s2+$0x0], $0xffff;
	v1 =	vadd.f32 $0.0e+00, v1;
	v0 =	vadd.f32 v2, v0  }
0xab: {  	v51 =	vld.idx.msk [tilespmem:v45+s2+$0x0], $0xffff  }
0xac: {  	v52 =	vld.idx.msk [tilespmem:v46+s2+$0x0], $0xffff;
	v1 =	vadd.f32 v3, v1;
	v0 =	vadd.f32 v4, v0  }
0xad: {  	v53 =	vld.idx.msk [tilespmem:v47+s2+$0x0], $0xffff  }
0xae: {  	v54 =	vld.idx.msk [tilespmem:v48+s2+$0x0], $0xffff;
	v1 =	vadd.f32 v5, v1;
	v0 =	vadd.f32 v6, v0  }
0xaf: {  	v55 =	vld.idx.msk [tilespmem:v49+s2+$0x0], $0xffff  }
0xb0: {  	v1 =	vadd.f32 v50, v1;
	v0 =	vadd.f32 v51, v0;
	_ =	sdelay $0x1  }
0xb1: {  	v1 =	vadd.f32 v52, v1;
	v0 =	vadd.f32 v53, v0  }
0xb2: {  	v56 =	vsel vm0, $0x0, v54  }
0xb3: {  	v1 =	vadd.f32 v55, v1;
	v0 =	vadd.f32 v56, v0;
	_ =	sdelay $0x1  }
0xb4: {  	v0 =	vadd.f32 v0, v1;
	_ =	sdelay $0x1  }
0xb5: {  	(xrf2) =	vadd.scan.msk.f32 $0xffff, v0;
	_ =	sdelay $0x1  }
0xb6: {  	s28 =	sadd.s32 $0xFFFFFFE4, s20  }
0xb7: {  	v57 =	vmov s28  }
0xb8: {  	v0 =	vand.u32 $0xFFFFFFE3, v57  }
0xb9: {  	v0 =	vbroadcast v0, $0x0;
	_ =	sdelay $0x4  }
0xba: {  	v58, _, _ =	vpop (xrf2)  }
0xbb: {  	[tilespmem:v0+s17+$0x0] =	vst.idx.msk vm1, v58  }
0xbc: {  	v0 =	vld [tilespmem:$0x2080]  }
0xbd: {  	v1 =	vld [tilespmem:$0x2090]  }
0xbe: {  	v59 =	vld [tilespmem:$0x20A0]  }
0xbf: {  	v60 =	vld [tilespmem:$0x20B0]  }
0xc0: {  	v61 =	vld [tilespmem:$0x20C0]  }
0xc1: {  	v62 =	vld [tilespmem:$0x20D0]  }
0xc2: {  	v63 =	vld [tilespmem:$0x20E0]  }
0xc3: {  	v16 =	vld [tilespmem:$0x20F0]  }
0xc4: {  	v17 =	vld [tilespmem:$0x2480]  }
0xc5: {  	v18 =	vld [tilespmem:$0x2490]  }
0xc6: {  	v19 =	vld [tilespmem:$0x24A0]  }
0xc7: {  	v20 =	vld [tilespmem:$0x24B8]  }
0xc8: {  	v21 =	vld [tilespmem:$0x24B0]  }
0xc9: {  	v0 =	vld.idx.msk [tilespmem:v0+s2+$0x0], $0xffff  }
0xca: {  	v1 =	vld.idx.msk [tilespmem:v1+s2+$0x0], $0xffff  }
0xcb: {  	v2 =	vld.idx.msk [tilespmem:v59+s2+$0x0], $0xffff  }
0xcc: {  	v3 =	vld.idx.msk [tilespmem:v60+s2+$0x0], $0xffff  }
0xcd: {  	v4 =	vld.idx.msk [tilespmem:v61+s2+$0x0], $0xffff  }
0xce: {  	v5 =	vld.idx.msk [tilespmem:v62+s2+$0x0], $0xffff;
	v0 =	vadd.f32 $0.0e+00, v0  }
0xcf: {  	v6 =	vld.idx.msk [tilespmem:v63+s2+$0x0], $0xffff  }
0xd0: {  	v22 =	vld.idx.msk [tilespmem:v16+s2+$0x0], $0xffff;
	v1 =	vadd.f32 $0.0e+00, v1;
	v0 =	vadd.f32 v2, v0  }
0xd1: {  	v23 =	vld.idx.msk [tilespmem:v17+s2+$0x0], $0xffff  }
0xd2: {  	v24 =	vld.idx.msk [tilespmem:v18+s2+$0x0], $0xffff;
	v1 =	vadd.f32 v3, v1;
	v0 =	vadd.f32 v4, v0  }
0xd3: {  	v25 =	vld.idx.msk [tilespmem:v19+s2+$0x0], $0xffff  }
0xd4: {  	v26 =	vld.idx.msk [tilespmem:v20+s2+$0x0], $0xffff;
	v1 =	vadd.f32 v5, v1;
	v0 =	vadd.f32 v6, v0  }
0xd5: {  	v27 =	vld.idx.msk [tilespmem:v21+s2+$0x0], $0xffff  }
0xd6: {  	v1 =	vadd.f32 v22, v1;
	v0 =	vadd.f32 v23, v0;
	_ =	sdelay $0x1  }
0xd7: {  	v1 =	vadd.f32 v24, v1;
	v0 =	vadd.f32 v25, v0  }
0xd8: {  	v28 =	vsel vm0, $0x0, v26  }
0xd9: {  	v1 =	vadd.f32 v27, v1;
	v0 =	vadd.f32 v28, v0;
	_ =	sdelay $0x1  }
0xda: {  	v0 =	vadd.f32 v0, v1;
	_ =	sdelay $0x1  }
0xdb: {  	(xrf2) =	vadd.scan.msk.f32 $0xffff, v0;
	_ =	sdelay $0x1  }
0xdc: {  	s29 =	sadd.s32 $0xFFFFFFE5, s20  }
0xdd: {  	v29 =	vmov s29  }
0xde: {  	v0 =	vand.u32 $0xFFFFFFE4, v29  }
0xdf: {  	v0 =	vbroadcast v0, $0x0;
	_ =	sdelay $0x4  }
0xe0: {  	v30, _, _ =	vpop (xrf2)  }
0xe1: {  	[tilespmem:v0+s17+$0x0] =	vst.idx.msk vm1, v30  }
0xe2: {  	v0 =	vld [tilespmem:$0x2100]  }
0xe3: {  	v1 =	vld [tilespmem:$0x2110]  }
0xe4: {  	v31 =	vld [tilespmem:$0x2120]  }
0xe5: {  	v32 =	vld [tilespmem:$0x2130]  }
0xe6: {  	v33 =	vld [tilespmem:$0x2140]  }
0xe7: {  	v34 =	vld [tilespmem:$0x2150]  }
0xe8: {  	v35 =	vld [tilespmem:$0x2160]  }
0xe9: {  	v36 =	vld [tilespmem:$0x2170]  }
0xea: {  	v37 =	vld [tilespmem:$0x2500]  }
0xeb: {  	v38 =	vld [tilespmem:$0x2510]  }
0xec: {  	v39 =	vld [tilespmem:$0x2520]  }
0xed: {  	v40 =	vld [tilespmem:$0x2538]  }
0xee: {  	v41 =	vld [tilespmem:$0x2530]  }
0xef: {  	v0 =	vld.idx.msk [tilespmem:v0+s2+$0x0], $0xffff  }
0xf0: {  	v1 =	vld.idx.msk [tilespmem:v1+s2+$0x0], $0xffff  }
0xf1: {  	v2 =	vld.idx.msk [tilespmem:v31+s2+$0x0], $0xffff  }
0xf2: {  	v3 =	vld.idx.msk [tilespmem:v32+s2+$0x0], $0xffff  }
0xf3: {  	v4 =	vld.idx.msk [tilespmem:v33+s2+$0x0], $0xffff  }
0xf4: {  	v5 =	vld.idx.msk [tilespmem:v34+s2+$0x0], $0xffff;
	v0 =	vadd.f32 $0.0e+00, v0  }
0xf5: {  	v6 =	vld.idx.msk [tilespmem:v35+s2+$0x0], $0xffff  }
0xf6: {  	v42 =	vld.idx.msk [tilespmem:v36+s2+$0x0], $0xffff;
	v1 =	vadd.f32 $0.0e+00, v1;
	v0 =	vadd.f32 v2, v0  }
0xf7: {  	v43 =	vld.idx.msk [tilespmem:v37+s2+$0x0], $0xffff  }
0xf8: {  	v44 =	vld.idx.msk [tilespmem:v38+s2+$0x0], $0xffff;
	v1 =	vadd.f32 v3, v1;
	v0 =	vadd.f32 v4, v0  }
0xf9: {  	v45 =	vld.idx.msk [tilespmem:v39+s2+$0x0], $0xffff  }
0xfa: {  	v46 =	vld.idx.msk [tilespmem:v40+s2+$0x0], $0xffff;
	v1 =	vadd.f32 v5, v1;
	v0 =	vadd.f32 v6, v0  }
0xfb: {  	v47 =	vld.idx.msk [tilespmem:v41+s2+$0x0], $0xffff  }
0xfc: {  	v1 =	vadd.f32 v42, v1;
	v0 =	vadd.f32 v43, v0;
	_ =	sdelay $0x1  }
0xfd: {  	v1 =	vadd.f32 v44, v1;
	v0 =	vadd.f32 v45, v0  }
0xfe: {  	v48 =	vsel vm0, $0x0, v46  }
0xff: {  	v1 =	vadd.f32 v47, v1;
	v0 =	vadd.f32 v48, v0;
	_ =	sdelay $0x1  }
0x100: {  	v0 =	vadd.f32 v0, v1;
	_ =	sdelay $0x1  }
0x101: {  	(xrf2) =	vadd.scan.msk.f32 $0xffff, v0;
	_ =	sdelay $0x1  }
0x102: {  	s30 =	sadd.s32 $0xFFFFFFE6, s20  }
0x103: {  	v49 =	vmov s30  }
0x104: {  	v0 =	vand.u32 $0xFFFFFFE5, v49  }
0x105: {  	v0 =	vbroadcast v0, $0x0;
	_ =	sdelay $0x4  }
0x106: {  	v50, _, _ =	vpop (xrf2)  }
0x107: {  	[tilespmem:v0+s17+$0x0] =	vst.idx.msk vm1, v50  }
0x108: {  	v0 =	vld [tilespmem:$0x2180]  }
0x109: {  	v1 =	vld [tilespmem:$0x2190]  }
0x10a: {  	v51 =	vld [tilespmem:$0x21A0]  }
0x10b: {  	v52 =	vld [tilespmem:$0x21B0]  }
0x10c: {  	v53 =	vld [tilespmem:$0x21C0]  }
0x10d: {  	v54 =	vld [tilespmem:$0x21D0]  }
0x10e: {  	v55 =	vld [tilespmem:$0x21E0]  }
0x10f: {  	v56 =	vld [tilespmem:$0x21F0]  }
0x110: {  	v57 =	vld [tilespmem:$0x2580]  }
0x111: {  	v58 =	vld [tilespmem:$0x2590]  }
0x112: {  	v59 =	vld [tilespmem:$0x25A0]  }
0x113: {  	v60 =	vld [tilespmem:$0x25B8]  }
0x114: {  	v61 =	vld [tilespmem:$0x25B0]  }
0x115: {  	v0 =	vld.idx.msk [tilespmem:v0+s2+$0x0], $0xffff  }
0x116: {  	v1 =	vld.idx.msk [tilespmem:v1+s2+$0x0], $0xffff  }
0x117: {  	v2 =	vld.idx.msk [tilespmem:v51+s2+$0x0], $0xffff  }
0x118: {  	v3 =	vld.idx.msk [tilespmem:v52+s2+$0x0], $0xffff  }
0x119: {  	v4 =	vld.idx.msk [tilespmem:v53+s2+$0x0], $0xffff  }
0x11a: {  	v5 =	vld.idx.msk [tilespmem:v54+s2+$0x0], $0xffff;
	v0 =	vadd.f32 $0.0e+00, v0  }
0x11b: {  	v6 =	vld.idx.msk [tilespmem:v55+s2+$0x0], $0xffff  }
0x11c: {  	v62 =	vld.idx.msk [tilespmem:v56+s2+$0x0], $0xffff;
	v1 =	vadd.f32 $0.0e+00, v1;
	v0 =	vadd.f32 v2, v0  }
0x11d: {  	v63 =	vld.idx.msk [tilespmem:v57+s2+$0x0], $0xffff  }
0x11e: {  	v9 =	vld.idx.msk [tilespmem:v58+s2+$0x0], $0xffff;
	v1 =	vadd.f32 v3, v1;
	v0 =	vadd.f32 v4, v0  }
0x11f: {  	v13 =	vld.idx.msk [tilespmem:v59+s2+$0x0], $0xffff  }
0x120: {  	v14 =	vld.idx.msk [tilespmem:v60+s2+$0x0], $0xffff;
	v1 =	vadd.f32 v5, v1;
	v0 =	vadd.f32 v6, v0  }
0x121: {  	v15 =	vld.idx.msk [tilespmem:v61+s2+$0x0], $0xffff  }
0x122: {  	v1 =	vadd.f32 v62, v1;
	v0 =	vadd.f32 v63, v0;
	_ =	sdelay $0x1  }
0x123: {  	v1 =	vadd.f32 v9, v1;
	v0 =	vadd.f32 v13, v0  }
0x124: {  	v16 =	vsel vm0, $0x0, v14  }
0x125: {  	v1 =	vadd.f32 v15, v1;
	v0 =	vadd.f32 v16, v0;
	_ =	sdelay $0x1  }
0x126: {  	v0 =	vadd.f32 v0, v1;
	_ =	sdelay $0x1  }
0x127: {  	(xrf2) =	vadd.scan.msk.f32 $0xffff, v0;
	_ =	sdelay $0x1  }
0x128: {  	s31 =	sadd.s32 $0xFFFFFFE7, s20  }
0x129: {  	v17 =	vmov s31  }
0x12a: {  	v0 =	vand.u32 $0xFFFFFFE6, v17  }
0x12b: {  	v0 =	vbroadcast v0, $0x0;
	_ =	sdelay $0x4  }
0x12c: {  	v18, _, _ =	vpop (xrf2)  }
0x12d: {  	[tilespmem:v0+s17+$0x0] =	vst.idx.msk vm1, v18  }
0x12e: {  	v0 =	vld [tilespmem:$0x2200]  }
0x12f: {  	v1 =	vld [tilespmem:$0x2210]  }
0x130: {  	v19 =	vld [tilespmem:$0x2220]  }
0x131: {  	v20 =	vld [tilespmem:$0x2230]  }
0x132: {  	v21 =	vld [tilespmem:$0x2240]  }
0x133: {  	v22 =	vld [tilespmem:$0x2250]  }
0x134: {  	v23 =	vld [tilespmem:$0x2260]  }
0x135: {  	v24 =	vld [tilespmem:$0x2270]  }
0x136: {  	v25 =	vld [tilespmem:$0x2600]  }
0x137: {  	v26 =	vld [tilespmem:$0x2610]  }
0x138: {  	v27 =	vld [tilespmem:$0x2620]  }
0x139: {  	v28 =	vld [tilespmem:$0x2638]  }
0x13a: {  	v29 =	vld [tilespmem:$0x2630]  }
0x13b: {  	v0 =	vld.idx.msk [tilespmem:v0+s2+$0x0], $0xffff  }
0x13c: {  	v1 =	vld.idx.msk [tilespmem:v1+s2+$0x0], $0xffff  }
0x13d: {  	v2 =	vld.idx.msk [tilespmem:v19+s2+$0x0], $0xffff  }
0x13e: {  	v3 =	vld.idx.msk [tilespmem:v20+s2+$0x0], $0xffff  }
0x13f: {  	v4 =	vld.idx.msk [tilespmem:v21+s2+$0x0], $0xffff  }
0x140: {  	v5 =	vld.idx.msk [tilespmem:v22+s2+$0x0], $0xffff;
	v0 =	vadd.f32 $0.0e+00, v0  }
0x141: {  	v6 =	vld.idx.msk [tilespmem:v23+s2+$0x0], $0xffff  }
0x142: {  	v30 =	vld.idx.msk [tilespmem:v24+s2+$0x0], $0xffff;
	v1 =	vadd.f32 $0.0e+00, v1;
	v0 =	vadd.f32 v2, v0  }
0x143: {  	v31 =	vld.idx.msk [tilespmem:v25+s2+$0x0], $0xffff  }
0x144: {  	v32 =	vld.idx.msk [tilespmem:v26+s2+$0x0], $0xffff;
	v1 =	vadd.f32 v3, v1;
	v0 =	vadd.f32 v4, v0  }
0x145: {  	v33 =	vld.idx.msk [tilespmem:v27+s2+$0x0], $0xffff  }
0x146: {  	v34 =	vld.idx.msk [tilespmem:v28+s2+$0x0], $0xffff;
	v1 =	vadd.f32 v5, v1;
	v0 =	vadd.f32 v6, v0  }
0x147: {  	v35 =	vld.idx.msk [tilespmem:v29+s2+$0x0], $0xffff  }
0x148: {  	v1 =	vadd.f32 v30, v1;
	v0 =	vadd.f32 v31, v0;
	_ =	sdelay $0x1  }
0x149: {  	v1 =	vadd.f32 v32, v1;
	v0 =	vadd.f32 v33, v0  }
0x14a: {  	v36 =	vsel vm0, $0x0, v34  }
0x14b: {  	v1 =	vadd.f32 v35, v1;
	v0 =	vadd.f32 v36, v0;
	_ =	sdelay $0x1  }
0x14c: {  	v0 =	vadd.f32 v0, v1;
	_ =	sdelay $0x1  }
0x14d: {  	(xrf2) =	vadd.scan.msk.f32 $0xffff, v0;
	_ =	sdelay $0x1  }
0x14e: {  	s23 =	sadd.s32 $0xFFFFFFE8, s20  }
0x14f: {  	v37 =	vmov s23  }
0x150: {  	v0 =	vand.u32 $0xFFFFFFE7, v37  }
0x151: {  	v0 =	vbroadcast v0, $0x0;
	_ =	sdelay $0x4  }
0x152: {  	v38, _, _ =	vpop (xrf2)  }
0x153: {  	[tilespmem:v0+s17+$0x0] =	vst.idx.msk vm1, v38  }
0x154: {  	v0 =	vld [tilespmem:$0x2680]  }
0x155: {  	v1 =	vld [tilespmem:$0x2690]  }
0x156: {  	v39 =	vld [tilespmem:$0x26A0]  }
0x157: {  	v40 =	vld [tilespmem:$0x26B0]  }
0x158: {  	v41 =	vld [tilespmem:$0x26C0]  }
0x159: {  	v42 =	vld [tilespmem:$0x26D0]  }
0x15a: {  	v43 =	vld [tilespmem:$0x26E0]  }
0x15b: {  	v44 =	vld [tilespmem:$0x26F0]  }
0x15c: {  	v45 =	vld [tilespmem:$0x2A80]  }
0x15d: {  	v46 =	vld [tilespmem:$0x2A90]  }
0x15e: {  	v47 =	vld [tilespmem:$0x2AA0]  }
0x15f: {  	v48 =	vld [tilespmem:$0x2AB8]  }
0x160: {  	v49 =	vld [tilespmem:$0x2AB0]  }
0x161: {  	v0 =	vld.idx.msk [tilespmem:v0+s2+$0x0], $0xffff  }
0x162: {  	v1 =	vld.idx.msk [tilespmem:v1+s2+$0x0], $0xffff  }
0x163: {  	v2 =	vld.idx.msk [tilespmem:v39+s2+$0x0], $0xffff  }
0x164: {  	v3 =	vld.idx.msk [tilespmem:v40+s2+$0x0], $0xffff  }
0x165: {  	v4 =	vld.idx.msk [tilespmem:v41+s2+$0x0], $0xffff  }
0x166: {  	v5 =	vld.idx.msk [tilespmem:v42+s2+$0x0], $0xffff;
	v0 =	vadd.f32 $0.0e+00, v0  }
0x167: {  	v6 =	vld.idx.msk [tilespmem:v43+s2+$0x0], $0xffff  }
0x168: {  	v50 =	vld.idx.msk [tilespmem:v44+s2+$0x0], $0xffff;
	v1 =	vadd.f32 $0.0e+00, v1;
	v0 =	vadd.f32 v2, v0  }
0x169: {  	v51 =	vld.idx.msk [tilespmem:v45+s2+$0x0], $0xffff  }
0x16a: {  	v52 =	vld.idx.msk [tilespmem:v46+s2+$0x0], $0xffff;
	v1 =	vadd.f32 v3, v1;
	v0 =	vadd.f32 v4, v0  }
0x16b: {  	v53 =	vld.idx.msk [tilespmem:v47+s2+$0x0], $0xffff  }
0x16c: {  	v54 =	vld.idx.msk [tilespmem:v48+s2+$0x0], $0xffff;
	v1 =	vadd.f32 v5, v1;
	v0 =	vadd.f32 v6, v0  }
0x16d: {  	v55 =	vld.idx.msk [tilespmem:v49+s2+$0x0], $0xffff  }
0x16e: {  	v1 =	vadd.f32 v50, v1;
	v0 =	vadd.f32 v51, v0;
	_ =	sdelay $0x1  }
0x16f: {  	v1 =	vadd.f32 v52, v1;
	v0 =	vadd.f32 v53, v0  }
0x170: {  	v56 =	vsel vm0, $0x0, v54  }
0x171: {  	v1 =	vadd.f32 v55, v1;
	v0 =	vadd.f32 v56, v0;
	_ =	sdelay $0x1  }
0x172: {  	v0 =	vadd.f32 v0, v1;
	_ =	sdelay $0x1  }
0x173: {  	(xrf2) =	vadd.scan.msk.f32 $0xffff, v0;
	_ =	sdelay $0x1  }
0x174: {  	s24 =	sadd.s32 $0xFFFFFFE9, s20  }
0x175: {  	v57 =	vmov s24  }
0x176: {  	v0 =	vand.u32 $0xFFFFFFE8, v57  }
0x177: {  	v0 =	vbroadcast v0, $0x0;
	_ =	sdelay $0x4  }
0x178: {  	v58, _, _ =	vpop (xrf2)  }
0x179: {  	[tilespmem:v0+s17+$0x0] =	vst.idx.msk vm1, v58  }
0x17a: {  	v0 =	vld [tilespmem:$0x2700]  }
0x17b: {  	v1 =	vld [tilespmem:$0x2710]  }
0x17c: {  	v59 =	vld [tilespmem:$0x2720]  }
0x17d: {  	v60 =	vld [tilespmem:$0x2730]  }
0x17e: {  	v61 =	vld [tilespmem:$0x2740]  }
0x17f: {  	v62 =	vld [tilespmem:$0x2750]  }
0x180: {  	v63 =	vld [tilespmem:$0x2760]  }
0x181: {  	v16 =	vld [tilespmem:$0x2770]  }
0x182: {  	v17 =	vld [tilespmem:$0x2B00]  }
0x183: {  	v18 =	vld [tilespmem:$0x2B10]  }
0x184: {  	v19 =	vld [tilespmem:$0x2B20]  }
0x185: {  	v20 =	vld [tilespmem:$0x2B38]  }
0x186: {  	v21 =	vld [tilespmem:$0x2B30]  }
0x187: {  	v0 =	vld.idx.msk [tilespmem:v0+s2+$0x0], $0xffff  }
0x188: {  	v1 =	vld.idx.msk [tilespmem:v1+s2+$0x0], $0xffff  }
0x189: {  	v2 =	vld.idx.msk [tilespmem:v59+s2+$0x0], $0xffff  }
0x18a: {  	v3 =	vld.idx.msk [tilespmem:v60+s2+$0x0], $0xffff  }
0x18b: {  	v4 =	vld.idx.msk [tilespmem:v61+s2+$0x0], $0xffff  }
0x18c: {  	v5 =	vld.idx.msk [tilespmem:v62+s2+$0x0], $0xffff;
	v0 =	vadd.f32 $0.0e+00, v0  }
0x18d: {  	v6 =	vld.idx.msk [tilespmem:v63+s2+$0x0], $0xffff  }
0x18e: {  	v22 =	vld.idx.msk [tilespmem:v16+s2+$0x0], $0xffff;
	v1 =	vadd.f32 $0.0e+00, v1;
	v0 =	vadd.f32 v2, v0  }
0x18f: {  	v23 =	vld.idx.msk [tilespmem:v17+s2+$0x0], $0xffff  }
0x190: {  	v24 =	vld.idx.msk [tilespmem:v18+s2+$0x0], $0xffff;
	v1 =	vadd.f32 v3, v1;
	v0 =	vadd.f32 v4, v0  }
0x191: {  	v25 =	vld.idx.msk [tilespmem:v19+s2+$0x0], $0xffff  }
0x192: {  	v26 =	vld.idx.msk [tilespmem:v20+s2+$0x0], $0xffff;
	v1 =	vadd.f32 v5, v1;
	v0 =	vadd.f32 v6, v0  }
0x193: {  	v27 =	vld.idx.msk [tilespmem:v21+s2+$0x0], $0xffff  }
0x194: {  	v1 =	vadd.f32 v22, v1;
	v0 =	vadd.f32 v23, v0;
	_ =	sdelay $0x1  }
0x195: {  	v1 =	vadd.f32 v24, v1;
	v0 =	vadd.f32 v25, v0  }
0x196: {  	v28 =	vsel vm0, $0x0, v26  }
0x197: {  	v1 =	vadd.f32 v27, v1;
	v0 =	vadd.f32 v28, v0;
	_ =	sdelay $0x1  }
0x198: {  	v0 =	vadd.f32 v0, v1;
	_ =	sdelay $0x1  }
0x199: {  	(xrf2) =	vadd.scan.msk.f32 $0xffff, v0;
	_ =	sdelay $0x1  }
0x19a: {  	s25 =	sadd.s32 $0xFFFFFFEA, s20  }
0x19b: {  	v29 =	vmov s25  }
0x19c: {  	v0 =	vand.u32 $0xFFFFFFE9, v29  }
0x19d: {  	v0 =	vbroadcast v0, $0x0;
	_ =	sdelay $0x4  }
0x19e: {  	v30, _, _ =	vpop (xrf2)  }
0x19f: {  	[tilespmem:v0+s17+$0x0] =	vst.idx.msk vm1, v30  }
0x1a0: {  	v0 =	vld [tilespmem:$0x2780]  }
0x1a1: {  	v1 =	vld [tilespmem:$0x2790]  }
0x1a2: {  	v31 =	vld [tilespmem:$0x27A0]  }
0x1a3: {  	v32 =	vld [tilespmem:$0x27B0]  }
0x1a4: {  	v33 =	vld [tilespmem:$0x27C0]  }
0x1a5: {  	v34 =	vld [tilespmem:$0x27D0]  }
0x1a6: {  	v35 =	vld [tilespmem:$0x27E0]  }
0x1a7: {  	v36 =	vld [tilespmem:$0x27F0]  }
0x1a8: {  	v37 =	vld [tilespmem:$0x2B80]  }
0x1a9: {  	v38 =	vld [tilespmem:$0x2B90]  }
0x1aa: {  	v39 =	vld [tilespmem:$0x2BA0]  }
0x1ab: {  	v40 =	vld [tilespmem:$0x2BB8]  }
0x1ac: {  	v41 =	vld [tilespmem:$0x2BB0]  }
0x1ad: {  	v0 =	vld.idx.msk [tilespmem:v0+s2+$0x0], $0xffff  }
0x1ae: {  	v1 =	vld.idx.msk [tilespmem:v1+s2+$0x0], $0xffff  }
0x1af: {  	v2 =	vld.idx.msk [tilespmem:v31+s2+$0x0], $0xffff  }
0x1b0: {  	v3 =	vld.idx.msk [tilespmem:v32+s2+$0x0], $0xffff  }
0x1b1: {  	v4 =	vld.idx.msk [tilespmem:v33+s2+$0x0], $0xffff  }
0x1b2: {  	v5 =	vld.idx.msk [tilespmem:v34+s2+$0x0], $0xffff;
	v0 =	vadd.f32 $0.0e+00, v0  }
0x1b3: {  	v6 =	vld.idx.msk [tilespmem:v35+s2+$0x0], $0xffff  }
0x1b4: {  	v42 =	vld.idx.msk [tilespmem:v36+s2+$0x0], $0xffff;
	v1 =	vadd.f32 $0.0e+00, v1;
	v0 =	vadd.f32 v2, v0  }
0x1b5: {  	v43 =	vld.idx.msk [tilespmem:v37+s2+$0x0], $0xffff  }
0x1b6: {  	v44 =	vld.idx.msk [tilespmem:v38+s2+$0x0], $0xffff;
	v1 =	vadd.f32 v3, v1;
	v0 =	vadd.f32 v4, v0  }
0x1b7: {  	v45 =	vld.idx.msk [tilespmem:v39+s2+$0x0], $0xffff  }
0x1b8: {  	v46 =	vld.idx.msk [tilespmem:v40+s2+$0x0], $0xffff;
	v1 =	vadd.f32 v5, v1;
	v0 =	vadd.f32 v6, v0  }
0x1b9: {  	v47 =	vld.idx.msk [tilespmem:v41+s2+$0x0], $0xffff  }
0x1ba: {  	v1 =	vadd.f32 v42, v1;
	v0 =	vadd.f32 v43, v0;
	_ =	sdelay $0x1  }
0x1bb: {  	v1 =	vadd.f32 v44, v1;
	v0 =	vadd.f32 v45, v0  }
0x1bc: {  	v48 =	vsel vm0, $0x0, v46  }
0x1bd: {  	v1 =	vadd.f32 v47, v1;
	v0 =	vadd.f32 v48, v0;
	_ =	sdelay $0x1  }
0x1be: {  	v0 =	vadd.f32 v0, v1;
	_ =	sdelay $0x1  }
0x1bf: {  	(xrf2) =	vadd.scan.msk.f32 $0xffff, v0;
	_ =	sdelay $0x1  }
0x1c0: {  	s26 =	sadd.s32 $0xFFFFFFEB, s20  }
0x1c1: {  	v49 =	vmov s26  }
0x1c2: {  	v0 =	vand.u32 $0xFFFFFFEA, v49  }
0x1c3: {  	v0 =	vbroadcast v0, $0x0;
	_ =	sdelay $0x4  }
0x1c4: {  	v50, _, _ =	vpop (xrf2)  }
0x1c5: {  	[tilespmem:v0+s17+$0x0] =	vst.idx.msk vm1, v50  }
0x1c6: {  	v0 =	vld [tilespmem:$0x2800]  }
0x1c7: {  	v1 =	vld [tilespmem:$0x2810]  }
0x1c8: {  	v51 =	vld [tilespmem:$0x2820]  }
0x1c9: {  	v52 =	vld [tilespmem:$0x2830]  }
0x1ca: {  	v53 =	vld [tilespmem:$0x2840]  }
0x1cb: {  	v54 =	vld [tilespmem:$0x2850]  }
0x1cc: {  	v55 =	vld [tilespmem:$0x2860]  }
0x1cd: {  	v56 =	vld [tilespmem:$0x2870]  }
0x1ce: {  	v57 =	vld [tilespmem:$0x2C00]  }
0x1cf: {  	v58 =	vld [tilespmem:$0x2C10]  }
0x1d0: {  	v59 =	vld [tilespmem:$0x2C20]  }
0x1d1: {  	v60 =	vld [tilespmem:$0x2C38]  }
0x1d2: {  	v61 =	vld [tilespmem:$0x2C30]  }
0x1d3: {  	v0 =	vld.idx.msk [tilespmem:v0+s2+$0x0], $0xffff  }
0x1d4: {  	v1 =	vld.idx.msk [tilespmem:v1+s2+$0x0], $0xffff  }
0x1d5: {  	v2 =	vld.idx.msk [tilespmem:v51+s2+$0x0], $0xffff  }
0x1d6: {  	v3 =	vld.idx.msk [tilespmem:v52+s2+$0x0], $0xffff  }
0x1d7: {  	v4 =	vld.idx.msk [tilespmem:v53+s2+$0x0], $0xffff  }
0x1d8: {  	v5 =	vld.idx.msk [tilespmem:v54+s2+$0x0], $0xffff;
	v0 =	vadd.f32 $0.0e+00, v0  }
0x1d9: {  	v6 =	vld.idx.msk [tilespmem:v55+s2+$0x0], $0xffff  }
0x1da: {  	v62 =	vld.idx.msk [tilespmem:v56+s2+$0x0], $0xffff;
	v1 =	vadd.f32 $0.0e+00, v1;
	v0 =	vadd.f32 v2, v0  }
0x1db: {  	v63 =	vld.idx.msk [tilespmem:v57+s2+$0x0], $0xffff  }
0x1dc: {  	v9 =	vld.idx.msk [tilespmem:v58+s2+$0x0], $0xffff;
	v1 =	vadd.f32 v3, v1;
	v0 =	vadd.f32 v4, v0  }
0x1dd: {  	v13 =	vld.idx.msk [tilespmem:v59+s2+$0x0], $0xffff  }
0x1de: {  	v14 =	vld.idx.msk [tilespmem:v60+s2+$0x0], $0xffff;
	v1 =	vadd.f32 v5, v1;
	v0 =	vadd.f32 v6, v0  }
0x1df: {  	v15 =	vld.idx.msk [tilespmem:v61+s2+$0x0], $0xffff  }
0x1e0: {  	v1 =	vadd.f32 v62, v1;
	v0 =	vadd.f32 v63, v0;
	_ =	sdelay $0x1  }
0x1e1: {  	v1 =	vadd.f32 v9, v1;
	v0 =	vadd.f32 v13, v0  }
0x1e2: {  	v16 =	vsel vm0, $0x0, v14  }
0x1e3: {  	v1 =	vadd.f32 v15, v1;
	v0 =	vadd.f32 v16, v0;
	_ =	sdelay $0x1  }
0x1e4: {  	v0 =	vadd.f32 v0, v1;
	_ =	sdelay $0x1  }
0x1e5: {  	(xrf2) =	vadd.scan.msk.f32 $0xffff, v0;
	_ =	sdelay $0x1  }
0x1e6: {  	s28 =	sadd.s32 $0xFFFFFFEC, s20  }
0x1e7: {  	v17 =	vmov s28  }
0x1e8: {  	v0 =	vand.u32 $0xFFFFFFEB, v17  }
0x1e9: {  	v0 =	vbroadcast v0, $0x0;
	_ =	sdelay $0x4  }
0x1ea: {  	v18, _, _ =	vpop (xrf2)  }
0x1eb: {  	[tilespmem:v0+s17+$0x0] =	vst.idx.msk vm1, v18  }
0x1ec: {  	v0 =	vld [tilespmem:$0x2880]  }
0x1ed: {  	v1 =	vld [tilespmem:$0x2890]  }
0x1ee: {  	v19 =	vld [tilespmem:$0x28A0]  }
0x1ef: {  	v20 =	vld [tilespmem:$0x28B0]  }
0x1f0: {  	v21 =	vld [tilespmem:$0x28C0]  }
0x1f1: {  	v22 =	vld [tilespmem:$0x28D0]  }
0x1f2: {  	v23 =	vld [tilespmem:$0x28E0]  }
0x1f3: {  	v24 =	vld [tilespmem:$0x28F0]  }
0x1f4: {  	v25 =	vld [tilespmem:$0x2C80]  }
0x1f5: {  	v26 =	vld [tilespmem:$0x2C90]  }
0x1f6: {  	v27 =	vld [tilespmem:$0x2CA0]  }
0x1f7: {  	v28 =	vld [tilespmem:$0x2CB8]  }
0x1f8: {  	v29 =	vld [tilespmem:$0x2CB0]  }
0x1f9: {  	v0 =	vld.idx.msk [tilespmem:v0+s2+$0x0], $0xffff  }
0x1fa: {  	v1 =	vld.idx.msk [tilespmem:v1+s2+$0x0], $0xffff  }
0x1fb: {  	v2 =	vld.idx.msk [tilespmem:v19+s2+$0x0], $0xffff  }
0x1fc: {  	v3 =	vld.idx.msk [tilespmem:v20+s2+$0x0], $0xffff  }
0x1fd: {  	v4 =	vld.idx.msk [tilespmem:v21+s2+$0x0], $0xffff  }
0x1fe: {  	v5 =	vld.idx.msk [tilespmem:v22+s2+$0x0], $0xffff;
	v0 =	vadd.f32 $0.0e+00, v0  }
0x1ff: {  	v6 =	vld.idx.msk [tilespmem:v23+s2+$0x0], $0xffff  }
0x200: {  	v30 =	vld.idx.msk [tilespmem:v24+s2+$0x0], $0xffff;
	v1 =	vadd.f32 $0.0e+00, v1;
	v0 =	vadd.f32 v2, v0  }
0x201: {  	v31 =	vld.idx.msk [tilespmem:v25+s2+$0x0], $0xffff  }
0x202: {  	v32 =	vld.idx.msk [tilespmem:v26+s2+$0x0], $0xffff;
	v1 =	vadd.f32 v3, v1;
	v0 =	vadd.f32 v4, v0  }
0x203: {  	v33 =	vld.idx.msk [tilespmem:v27+s2+$0x0], $0xffff  }
0x204: {  	v34 =	vld.idx.msk [tilespmem:v28+s2+$0x0], $0xffff;
	v1 =	vadd.f32 v5, v1;
	v0 =	vadd.f32 v6, v0  }
0x205: {  	v35 =	vld.idx.msk [tilespmem:v29+s2+$0x0], $0xffff  }
0x206: {  	v1 =	vadd.f32 v30, v1;
	v0 =	vadd.f32 v31, v0;
	_ =	sdelay $0x1  }
0x207: {  	v1 =	vadd.f32 v32, v1;
	v0 =	vadd.f32 v33, v0  }
0x208: {  	v36 =	vsel vm0, $0x0, v34  }
0x209: {  	v1 =	vadd.f32 v35, v1;
	v0 =	vadd.f32 v36, v0;
	_ =	sdelay $0x1  }
0x20a: {  	v0 =	vadd.f32 v0, v1;
	_ =	sdelay $0x1  }
0x20b: {  	(xrf2) =	vadd.scan.msk.f32 $0xffff, v0;
	_ =	sdelay $0x1  }
0x20c: {  	s29 =	sadd.s32 $0xFFFFFFED, s20  }
0x20d: {  	v37 =	vmov s29  }
0x20e: {  	v0 =	vand.u32 $0xFFFFFFEC, v37  }
0x20f: {  	v0 =	vbroadcast v0, $0x0;
	_ =	sdelay $0x4  }
0x210: {  	v38, _, _ =	vpop (xrf2)  }
0x211: {  	[tilespmem:v0+s17+$0x0] =	vst.idx.msk vm1, v38  }
0x212: {  	v0 =	vld [tilespmem:$0x2900]  }
0x213: {  	v1 =	vld [tilespmem:$0x2910]  }
0x214: {  	v39 =	vld [tilespmem:$0x2920]  }
0x215: {  	v40 =	vld [tilespmem:$0x2930]  }
0x216: {  	v41 =	vld [tilespmem:$0x2940]  }
0x217: {  	v42 =	vld [tilespmem:$0x2950]  }
0x218: {  	v43 =	vld [tilespmem:$0x2960]  }
0x219: {  	v44 =	vld [tilespmem:$0x2970]  }
0x21a: {  	v45 =	vld [tilespmem:$0x2D00]  }
0x21b: {  	v46 =	vld [tilespmem:$0x2D10]  }
0x21c: {  	v47 =	vld [tilespmem:$0x2D20]  }
0x21d: {  	v48 =	vld [tilespmem:$0x2D38]  }
0x21e: {  	v49 =	vld [tilespmem:$0x2D30]  }
0x21f: {  	v0 =	vld.idx.msk [tilespmem:v0+s2+$0x0], $0xffff  }
0x220: {  	v1 =	vld.idx.msk [tilespmem:v1+s2+$0x0], $0xffff  }
0x221: {  	v2 =	vld.idx.msk [tilespmem:v39+s2+$0x0], $0xffff  }
0x222: {  	v3 =	vld.idx.msk [tilespmem:v40+s2+$0x0], $0xffff  }
0x223: {  	v4 =	vld.idx.msk [tilespmem:v41+s2+$0x0], $0xffff  }
0x224: {  	v5 =	vld.idx.msk [tilespmem:v42+s2+$0x0], $0xffff;
	v0 =	vadd.f32 $0.0e+00, v0  }
0x225: {  	v6 =	vld.idx.msk [tilespmem:v43+s2+$0x0], $0xffff  }
0x226: {  	v50 =	vld.idx.msk [tilespmem:v44+s2+$0x0], $0xffff;
	v1 =	vadd.f32 $0.0e+00, v1;
	v0 =	vadd.f32 v2, v0  }
0x227: {  	v51 =	vld.idx.msk [tilespmem:v45+s2+$0x0], $0xffff  }
0x228: {  	v52 =	vld.idx.msk [tilespmem:v46+s2+$0x0], $0xffff;
	v1 =	vadd.f32 v3, v1;
	v0 =	vadd.f32 v4, v0  }
0x229: {  	v53 =	vld.idx.msk [tilespmem:v47+s2+$0x0], $0xffff  }
0x22a: {  	v54 =	vld.idx.msk [tilespmem:v48+s2+$0x0], $0xffff;
	v1 =	vadd.f32 v5, v1;
	v0 =	vadd.f32 v6, v0  }
0x22b: {  	v55 =	vld.idx.msk [tilespmem:v49+s2+$0x0], $0xffff  }
0x22c: {  	v1 =	vadd.f32 v50, v1;
	v0 =	vadd.f32 v51, v0;
	_ =	sdelay $0x1  }
0x22d: {  	v1 =	vadd.f32 v52, v1;
	v0 =	vadd.f32 v53, v0  }
0x22e: {  	v56 =	vsel vm0, $0x0, v54  }
0x22f: {  	v1 =	vadd.f32 v55, v1;
	v0 =	vadd.f32 v56, v0;
	_ =	sdelay $0x1  }
0x230: {  	v0 =	vadd.f32 v0, v1;
	_ =	sdelay $0x1  }
0x231: {  	(xrf2) =	vadd.scan.msk.f32 $0xffff, v0;
	_ =	sdelay $0x1  }
0x232: {  	s30 =	sadd.s32 $0xFFFFFFEE, s20  }
0x233: {  	v57 =	vmov s30  }
0x234: {  	v0 =	vand.u32 $0xFFFFFFED, v57  }
0x235: {  	v0 =	vbroadcast v0, $0x0;
	_ =	sdelay $0x4  }
0x236: {  	v58, _, _ =	vpop (xrf2)  }
0x237: {  	[tilespmem:v0+s17+$0x0] =	vst.idx.msk vm1, v58  }
0x238: {  	v0 =	vld [tilespmem:$0x2980]  }
0x239: {  	v1 =	vld [tilespmem:$0x2990]  }
0x23a: {  	v59 =	vld [tilespmem:$0x29A0]  }
0x23b: {  	v60 =	vld [tilespmem:$0x29B0]  }
0x23c: {  	v61 =	vld [tilespmem:$0x29C0]  }
0x23d: {  	v62 =	vld [tilespmem:$0x29D0]  }
0x23e: {  	v63 =	vld [tilespmem:$0x29E0]  }
0x23f: {  	v16 =	vld [tilespmem:$0x29F0]  }
0x240: {  	v17 =	vld [tilespmem:$0x2D80]  }
0x241: {  	v18 =	vld [tilespmem:$0x2D90]  }
0x242: {  	v19 =	vld [tilespmem:$0x2DA0]  }
0x243: {  	v20 =	vld [tilespmem:$0x2DB0]  }
0x244: {  	v21 =	vld [tilespmem:$0x2DB8]  }
0x245: {  	v0 =	vld.idx.msk [tilespmem:v0+s2+$0x0], $0xffff  }
0x246: {  	v1 =	vld.idx.msk [tilespmem:v1+s2+$0x0], $0xffff  }
0x247: {  	v2 =	vld.idx.msk [tilespmem:v59+s2+$0x0], $0xffff  }
0x248: {  	v3 =	vld.idx.msk [tilespmem:v60+s2+$0x0], $0xffff  }
0x249: {  	v4 =	vld.idx.msk [tilespmem:v61+s2+$0x0], $0xffff  }
0x24a: {  	v5 =	vld.idx.msk [tilespmem:v62+s2+$0x0], $0xffff  }
0x24b: {  	v6 =	vld.idx.msk [tilespmem:v63+s2+$0x0], $0xffff;
	v0 =	vadd.f32 $0.0e+00, v0  }
0x24c: {  	v7 =	vld.idx.msk [tilespmem:v16+s2+$0x0], $0xffff  }
0x24d: {  	v22 =	vld.idx.msk [tilespmem:v17+s2+$0x0], $0xffff;
	v1 =	vadd.f32 $0.0e+00, v1;
	v0 =	vadd.f32 v2, v0  }
0x24e: {  	v23 =	vld.idx.msk [tilespmem:v18+s2+$0x0], $0xffff  }
0x24f: {  	v24 =	vld.idx.msk [tilespmem:v19+s2+$0x0], $0xffff;
	v1 =	vadd.f32 v3, v1;
	v0 =	vadd.f32 v4, v0  }
0x250: {  	v25 =	vld.idx.msk [tilespmem:v20+s2+$0x0], $0xffff  }
0x251: {  	v26 =	vld.idx.msk [tilespmem:v21+s2+$0x0], $0xffff;
	v1 =	vadd.f32 v5, v1;
	v0 =	vadd.f32 v6, v0;
	_ =	sdelay $0x1  }
0x252: {  	v1 =	vadd.f32 v7, v1;
	v0 =	vadd.f32 v22, v0;
	_ =	sdelay $0x1  }
0x253: {  	v1 =	vadd.f32 v23, v1;
	v0 =	vadd.f32 v24, v0  }
0x254: {  	v27 =	vsel vm0, $0x0, v26  }
0x255: {  	v1 =	vadd.f32 v25, v1;
	v0 =	vadd.f32 v27, v0;
	_ =	sdelay $0x1  }
0x256: {  	v0 =	vadd.f32 v0, v1;
	_ =	sdelay $0x1  }
0x257: {  	(xrf2) =	vadd.scan.msk.f32 $0xffff, v0;
	_ =	sdelay $0x1  }
0x258: {  	s31 =	sadd.s32 $0xFFFFFFEF, s20  }
0x259: {  	v28 =	vmov s31  }
0x25a: {  	v0 =	vand.u32 $0xFFFFFFEE, v28  }
0x25b: {  	v0 =	vbroadcast v0, $0x0;
	_ =	sdelay $0x4  }
0x25c: {  	v29, _, _ =	vpop (xrf2)  }
0x25d: {  	[tilespmem:v0+s17+$0x0] =	vst.idx.msk vm1, v29  }
0x25e: {  	v0 =	vld [tilespmem:$0x2A00]  }
0x25f: {  	v1 =	vld [tilespmem:$0x2A10]  }
0x260: {  	v30 =	vld [tilespmem:$0x2A20]  }
0x261: {  	v31 =	vld [tilespmem:$0x2A30]  }
0x262: {  	v32 =	vld [tilespmem:$0x2A40]  }
0x263: {  	v33 =	vld [tilespmem:$0x2A50]  }
0x264: {  	v34 =	vld [tilespmem:$0x2A60]  }
0x265: {  	v35 =	vld [tilespmem:$0x2A70]  }
0x266: {  	v36 =	vld [tilespmem:$0x2E00]  }
0x267: {  	v37 =	vld [tilespmem:$0x2E10]  }
0x268: {  	v38 =	vld [tilespmem:$0x2E20]  }
0x269: {  	v39 =	vld [tilespmem:$0x2E38]  }
0x26a: {  	v12 =	vld [tilespmem:$0x2E30]  }
0x26b: {  	v0 =	vld.idx.msk [tilespmem:v0+s2+$0x0], $0xffff  }
0x26c: {  	v1 =	vld.idx.msk [tilespmem:v1+s2+$0x0], $0xffff  }
0x26d: {  	v2 =	vld.idx.msk [tilespmem:v30+s2+$0x0], $0xffff  }
0x26e: {  	v3 =	vld.idx.msk [tilespmem:v31+s2+$0x0], $0xffff  }
0x26f: {  	v4 =	vld.idx.msk [tilespmem:v32+s2+$0x0], $0xffff  }
0x270: {  	v5 =	vld.idx.msk [tilespmem:v33+s2+$0x0], $0xffff;
	v0 =	vadd.f32 $0.0e+00, v0  }
0x271: {  	v6 =	vld.idx.msk [tilespmem:v34+s2+$0x0], $0xffff  }
0x272: {  	v40 =	vld.idx.msk [tilespmem:v35+s2+$0x0], $0xffff;
	v1 =	vadd.f32 $0.0e+00, v1;
	v0 =	vadd.f32 v2, v0  }
0x273: {  	v41 =	vld.idx.msk [tilespmem:v36+s2+$0x0], $0xffff  }
0x274: {  	v42 =	vld.idx.msk [tilespmem:v37+s2+$0x0], $0xffff;
	v1 =	vadd.f32 v3, v1;
	v0 =	vadd.f32 v4, v0  }
0x275: {  	v43 =	vld.idx.msk [tilespmem:v38+s2+$0x0], $0xffff  }
0x276: {  	v44 =	vld.idx.msk [tilespmem:v39+s2+$0x0], $0xffff;
	v1 =	vadd.f32 v5, v1;
	v0 =	vadd.f32 v6, v0  }
0x277: {  	v45 =	vld.idx.msk [tilespmem:v12+s2+$0x0], $0xffff  }
0x278: {  	v1 =	vadd.f32 v40, v1;
	v0 =	vadd.f32 v41, v0;
	_ =	sdelay $0x1  }
0x279: {  	v1 =	vadd.f32 v42, v1;
	v0 =	vadd.f32 v43, v0  }
0x27a: {  	v46 =	vsel vm0, $0x0, v44  }
0x27b: {  	v1 =	vadd.f32 v45, v1;
	v0 =	vadd.f32 v46, v0;
	_ =	sdelay $0x1  }
0x27c: {  	v0 =	vadd.f32 v0, v1;
	_ =	sdelay $0x1  }
0x27d: {  	(xrf2) =	vadd.scan.msk.f32 $0xffff, v0;
	_ =	sdelay $0x1  }
0x27e: {  	s23 =	sadd.s32 $0xFFFFFFF0, s20  }
0x27f: {  	v47 =	vmov s23  }
0x280: {  	v0 =	vand.u32 $0xFFFFFFEF, v47  }
0x281: {  	v0 =	vbroadcast v0, $0x0;
	_ =	sdelay $0x4  }
0x282: {  	p0 =	seq.s32 s20, $0x1FF;
	v48, _, _ =	vpop (xrf2)  }
0x283: {  	s22 =	sadd.s32 @!p0 $0xFFFFFE00, s21;
	s24 =	simm.s32 @!p0 $0x1E80;
	s23 =	simm.s32 @!p0 $0x0;
	[tilespmem:v0+s17+$0x0] =	vst.idx.msk vm1, v48  }
0x284: {  	[tilespmem:s24], [sflag:$0x1] =	stream.linear.gather @!p0 [hbm4b:s22+s23], $0x1000, $0x38;
	[tilespmem:$0x4300] =	vst v63  }
0x285: {  	_ =	swait.ge [sflag:s18], $0x1000  }
0x286: {  	[sflag:s18] =	ssyncset.done $0x0  }
0x287: {  	[sflag:s18] =	ssyncadd.s32 $0xFFFFF000  }
0x288: {  	v49 =	vld [tilespmem:$0x2E80]  }
0x289: {  	v50 =	vld [tilespmem:$0x2E90]  }
0x28a: {  	v51 =	vld [tilespmem:$0x2EA0]  }
0x28b: {  	v52 =	vld [tilespmem:$0x2EB0]  }
0x28c: {  	v53 =	vld [tilespmem:$0x2EC0]  }
0x28d: {  	v54 =	vld [tilespmem:$0x2ED0]  }
0x28e: {  	v55 =	vld [tilespmem:$0x2EE0]  }
0x28f: {  	v56 =	vld [tilespmem:$0x2EF0]  }
0x290: {  	v57 =	vld [tilespmem:$0x3280]  }
0x291: {  	v58 =	vld [tilespmem:$0x3290]  }
0x292: {  	v59 =	vld [tilespmem:$0x32A0]  }
0x293: {  	v60 =	vld [tilespmem:$0x32B8]  }
0x294: {  	v61 =	vld [tilespmem:$0x32B0]  }
0x295: {  	v0 =	vld.idx.msk [tilespmem:v49+s2+$0x0], $0xffff  }
0x296: {  	v1 =	vld.idx.msk [tilespmem:v50+s2+$0x0], $0xffff  }
0x297: {  	v2 =	vld.idx.msk [tilespmem:v51+s2+$0x0], $0xffff  }
0x298: {  	v3 =	vld.idx.msk [tilespmem:v52+s2+$0x0], $0xffff  }
0x299: {  	v4 =	vld.idx.msk [tilespmem:v53+s2+$0x0], $0xffff  }
0x29a: {  	v5 =	vld.idx.msk [tilespmem:v54+s2+$0x0], $0xffff;
	v0 =	vadd.f32 $0.0e+00, v0  }
0x29b: {  	v6 =	vld.idx.msk [tilespmem:v55+s2+$0x0], $0xffff  }
0x29c: {  	v62 =	vld.idx.msk [tilespmem:v56+s2+$0x0], $0xffff;
	v1 =	vadd.f32 $0.0e+00, v1;
	v0 =	vadd.f32 v2, v0  }
0x29d: {  	v63 =	vld.idx.msk [tilespmem:v57+s2+$0x0], $0xffff  }
0x29e: {  	v9 =	vld.idx.msk [tilespmem:v58+s2+$0x0], $0xffff;
	v1 =	vadd.f32 v3, v1;
	v0 =	vadd.f32 v4, v0  }
0x29f: {  	v13 =	vld.idx.msk [tilespmem:v59+s2+$0x0], $0xffff  }
0x2a0: {  	v14 =	vld.idx.msk [tilespmem:v60+s2+$0x0], $0xffff;
	v1 =	vadd.f32 v5, v1;
	v0 =	vadd.f32 v6, v0  }
0x2a1: {  	v15 =	vld.idx.msk [tilespmem:v61+s2+$0x0], $0xffff  }
0x2a2: {  	v1 =	vadd.f32 v62, v1;
	v0 =	vadd.f32 v63, v0;
	_ =	sdelay $0x1  }
0x2a3: {  	v1 =	vadd.f32 v9, v1;
	v0 =	vadd.f32 v13, v0  }
0x2a4: {  	v16 =	vsel vm0, $0x0, v14  }
0x2a5: {  	v1 =	vadd.f32 v15, v1;
	v0 =	vadd.f32 v16, v0;
	_ =	sdelay $0x1  }
0x2a6: {  	v0 =	vadd.f32 v0, v1;
	_ =	sdelay $0x1  }
0x2a7: {  	(xrf2) =	vadd.scan.msk.f32 $0xffff, v0;
	_ =	sdelay $0x1  }
0x2a8: {  	s24 =	sadd.s32 $0xFFFFFFF1, s20  }
0x2a9: {  	v17 =	vmov s24  }
0x2aa: {  	v0 =	vand.u32 $0xFFFFFFF0, v17  }
0x2ab: {  	v0 =	vbroadcast v0, $0x0;
	_ =	sdelay $0x4  }
0x2ac: {  	v18, _, _ =	vpop (xrf2)  }
0x2ad: {  	[tilespmem:v0+s17+$0x0] =	vst.idx.msk vm1, v18  }
0x2ae: {  	v0 =	vld [tilespmem:$0x2F00]  }
0x2af: {  	v1 =	vld [tilespmem:$0x2F10]  }
0x2b0: {  	v19 =	vld [tilespmem:$0x2F20]  }
0x2b1: {  	v20 =	vld [tilespmem:$0x2F30]  }
0x2b2: {  	v21 =	vld [tilespmem:$0x2F40]  }
0x2b3: {  	v22 =	vld [tilespmem:$0x2F50]  }
0x2b4: {  	v23 =	vld [tilespmem:$0x2F60]  }
0x2b5: {  	v24 =	vld [tilespmem:$0x2F70]  }
0x2b6: {  	v25 =	vld [tilespmem:$0x3300]  }
0x2b7: {  	v26 =	vld [tilespmem:$0x3310]  }
0x2b8: {  	v27 =	vld [tilespmem:$0x3320]  }
0x2b9: {  	v28 =	vld [tilespmem:$0x3338]  }
0x2ba: {  	v29 =	vld [tilespmem:$0x3330]  }
0x2bb: {  	v0 =	vld.idx.msk [tilespmem:v0+s2+$0x0], $0xffff  }
0x2bc: {  	v1 =	vld.idx.msk [tilespmem:v1+s2+$0x0], $0xffff  }
0x2bd: {  	v2 =	vld.idx.msk [tilespmem:v19+s2+$0x0], $0xffff  }
0x2be: {  	v3 =	vld.idx.msk [tilespmem:v20+s2+$0x0], $0xffff  }
0x2bf: {  	v4 =	vld.idx.msk [tilespmem:v21+s2+$0x0], $0xffff  }
0x2c0: {  	v5 =	vld.idx.msk [tilespmem:v22+s2+$0x0], $0xffff;
	v0 =	vadd.f32 $0.0e+00, v0  }
0x2c1: {  	v6 =	vld.idx.msk [tilespmem:v23+s2+$0x0], $0xffff  }
0x2c2: {  	v30 =	vld.idx.msk [tilespmem:v24+s2+$0x0], $0xffff;
	v1 =	vadd.f32 $0.0e+00, v1;
	v0 =	vadd.f32 v2, v0  }
0x2c3: {  	v31 =	vld.idx.msk [tilespmem:v25+s2+$0x0], $0xffff  }
0x2c4: {  	v32 =	vld.idx.msk [tilespmem:v26+s2+$0x0], $0xffff;
	v1 =	vadd.f32 v3, v1;
	v0 =	vadd.f32 v4, v0  }
0x2c5: {  	v33 =	vld.idx.msk [tilespmem:v27+s2+$0x0], $0xffff  }
0x2c6: {  	v34 =	vld.idx.msk [tilespmem:v28+s2+$0x0], $0xffff;
	v1 =	vadd.f32 v5, v1;
	v0 =	vadd.f32 v6, v0  }
0x2c7: {  	v35 =	vld.idx.msk [tilespmem:v29+s2+$0x0], $0xffff  }
0x2c8: {  	v1 =	vadd.f32 v30, v1;
	v0 =	vadd.f32 v31, v0;
	_ =	sdelay $0x1  }
0x2c9: {  	v1 =	vadd.f32 v32, v1;
	v0 =	vadd.f32 v33, v0  }
0x2ca: {  	v36 =	vsel vm0, $0x0, v34  }
0x2cb: {  	v1 =	vadd.f32 v35, v1;
	v0 =	vadd.f32 v36, v0;
	_ =	sdelay $0x1  }
0x2cc: {  	v0 =	vadd.f32 v0, v1;
	_ =	sdelay $0x1  }
0x2cd: {  	(xrf2) =	vadd.scan.msk.f32 $0xffff, v0;
	_ =	sdelay $0x1  }
0x2ce: {  	s25 =	sadd.s32 $0xFFFFFFF2, s20  }
0x2cf: {  	v37 =	vmov s25  }
0x2d0: {  	v0 =	vand.u32 $0xFFFFFFF1, v37  }
0x2d1: {  	v0 =	vbroadcast v0, $0x0;
	_ =	sdelay $0x4  }
0x2d2: {  	v38, _, _ =	vpop (xrf2)  }
0x2d3: {  	[tilespmem:v0+s17+$0x0] =	vst.idx.msk vm1, v38  }
0x2d4: {  	v0 =	vld [tilespmem:$0x2F80]  }
0x2d5: {  	v1 =	vld [tilespmem:$0x2F90]  }
0x2d6: {  	v39 =	vld [tilespmem:$0x2FA0]  }
0x2d7: {  	v40 =	vld [tilespmem:$0x2FB0]  }
0x2d8: {  	v41 =	vld [tilespmem:$0x2FC0]  }
0x2d9: {  	v42 =	vld [tilespmem:$0x2FD0]  }
0x2da: {  	v43 =	vld [tilespmem:$0x2FE0]  }
0x2db: {  	v44 =	vld [tilespmem:$0x2FF0]  }
0x2dc: {  	v45 =	vld [tilespmem:$0x3380]  }
0x2dd: {  	v46 =	vld [tilespmem:$0x3390]  }
0x2de: {  	v47 =	vld [tilespmem:$0x33A0]  }
0x2df: {  	v48 =	vld [tilespmem:$0x33B8]  }
0x2e0: {  	v49 =	vld [tilespmem:$0x33B0]  }
0x2e1: {  	v0 =	vld.idx.msk [tilespmem:v0+s2+$0x0], $0xffff  }
0x2e2: {  	v1 =	vld.idx.msk [tilespmem:v1+s2+$0x0], $0xffff  }
0x2e3: {  	v2 =	vld.idx.msk [tilespmem:v39+s2+$0x0], $0xffff  }
0x2e4: {  	v3 =	vld.idx.msk [tilespmem:v40+s2+$0x0], $0xffff  }
0x2e5: {  	v4 =	vld.idx.msk [tilespmem:v41+s2+$0x0], $0xffff  }
0x2e6: {  	v5 =	vld.idx.msk [tilespmem:v42+s2+$0x0], $0xffff;
	v0 =	vadd.f32 $0.0e+00, v0  }
0x2e7: {  	v6 =	vld.idx.msk [tilespmem:v43+s2+$0x0], $0xffff  }
0x2e8: {  	v50 =	vld.idx.msk [tilespmem:v44+s2+$0x0], $0xffff;
	v1 =	vadd.f32 $0.0e+00, v1;
	v0 =	vadd.f32 v2, v0  }
0x2e9: {  	v51 =	vld.idx.msk [tilespmem:v45+s2+$0x0], $0xffff  }
0x2ea: {  	v52 =	vld.idx.msk [tilespmem:v46+s2+$0x0], $0xffff;
	v1 =	vadd.f32 v3, v1;
	v0 =	vadd.f32 v4, v0  }
0x2eb: {  	v53 =	vld.idx.msk [tilespmem:v47+s2+$0x0], $0xffff  }
0x2ec: {  	v54 =	vld.idx.msk [tilespmem:v48+s2+$0x0], $0xffff;
	v1 =	vadd.f32 v5, v1;
	v0 =	vadd.f32 v6, v0  }
0x2ed: {  	v55 =	vld.idx.msk [tilespmem:v49+s2+$0x0], $0xffff  }
0x2ee: {  	v1 =	vadd.f32 v50, v1;
	v0 =	vadd.f32 v51, v0;
	_ =	sdelay $0x1  }
0x2ef: {  	v1 =	vadd.f32 v52, v1;
	v0 =	vadd.f32 v53, v0  }
0x2f0: {  	v56 =	vsel vm0, $0x0, v54  }
0x2f1: {  	v1 =	vadd.f32 v55, v1;
	v0 =	vadd.f32 v56, v0;
	_ =	sdelay $0x1  }
0x2f2: {  	v0 =	vadd.f32 v0, v1;
	_ =	sdelay $0x1  }
0x2f3: {  	(xrf2) =	vadd.scan.msk.f32 $0xffff, v0;
	_ =	sdelay $0x1  }
0x2f4: {  	s26 =	sadd.s32 $0xFFFFFFF3, s20  }
0x2f5: {  	v57 =	vmov s26  }
0x2f6: {  	v0 =	vand.u32 $0xFFFFFFF2, v57  }
0x2f7: {  	v0 =	vbroadcast v0, $0x0;
	_ =	sdelay $0x4  }
0x2f8: {  	v58, _, _ =	vpop (xrf2)  }
0x2f9: {  	[tilespmem:v0+s17+$0x0] =	vst.idx.msk vm1, v58  }
0x2fa: {  	v0 =	vld [tilespmem:$0x3000]  }
0x2fb: {  	v1 =	vld [tilespmem:$0x3010]  }
0x2fc: {  	v59 =	vld [tilespmem:$0x3020]  }
0x2fd: {  	v60 =	vld [tilespmem:$0x3030]  }
0x2fe: {  	v61 =	vld [tilespmem:$0x3040]  }
0x2ff: {  	v62 =	vld [tilespmem:$0x3050]  }
0x300: {  	v63 =	vld [tilespmem:$0x3060]  }
0x301: {  	v16 =	vld [tilespmem:$0x3070]  }
0x302: {  	v17 =	vld [tilespmem:$0x3400]  }
0x303: {  	v18 =	vld [tilespmem:$0x3410]  }
0x304: {  	v19 =	vld [tilespmem:$0x3420]  }
0x305: {  	v20 =	vld [tilespmem:$0x3438]  }
0x306: {  	v21 =	vld [tilespmem:$0x3430]  }
0x307: {  	v0 =	vld.idx.msk [tilespmem:v0+s2+$0x0], $0xffff  }
0x308: {  	v1 =	vld.idx.msk [tilespmem:v1+s2+$0x0], $0xffff  }
0x309: {  	v2 =	vld.idx.msk [tilespmem:v59+s2+$0x0], $0xffff  }
0x30a: {  	v3 =	vld.idx.msk [tilespmem:v60+s2+$0x0], $0xffff  }
0x30b: {  	v4 =	vld.idx.msk [tilespmem:v61+s2+$0x0], $0xffff  }
0x30c: {  	v5 =	vld.idx.msk [tilespmem:v62+s2+$0x0], $0xffff;
	v0 =	vadd.f32 $0.0e+00, v0  }
0x30d: {  	v6 =	vld.idx.msk [tilespmem:v63+s2+$0x0], $0xffff  }
0x30e: {  	v22 =	vld.idx.msk [tilespmem:v16+s2+$0x0], $0xffff;
	v1 =	vadd.f32 $0.0e+00, v1;
	v0 =	vadd.f32 v2, v0  }
0x30f: {  	v23 =	vld.idx.msk [tilespmem:v17+s2+$0x0], $0xffff  }
0x310: {  	v24 =	vld.idx.msk [tilespmem:v18+s2+$0x0], $0xffff;
	v1 =	vadd.f32 v3, v1;
	v0 =	vadd.f32 v4, v0  }
0x311: {  	v25 =	vld.idx.msk [tilespmem:v19+s2+$0x0], $0xffff  }
0x312: {  	v26 =	vld.idx.msk [tilespmem:v20+s2+$0x0], $0xffff;
	v1 =	vadd.f32 v5, v1;
	v0 =	vadd.f32 v6, v0  }
0x313: {  	v27 =	vld.idx.msk [tilespmem:v21+s2+$0x0], $0xffff  }
0x314: {  	v1 =	vadd.f32 v22, v1;
	v0 =	vadd.f32 v23, v0;
	_ =	sdelay $0x1  }
0x315: {  	v1 =	vadd.f32 v24, v1;
	v0 =	vadd.f32 v25, v0  }
0x316: {  	v28 =	vsel vm0, $0x0, v26  }
0x317: {  	v1 =	vadd.f32 v27, v1;
	v0 =	vadd.f32 v28, v0;
	_ =	sdelay $0x1  }
0x318: {  	v0 =	vadd.f32 v0, v1;
	_ =	sdelay $0x1  }
0x319: {  	(xrf2) =	vadd.scan.msk.f32 $0xffff, v0;
	_ =	sdelay $0x1  }
0x31a: {  	s28 =	sadd.s32 $0xFFFFFFF4, s20  }
0x31b: {  	v29 =	vmov s28  }
0x31c: {  	v0 =	vand.u32 $0xFFFFFFF3, v29  }
0x31d: {  	v0 =	vbroadcast v0, $0x0;
	_ =	sdelay $0x4  }
0x31e: {  	v30, _, _ =	vpop (xrf2)  }
0x31f: {  	[tilespmem:v0+s17+$0x0] =	vst.idx.msk vm1, v30  }
0x320: {  	v0 =	vld [tilespmem:$0x3080]  }
0x321: {  	v1 =	vld [tilespmem:$0x3090]  }
0x322: {  	v31 =	vld [tilespmem:$0x30A0]  }
0x323: {  	v32 =	vld [tilespmem:$0x30B0]  }
0x324: {  	v33 =	vld [tilespmem:$0x30C0]  }
0x325: {  	v34 =	vld [tilespmem:$0x30D0]  }
0x326: {  	v35 =	vld [tilespmem:$0x30E0]  }
0x327: {  	v36 =	vld [tilespmem:$0x30F0]  }
0x328: {  	v37 =	vld [tilespmem:$0x3480]  }
0x329: {  	v38 =	vld [tilespmem:$0x3490]  }
0x32a: {  	v39 =	vld [tilespmem:$0x34A0]  }
0x32b: {  	v40 =	vld [tilespmem:$0x34B8]  }
0x32c: {  	v41 =	vld [tilespmem:$0x34B0]  }
0x32d: {  	v0 =	vld.idx.msk [tilespmem:v0+s2+$0x0], $0xffff  }
0x32e: {  	v1 =	vld.idx.msk [tilespmem:v1+s2+$0x0], $0xffff  }
0x32f: {  	v2 =	vld.idx.msk [tilespmem:v31+s2+$0x0], $0xffff  }
0x330: {  	v3 =	vld.idx.msk [tilespmem:v32+s2+$0x0], $0xffff  }
0x331: {  	v4 =	vld.idx.msk [tilespmem:v33+s2+$0x0], $0xffff  }
0x332: {  	v5 =	vld.idx.msk [tilespmem:v34+s2+$0x0], $0xffff;
	v0 =	vadd.f32 $0.0e+00, v0  }
0x333: {  	v6 =	vld.idx.msk [tilespmem:v35+s2+$0x0], $0xffff  }
0x334: {  	v42 =	vld.idx.msk [tilespmem:v36+s2+$0x0], $0xffff;
	v1 =	vadd.f32 $0.0e+00, v1;
	v0 =	vadd.f32 v2, v0  }
0x335: {  	v43 =	vld.idx.msk [tilespmem:v37+s2+$0x0], $0xffff  }
0x336: {  	v44 =	vld.idx.msk [tilespmem:v38+s2+$0x0], $0xffff;
	v1 =	vadd.f32 v3, v1;
	v0 =	vadd.f32 v4, v0  }
0x337: {  	v45 =	vld.idx.msk [tilespmem:v39+s2+$0x0], $0xffff  }
0x338: {  	v46 =	vld.idx.msk [tilespmem:v40+s2+$0x0], $0xffff;
	v1 =	vadd.f32 v5, v1;
	v0 =	vadd.f32 v6, v0  }
0x339: {  	v47 =	vld.idx.msk [tilespmem:v41+s2+$0x0], $0xffff  }
0x33a: {  	v1 =	vadd.f32 v42, v1;
	v0 =	vadd.f32 v43, v0;
	_ =	sdelay $0x1  }
0x33b: {  	v1 =	vadd.f32 v44, v1;
	v0 =	vadd.f32 v45, v0  }
0x33c: {  	v48 =	vsel vm0, $0x0, v46  }
0x33d: {  	v1 =	vadd.f32 v47, v1;
	v0 =	vadd.f32 v48, v0;
	_ =	sdelay $0x1  }
0x33e: {  	v0 =	vadd.f32 v0, v1;
	_ =	sdelay $0x1  }
0x33f: {  	(xrf2) =	vadd.scan.msk.f32 $0xffff, v0;
	_ =	sdelay $0x1  }
0x340: {  	s29 =	sadd.s32 $0xFFFFFFF5, s20  }
0x341: {  	v49 =	vmov s29  }
0x342: {  	v0 =	vand.u32 $0xFFFFFFF4, v49  }
0x343: {  	v0 =	vbroadcast v0, $0x0;
	_ =	sdelay $0x4  }
0x344: {  	v50, _, _ =	vpop (xrf2)  }
0x345: {  	[tilespmem:v0+s17+$0x0] =	vst.idx.msk vm1, v50  }
0x346: {  	v0 =	vld [tilespmem:$0x3100]  }
0x347: {  	v1 =	vld [tilespmem:$0x3110]  }
0x348: {  	v51 =	vld [tilespmem:$0x3120]  }
0x349: {  	v52 =	vld [tilespmem:$0x3130]  }
0x34a: {  	v53 =	vld [tilespmem:$0x3140]  }
0x34b: {  	v54 =	vld [tilespmem:$0x3150]  }
0x34c: {  	v55 =	vld [tilespmem:$0x3160]  }
0x34d: {  	v56 =	vld [tilespmem:$0x3170]  }
0x34e: {  	v57 =	vld [tilespmem:$0x3500]  }
0x34f: {  	v58 =	vld [tilespmem:$0x3510]  }
0x350: {  	v59 =	vld [tilespmem:$0x3520]  }
0x351: {  	v60 =	vld [tilespmem:$0x3538]  }
0x352: {  	v61 =	vld [tilespmem:$0x3530]  }
0x353: {  	v0 =	vld.idx.msk [tilespmem:v0+s2+$0x0], $0xffff  }
0x354: {  	v1 =	vld.idx.msk [tilespmem:v1+s2+$0x0], $0xffff  }
0x355: {  	v2 =	vld.idx.msk [tilespmem:v51+s2+$0x0], $0xffff  }
0x356: {  	v3 =	vld.idx.msk [tilespmem:v52+s2+$0x0], $0xffff  }
0x357: {  	v4 =	vld.idx.msk [tilespmem:v53+s2+$0x0], $0xffff  }
0x358: {  	v5 =	vld.idx.msk [tilespmem:v54+s2+$0x0], $0xffff;
	v0 =	vadd.f32 $0.0e+00, v0  }
0x359: {  	v6 =	vld.idx.msk [tilespmem:v55+s2+$0x0], $0xffff  }
0x35a: {  	v62 =	vld.idx.msk [tilespmem:v56+s2+$0x0], $0xffff;
	v1 =	vadd.f32 $0.0e+00, v1;
	v0 =	vadd.f32 v2, v0  }
0x35b: {  	v63 =	vld.idx.msk [tilespmem:v57+s2+$0x0], $0xffff  }
0x35c: {  	v9 =	vld.idx.msk [tilespmem:v58+s2+$0x0], $0xffff;
	v1 =	vadd.f32 v3, v1;
	v0 =	vadd.f32 v4, v0  }
0x35d: {  	v10 =	vld.idx.msk [tilespmem:v59+s2+$0x0], $0xffff  }
0x35e: {  	v11 =	vld.idx.msk [tilespmem:v60+s2+$0x0], $0xffff;
	v1 =	vadd.f32 v5, v1;
	v0 =	vadd.f32 v6, v0  }
0x35f: {  	v12 =	vld.idx.msk [tilespmem:v61+s2+$0x0], $0xffff  }
0x360: {  	v1 =	vadd.f32 v62, v1;
	v0 =	vadd.f32 v63, v0;
	_ =	sdelay $0x1  }
0x361: {  	v1 =	vadd.f32 v9, v1;
	v0 =	vadd.f32 v10, v0  }
0x362: {  	v13 =	vsel vm0, $0x0, v11  }
0x363: {  	v1 =	vadd.f32 v12, v1;
	v0 =	vadd.f32 v13, v0;
	_ =	sdelay $0x1  }
0x364: {  	v0 =	vadd.f32 v0, v1;
	_ =	sdelay $0x1  }
0x365: {  	(xrf2) =	vadd.scan.msk.f32 $0xffff, v0;
	_ =	sdelay $0x1  }
0x366: {  	s30 =	sadd.s32 $0xFFFFFFF6, s20  }
0x367: {  	v14 =	vmov s30  }
0x368: {  	v0 =	vand.u32 $0xFFFFFFF5, v14  }
0x369: {  	v0 =	vbroadcast v0, $0x0;
	_ =	sdelay $0x4  }
0x36a: {  	v15, _, _ =	vpop (xrf2)  }
0x36b: {  	[tilespmem:v0+s17+$0x0] =	vst.idx.msk vm1, v15  }
0x36c: {  	v0 =	vld [tilespmem:$0x3180]  }
0x36d: {  	v1 =	vld [tilespmem:$0x3190]  }
0x36e: {  	v16 =	vld [tilespmem:$0x31A0]  }
0x36f: {  	v17 =	vld [tilespmem:$0x31B0]  }
0x370: {  	v18 =	vld [tilespmem:$0x31C0]  }
0x371: {  	v19 =	vld [tilespmem:$0x31D0]  }
0x372: {  	v20 =	vld [tilespmem:$0x31E0]  }
0x373: {  	v21 =	vld [tilespmem:$0x31F0]  }
0x374: {  	v22 =	vld [tilespmem:$0x3580]  }
0x375: {  	v23 =	vld [tilespmem:$0x3590]  }
0x376: {  	v24 =	vld [tilespmem:$0x35A0]  }
0x377: {  	v25 =	vld [tilespmem:$0x35B8]  }
0x378: {  	v26 =	vld [tilespmem:$0x35B0]  }
0x379: {  	v0 =	vld.idx.msk [tilespmem:v0+s2+$0x0], $0xffff  }
0x37a: {  	v1 =	vld.idx.msk [tilespmem:v1+s2+$0x0], $0xffff  }
0x37b: {  	v2 =	vld.idx.msk [tilespmem:v16+s2+$0x0], $0xffff  }
0x37c: {  	v3 =	vld.idx.msk [tilespmem:v17+s2+$0x0], $0xffff  }
0x37d: {  	v4 =	vld.idx.msk [tilespmem:v18+s2+$0x0], $0xffff  }
0x37e: {  	v5 =	vld.idx.msk [tilespmem:v19+s2+$0x0], $0xffff;
	v0 =	vadd.f32 $0.0e+00, v0  }
0x37f: {  	v6 =	vld.idx.msk [tilespmem:v20+s2+$0x0], $0xffff  }
0x380: {  	v27 =	vld.idx.msk [tilespmem:v21+s2+$0x0], $0xffff;
	v1 =	vadd.f32 $0.0e+00, v1;
	v0 =	vadd.f32 v2, v0  }
0x381: {  	v28 =	vld.idx.msk [tilespmem:v22+s2+$0x0], $0xffff  }
0x382: {  	v29 =	vld.idx.msk [tilespmem:v23+s2+$0x0], $0xffff;
	v1 =	vadd.f32 v3, v1;
	v0 =	vadd.f32 v4, v0  }
0x383: {  	v30 =	vld.idx.msk [tilespmem:v24+s2+$0x0], $0xffff  }
0x384: {  	v31 =	vld.idx.msk [tilespmem:v25+s2+$0x0], $0xffff;
	v1 =	vadd.f32 v5, v1;
	v0 =	vadd.f32 v6, v0  }
0x385: {  	v32 =	vld.idx.msk [tilespmem:v26+s2+$0x0], $0xffff  }
0x386: {  	v1 =	vadd.f32 v27, v1;
	v0 =	vadd.f32 v28, v0;
	_ =	sdelay $0x1  }
0x387: {  	v1 =	vadd.f32 v29, v1;
	v0 =	vadd.f32 v30, v0  }
0x388: {  	v33 =	vsel vm0, $0x0, v31  }
0x389: {  	v1 =	vadd.f32 v32, v1;
	v0 =	vadd.f32 v33, v0;
	_ =	sdelay $0x1  }
0x38a: {  	v0 =	vadd.f32 v0, v1;
	_ =	sdelay $0x1  }
0x38b: {  	(xrf2) =	vadd.scan.msk.f32 $0xffff, v0;
	_ =	sdelay $0x1  }
0x38c: {  	s31 =	sadd.s32 $0xFFFFFFF7, s20  }
0x38d: {  	v34 =	vmov s31  }
0x38e: {  	v0 =	vand.u32 $0xFFFFFFF6, v34  }
0x38f: {  	v0 =	vbroadcast v0, $0x0;
	_ =	sdelay $0x4  }
0x390: {  	v35, _, _ =	vpop (xrf2)  }
0x391: {  	[tilespmem:v0+s17+$0x0] =	vst.idx.msk vm1, v35  }
0x392: {  	v0 =	vld [tilespmem:$0x3200]  }
0x393: {  	v1 =	vld [tilespmem:$0x3210]  }
0x394: {  	v36 =	vld [tilespmem:$0x3220]  }
0x395: {  	v37 =	vld [tilespmem:$0x3230]  }
0x396: {  	v38 =	vld [tilespmem:$0x3240]  }
0x397: {  	v39 =	vld [tilespmem:$0x3250]  }
0x398: {  	v40 =	vld [tilespmem:$0x3260]  }
0x399: {  	v41 =	vld [tilespmem:$0x3270]  }
0x39a: {  	v42 =	vld [tilespmem:$0x3600]  }
0x39b: {  	v43 =	vld [tilespmem:$0x3610]  }
0x39c: {  	v44 =	vld [tilespmem:$0x3620]  }
0x39d: {  	v45 =	vld [tilespmem:$0x3638]  }
0x39e: {  	v46 =	vld [tilespmem:$0x3630]  }
0x39f: {  	v0 =	vld.idx.msk [tilespmem:v0+s2+$0x0], $0xffff  }
0x3a0: {  	v1 =	vld.idx.msk [tilespmem:v1+s2+$0x0], $0xffff  }
0x3a1: {  	v2 =	vld.idx.msk [tilespmem:v36+s2+$0x0], $0xffff  }
0x3a2: {  	v3 =	vld.idx.msk [tilespmem:v37+s2+$0x0], $0xffff  }
0x3a3: {  	v4 =	vld.idx.msk [tilespmem:v38+s2+$0x0], $0xffff  }
0x3a4: {  	v5 =	vld.idx.msk [tilespmem:v39+s2+$0x0], $0xffff;
	v0 =	vadd.f32 $0.0e+00, v0  }
0x3a5: {  	v6 =	vld.idx.msk [tilespmem:v40+s2+$0x0], $0xffff  }
0x3a6: {  	v47 =	vld.idx.msk [tilespmem:v41+s2+$0x0], $0xffff;
	v1 =	vadd.f32 $0.0e+00, v1;
	v0 =	vadd.f32 v2, v0  }
0x3a7: {  	v48 =	vld.idx.msk [tilespmem:v42+s2+$0x0], $0xffff  }
0x3a8: {  	v49 =	vld.idx.msk [tilespmem:v43+s2+$0x0], $0xffff;
	v1 =	vadd.f32 v3, v1;
	v0 =	vadd.f32 v4, v0  }
0x3a9: {  	v50 =	vld.idx.msk [tilespmem:v44+s2+$0x0], $0xffff  }
0x3aa: {  	v51 =	vld.idx.msk [tilespmem:v45+s2+$0x0], $0xffff;
	v1 =	vadd.f32 v5, v1;
	v0 =	vadd.f32 v6, v0  }
0x3ab: {  	v52 =	vld.idx.msk [tilespmem:v46+s2+$0x0], $0xffff  }
0x3ac: {  	v1 =	vadd.f32 v47, v1;
	v0 =	vadd.f32 v48, v0;
	_ =	sdelay $0x1  }
0x3ad: {  	v1 =	vadd.f32 v49, v1;
	v0 =	vadd.f32 v50, v0  }
0x3ae: {  	v53 =	vsel vm0, $0x0, v51  }
0x3af: {  	v1 =	vadd.f32 v52, v1;
	v0 =	vadd.f32 v53, v0;
	_ =	sdelay $0x1  }
0x3b0: {  	v0 =	vadd.f32 v0, v1;
	_ =	sdelay $0x1  }
0x3b1: {  	(xrf2) =	vadd.scan.msk.f32 $0xffff, v0;
	_ =	sdelay $0x1  }
0x3b2: {  	s23 =	sadd.s32 $0xFFFFFFF8, s20  }
0x3b3: {  	v54 =	vmov s23  }
0x3b4: {  	v0 =	vand.u32 $0xFFFFFFF7, v54  }
0x3b5: {  	v0 =	vbroadcast v0, $0x0;
	_ =	sdelay $0x4  }
0x3b6: {  	v55, _, _ =	vpop (xrf2)  }
0x3b7: {  	[tilespmem:v0+s17+$0x0] =	vst.idx.msk vm1, v55  }
0x3b8: {  	v0 =	vld [tilespmem:$0x3680]  }
0x3b9: {  	v1 =	vld [tilespmem:$0x3690]  }
0x3ba: {  	v56 =	vld [tilespmem:$0x36A0]  }
0x3bb: {  	v57 =	vld [tilespmem:$0x36B0]  }
0x3bc: {  	v58 =	vld [tilespmem:$0x36C0]  }
0x3bd: {  	v59 =	vld [tilespmem:$0x36D0]  }
0x3be: {  	v60 =	vld [tilespmem:$0x36E0]  }
0x3bf: {  	v61 =	vld [tilespmem:$0x36F0]  }
0x3c0: {  	v62 =	vld [tilespmem:$0x3A80]  }
0x3c1: {  	v63 =	vld [tilespmem:$0x3A90]  }
0x3c2: {  	v16 =	vld [tilespmem:$0x3AA0]  }
0x3c3: {  	v17 =	vld [tilespmem:$0x3AB8]  }
0x3c4: {  	v18 =	vld [tilespmem:$0x3AB0]  }
0x3c5: {  	v0 =	vld.idx.msk [tilespmem:v0+s2+$0x0], $0xffff  }
0x3c6: {  	v1 =	vld.idx.msk [tilespmem:v1+s2+$0x0], $0xffff  }
0x3c7: {  	v2 =	vld.idx.msk [tilespmem:v56+s2+$0x0], $0xffff  }
0x3c8: {  	v3 =	vld.idx.msk [tilespmem:v57+s2+$0x0], $0xffff  }
0x3c9: {  	v4 =	vld.idx.msk [tilespmem:v58+s2+$0x0], $0xffff  }
0x3ca: {  	v5 =	vld.idx.msk [tilespmem:v59+s2+$0x0], $0xffff;
	v0 =	vadd.f32 $0.0e+00, v0  }
0x3cb: {  	v6 =	vld.idx.msk [tilespmem:v60+s2+$0x0], $0xffff  }
0x3cc: {  	v19 =	vld.idx.msk [tilespmem:v61+s2+$0x0], $0xffff;
	v1 =	vadd.f32 $0.0e+00, v1;
	v0 =	vadd.f32 v2, v0  }
0x3cd: {  	v20 =	vld.idx.msk [tilespmem:v62+s2+$0x0], $0xffff  }
0x3ce: {  	v21 =	vld.idx.msk [tilespmem:v63+s2+$0x0], $0xffff;
	v1 =	vadd.f32 v3, v1;
	v0 =	vadd.f32 v4, v0  }
0x3cf: {  	v22 =	vld.idx.msk [tilespmem:v16+s2+$0x0], $0xffff  }
0x3d0: {  	v23 =	vld.idx.msk [tilespmem:v17+s2+$0x0], $0xffff;
	v1 =	vadd.f32 v5, v1;
	v0 =	vadd.f32 v6, v0  }
0x3d1: {  	v24 =	vld.idx.msk [tilespmem:v18+s2+$0x0], $0xffff  }
0x3d2: {  	v1 =	vadd.f32 v19, v1;
	v0 =	vadd.f32 v20, v0;
	_ =	sdelay $0x1  }
0x3d3: {  	v1 =	vadd.f32 v21, v1;
	v0 =	vadd.f32 v22, v0  }
0x3d4: {  	v25 =	vsel vm0, $0x0, v23  }
0x3d5: {  	v1 =	vadd.f32 v24, v1;
	v0 =	vadd.f32 v25, v0;
	_ =	sdelay $0x1  }
0x3d6: {  	v0 =	vadd.f32 v0, v1;
	_ =	sdelay $0x1  }
0x3d7: {  	(xrf2) =	vadd.scan.msk.f32 $0xffff, v0;
	_ =	sdelay $0x1  }
0x3d8: {  	s24 =	sadd.s32 $0xFFFFFFF9, s20  }
0x3d9: {  	v26 =	vmov s24  }
0x3da: {  	v0 =	vand.u32 $0xFFFFFFF8, v26  }
0x3db: {  	v0 =	vbroadcast v0, $0x0;
	_ =	sdelay $0x4  }
0x3dc: {  	v27, _, _ =	vpop (xrf2)  }
0x3dd: {  	[tilespmem:v0+s17+$0x0] =	vst.idx.msk vm1, v27  }
0x3de: {  	v0 =	vld [tilespmem:$0x3700]  }
0x3df: {  	v1 =	vld [tilespmem:$0x3710]  }
0x3e0: {  	v28 =	vld [tilespmem:$0x3720]  }
0x3e1: {  	v29 =	vld [tilespmem:$0x3730]  }
0x3e2: {  	v30 =	vld [tilespmem:$0x3740]  }
0x3e3: {  	v31 =	vld [tilespmem:$0x3750]  }
0x3e4: {  	v32 =	vld [tilespmem:$0x3760]  }
0x3e5: {  	v33 =	vld [tilespmem:$0x3770]  }
0x3e6: {  	v34 =	vld [tilespmem:$0x3B00]  }
0x3e7: {  	v35 =	vld [tilespmem:$0x3B10]  }
0x3e8: {  	v36 =	vld [tilespmem:$0x3B20]  }
0x3e9: {  	v37 =	vld [tilespmem:$0x3B38]  }
0x3ea: {  	v38 =	vld [tilespmem:$0x3B30]  }
0x3eb: {  	v0 =	vld.idx.msk [tilespmem:v0+s2+$0x0], $0xffff  }
0x3ec: {  	v1 =	vld.idx.msk [tilespmem:v1+s2+$0x0], $0xffff  }
0x3ed: {  	v2 =	vld.idx.msk [tilespmem:v28+s2+$0x0], $0xffff  }
0x3ee: {  	v3 =	vld.idx.msk [tilespmem:v29+s2+$0x0], $0xffff  }
0x3ef: {  	v4 =	vld.idx.msk [tilespmem:v30+s2+$0x0], $0xffff  }
0x3f0: {  	v5 =	vld.idx.msk [tilespmem:v31+s2+$0x0], $0xffff;
	v0 =	vadd.f32 $0.0e+00, v0  }
0x3f1: {  	v6 =	vld.idx.msk [tilespmem:v32+s2+$0x0], $0xffff  }
0x3f2: {  	v39 =	vld.idx.msk [tilespmem:v33+s2+$0x0], $0xffff;
	v1 =	vadd.f32 $0.0e+00, v1;
	v0 =	vadd.f32 v2, v0  }
0x3f3: {  	v40 =	vld.idx.msk [tilespmem:v34+s2+$0x0], $0xffff  }
0x3f4: {  	v41 =	vld.idx.msk [tilespmem:v35+s2+$0x0], $0xffff;
	v1 =	vadd.f32 v3, v1;
	v0 =	vadd.f32 v4, v0  }
0x3f5: {  	v42 =	vld.idx.msk [tilespmem:v36+s2+$0x0], $0xffff  }
0x3f6: {  	v43 =	vld.idx.msk [tilespmem:v37+s2+$0x0], $0xffff;
	v1 =	vadd.f32 v5, v1;
	v0 =	vadd.f32 v6, v0  }
0x3f7: {  	v44 =	vld.idx.msk [tilespmem:v38+s2+$0x0], $0xffff  }
0x3f8: {  	v1 =	vadd.f32 v39, v1;
	v0 =	vadd.f32 v40, v0;
	_ =	sdelay $0x1  }
0x3f9: {  	v1 =	vadd.f32 v41, v1;
	v0 =	vadd.f32 v42, v0  }
0x3fa: {  	v45 =	vsel vm0, $0x0, v43  }
0x3fb: {  	v1 =	vadd.f32 v44, v1;
	v0 =	vadd.f32 v45, v0;
	_ =	sdelay $0x1  }
0x3fc: {  	v0 =	vadd.f32 v0, v1;
	_ =	sdelay $0x1  }
0x3fd: {  	(xrf2) =	vadd.scan.msk.f32 $0xffff, v0;
	_ =	sdelay $0x1  }
0x3fe: {  	s25 =	sadd.s32 $0xFFFFFFFA, s20  }
0x3ff: {  	v46 =	vmov s25  }
0x400: {  	v0 =	vand.u32 $0xFFFFFFF9, v46  }
0x401: {  	v0 =	vbroadcast v0, $0x0;
	_ =	sdelay $0x4  }
0x402: {  	v47, _, _ =	vpop (xrf2)  }
0x403: {  	[tilespmem:v0+s17+$0x0] =	vst.idx.msk vm1, v47  }
0x404: {  	v0 =	vld [tilespmem:$0x3780]  }
0x405: {  	v1 =	vld [tilespmem:$0x3790]  }
0x406: {  	v48 =	vld [tilespmem:$0x37A0]  }
0x407: {  	v49 =	vld [tilespmem:$0x37B0]  }
0x408: {  	v50 =	vld [tilespmem:$0x37C0]  }
0x409: {  	v51 =	vld [tilespmem:$0x37D0]  }
0x40a: {  	v52 =	vld [tilespmem:$0x37E0]  }
0x40b: {  	v53 =	vld [tilespmem:$0x37F0]  }
0x40c: {  	v54 =	vld [tilespmem:$0x3B80]  }
0x40d: {  	v55 =	vld [tilespmem:$0x3B90]  }
0x40e: {  	v56 =	vld [tilespmem:$0x3BA0]  }
0x40f: {  	v57 =	vld [tilespmem:$0x3BB8]  }
0x410: {  	v58 =	vld [tilespmem:$0x3BB0]  }
0x411: {  	v0 =	vld.idx.msk [tilespmem:v0+s2+$0x0], $0xffff  }
0x412: {  	v1 =	vld.idx.msk [tilespmem:v1+s2+$0x0], $0xffff  }
0x413: {  	v2 =	vld.idx.msk [tilespmem:v48+s2+$0x0], $0xffff  }
0x414: {  	v3 =	vld.idx.msk [tilespmem:v49+s2+$0x0], $0xffff  }
0x415: {  	v4 =	vld.idx.msk [tilespmem:v50+s2+$0x0], $0xffff  }
0x416: {  	v5 =	vld.idx.msk [tilespmem:v51+s2+$0x0], $0xffff;
	v0 =	vadd.f32 $0.0e+00, v0  }
0x417: {  	v6 =	vld.idx.msk [tilespmem:v52+s2+$0x0], $0xffff  }
0x418: {  	v59 =	vld.idx.msk [tilespmem:v53+s2+$0x0], $0xffff;
	v1 =	vadd.f32 $0.0e+00, v1;
	v0 =	vadd.f32 v2, v0  }
0x419: {  	v60 =	vld.idx.msk [tilespmem:v54+s2+$0x0], $0xffff  }
0x41a: {  	v61 =	vld.idx.msk [tilespmem:v55+s2+$0x0], $0xffff;
	v1 =	vadd.f32 v3, v1;
	v0 =	vadd.f32 v4, v0  }
0x41b: {  	v62 =	vld.idx.msk [tilespmem:v56+s2+$0x0], $0xffff  }
0x41c: {  	v63 =	vld.idx.msk [tilespmem:v57+s2+$0x0], $0xffff;
	v1 =	vadd.f32 v5, v1;
	v0 =	vadd.f32 v6, v0  }
0x41d: {  	v9 =	vld.idx.msk [tilespmem:v58+s2+$0x0], $0xffff  }
0x41e: {  	v1 =	vadd.f32 v59, v1;
	v0 =	vadd.f32 v60, v0;
	_ =	sdelay $0x1  }
0x41f: {  	v1 =	vadd.f32 v61, v1;
	v0 =	vadd.f32 v62, v0  }
0x420: {  	v10 =	vsel vm0, $0x0, v63  }
0x421: {  	v1 =	vadd.f32 v9, v1;
	v0 =	vadd.f32 v10, v0;
	_ =	sdelay $0x1  }
0x422: {  	v0 =	vadd.f32 v0, v1;
	_ =	sdelay $0x1  }
0x423: {  	(xrf2) =	vadd.scan.msk.f32 $0xffff, v0;
	_ =	sdelay $0x1  }
0x424: {  	s26 =	sadd.s32 $0xFFFFFFFB, s20  }
0x425: {  	v11 =	vmov s26  }
0x426: {  	v0 =	vand.u32 $0xFFFFFFFA, v11  }
0x427: {  	v0 =	vbroadcast v0, $0x0;
	_ =	sdelay $0x4  }
0x428: {  	v12, _, _ =	vpop (xrf2)  }
0x429: {  	[tilespmem:v0+s17+$0x0] =	vst.idx.msk vm1, v12  }
0x42a: {  	v0 =	vld [tilespmem:$0x3800]  }
0x42b: {  	v1 =	vld [tilespmem:$0x3810]  }
0x42c: {  	v13 =	vld [tilespmem:$0x3820]  }
0x42d: {  	v14 =	vld [tilespmem:$0x3830]  }
0x42e: {  	v15 =	vld [tilespmem:$0x3840]  }
0x42f: {  	v16 =	vld [tilespmem:$0x3850]  }
0x430: {  	v17 =	vld [tilespmem:$0x3860]  }
0x431: {  	v18 =	vld [tilespmem:$0x3870]  }
0x432: {  	v19 =	vld [tilespmem:$0x3C00]  }
0x433: {  	v20 =	vld [tilespmem:$0x3C10]  }
0x434: {  	v21 =	vld [tilespmem:$0x3C20]  }
0x435: {  	v22 =	vld [tilespmem:$0x3C38]  }
0x436: {  	v23 =	vld [tilespmem:$0x3C30]  }
0x437: {  	v0 =	vld.idx.msk [tilespmem:v0+s2+$0x0], $0xffff  }
0x438: {  	v1 =	vld.idx.msk [tilespmem:v1+s2+$0x0], $0xffff  }
0x439: {  	v2 =	vld.idx.msk [tilespmem:v13+s2+$0x0], $0xffff  }
0x43a: {  	v3 =	vld.idx.msk [tilespmem:v14+s2+$0x0], $0xffff  }
0x43b: {  	v4 =	vld.idx.msk [tilespmem:v15+s2+$0x0], $0xffff  }
0x43c: {  	v5 =	vld.idx.msk [tilespmem:v16+s2+$0x0], $0xffff;
	v0 =	vadd.f32 $0.0e+00, v0  }
0x43d: {  	v6 =	vld.idx.msk [tilespmem:v17+s2+$0x0], $0xffff  }
0x43e: {  	v24 =	vld.idx.msk [tilespmem:v18+s2+$0x0], $0xffff;
	v1 =	vadd.f32 $0.0e+00, v1;
	v0 =	vadd.f32 v2, v0  }
0x43f: {  	v25 =	vld.idx.msk [tilespmem:v19+s2+$0x0], $0xffff  }
0x440: {  	v26 =	vld.idx.msk [tilespmem:v20+s2+$0x0], $0xffff;
	v1 =	vadd.f32 v3, v1;
	v0 =	vadd.f32 v4, v0  }
0x441: {  	v27 =	vld.idx.msk [tilespmem:v21+s2+$0x0], $0xffff  }
0x442: {  	v28 =	vld.idx.msk [tilespmem:v22+s2+$0x0], $0xffff;
	v1 =	vadd.f32 v5, v1;
	v0 =	vadd.f32 v6, v0  }
0x443: {  	v29 =	vld.idx.msk [tilespmem:v23+s2+$0x0], $0xffff  }
0x444: {  	v1 =	vadd.f32 v24, v1;
	v0 =	vadd.f32 v25, v0;
	_ =	sdelay $0x1  }
0x445: {  	v1 =	vadd.f32 v26, v1;
	v0 =	vadd.f32 v27, v0  }
0x446: {  	v30 =	vsel vm0, $0x0, v28  }
0x447: {  	v1 =	vadd.f32 v29, v1;
	v0 =	vadd.f32 v30, v0;
	_ =	sdelay $0x1  }
0x448: {  	v0 =	vadd.f32 v0, v1;
	_ =	sdelay $0x1  }
0x449: {  	(xrf2) =	vadd.scan.msk.f32 $0xffff, v0;
	_ =	sdelay $0x1  }
0x44a: {  	s28 =	sadd.s32 $0xFFFFFFFC, s20  }
0x44b: {  	v31 =	vmov s28  }
0x44c: {  	v0 =	vand.u32 $0xFFFFFFFB, v31  }
0x44d: {  	v0 =	vbroadcast v0, $0x0;
	_ =	sdelay $0x4  }
0x44e: {  	v32, _, _ =	vpop (xrf2)  }
0x44f: {  	[tilespmem:v0+s17+$0x0] =	vst.idx.msk vm1, v32  }
0x450: {  	v0 =	vld [tilespmem:$0x3880]  }
0x451: {  	v1 =	vld [tilespmem:$0x3890]  }
0x452: {  	v33 =	vld [tilespmem:$0x38A0]  }
0x453: {  	v34 =	vld [tilespmem:$0x38B0]  }
0x454: {  	v35 =	vld [tilespmem:$0x38C0]  }
0x455: {  	v36 =	vld [tilespmem:$0x38D0]  }
0x456: {  	v37 =	vld [tilespmem:$0x38E0]  }
0x457: {  	v38 =	vld [tilespmem:$0x38F0]  }
0x458: {  	v39 =	vld [tilespmem:$0x3C80]  }
0x459: {  	v40 =	vld [tilespmem:$0x3C90]  }
0x45a: {  	v41 =	vld [tilespmem:$0x3CA0]  }
0x45b: {  	v42 =	vld [tilespmem:$0x3CB8]  }
0x45c: {  	v43 =	vld [tilespmem:$0x3CB0]  }
0x45d: {  	v0 =	vld.idx.msk [tilespmem:v0+s2+$0x0], $0xffff  }
0x45e: {  	v1 =	vld.idx.msk [tilespmem:v1+s2+$0x0], $0xffff  }
0x45f: {  	v2 =	vld.idx.msk [tilespmem:v33+s2+$0x0], $0xffff  }
0x460: {  	v3 =	vld.idx.msk [tilespmem:v34+s2+$0x0], $0xffff  }
0x461: {  	v4 =	vld.idx.msk [tilespmem:v35+s2+$0x0], $0xffff  }
0x462: {  	v5 =	vld.idx.msk [tilespmem:v36+s2+$0x0], $0xffff;
	v0 =	vadd.f32 $0.0e+00, v0  }
0x463: {  	v6 =	vld.idx.msk [tilespmem:v37+s2+$0x0], $0xffff  }
0x464: {  	v44 =	vld.idx.msk [tilespmem:v38+s2+$0x0], $0xffff;
	v1 =	vadd.f32 $0.0e+00, v1;
	v0 =	vadd.f32 v2, v0  }
0x465: {  	v45 =	vld.idx.msk [tilespmem:v39+s2+$0x0], $0xffff  }
0x466: {  	v46 =	vld.idx.msk [tilespmem:v40+s2+$0x0], $0xffff;
	v1 =	vadd.f32 v3, v1;
	v0 =	vadd.f32 v4, v0  }
0x467: {  	v47 =	vld.idx.msk [tilespmem:v41+s2+$0x0], $0xffff  }
0x468: {  	v48 =	vld.idx.msk [tilespmem:v42+s2+$0x0], $0xffff;
	v1 =	vadd.f32 v5, v1;
	v0 =	vadd.f32 v6, v0  }
0x469: {  	v49 =	vld.idx.msk [tilespmem:v43+s2+$0x0], $0xffff  }
0x46a: {  	v1 =	vadd.f32 v44, v1;
	v0 =	vadd.f32 v45, v0;
	_ =	sdelay $0x1  }
0x46b: {  	v1 =	vadd.f32 v46, v1;
	v0 =	vadd.f32 v47, v0  }
0x46c: {  	v50 =	vsel vm0, $0x0, v48  }
0x46d: {  	v1 =	vadd.f32 v49, v1;
	v0 =	vadd.f32 v50, v0;
	_ =	sdelay $0x1  }
0x46e: {  	v0 =	vadd.f32 v0, v1;
	_ =	sdelay $0x1  }
0x46f: {  	(xrf2) =	vadd.scan.msk.f32 $0xffff, v0;
	_ =	sdelay $0x1  }
0x470: {  	s29 =	sadd.s32 $0xFFFFFFFD, s20  }
0x471: {  	v51 =	vmov s29  }
0x472: {  	v0 =	vand.u32 $0xFFFFFFFC, v51  }
0x473: {  	v0 =	vbroadcast v0, $0x0;
	_ =	sdelay $0x4  }
0x474: {  	v52, _, _ =	vpop (xrf2)  }
0x475: {  	[tilespmem:v0+s17+$0x0] =	vst.idx.msk vm1, v52  }
0x476: {  	v0 =	vld [tilespmem:$0x3900]  }
0x477: {  	v1 =	vld [tilespmem:$0x3910]  }
0x478: {  	v53 =	vld [tilespmem:$0x3920]  }
0x479: {  	v54 =	vld [tilespmem:$0x3930]  }
0x47a: {  	v55 =	vld [tilespmem:$0x3940]  }
0x47b: {  	v56 =	vld [tilespmem:$0x3950]  }
0x47c: {  	v57 =	vld [tilespmem:$0x3960]  }
0x47d: {  	v58 =	vld [tilespmem:$0x3970]  }
0x47e: {  	v59 =	vld [tilespmem:$0x3D00]  }
0x47f: {  	v60 =	vld [tilespmem:$0x3D10]  }
0x480: {  	v61 =	vld [tilespmem:$0x3D20]  }
0x481: {  	v62 =	vld [tilespmem:$0x3D38]  }
0x482: {  	v63 =	vld [tilespmem:$0x3D30]  }
0x483: {  	v0 =	vld.idx.msk [tilespmem:v0+s2+$0x0], $0xffff  }
0x484: {  	v1 =	vld.idx.msk [tilespmem:v1+s2+$0x0], $0xffff  }
0x485: {  	v2 =	vld.idx.msk [tilespmem:v53+s2+$0x0], $0xffff  }
0x486: {  	v3 =	vld.idx.msk [tilespmem:v54+s2+$0x0], $0xffff  }
0x487: {  	v4 =	vld.idx.msk [tilespmem:v55+s2+$0x0], $0xffff  }
0x488: {  	v5 =	vld.idx.msk [tilespmem:v56+s2+$0x0], $0xffff;
	v0 =	vadd.f32 $0.0e+00, v0  }
0x489: {  	v6 =	vld.idx.msk [tilespmem:v57+s2+$0x0], $0xffff  }
0x48a: {  	v15 =	vld.idx.msk [tilespmem:v58+s2+$0x0], $0xffff;
	v1 =	vadd.f32 $0.0e+00, v1;
	v0 =	vadd.f32 v2, v0  }
0x48b: {  	v16 =	vld.idx.msk [tilespmem:v59+s2+$0x0], $0xffff  }
0x48c: {  	v17 =	vld.idx.msk [tilespmem:v60+s2+$0x0], $0xffff;
	v1 =	vadd.f32 v3, v1;
	v0 =	vadd.f32 v4, v0  }
0x48d: {  	v18 =	vld.idx.msk [tilespmem:v61+s2+$0x0], $0xffff  }
0x48e: {  	v19 =	vld.idx.msk [tilespmem:v62+s2+$0x0], $0xffff;
	v1 =	vadd.f32 v5, v1;
	v0 =	vadd.f32 v6, v0  }
0x48f: {  	v20 =	vld.idx.msk [tilespmem:v63+s2+$0x0], $0xffff  }
0x490: {  	v1 =	vadd.f32 v15, v1;
	v0 =	vadd.f32 v16, v0;
	_ =	sdelay $0x1  }
0x491: {  	v1 =	vadd.f32 v17, v1;
	v0 =	vadd.f32 v18, v0  }
0x492: {  	v21 =	vsel vm0, $0x0, v19  }
0x493: {  	v1 =	vadd.f32 v20, v1;
	v0 =	vadd.f32 v21, v0;
	_ =	sdelay $0x1  }
0x494: {  	v0 =	vadd.f32 v0, v1;
	_ =	sdelay $0x1  }
0x495: {  	(xrf2) =	vadd.scan.msk.f32 $0xffff, v0;
	_ =	sdelay $0x1  }
0x496: {  	s30 =	sadd.s32 $0xFFFFFFFE, s20  }
0x497: {  	v22 =	vmov s30  }
0x498: {  	v0 =	vand.u32 $0xFFFFFFFD, v22  }
0x499: {  	v0 =	vbroadcast v0, $0x0;
	_ =	sdelay $0x4  }
0x49a: {  	v23, _, _ =	vpop (xrf2)  }
0x49b: {  	[tilespmem:v0+s17+$0x0] =	vst.idx.msk vm1, v23  }
0x49c: {  	v0 =	vld [tilespmem:$0x3980]  }
0x49d: {  	v1 =	vld [tilespmem:$0x3990]  }
0x49e: {  	v24 =	vld [tilespmem:$0x39A0]  }
0x49f: {  	v25 =	vld [tilespmem:$0x39B0]  }
0x4a0: {  	v26 =	vld [tilespmem:$0x39C0]  }
0x4a1: {  	v27 =	vld [tilespmem:$0x39D0]  }
0x4a2: {  	v28 =	vld [tilespmem:$0x39E0]  }
0x4a3: {  	v29 =	vld [tilespmem:$0x39F0]  }
0x4a4: {  	v30 =	vld [tilespmem:$0x3D80]  }
0x4a5: {  	v31 =	vld [tilespmem:$0x3D90]  }
0x4a6: {  	v32 =	vld [tilespmem:$0x3DA0]  }
0x4a7: {  	v33 =	vld [tilespmem:$0x3DB8]  }
0x4a8: {  	v34 =	vld [tilespmem:$0x3DB0]  }
0x4a9: {  	v0 =	vld.idx.msk [tilespmem:v0+s2+$0x0], $0xffff  }
0x4aa: {  	v1 =	vld.idx.msk [tilespmem:v1+s2+$0x0], $0xffff  }
0x4ab: {  	v2 =	vld.idx.msk [tilespmem:v24+s2+$0x0], $0xffff  }
0x4ac: {  	v3 =	vld.idx.msk [tilespmem:v25+s2+$0x0], $0xffff  }
0x4ad: {  	v4 =	vld.idx.msk [tilespmem:v26+s2+$0x0], $0xffff  }
0x4ae: {  	v5 =	vld.idx.msk [tilespmem:v27+s2+$0x0], $0xffff;
	v0 =	vadd.f32 $0.0e+00, v0  }
0x4af: {  	v6 =	vld.idx.msk [tilespmem:v28+s2+$0x0], $0xffff  }
0x4b0: {  	v35 =	vld.idx.msk [tilespmem:v29+s2+$0x0], $0xffff;
	v1 =	vadd.f32 $0.0e+00, v1;
	v0 =	vadd.f32 v2, v0  }
0x4b1: {  	v36 =	vld.idx.msk [tilespmem:v30+s2+$0x0], $0xffff  }
0x4b2: {  	v37 =	vld.idx.msk [tilespmem:v31+s2+$0x0], $0xffff;
	v1 =	vadd.f32 v3, v1;
	v0 =	vadd.f32 v4, v0  }
0x4b3: {  	v38 =	vld.idx.msk [tilespmem:v32+s2+$0x0], $0xffff  }
0x4b4: {  	v39 =	vld.idx.msk [tilespmem:v33+s2+$0x0], $0xffff;
	v1 =	vadd.f32 v5, v1;
	v0 =	vadd.f32 v6, v0  }
0x4b5: {  	v40 =	vld.idx.msk [tilespmem:v34+s2+$0x0], $0xffff  }
0x4b6: {  	v1 =	vadd.f32 v35, v1;
	v0 =	vadd.f32 v36, v0;
	_ =	sdelay $0x1  }
0x4b7: {  	v1 =	vadd.f32 v37, v1;
	v0 =	vadd.f32 v38, v0  }
0x4b8: {  	v41 =	vsel vm0, $0x0, v39  }
0x4b9: {  	v1 =	vadd.f32 v40, v1;
	v0 =	vadd.f32 v41, v0;
	_ =	sdelay $0x1  }
0x4ba: {  	v0 =	vadd.f32 v0, v1;
	_ =	sdelay $0x1  }
0x4bb: {  	(xrf2) =	vadd.scan.msk.f32 $0xffff, v0;
	_ =	sdelay $0x1  }
0x4bc: {  	s31 =	sadd.s32 $0xFFFFFFFF, s20  }
0x4bd: {  	v42 =	vmov s31  }
0x4be: {  	v0 =	vand.u32 $0xFFFFFFFE, v42  }
0x4bf: {  	v0 =	vbroadcast v0, $0x0;
	_ =	sdelay $0x4  }
0x4c0: {  	v43, _, _ =	vpop (xrf2)  }
0x4c1: {  	[tilespmem:v0+s17+$0x0] =	vst.idx.msk vm1, v43  }
0x4c2: {  	v0 =	vld [tilespmem:$0x3A00]  }
0x4c3: {  	v1 =	vld [tilespmem:$0x3A10]  }
0x4c4: {  	v44 =	vld [tilespmem:$0x3A20]  }
0x4c5: {  	v45 =	vld [tilespmem:$0x3A30]  }
0x4c6: {  	v46 =	vld [tilespmem:$0x3A40]  }
0x4c7: {  	v47 =	vld [tilespmem:$0x3A50]  }
0x4c8: {  	v48 =	vld [tilespmem:$0x3A60]  }
0x4c9: {  	v49 =	vld [tilespmem:$0x3A70]  }
0x4ca: {  	v50 =	vld [tilespmem:$0x3E00]  }
0x4cb: {  	v51 =	vld [tilespmem:$0x3E10]  }
0x4cc: {  	v52 =	vld [tilespmem:$0x3E20]  }
0x4cd: {  	v53 =	vld [tilespmem:$0x3E38]  }
0x4ce: {  	v54 =	vld [tilespmem:$0x3E30]  }
0x4cf: {  	v0 =	vld.idx.msk [tilespmem:v0+s2+$0x0], $0xffff  }
0x4d0: {  	v1 =	vld.idx.msk [tilespmem:v1+s2+$0x0], $0xffff  }
0x4d1: {  	v2 =	vld.idx.msk [tilespmem:v44+s2+$0x0], $0xffff  }
0x4d2: {  	v3 =	vld.idx.msk [tilespmem:v45+s2+$0x0], $0xffff  }
0x4d3: {  	v4 =	vld.idx.msk [tilespmem:v46+s2+$0x0], $0xffff  }
0x4d4: {  	v5 =	vld.idx.msk [tilespmem:v47+s2+$0x0], $0xffff;
	v0 =	vadd.f32 $0.0e+00, v0  }
0x4d5: {  	v6 =	vld.idx.msk [tilespmem:v48+s2+$0x0], $0xffff  }
0x4d6: {  	v55 =	vld.idx.msk [tilespmem:v49+s2+$0x0], $0xffff;
	v1 =	vadd.f32 $0.0e+00, v1;
	v0 =	vadd.f32 v2, v0  }
0x4d7: {  	v56 =	vld.idx.msk [tilespmem:v50+s2+$0x0], $0xffff  }
0x4d8: {  	v57 =	vld.idx.msk [tilespmem:v51+s2+$0x0], $0xffff;
	v1 =	vadd.f32 v3, v1;
	v0 =	vadd.f32 v4, v0  }
0x4d9: {  	v58 =	vld.idx.msk [tilespmem:v52+s2+$0x0], $0xffff  }
0x4da: {  	v59 =	vld.idx.msk [tilespmem:v53+s2+$0x0], $0xffff;
	v1 =	vadd.f32 v5, v1;
	v0 =	vadd.f32 v6, v0  }
0x4db: {  	v60 =	vld.idx.msk [tilespmem:v54+s2+$0x0], $0xffff  }
0x4dc: {  	v1 =	vadd.f32 v55, v1;
	v0 =	vadd.f32 v56, v0;
	_ =	sdelay $0x1  }
0x4dd: {  	v1 =	vadd.f32 v57, v1;
	v0 =	vadd.f32 v58, v0  }
0x4de: {  	v61 =	vsel vm0, $0x0, v59  }
0x4df: {  	v1 =	vadd.f32 v60, v1;
	v0 =	vadd.f32 v61, v0;
	_ =	sdelay $0x1  }
0x4e0: {  	v0 =	vadd.f32 v0, v1;
	_ =	sdelay $0x1  }
0x4e1: {  	(xrf2) =	vadd.scan.msk.f32 $0xffff, v0;
	_ =	sdelay $0x5  }
0x4e2: {  	v62 =	vmov s20  }
.Ltmp0:
0x4e3: {  	_ = 	snop;
	(pc) =	sbr.rel @p0 .LBB2_4-.Ltmp0, $3  }
0x4e4: {  	_ =	sdelay $0x1  }
0x4e5: {  	v63, _, _ =	vpop (xrf2)  }
0x4e6: {  	[tilespmem:v62+s17+$0x0] =	vst.idx.msk vm1, v63  }
.Ltmp1:
0x4e7: {  	(pc) =	sbr.rel .LBB2_2-.Ltmp1, $3  }
0x4e8: {  	_ =	sdelay $0x1  }
0x4e9: {  	[tilespmem:s12], [sflag:$0x2] =	stream.linear.gather [hbm4b:s21+s2], $0x1000, $0x38;
	[tilespmem:$0x4300] =	vst v63  }
0x4ea: {  	s20 =	sadd.s32 $0x20, s20;
	s21 =	sadd.s32 $0x400, s21  }
.LBB2_4:
0x4eb: {  	s20 =	simm.s32 $0x0  }
0x4ec: {  	v0 =	vld [tilespmem:s20+$0x3E80];
	_ =	sdelay $0x4  }
0x4ed: {  	(erf) = vrcp.f32 v0;
	_ =	sdelay $0x4  }
0x4ee: {  	v1 =	vld [tilespmem:s20+$0x4100];
	_ =	sdelay $0x1  }
0x4ef: {  	v0 =	vld [tilespmem:$0x4080];
	_ =	sdelay $0x1  }
0x4f0: {  	v2 =	vpop (erf)  }
0x4f1: {  	v1 =	vmul.f32 v2, v1;
	_ =	sdelay $0x1  }
0x4f2: {  	v1 =	vadd.f32 v1, v0;
	_ =	sdelay $0x1  }
0x4f3: {  	v1 =	vsub.f32 $0.0e+00, v1;
	_ =	sdelay $0x1  }
0x4f4: {  	v1 =	vmul.f32 $1.442695020e+00, v1;
	_ =	sdelay $0x1  }
0x4f5: {  	(erf) = vpow2.f32 v1;
	_ =	sdelay $0x8  }
0x4f6: {  	v1 =	vpop (erf)  }
0x4f7: {  	v1 =	vadd.f32 $1.000000000e+00, v1;
	_ =	sdelay $0x1  }
0x4f8: {  	s22 =	simm.s32 $0x10;
	s21 =	simm.s32 $0x80;
	(erf) = vrcp.f32 v1  }
.LBB2_5:
0x4f9: {  	p0 =	sne.s32 s21, $0x7C0;
	v1 =	vld [tilespmem:s22+$0x3E80];
	_ =	sdelay $0x4  }
0x4fa: {  	(erf) = vrcp.f32 v1;
	_ =	sdelay $0x2  }
0x4fb: {  	v1 =	vpop (erf)  }
0x4fc: {  	[tilespmem:s20+$0x4100] =	vst v1;
	s20 =	smov.u32 s22  }
0x4fd: {  	v1 =	vld [tilespmem:s20+$0x4100];
	_ =	sdelay $0x3  }
0x4fe: {  	v2 =	vpop (erf)  }
0x4ff: {  	v1 =	vmul.f32 v2, v1;
	_ =	sdelay $0x1  }
0x500: {  	v1 =	vadd.f32 v1, v0;
	_ =	sdelay $0x1  }
0x501: {  	v1 =	vsub.f32 $0.0e+00, v1;
	_ =	sdelay $0x1  }
0x502: {  	v1 =	vmul.f32 $1.442695020e+00, v1;
	_ =	sdelay $0x1  }
0x503: {  	(erf) = vpow2.f32 v1;
	_ =	sdelay $0x7  }
.Ltmp2:
0x504: {  	(pc) =	sbr.rel @p0 .LBB2_5-.Ltmp2, $3  }
0x505: {  	v1 =	vpop (erf)  }
0x506: {  	v1 =	vadd.f32 $1.000000000e+00, v1;
	_ =	sdelay $0x1  }
0x507: {  	s22 =	sshra.s32 s21, $0x2;
	s21 =	sadd.s32 $0x40, s21;
	(erf) = vrcp.f32 v1  }
0x508: {  	v1 =	vld [tilespmem:s22+$0x3E80];
	_ =	sdelay $0x4  }
0x509: {  	(erf) = vrcp.f32 v1;
	_ =	sdelay $0x2  }
0x50a: {  	v63 =	vpop (erf)  }
0x50b: {  	[tilespmem:s20+$0x4100] =	vst v63  }
0x50c: {  	v1 =	vld [tilespmem:s22+$0x4100];
	_ =	sdelay $0x3  }
0x50d: {  	v2 =	vpop (erf)  }
0x50e: {  	v1 =	vmul.f32 v2, v1;
	_ =	sdelay $0x1  }
0x50f: {  	v0 =	vadd.f32 v1, v0;
	_ =	sdelay $0x1  }
0x510: {  	v0 =	vsub.f32 $0.0e+00, v0;
	_ =	sdelay $0x1  }
0x511: {  	v0 =	vmul.f32 $1.442695020e+00, v0;
	_ =	sdelay $0x1  }
0x512: {  	(erf) = vpow2.f32 v0;
	_ =	sdelay $0x8  }
0x513: {  	v0 =	vpop (erf)  }
0x514: {  	v0 =	vadd.f32 $1.000000000e+00, v0;
	_ =	sdelay $0x1  }
0x515: {  	(erf) = vrcp.f32 v0;
	_ =	sdelay $0x7  }
0x516: {  	s19 =	sadd.s32 $0x1, s19  }
0x517: {  	p0 =	sne.s32 s19, s9;
	v0 =	vpop (erf)  }
.Ltmp3:
0x518: {  	[tilespmem:s22+$0x4100] =	vst v0;
	(pc) =	sbr.rel @p0 .LBB2_1-.Ltmp3, $4  }
0x519: {  	[hbm4b:s8+s2] =	stream.linear.scatter [tilespmem:s17], [sflag:$0x3], $0x200, $0x38;
	[tilespmem:$0x4300] =	vst v63  }
0x51a: {  	_ =	swait.ge [sflag:s13], $0x200  }
0x51b: {  	[sflag:s13] =	ssyncset.done $0x0  }
0x51c: {  	[sflag:s13] =	ssyncadd.s32 $0xFFFFFE00  }
0x51d: {  	_ =	sfence.sel $0x180000  }
0x51e: {  	[bflag:$0x0] =	sbarrier.arrive $0xFFFF  }
0x51f: {  	p0 =	sne.s32 s1, $0x0;
	_ =	strace $0x90000047  }
0x520: {  	s0 =	sadd.s32 @!p0 $0x100000, s0;
	[bflag:$0x2] =	sbarrier.arrive $0xFFFF  }
0x521: {  	[sflag:s0] =	ssyncadd.tile.s32 @!p0 $0x1;
	_ =	shalt  }
.Lfunc_end2:
_tile_overlayer_lowered:
.L_overlay_start_2:
0x522: {  	(tag) =	ssettag $0x2  }
0x523: {  	s0 =	rddreg [dreg:$0x0];
	s2 =	stileid.u32  }
0x524: {  	s1 =	rddreg [dreg:$0x1];
	p0 =	sne.s32 s2, $0x0  }
0x525: {  	s3 =	rddreg [dreg:$0x2];
	[bflag:$0x3] =	sbarrier.arrive $0xFFFF;
	s2 =	simm.s32 @!p0 $0x1C03  }
0x526: {  	[timem:s3], [sflag:s2] =	dma.local @!p0 [hbm:s0], s1  }
0x527: {  	s0 =	simm.s32 @!p0 $0x3  }
0x528: {  	_ =	swait.ge @!p0 [sflag:s0], s1  }
0x529: {  	s1 =	ssub.s32 @!p0 $0x0, s1;
	[sflag:s0] =	ssyncset.done @!p0 $0x0  }
0x52a: {  	[sflag:s0] =	ssyncadd.s32 @!p0 s1  }
0x52b: {  	[bflag:$0x3] =	sbarrier.arrive $0xFFFF  }
0x52c: {  	_ =	shalt  }

</sc_bundles>
